<compile_context>
chip_gen: v7x
topology: tpu7x:2x2x1
jax: 0.10.2.dev20260603
libtpu: 0.0.44.dev20260713+nightly
codegen_flags: <defaults>
</compile_context>

<pallas_src>
import functools

import jax
import jax.numpy as jnp
from jax import lax
from jax.experimental import pallas as pl
from jax.experimental.pallas import tpu as pltpu
from jax.experimental.pallas import tpu_sc as plsc

N = 10000
NP = 10240
D = 128
E = 320000
NC = 2
NS = 16
K = 128
EPT = E // NS
NCHUNK = 160
EPTP = NCHUNK * K
PADE = EPTP - EPT
RPT = NP // NS
RC = 40
NRC = RPT // RC
GB = 16
NG = NCHUNK // GB


def _tc_tables(x, w_inter, w_intra):
  nb = 10
  bm = (2 * N) // nb

  def body(x_ref, wi_ref, wt_ref, oi_ref, ot_ref):
    xv = x_ref[...]
    oi_ref[...] = jnp.dot(xv, wi_ref[...], preferred_element_type=jnp.float32)
    ot_ref[...] = jnp.dot(xv, wt_ref[...], preferred_element_type=jnp.float32)

  return pl.pallas_call(
      body,
      grid=(nb,),
      in_specs=[
          pl.BlockSpec((bm, D), lambda i: (i, 0)),
          pl.BlockSpec((D, D), lambda i: (0, 0)),
          pl.BlockSpec((D, D), lambda i: (0, 0)),
      ],
      out_specs=[
          pl.BlockSpec((bm, D), lambda i: (i, 0)),
          pl.BlockSpec((bm, D), lambda i: (i, 0)),
      ],
      out_shape=[
          jax.ShapeDtypeStruct((2 * N, D), jnp.float32),
          jax.ShapeDtypeStruct((2 * N, D), jnp.float32),
      ],
  )(x, w_inter, w_intra)


def _sc_scatter_mean(t_inter, t_intra, src1, dst1, src2, dst2):
  mesh = plsc.VectorSubcoreMesh(
      core_axis_name="c", subcore_axis_name="s",
      num_cores=NC, num_subcores=NS)

  @functools.partial(
      pl.kernel,
      out_type=(jax.ShapeDtypeStruct((2 * NP, D), jnp.float32),
                jax.ShapeDtypeStruct((2 * NP, D), jnp.float32)),
      mesh=mesh,
      scratch_types=[
          pltpu.VMEM((GB * K,), jnp.int32),
          pltpu.VMEM((GB * K,), jnp.int32),
          pltpu.VMEM((K, D), jnp.float32),
          pltpu.VMEM((K, D), jnp.float32),
          pltpu.VMEM_SHARED((NP, D), jnp.float32),
          pltpu.SemaphoreType.DMA,
          pltpu.SemaphoreType.DMA,
      ],
  )
  def k(ti_hbm, tt_hbm, s1_hbm, d1_hbm, s2_hbm, d2_hbm,
        out_hbm, rcp_hbm, sbig, dbig, rows, rows_b,
        acc, sem_a, sem_b):
    c = lax.axis_index("c")
    s = lax.axis_index("s")
    t = c * NS + s
    ebase = t * EPTP
    rbase = s * RPT
    obase = c * NP + s * RPT

    def fill(value):
      vec = jnp.full((16,), value, jnp.float32)

      @pl.loop(0, K)
      def _(r):
        for cb in range(D // 16):
          rows[r, pl.ds(cb * 16, 16)] = vec

    def zero_acc():
      fill(0.0)

      @pl.loop(0, RPT // K)
      def _(z):
        pltpu.sync_copy(rows, acc.at[pl.ds(rbase + z * K, K)])

    def run_phase(table, s_hbm, d_hbm, first):
      with jax.named_scope("zero1"):
        zero_acc()
        fill(1.0)
        plsc.subcore_barrier()

      with jax.named_scope("counts"):
        @pl.loop(0, NG)
        def _(g):
          pltpu.sync_copy(d_hbm.at[pl.ds(ebase + g * GB * K, GB * K)], dbig)
          for i in range(GB):
            pltpu.async_copy(rows, acc.at[dbig.at[pl.ds(i * K, K)]],
                             sem_a, add=True)
          for i in range(GB):
            pltpu.make_async_copy(rows, acc.at[dbig.at[pl.ds(i * K, K)]],
                                  sem_a).wait()

        plsc.subcore_barrier()

      with jax.named_scope("rcp_ep"):
        @pl.loop(0, NRC)
        def _(j):
          pltpu.sync_copy(acc.at[pl.ds(rbase + j * RC, RC)],
                          rows.at[pl.ds(0, RC)])

          @pl.loop(0, RC)
          def _(r):
            cv = rows[r, pl.ds(0, 16)]
            rcp = 1.0 / jnp.maximum(cv, 1.0)
            for cb in range(D // 16):
              rows_b[r, pl.ds(cb * 16, 16)] = rcp

          pltpu.sync_copy(rows_b.at[pl.ds(0, RC)],
                          rcp_hbm.at[pl.ds(obase + j * RC, RC)])

        plsc.subcore_barrier()

      with jax.named_scope("zero2"):
        zero_acc()
        plsc.subcore_barrier()

      @pl.loop(0, NG)
      def _(g):
        pltpu.sync_copy(s_hbm.at[pl.ds(ebase + g * GB * K, GB * K)], sbig)
        pltpu.sync_copy(d_hbm.at[pl.ds(ebase + g * GB * K, GB * K)], dbig)
        sl = [pl.ds(i * K, K) for i in range(GB)]
        pltpu.async_copy(table.at[sbig.at[sl[0]]], rows, sem_a)
        for p in range(GB // 2):
          pltpu.async_copy(table.at[sbig.at[sl[2 * p + 1]]], rows_b, sem_b)
          pltpu.make_async_copy(table.at[sbig.at[sl[2 * p]]], rows,
                                sem_a).wait()
          pltpu.sync_copy(rows, acc.at[dbig.at[sl[2 * p]]], add=True)
          if 2 * p + 2 < GB:
            pltpu.async_copy(table.at[sbig.at[sl[2 * p + 2]]], rows, sem_a)
          pltpu.make_async_copy(table.at[sbig.at[sl[2 * p + 1]]], rows_b,
                                sem_b).wait()
          pltpu.sync_copy(rows_b, acc.at[dbig.at[sl[2 * p + 1]]], add=True)

      plsc.subcore_barrier()

      @pl.loop(0, NRC)
      def _(j):
        pltpu.sync_copy(acc.at[pl.ds(rbase + j * RC, RC)],
                        rows.at[pl.ds(0, RC)])
        pltpu.sync_copy(rcp_hbm.at[pl.ds(obase + j * RC, RC)],
                        rows_b.at[pl.ds(0, RC)])
        if not first:
          pltpu.sync_copy(out_hbm.at[pl.ds(obase + j * RC, RC)],
                          rows.at[pl.ds(RC, RC)])

        @pl.loop(0, RC)
        def _(r):
          for cb in range(D // 16):
            sl = pl.ds(cb * 16, 16)
            v = rows[r, sl] * rows_b[r, sl]
            if not first:
              v = jnp.maximum((v + rows[RC + r, sl]) * 0.5, 0.0)
            rows_b[RC + r, sl] = v

        pltpu.sync_copy(rows_b.at[pl.ds(RC, RC)],
                        out_hbm.at[pl.ds(obase + j * RC, RC)])

      plsc.subcore_barrier()

    run_phase(ti_hbm, s1_hbm, d1_hbm, True)
    run_phase(tt_hbm, s2_hbm, d2_hbm, False)

  return k(t_inter, t_intra, src1, dst1, src2, dst2)


def _pack_idx(a, pad_value):
  a = a.reshape(NS, EPT)
  pad = jnp.full((NS, PADE), pad_value, jnp.int32)
  return jnp.concatenate([a, pad], axis=1).reshape(-1)


def kernel(feat_l, feat_r, edge_lr, edge_rl, edge_ll, edge_rr,
           w_lr, w_rl, w_ll, w_rr,
           W_inter, W_intra, W_ef_inter, b_ef_inter, W_ef_intra, b_ef_intra):
  i32 = jnp.int32
  x = jnp.concatenate([feat_l, feat_r], axis=0)
  t_inter, t_intra = _tc_tables(x, W_inter, W_intra)

  src1 = jnp.concatenate([_pack_idx(edge_rl[0].astype(i32) + N, 0),
                          _pack_idx(edge_lr[0].astype(i32), 0)])
  dst1 = jnp.concatenate([_pack_idx(edge_rl[1].astype(i32), N),
                          _pack_idx(edge_lr[1].astype(i32), N)])
  src2 = jnp.concatenate([_pack_idx(edge_ll[0].astype(i32), 0),
                          _pack_idx(edge_rr[0].astype(i32) + N, 0)])
  dst2 = jnp.concatenate([_pack_idx(edge_ll[1].astype(i32), N),
                          _pack_idx(edge_rr[1].astype(i32), N)])

  out, _ = _sc_scatter_mean(t_inter, t_intra, src1, dst1, src2, dst2)
  return out[:N], out[NP:NP + N]

# --- scband reference (transcript-rebuilt; emitter-appended) ---
"""Pipeline reference for scband-hetero-rgcnlayer-15925738733687 (READ-ONLY COPY).

The authoritative reference and input builder live on the scoring server;
editing this copy changes nothing except your own understanding.
"""

import jax, jax.numpy as jnp
import numpy as np

IN_FEATS = 128
OUT_FEATS = 128
N_L = 10000
N_R = 10000
E = 320000


def _xavier(key, shape):
    fan_in, fan_out = shape[0], shape[1]
    limit = float(np.sqrt(6.0 / (fan_in + fan_out)))
    return jax.random.uniform(key, shape, dtype=jnp.float32, minval=-limit, maxval=limit)


def setup_inputs(seed: int = 0) -> dict:
    key = jax.random.key(seed)
    ks = jax.random.split(key, 16)
    inp = {}
    inp['feat_l'] = jax.random.normal(ks[0], (N_L, IN_FEATS), dtype=jnp.float32)
    inp['feat_r'] = jax.random.normal(ks[1], (N_R, IN_FEATS), dtype=jnp.float32)
    inp['edge_lr'] = jax.random.randint(ks[2], (2, E), 0, N_L)
    inp['edge_rl'] = jax.random.randint(ks[3], (2, E), 0, N_R)
    inp['edge_ll'] = jax.random.randint(ks[4], (2, E), 0, N_L)
    inp['edge_rr'] = jax.random.randint(ks[5], (2, E), 0, N_R)
    inp['w_lr'] = jax.random.uniform(ks[6], (E,), dtype=jnp.float32)
    inp['w_rl'] = jax.random.uniform(ks[7], (E,), dtype=jnp.float32)
    inp['w_ll'] = jax.random.uniform(ks[8], (E,), dtype=jnp.float32)
    inp['w_rr'] = jax.random.uniform(ks[9], (E,), dtype=jnp.float32)
    # learned params: one HeteroGraphConv per etype key ('l-r' inter, 'l-l' intra)
    inp['W_inter'] = _xavier(ks[10], (IN_FEATS, OUT_FEATS))
    inp['W_intra'] = _xavier(ks[11], (IN_FEATS, OUT_FEATS))
    # edge_func = nn.Linear(1, out_feats) per conv (computed but unused since weighted=False)
    lim = 1.0
    inp['W_ef_inter'] = jax.random.uniform(ks[12], (1, OUT_FEATS), dtype=jnp.float32, minval=-lim, maxval=lim)
    inp['b_ef_inter'] = jax.random.uniform(ks[13], (OUT_FEATS,), dtype=jnp.float32, minval=-lim, maxval=lim)
    inp['W_ef_intra'] = jax.random.uniform(ks[14], (1, OUT_FEATS), dtype=jnp.float32, minval=-lim, maxval=lim)
    inp['b_ef_intra'] = jax.random.uniform(ks[15], (OUT_FEATS,), dtype=jnp.float32, minval=-lim, maxval=lim)
    return inp


def _hetero_graph_conv(x_src, W, W_ef, b_ef, w_edge, src_idx, dst_idx, n_dst):
    # edge_func on edge scalar weights (dead code when weighted=False, kept for fidelity)
    w_feat = w_edge.reshape(-1, 1) @ W_ef + b_ef
    del w_feat
    # feat = input_feat @ weight; message = copy_src; reduce = mean over incoming edges
    feat = x_src @ W
    msg = jnp.take(feat, src_idx, axis=0)
    summed = jax.ops.segment_sum(msg, dst_idx, num_segments=n_dst)
    cnt = jax.ops.segment_sum(jnp.ones((src_idx.shape[0],), dtype=feat.dtype), dst_idx, num_segments=n_dst)
    rst = summed / jnp.clip(cnt, 1.0)[:, None]
    # bias=None, sublayer activation=None, dropout=0.0 -> identity
    return rst


def reference(feat_l, feat_r, edge_lr, edge_rl, edge_ll, edge_rr,
              w_lr, w_rl, w_ll, w_rr,
              W_inter, W_intra, W_ef_inter, b_ef_inter, W_ef_intra, b_ef_intra):
    # etype 'l-r' (inter), shared conv for both directions
    inter_r = _hetero_graph_conv(feat_l, W_inter, W_ef_inter, b_ef_inter, w_lr, edge_lr[0], edge_lr[1], N_R)
    inter_l = _hetero_graph_conv(feat_r, W_inter, W_ef_inter, b_ef_inter, w_rl, edge_rl[0], edge_rl[1], N_L)
    # etype 'l-l' (intra), shared conv for l-l and r-r
    intra_l = _hetero_graph_conv(feat_l, W_intra, W_ef_intra, b_ef_intra, w_ll, edge_ll[0], edge_ll[1], N_L)
    intra_r = _hetero_graph_conv(feat_r, W_intra, W_ef_intra, b_ef_intra, w_rr, edge_rr[0], edge_rr[1], N_R)
    # per ntype: mean of stacked [inter, intra], then activation (relu); residual=False
    new_l = jax.nn.relu(jnp.mean(jnp.stack([inter_l, intra_l]), axis=0))
    new_r = jax.nn.relu(jnp.mean(jnp.stack([inter_r, intra_r]), axis=0))
    return new_l, new_r

if __name__ == "__main__":
    import jax
    _d = setup_inputs()
    print(jax.jit(kernel)(*tuple(_d.values())))

</pallas_src>

<mosaic_0001>
#map = affine_map<(d0, d1) -> (0, 0)>
#map1 = affine_map<(d0, d1) -> (0)>
module attributes {stable_mosaic.version = 14 : i64} {
  func.func @k(%arg0: i32, %arg1: i32, %arg2: memref<20000x128xf32, #tpu.memory_space<hbm>>, %arg3: memref<20000x128xf32, #tpu.memory_space<hbm>>, %arg4: memref<655360xi32, #tpu.memory_space<hbm>>, %arg5: memref<655360xi32, #tpu.memory_space<hbm>>, %arg6: memref<655360xi32, #tpu.memory_space<hbm>>, %arg7: memref<655360xi32, #tpu.memory_space<hbm>>, %arg8: memref<20480x128xf32, #tpu.memory_space<hbm>>, %arg9: memref<20480x128xf32, #tpu.memory_space<hbm>>, %arg10: memref<2048xi32, #tpu.memory_space<vmem>>, %arg11: memref<2048xi32, #tpu.memory_space<vmem>>, %arg12: memref<128x128xf32, #tpu.memory_space<vmem>>, %arg13: memref<128x128xf32, #tpu.memory_space<vmem>>, %arg14: memref<10240x128xf32, #tpu.memory_space<vmem_shared>>, %arg15: memref<!tpu.dma_semaphore, #tpu.memory_space<semaphore_mem>>, %arg16: memref<!tpu.dma_semaphore, #tpu.memory_space<semaphore_mem>>) attributes {dimension_semantics = [#tpu.dimension_semantics<core_parallel>, #tpu.dimension_semantics<subcore_parallel>], iteration_bounds = array<i64: 2, 16>, scalar_prefetch = 0 : i64, scratch_operands = 7 : i64, tpu.core_type = #tpu.core_type<sc_vector_subcore>, window_params = [{transform_indices = #map}, {transform_indices = #map}, {transform_indices = #map1}, {transform_indices = #map1}, {transform_indices = #map1}, {transform_indices = #map1}, {transform_indices = #map}, {transform_indices = #map}]} {
    %mul3A = arith.constant 16 : i32
    %mul3A_0 = arith.muli %arg0, %mul3A : i32
    %add3A = arith.addi %mul3A_0, %arg1 : i32
    %mul3A_1 = arith.constant 20480 : i32
    %mul3A_2 = arith.muli %add3A, %mul3A_1 : i32
    %mul3A_3 = arith.constant 640 : i32
    %mul3A_4 = arith.muli %arg1, %mul3A_3 : i32
    %mul3A_5 = arith.constant 10240 : i32
    %mul3A_6 = arith.muli %arg0, %mul3A_5 : i32
    %mul3A_7 = arith.constant 640 : i32
    %mul3A_8 = arith.muli %arg1, %mul3A_7 : i32
    %add3A_9 = arith.addi %mul3A_6, %mul3A_8 : i32
    %broadcast_in_dim3A = arith.constant 0.000000e+00 : f32
    "tpu.trace_start"() <{level = 10 : i32, message = "zero1"}> : () -> ()
    %broadcast_in_dim3A_10 = vector.broadcast %broadcast_in_dim3A : f32 to vector<16xf32>
    %scan3A = arith.constant 0 : i32
    %scan3A_11 = arith.constant 128 : i32
    %scan3A_12 = arith.addi %scan3A, %scan3A_11 : i32
    %scan3A_13 = arith.constant 1 : i32
    scf.for %scan3A_121 = %scan3A to %scan3A_12 step %scan3A_13  : i32 {
      %mul3A_122 = arith.constant 1 : i32
      %mul3A_123 = arith.muli %scan3A_121, %mul3A_122 : i32
      %add3A_124 = arith.constant 0 : i32
      %add3A_125 = arith.addi %add3A_124, %mul3A_123 : i32
      %swap3A = arith.index_cast %add3A_125 : i32 to index
      %swap3A_126 = arith.constant 0 : index
      %swap3A_127 = tpu.vector_load %arg12[%swap3A, %swap3A_126] {strides = array<i32>} : memref<128x128xf32, #tpu.memory_space<vmem>>, vector<1x16xf32>,
      %swap3A_128 = vector.shape_cast %swap3A_127 : vector<1x16xf32> to vector<16xf32>
      %swap3A_129 = vector.shape_cast %broadcast_in_dim3A_10 : vector<16xf32> to vector<1x16xf32>
      tpu.vector_store %arg12[%swap3A, %swap3A_126], %swap3A_129 {strides = array<i32>} : memref<128x128xf32, #tpu.memory_space<vmem>>, vector<1x16xf32>,
      %swap3A_130 = arith.index_cast %add3A_125 : i32 to index
      %swap3A_131 = arith.constant 16 : index
      %swap3A_132 = tpu.vector_load %arg12[%swap3A_130, %swap3A_131] {strides = array<i32>} : memref<128x128xf32, #tpu.memory_space<vmem>>, vector<1x16xf32>,
      %swap3A_133 = vector.shape_cast %swap3A_132 : vector<1x16xf32> to vector<16xf32>
      %swap3A_134 = vector.shape_cast %broadcast_in_dim3A_10 : vector<16xf32> to vector<1x16xf32>
      tpu.vector_store %arg12[%swap3A_130, %swap3A_131], %swap3A_134 {strides = array<i32>} : memref<128x128xf32, #tpu.memory_space<vmem>>, vector<1x16xf32>,
      %swap3A_135 = arith.index_cast %add3A_125 : i32 to index
      %swap3A_136 = arith.constant 32 : index
      %swap3A_137 = tpu.vector_load %arg12[%swap3A_135, %swap3A_136] {strides = array<i32>} : memref<128x128xf32, #tpu.memory_space<vmem>>, vector<1x16xf32>,
      %swap3A_138 = vector.shape_cast %swap3A_137 : vector<1x16xf32> to vector<16xf32>
      %swap3A_139 = vector.shape_cast %broadcast_in_dim3A_10 : vector<16xf32> to vector<1x16xf32>
      tpu.vector_store %arg12[%swap3A_135, %swap3A_136], %swap3A_139 {strides = array<i32>} : memref<128x128xf32, #tpu.memory_space<vmem>>, vector<1x16xf32>,
      %swap3A_140 = arith.index_cast %add3A_125 : i32 to index
      %swap3A_141 = arith.constant 48 : index
      %swap3A_142 = tpu.vector_load %arg12[%swap3A_140, %swap3A_141] {strides = array<i32>} : memref<128x128xf32, #tpu.memory_space<vmem>>, vector<1x16xf32>,
      %swap3A_143 = vector.shape_cast %swap3A_142 : vector<1x16xf32> to vector<16xf32>
      %swap3A_144 = vector.shape_cast %broadcast_in_dim3A_10 : vector<16xf32> to vector<1x16xf32>
      tpu.vector_store %arg12[%swap3A_140, %swap3A_141], %swap3A_144 {strides = array<i32>} : memref<128x128xf32, #tpu.memory_space<vmem>>, vector<1x16xf32>,
      %swap3A_145 = arith.index_cast %add3A_125 : i32 to index
      %swap3A_146 = arith.constant 64 : index
      %swap3A_147 = tpu.vector_load %arg12[%swap3A_145, %swap3A_146] {strides = array<i32>} : memref<128x128xf32, #tpu.memory_space<vmem>>, vector<1x16xf32>,
      %swap3A_148 = vector.shape_cast %swap3A_147 : vector<1x16xf32> to vector<16xf32>
      %swap3A_149 = vector.shape_cast %broadcast_in_dim3A_10 : vector<16xf32> to vector<1x16xf32>
      tpu.vector_store %arg12[%swap3A_145, %swap3A_146], %swap3A_149 {strides = array<i32>} : memref<128x128xf32, #tpu.memory_space<vmem>>, vector<1x16xf32>,
      %swap3A_150 = arith.index_cast %add3A_125 : i32 to index
      %swap3A_151 = arith.constant 80 : index
      %swap3A_152 = tpu.vector_load %arg12[%swap3A_150, %swap3A_151] {strides = array<i32>} : memref<128x128xf32, #tpu.memory_space<vmem>>, vector<1x16xf32>,
      %swap3A_153 = vector.shape_cast %swap3A_152 : vector<1x16xf32> to vector<16xf32>
      %swap3A_154 = vector.shape_cast %broadcast_in_dim3A_10 : vector<16xf32> to vector<1x16xf32>
      tpu.vector_store %arg12[%swap3A_150, %swap3A_151], %swap3A_154 {strides = array<i32>} : memref<128x128xf32, #tpu.memory_space<vmem>>, vector<1x16xf32>,
      %swap3A_155 = arith.index_cast %add3A_125 : i32 to index
      %swap3A_156 = arith.constant 96 : index
      %swap3A_157 = tpu.vector_load %arg12[%swap3A_155, %swap3A_156] {strides = array<i32>} : memref<128x128xf32, #tpu.memory_space<vmem>>, vector<1x16xf32>,
      %swap3A_158 = vector.shape_cast %swap3A_157 : vector<1x16xf32> to vector<16xf32>
      %swap3A_159 = vector.shape_cast %broadcast_in_dim3A_10 : vector<16xf32> to vector<1x16xf32>
      tpu.vector_store %arg12[%swap3A_155, %swap3A_156], %swap3A_159 {strides = array<i32>} : memref<128x128xf32, #tpu.memory_space<vmem>>, vector<1x16xf32>,
      %swap3A_160 = arith.index_cast %add3A_125 : i32 to index
      %swap3A_161 = arith.constant 112 : index
      %swap3A_162 = tpu.vector_load %arg12[%swap3A_160, %swap3A_161] {strides = array<i32>} : memref<128x128xf32, #tpu.memory_space<vmem>>, vector<1x16xf32>,
      %swap3A_163 = vector.shape_cast %swap3A_162 : vector<1x16xf32> to vector<16xf32>
      %swap3A_164 = vector.shape_cast %broadcast_in_dim3A_10 : vector<16xf32> to vector<1x16xf32>
      tpu.vector_store %arg12[%swap3A_160, %swap3A_161], %swap3A_164 {strides = array<i32>} : memref<128x128xf32, #tpu.memory_space<vmem>>, vector<1x16xf32>,
    }
    %scan3A_14 = arith.constant 128 : i32
    %scan3A_15 = arith.constant 0 : i32
    %scan3A_16 = arith.constant 5 : i32
    %scan3A_17 = arith.addi %scan3A_15, %scan3A_16 : i32
    %scan3A_18 = arith.constant 1 : i32
    scf.for %scan3A_121 = %scan3A_15 to %scan3A_17 step %scan3A_18  : i32 {
      %mul3A_122 = arith.constant 1 : i32
      %mul3A_123 = arith.muli %scan3A_121, %mul3A_122 : i32
      %add3A_124 = arith.constant 0 : i32
      %add3A_125 = arith.addi %add3A_124, %mul3A_123 : i32
      %mul3A_126 = arith.constant 128 : i32
      %mul3A_127 = arith.muli %add3A_125, %mul3A_126 : i32
      %add3A_128 = arith.addi %mul3A_4, %mul3A_127 : i32
      "tpu.region"() ({
        %run_scoped3A = tpu.sem_alloc : memref<!tpu.dma_semaphore, #tpu.memory_space<semaphore_mem>>
        %dma_start3A = arith.constant 0 : i32
        %dma_start3A_129 = tpu.memref_slice %arg14[%add3A_128, %dma_start3A] : memref<10240x128xf32, #tpu.memory_space<vmem_shared>> -> memref<128x128xf32, #tpu.memory_space<vmem_shared>>
        %dma_start3A_130 = arith.constant 0 : i32
        %dma_start3A_131 = tpu.memref_slice %arg14[%add3A_128, %dma_start3A_130] : memref<10240x128xf32, #tpu.memory_space<vmem_shared>> -> memref<128x128xf32, #tpu.memory_space<vmem_shared>>
        tpu.enqueue_dma source(%arg12 : memref<128x128xf32, #tpu.memory_space<vmem>>) target(%dma_start3A_131 : memref<128x128xf32, #tpu.memory_space<vmem_shared>>) target_semaphore(%run_scoped3A : memref<!tpu.dma_semaphore, #tpu.memory_space<semaphore_mem>>)
        %dma_wait3A = arith.constant 0 : i32
        %dma_wait3A_132 = tpu.memref_slice %arg14[%add3A_128, %dma_wait3A] : memref<10240x128xf32, #tpu.memory_space<vmem_shared>> -> memref<128x128xf32, #tpu.memory_space<vmem_shared>>
        %dma_wait3A_133 = arith.constant 0 : i32
        %dma_wait3A_134 = tpu.memref_slice %arg14[%add3A_128, %dma_wait3A_133] : memref<10240x128xf32, #tpu.memory_space<vmem_shared>> -> memref<128x128xf32, #tpu.memory_space<vmem_shared>>
        tpu.wait_dma2 semaphore(%run_scoped3A : memref<!tpu.dma_semaphore, #tpu.memory_space<semaphore_mem>>) src(%arg12 : memref<128x128xf32, #tpu.memory_space<vmem>>) dst(%dma_wait3A_134 : memref<128x128xf32, #tpu.memory_space<vmem_shared>>)
        tpu.yield
      }) : () -> ()
    }
    %scan3A_19 = arith.constant 5 : i32
    %broadcast_in_dim3A_20 = arith.constant 1.000000e+00 : f32
    %broadcast_in_dim3A_21 = vector.broadcast %broadcast_in_dim3A_20 : f32 to vector<16xf32>
    %scan3A_22 = arith.constant 0 : i32
    %scan3A_23 = arith.constant 128 : i32
    %scan3A_24 = arith.addi %scan3A_22, %scan3A_23 : i32
    %scan3A_25 = arith.constant 1 : i32
    scf.for %scan3A_121 = %scan3A_22 to %scan3A_24 step %scan3A_25  : i32 {
      %mul3A_122 = arith.constant 1 : i32
      %mul3A_123 = arith.muli %scan3A_121, %mul3A_122 : i32
      %add3A_124 = arith.constant 0 : i32
      %add3A_125 = arith.addi %add3A_124, %mul3A_123 : i32
      %swap3A = arith.index_cast %add3A_125 : i32 to index
      %swap3A_126 = arith.constant 0 : index
      %swap3A_127 = tpu.vector_load %arg12[%swap3A, %swap3A_126] {strides = array<i32>} : memref<128x128xf32, #tpu.memory_space<vmem>>, vector<1x16xf32>,
      %swap3A_128 = vector.shape_cast %swap3A_127 : vector<1x16xf32> to vector<16xf32>
      %swap3A_129 = vector.shape_cast %broadcast_in_dim3A_21 : vector<16xf32> to vector<1x16xf32>
      tpu.vector_store %arg12[%swap3A, %swap3A_126], %swap3A_129 {strides = array<i32>} : memref<128x128xf32, #tpu.memory_space<vmem>>, vector<1x16xf32>,
      %swap3A_130 = arith.index_cast %add3A_125 : i32 to index
      %swap3A_131 = arith.constant 16 : index
      %swap3A_132 = tpu.vector_load %arg12[%swap3A_130, %swap3A_131] {strides = array<i32>} : memref<128x128xf32, #tpu.memory_space<vmem>>, vector<1x16xf32>,
      %swap3A_133 = vector.shape_cast %swap3A_132 : vector<1x16xf32> to vector<16xf32>
      %swap3A_134 = vector.shape_cast %broadcast_in_dim3A_21 : vector<16xf32> to vector<1x16xf32>
      tpu.vector_store %arg12[%swap3A_130, %swap3A_131], %swap3A_134 {strides = array<i32>} : memref<128x128xf32, #tpu.memory_space<vmem>>, vector<1x16xf32>,
      %swap3A_135 = arith.index_cast %add3A_125 : i32 to index
      %swap3A_136 = arith.constant 32 : index
      %swap3A_137 = tpu.vector_load %arg12[%swap3A_135, %swap3A_136] {strides = array<i32>} : memref<128x128xf32, #tpu.memory_space<vmem>>, vector<1x16xf32>,
      %swap3A_138 = vector.shape_cast %swap3A_137 : vector<1x16xf32> to vector<16xf32>
      %swap3A_139 = vector.shape_cast %broadcast_in_dim3A_21 : vector<16xf32> to vector<1x16xf32>
      tpu.vector_store %arg12[%swap3A_135, %swap3A_136], %swap3A_139 {strides = array<i32>} : memref<128x128xf32, #tpu.memory_space<vmem>>, vector<1x16xf32>,
      %swap3A_140 = arith.index_cast %add3A_125 : i32 to index
      %swap3A_141 = arith.constant 48 : index
      %swap3A_142 = tpu.vector_load %arg12[%swap3A_140, %swap3A_141] {strides = array<i32>} : memref<128x128xf32, #tpu.memory_space<vmem>>, vector<1x16xf32>,
      %swap3A_143 = vector.shape_cast %swap3A_142 : vector<1x16xf32> to vector<16xf32>
      %swap3A_144 = vector.shape_cast %broadcast_in_dim3A_21 : vector<16xf32> to vector<1x16xf32>
      tpu.vector_store %arg12[%swap3A_140, %swap3A_141], %swap3A_144 {strides = array<i32>} : memref<128x128xf32, #tpu.memory_space<vmem>>, vector<1x16xf32>,
      %swap3A_145 = arith.index_cast %add3A_125 : i32 to index
      %swap3A_146 = arith.constant 64 : index
      %swap3A_147 = tpu.vector_load %arg12[%swap3A_145, %swap3A_146] {strides = array<i32>} : memref<128x128xf32, #tpu.memory_space<vmem>>, vector<1x16xf32>,
      %swap3A_148 = vector.shape_cast %swap3A_147 : vector<1x16xf32> to vector<16xf32>
      %swap3A_149 = vector.shape_cast %broadcast_in_dim3A_21 : vector<16xf32> to vector<1x16xf32>
      tpu.vector_store %arg12[%swap3A_145, %swap3A_146], %swap3A_149 {strides = array<i32>} : memref<128x128xf32, #tpu.memory_space<vmem>>, vector<1x16xf32>,
      %swap3A_150 = arith.index_cast %add3A_125 : i32 to index
      %swap3A_151 = arith.constant 80 : index
      %swap3A_152 = tpu.vector_load %arg12[%swap3A_150, %swap3A_151] {strides = array<i32>} : memref<128x128xf32, #tpu.memory_space<vmem>>, vector<1x16xf32>,
      %swap3A_153 = vector.shape_cast %swap3A_152 : vector<1x16xf32> to vector<16xf32>
      %swap3A_154 = vector.shape_cast %broadcast_in_dim3A_21 : vector<16xf32> to vector<1x16xf32>
      tpu.vector_store %arg12[%swap3A_150, %swap3A_151], %swap3A_154 {strides = array<i32>} : memref<128x128xf32, #tpu.memory_space<vmem>>, vector<1x16xf32>,
      %swap3A_155 = arith.index_cast %add3A_125 : i32 to index
      %swap3A_156 = arith.constant 96 : index
      %swap3A_157 = tpu.vector_load %arg12[%swap3A_155, %swap3A_156] {strides = array<i32>} : memref<128x128xf32, #tpu.memory_space<vmem>>, vector<1x16xf32>,
      %swap3A_158 = vector.shape_cast %swap3A_157 : vector<1x16xf32> to vector<16xf32>
      %swap3A_159 = vector.shape_cast %broadcast_in_dim3A_21 : vector<16xf32> to vector<1x16xf32>
      tpu.vector_store %arg12[%swap3A_155, %swap3A_156], %swap3A_159 {strides = array<i32>} : memref<128x128xf32, #tpu.memory_space<vmem>>, vector<1x16xf32>,
      %swap3A_160 = arith.index_cast %add3A_125 : i32 to index
      %swap3A_161 = arith.constant 112 : index
      %swap3A_162 = tpu.vector_load %arg12[%swap3A_160, %swap3A_161] {strides = array<i32>} : memref<128x128xf32, #tpu.memory_space<vmem>>, vector<1x16xf32>,
      %swap3A_163 = vector.shape_cast %swap3A_162 : vector<1x16xf32> to vector<16xf32>
      %swap3A_164 = vector.shape_cast %broadcast_in_dim3A_21 : vector<16xf32> to vector<1x16xf32>
      tpu.vector_store %arg12[%swap3A_160, %swap3A_161], %swap3A_164 {strides = array<i32>} : memref<128x128xf32, #tpu.memory_space<vmem>>, vector<1x16xf32>,
    }
    %scan3A_26 = arith.constant 128 : i32
    %barrier3A = arith.constant 0 : index
    tpu.barrier barrier_id(%barrier3A)
    "tpu.trace_stop"() : () -> ()
    "tpu.trace_start"() <{level = 10 : i32, message = "counts"}> : () -> ()
    %scan3A_27 = arith.constant 0 : i32
    %scan3A_28 = arith.constant 10 : i32
    %scan3A_29 = arith.addi %scan3A_27, %scan3A_28 : i32
    %scan3A_30 = arith.constant 1 : i32
    scf.for %scan3A_121 = %scan3A_27 to %scan3A_29 step %scan3A_30  : i32 {
      %mul3A_122 = arith.constant 1 : i32
      %mul3A_123 = arith.muli %scan3A_121, %mul3A_122 : i32
      %add3A_124 = arith.constant 0 : i32
      %add3A_125 = arith.addi %add3A_124, %mul3A_123 : i32
      %mul3A_126 = arith.constant 16 : i32
      %mul3A_127 = arith.muli %add3A_125, %mul3A_126 : i32
      %mul3A_128 = arith.constant 128 : i32
      %mul3A_129 = arith.muli %mul3A_127, %mul3A_128 : i32
      %add3A_130 = arith.addi %mul3A_2, %mul3A_129 : i32
      "tpu.region"() ({
        %run_scoped3A = tpu.sem_alloc : memref<!tpu.dma_semaphore, #tpu.memory_space<semaphore_mem>>
        %dma_start3A_289 = tpu.memref_slice %arg5[%add3A_130] : memref<655360xi32, #tpu.memory_space<hbm>> -> memref<2048xi32, #tpu.memory_space<hbm>>
        %dma_start3A_290 = tpu.memref_slice %arg5[%add3A_130] : memref<655360xi32, #tpu.memory_space<hbm>> -> memref<2048xi32, #tpu.memory_space<hbm>>
        tpu.enqueue_dma source(%dma_start3A_290 : memref<2048xi32, #tpu.memory_space<hbm>>) target(%arg11 : memref<2048xi32, #tpu.memory_space<vmem>>) target_semaphore(%run_scoped3A : memref<!tpu.dma_semaphore, #tpu.memory_space<semaphore_mem>>)
        %dma_wait3A_291 = tpu.memref_slice %arg5[%add3A_130] : memref<655360xi32, #tpu.memory_space<hbm>> -> memref<2048xi32, #tpu.memory_space<hbm>>
        %dma_wait3A_292 = tpu.memref_slice %arg5[%add3A_130] : memref<655360xi32, #tpu.memory_space<hbm>> -> memref<2048xi32, #tpu.memory_space<hbm>>
        tpu.wait_dma2 semaphore(%run_scoped3A : memref<!tpu.dma_semaphore, #tpu.memory_space<semaphore_mem>>) src(%dma_wait3A_292 : memref<2048xi32, #tpu.memory_space<hbm>>) dst(%arg11 : memref<2048xi32, #tpu.memory_space<vmem>>)
        tpu.yield
      }) : () -> ()
      %dma_start3A = arith.constant 0 : i32
      %dma_start3A_131 = tpu.memref_slice %arg11[%dma_start3A] : memref<2048xi32, #tpu.memory_space<vmem>> -> memref<128xi32, #tpu.memory_space<vmem>>
      %dma_start3A_132 = arith.constant 0 : i32
      %dma_start3A_133 = arith.constant 0 : i32
      %dma_start3A_134 = tpu.memref_slice %arg14[%dma_start3A_132, %dma_start3A_133] : memref<10240x128xf32, #tpu.memory_space<vmem_shared>> -> memref<10240x128xf32, #tpu.memory_space<vmem_shared>>
      tpu.enqueue_indirect_dma source(%arg12 : memref<128x128xf32, #tpu.memory_space<vmem>>) target(%dma_start3A_134 : memref<10240x128xf32, #tpu.memory_space<vmem_shared>>) offsets(%dma_start3A_131 : memref<128xi32, #tpu.memory_space<vmem>>) semaphore(%arg15 : memref<!tpu.dma_semaphore, #tpu.memory_space<semaphore_mem>>) {add = true}
      %dma_start3A_135 = arith.constant 128 : i32
      %dma_start3A_136 = tpu.memref_slice %arg11[%dma_start3A_135] : memref<2048xi32, #tpu.memory_space<vmem>> -> memref<128xi32, #tpu.memory_space<vmem>>
      %dma_start3A_137 = arith.constant 0 : i32
      %dma_start3A_138 = arith.constant 0 : i32
      %dma_start3A_139 = tpu.memref_slice %arg14[%dma_start3A_137, %dma_start3A_138] : memref<10240x128xf32, #tpu.memory_space<vmem_shared>> -> memref<10240x128xf32, #tpu.memory_space<vmem_shared>>
      tpu.enqueue_indirect_dma source(%arg12 : memref<128x128xf32, #tpu.memory_space<vmem>>) target(%dma_start3A_139 : memref<10240x128xf32, #tpu.memory_space<vmem_shared>>) offsets(%dma_start3A_136 : memref<128xi32, #tpu.memory_space<vmem>>) semaphore(%arg15 : memref<!tpu.dma_semaphore, #tpu.memory_space<semaphore_mem>>) {add = true}
      %dma_start3A_140 = arith.constant 256 : i32
      %dma_start3A_141 = tpu.memref_slice %arg11[%dma_start3A_140] : memref<2048xi32, #tpu.memory_space<vmem>> -> memref<128xi32, #tpu.memory_space<vmem>>
      %dma_start3A_142 = arith.constant 0 : i32
      %dma_start3A_143 = arith.constant 0 : i32
      %dma_start3A_144 = tpu.memref_slice %arg14[%dma_start3A_142, %dma_start3A_143] : memref<10240x128xf32, #tpu.memory_space<vmem_shared>> -> memref<10240x128xf32, #tpu.memory_space<vmem_shared>>
      tpu.enqueue_indirect_dma source(%arg12 : memref<128x128xf32, #tpu.memory_space<vmem>>) target(%dma_start3A_144 : memref<10240x128xf32, #tpu.memory_space<vmem_shared>>) offsets(%dma_start3A_141 : memref<128xi32, #tpu.memory_space<vmem>>) semaphore(%arg15 : memref<!tpu.dma_semaphore, #tpu.memory_space<semaphore_mem>>) {add = true}
      %dma_start3A_145 = arith.constant 384 : i32
      %dma_start3A_146 = tpu.memref_slice %arg11[%dma_start3A_145] : memref<2048xi32, #tpu.memory_space<vmem>> -> memref<128xi32, #tpu.memory_space<vmem>>
      %dma_start3A_147 = arith.constant 0 : i32
      %dma_start3A_148 = arith.constant 0 : i32
      %dma_start3A_149 = tpu.memref_slice %arg14[%dma_start3A_147, %dma_start3A_148] : memref<10240x128xf32, #tpu.memory_space<vmem_shared>> -> memref<10240x128xf32, #tpu.memory_space<vmem_shared>>
      tpu.enqueue_indirect_dma source(%arg12 : memref<128x128xf32, #tpu.memory_space<vmem>>) target(%dma_start3A_149 : memref<10240x128xf32, #tpu.memory_space<vmem_shared>>) offsets(%dma_start3A_146 : memref<128xi32, #tpu.memory_space<vmem>>) semaphore(%arg15 : memref<!tpu.dma_semaphore, #tpu.memory_space<semaphore_mem>>) {add = true}
      %dma_start3A_150 = arith.constant 512 : i32
      %dma_start3A_151 = tpu.memref_slice %arg11[%dma_start3A_150] : memref<2048xi32, #tpu.memory_space<vmem>> -> memref<128xi32, #tpu.memory_space<vmem>>
      %dma_start3A_152 = arith.constant 0 : i32
      %dma_start3A_153 = arith.constant 0 : i32
      %dma_start3A_154 = tpu.memref_slice %arg14[%dma_start3A_152, %dma_start3A_153] : memref<10240x128xf32, #tpu.memory_space<vmem_shared>> -> memref<10240x128xf32, #tpu.memory_space<vmem_shared>>
      tpu.enqueue_indirect_dma source(%arg12 : memref<128x128xf32, #tpu.memory_space<vmem>>) target(%dma_start3A_154 : memref<10240x128xf32, #tpu.memory_space<vmem_shared>>) offsets(%dma_start3A_151 : memref<128xi32, #tpu.memory_space<vmem>>) semaphore(%arg15 : memref<!tpu.dma_semaphore, #tpu.memory_space<semaphore_mem>>) {add = true}
      %dma_start3A_155 = arith.constant 640 : i32
      %dma_start3A_156 = tpu.memref_slice %arg11[%dma_start3A_155] : memref<2048xi32, #tpu.memory_space<vmem>> -> memref<128xi32, #tpu.memory_space<vmem>>
      %dma_start3A_157 = arith.constant 0 : i32
      %dma_start3A_158 = arith.constant 0 : i32
      %dma_start3A_159 = tpu.memref_slice %arg14[%dma_start3A_157, %dma_start3A_158] : memref<10240x128xf32, #tpu.memory_space<vmem_shared>> -> memref<10240x128xf32, #tpu.memory_space<vmem_shared>>
      tpu.enqueue_indirect_dma source(%arg12 : memref<128x128xf32, #tpu.memory_space<vmem>>) target(%dma_start3A_159 : memref<10240x128xf32, #tpu.memory_space<vmem_shared>>) offsets(%dma_start3A_156 : memref<128xi32, #tpu.memory_space<vmem>>) semaphore(%arg15 : memref<!tpu.dma_semaphore, #tpu.memory_space<semaphore_mem>>) {add = true}
      %dma_start3A_160 = arith.constant 768 : i32
      %dma_start3A_161 = tpu.memref_slice %arg11[%dma_start3A_160] : memref<2048xi32, #tpu.memory_space<vmem>> -> memref<128xi32, #tpu.memory_space<vmem>>
      %dma_start3A_162 = arith.constant 0 : i32
      %dma_start3A_163 = arith.constant 0 : i32
      %dma_start3A_164 = tpu.memref_slice %arg14[%dma_start3A_162, %dma_start3A_163] : memref<10240x128xf32, #tpu.memory_space<vmem_shared>> -> memref<10240x128xf32, #tpu.memory_space<vmem_shared>>
      tpu.enqueue_indirect_dma source(%arg12 : memref<128x128xf32, #tpu.memory_space<vmem>>) target(%dma_start3A_164 : memref<10240x128xf32, #tpu.memory_space<vmem_shared>>) offsets(%dma_start3A_161 : memref<128xi32, #tpu.memory_space<vmem>>) semaphore(%arg15 : memref<!tpu.dma_semaphore, #tpu.memory_space<semaphore_mem>>) {add = true}
      %dma_start3A_165 = arith.constant 896 : i32
      %dma_start3A_166 = tpu.memref_slice %arg11[%dma_start3A_165] : memref<2048xi32, #tpu.memory_space<vmem>> -> memref<128xi32, #tpu.memory_space<vmem>>
      %dma_start3A_167 = arith.constant 0 : i32
      %dma_start3A_168 = arith.constant 0 : i32
      %dma_start3A_169 = tpu.memref_slice %arg14[%dma_start3A_167, %dma_start3A_168] : memref<10240x128xf32, #tpu.memory_space<vmem_shared>> -> memref<10240x128xf32, #tpu.memory_space<vmem_shared>>
      tpu.enqueue_indirect_dma source(%arg12 : memref<128x128xf32, #tpu.memory_space<vmem>>) target(%dma_start3A_169 : memref<10240x128xf32, #tpu.memory_space<vmem_shared>>) offsets(%dma_start3A_166 : memref<128xi32, #tpu.memory_space<vmem>>) semaphore(%arg15 : memref<!tpu.dma_semaphore, #tpu.memory_space<semaphore_mem>>) {add = true}
      %dma_start3A_170 = arith.constant 1024 : i32
      %dma_start3A_171 = tpu.memref_slice %arg11[%dma_start3A_170] : memref<2048xi32, #tpu.memory_space<vmem>> -> memref<128xi32, #tpu.memory_space<vmem>>
      %dma_start3A_172 = arith.constant 0 : i32
      %dma_start3A_173 = arith.constant 0 : i32
      %dma_start3A_174 = tpu.memref_slice %arg14[%dma_start3A_172, %dma_start3A_173] : memref<10240x128xf32, #tpu.memory_space<vmem_shared>> -> memref<10240x128xf32, #tpu.memory_space<vmem_shared>>
      tpu.enqueue_indirect_dma source(%arg12 : memref<128x128xf32, #tpu.memory_space<vmem>>) target(%dma_start3A_174 : memref<10240x128xf32, #tpu.memory_space<vmem_shared>>) offsets(%dma_start3A_171 : memref<128xi32, #tpu.memory_space<vmem>>) semaphore(%arg15 : memref<!tpu.dma_semaphore, #tpu.memory_space<semaphore_mem>>) {add = true}
      %dma_start3A_175 = arith.constant 1152 : i32
      %dma_start3A_176 = tpu.memref_slice %arg11[%dma_start3A_175] : memref<2048xi32, #tpu.memory_space<vmem>> -> memref<128xi32, #tpu.memory_space<vmem>>
      %dma_start3A_177 = arith.constant 0 : i32
      %dma_start3A_178 = arith.constant 0 : i32
      %dma_start3A_179 = tpu.memref_slice %arg14[%dma_start3A_177, %dma_start3A_178] : memref<10240x128xf32, #tpu.memory_space<vmem_shared>> -> memref<10240x128xf32, #tpu.memory_space<vmem_shared>>
      tpu.enqueue_indirect_dma source(%arg12 : memref<128x128xf32, #tpu.memory_space<vmem>>) target(%dma_start3A_179 : memref<10240x128xf32, #tpu.memory_space<vmem_shared>>) offsets(%dma_start3A_176 : memref<128xi32, #tpu.memory_space<vmem>>) semaphore(%arg15 : memref<!tpu.dma_semaphore, #tpu.memory_space<semaphore_mem>>) {add = true}
      %dma_start3A_180 = arith.constant 1280 : i32
      %dma_start3A_181 = tpu.memref_slice %arg11[%dma_start3A_180] : memref<2048xi32, #tpu.memory_space<vmem>> -> memref<128xi32, #tpu.memory_space<vmem>>
      %dma_start3A_182 = arith.constant 0 : i32
      %dma_start3A_183 = arith.constant 0 : i32
      %dma_start3A_184 = tpu.memref_slice %arg14[%dma_start3A_182, %dma_start3A_183] : memref<10240x128xf32, #tpu.memory_space<vmem_shared>> -> memref<10240x128xf32, #tpu.memory_space<vmem_shared>>
      tpu.enqueue_indirect_dma source(%arg12 : memref<128x128xf32, #tpu.memory_space<vmem>>) target(%dma_start3A_184 : memref<10240x128xf32, #tpu.memory_space<vmem_shared>>) offsets(%dma_start3A_181 : memref<128xi32, #tpu.memory_space<vmem>>) semaphore(%arg15 : memref<!tpu.dma_semaphore, #tpu.memory_space<semaphore_mem>>) {add = true}
      %dma_start3A_185 = arith.constant 1408 : i32
      %dma_start3A_186 = tpu.memref_slice %arg11[%dma_start3A_185] : memref<2048xi32, #tpu.memory_space<vmem>> -> memref<128xi32, #tpu.memory_space<vmem>>
      %dma_start3A_187 = arith.constant 0 : i32
      %dma_start3A_188 = arith.constant 0 : i32
      %dma_start3A_189 = tpu.memref_slice %arg14[%dma_start3A_187, %dma_start3A_188] : memref<10240x128xf32, #tpu.memory_space<vmem_shared>> -> memref<10240x128xf32, #tpu.memory_space<vmem_shared>>
      tpu.enqueue_indirect_dma source(%arg12 : memref<128x128xf32, #tpu.memory_space<vmem>>) target(%dma_start3A_189 : memref<10240x128xf32, #tpu.memory_space<vmem_shared>>) offsets(%dma_start3A_186 : memref<128xi32, #tpu.memory_space<vmem>>) semaphore(%arg15 : memref<!tpu.dma_semaphore, #tpu.memory_space<semaphore_mem>>) {add = true}
      %dma_start3A_190 = arith.constant 1536 : i32
      %dma_start3A_191 = tpu.memref_slice %arg11[%dma_start3A_190] : memref<2048xi32, #tpu.memory_space<vmem>> -> memref<128xi32, #tpu.memory_space<vmem>>
      %dma_start3A_192 = arith.constant 0 : i32
      %dma_start3A_193 = arith.constant 0 : i32
      %dma_start3A_194 = tpu.memref_slice %arg14[%dma_start3A_192, %dma_start3A_193] : memref<10240x128xf32, #tpu.memory_space<vmem_shared>> -> memref<10240x128xf32, #tpu.memory_space<vmem_shared>>
      tpu.enqueue_indirect_dma source(%arg12 : memref<128x128xf32, #tpu.memory_space<vmem>>) target(%dma_start3A_194 : memref<10240x128xf32, #tpu.memory_space<vmem_shared>>) offsets(%dma_start3A_191 : memref<128xi32, #tpu.memory_space<vmem>>) semaphore(%arg15 : memref<!tpu.dma_semaphore, #tpu.memory_space<semaphore_mem>>) {add = true}
      %dma_start3A_195 = arith.constant 1664 : i32
      %dma_start3A_196 = tpu.memref_slice %arg11[%dma_start3A_195] : memref<2048xi32, #tpu.memory_space<vmem>> -> memref<128xi32, #tpu.memory_space<vmem>>
      %dma_start3A_197 = arith.constant 0 : i32
      %dma_start3A_198 = arith.constant 0 : i32
      %dma_start3A_199 = tpu.memref_slice %arg14[%dma_start3A_197, %dma_start3A_198] : memref<10240x128xf32, #tpu.memory_space<vmem_shared>> -> memref<10240x128xf32, #tpu.memory_space<vmem_shared>>
      tpu.enqueue_indirect_dma source(%arg12 : memref<128x128xf32, #tpu.memory_space<vmem>>) target(%dma_start3A_199 : memref<10240x128xf32, #tpu.memory_space<vmem_shared>>) offsets(%dma_start3A_196 : memref<128xi32, #tpu.memory_space<vmem>>) semaphore(%arg15 : memref<!tpu.dma_semaphore, #tpu.memory_space<semaphore_mem>>) {add = true}
      %dma_start3A_200 = arith.constant 1792 : i32
      %dma_start3A_201 = tpu.memref_slice %arg11[%dma_start3A_200] : memref<2048xi32, #tpu.memory_space<vmem>> -> memref<128xi32, #tpu.memory_space<vmem>>
      %dma_start3A_202 = arith.constant 0 : i32
      %dma_start3A_203 = arith.constant 0 : i32
      %dma_start3A_204 = tpu.memref_slice %arg14[%dma_start3A_202, %dma_start3A_203] : memref<10240x128xf32, #tpu.memory_space<vmem_shared>> -> memref<10240x128xf32, #tpu.memory_space<vmem_shared>>
      tpu.enqueue_indirect_dma source(%arg12 : memref<128x128xf32, #tpu.memory_space<vmem>>) target(%dma_start3A_204 : memref<10240x128xf32, #tpu.memory_space<vmem_shared>>) offsets(%dma_start3A_201 : memref<128xi32, #tpu.memory_space<vmem>>) semaphore(%arg15 : memref<!tpu.dma_semaphore, #tpu.memory_space<semaphore_mem>>) {add = true}
      %dma_start3A_205 = arith.constant 1920 : i32
      %dma_start3A_206 = tpu.memref_slice %arg11[%dma_start3A_205] : memref<2048xi32, #tpu.memory_space<vmem>> -> memref<128xi32, #tpu.memory_space<vmem>>
      %dma_start3A_207 = arith.constant 0 : i32
      %dma_start3A_208 = arith.constant 0 : i32
      %dma_start3A_209 = tpu.memref_slice %arg14[%dma_start3A_207, %dma_start3A_208] : memref<10240x128xf32, #tpu.memory_space<vmem_shared>> -> memref<10240x128xf32, #tpu.memory_space<vmem_shared>>
      tpu.enqueue_indirect_dma source(%arg12 : memref<128x128xf32, #tpu.memory_space<vmem>>) target(%dma_start3A_209 : memref<10240x128xf32, #tpu.memory_space<vmem_shared>>) offsets(%dma_start3A_206 : memref<128xi32, #tpu.memory_space<vmem>>) semaphore(%arg15 : memref<!tpu.dma_semaphore, #tpu.memory_space<semaphore_mem>>) {add = true}
      %dma_wait3A = arith.constant 0 : i32
      %dma_wait3A_210 = tpu.memref_slice %arg11[%dma_wait3A] : memref<2048xi32, #tpu.memory_space<vmem>> -> memref<128xi32, #tpu.memory_space<vmem>>
      %dma_wait3A_211 = arith.constant 0 : i32
      %dma_wait3A_212 = arith.constant 0 : i32
      %dma_wait3A_213 = tpu.memref_slice %arg14[%dma_wait3A_211, %dma_wait3A_212] : memref<10240x128xf32, #tpu.memory_space<vmem_shared>> -> memref<10240x128xf32, #tpu.memory_space<vmem_shared>>
      tpu.wait_indirect_dma semaphore(%arg15 : memref<!tpu.dma_semaphore, #tpu.memory_space<semaphore_mem>>) src(%arg12 : memref<128x128xf32, #tpu.memory_space<vmem>>) dst(%dma_wait3A_213 : memref<10240x128xf32, #tpu.memory_space<vmem_shared>>)
      %dma_wait3A_214 = arith.constant 128 : i32
      %dma_wait3A_215 = tpu.memref_slice %arg11[%dma_wait3A_214] : memref<2048xi32, #tpu.memory_space<vmem>> -> memref<128xi32, #tpu.memory_space<vmem>>
      %dma_wait3A_216 = arith.constant 0 : i32
      %dma_wait3A_217 = arith.constant 0 : i32
      %dma_wait3A_218 = tpu.memref_slice %arg14[%dma_wait3A_216, %dma_wait3A_217] : memref<10240x128xf32, #tpu.memory_space<vmem_shared>> -> memref<10240x128xf32, #tpu.memory_space<vmem_shared>>
      tpu.wait_indirect_dma semaphore(%arg15 : memref<!tpu.dma_semaphore, #tpu.memory_space<semaphore_mem>>) src(%arg12 : memref<128x128xf32, #tpu.memory_space<vmem>>) dst(%dma_wait3A_218 : memref<10240x128xf32, #tpu.memory_space<vmem_shared>>)
      %dma_wait3A_219 = arith.constant 256 : i32
      %dma_wait3A_220 = tpu.memref_slice %arg11[%dma_wait3A_219] : memref<2048xi32, #tpu.memory_space<vmem>> -> memref<128xi32, #tpu.memory_space<vmem>>
      %dma_wait3A_221 = arith.constant 0 : i32
      %dma_wait3A_222 = arith.constant 0 : i32
      %dma_wait3A_223 = tpu.memref_slice %arg14[%dma_wait3A_221, %dma_wait3A_222] : memref<10240x128xf32, #tpu.memory_space<vmem_shared>> -> memref<10240x128xf32, #tpu.memory_space<vmem_shared>>
      tpu.wait_indirect_dma semaphore(%arg15 : memref<!tpu.dma_semaphore, #tpu.memory_space<semaphore_mem>>) src(%arg12 : memref<128x128xf32, #tpu.memory_space<vmem>>) dst(%dma_wait3A_223 : memref<10240x128xf32, #tpu.memory_space<vmem_shared>>)
      %dma_wait3A_224 = arith.constant 384 : i32
      %dma_wait3A_225 = tpu.memref_slice %arg11[%dma_wait3A_224] : memref<2048xi32, #tpu.memory_space<vmem>> -> memref<128xi32, #tpu.memory_space<vmem>>
      %dma_wait3A_226 = arith.constant 0 : i32
      %dma_wait3A_227 = arith.constant 0 : i32
      %dma_wait3A_228 = tpu.memref_slice %arg14[%dma_wait3A_226, %dma_wait3A_227] : memref<10240x128xf32, #tpu.memory_space<vmem_shared>> -> memref<10240x128xf32, #tpu.memory_space<vmem_shared>>
      tpu.wait_indirect_dma semaphore(%arg15 : memref<!tpu.dma_semaphore, #tpu.memory_space<semaphore_mem>>) src(%arg12 : memref<128x128xf32, #tpu.memory_space<vmem>>) dst(%dma_wait3A_228 : memref<10240x128xf32, #tpu.memory_space<vmem_shared>>)
      %dma_wait3A_229 = arith.constant 512 : i32
      %dma_wait3A_230 = tpu.memref_slice %arg11[%dma_wait3A_229] : memref<2048xi32, #tpu.memory_space<vmem>> -> memref<128xi32, #tpu.memory_space<vmem>>
      %dma_wait3A_231 = arith.constant 0 : i32
      %dma_wait3A_232 = arith.constant 0 : i32
      %dma_wait3A_233 = tpu.memref_slice %arg14[%dma_wait3A_231, %dma_wait3A_232] : memref<10240x128xf32, #tpu.memory_space<vmem_shared>> -> memref<10240x128xf32, #tpu.memory_space<vmem_shared>>
      tpu.wait_indirect_dma semaphore(%arg15 : memref<!tpu.dma_semaphore, #tpu.memory_space<semaphore_mem>>) src(%arg12 : memref<128x128xf32, #tpu.memory_space<vmem>>) dst(%dma_wait3A_233 : memref<10240x128xf32, #tpu.memory_space<vmem_shared>>)
      %dma_wait3A_234 = arith.constant 640 : i32
      %dma_wait3A_235 = tpu.memref_slice %arg11[%dma_wait3A_234] : memref<2048xi32, #tpu.memory_space<vmem>> -> memref<128xi32, #tpu.memory_space<vmem>>
      %dma_wait3A_236 = arith.constant 0 : i32
      %dma_wait3A_237 = arith.constant 0 : i32
      %dma_wait3A_238 = tpu.memref_slice %arg14[%dma_wait3A_236, %dma_wait3A_237] : memref<10240x128xf32, #tpu.memory_space<vmem_shared>> -> memref<10240x128xf32, #tpu.memory_space<vmem_shared>>
      tpu.wait_indirect_dma semaphore(%arg15 : memref<!tpu.dma_semaphore, #tpu.memory_space<semaphore_mem>>) src(%arg12 : memref<128x128xf32, #tpu.memory_space<vmem>>) dst(%dma_wait3A_238 : memref<10240x128xf32, #tpu.memory_space<vmem_shared>>)
      %dma_wait3A_239 = arith.constant 768 : i32
      %dma_wait3A_240 = tpu.memref_slice %arg11[%dma_wait3A_239] : memref<2048xi32, #tpu.memory_space<vmem>> -> memref<128xi32, #tpu.memory_space<vmem>>
      %dma_wait3A_241 = arith.constant 0 : i32
      %dma_wait3A_242 = arith.constant 0 : i32
      %dma_wait3A_243 = tpu.memref_slice %arg14[%dma_wait3A_241, %dma_wait3A_242] : memref<10240x128xf32, #tpu.memory_space<vmem_shared>> -> memref<10240x128xf32, #tpu.memory_space<vmem_shared>>
      tpu.wait_indirect_dma semaphore(%arg15 : memref<!tpu.dma_semaphore, #tpu.memory_space<semaphore_mem>>) src(%arg12 : memref<128x128xf32, #tpu.memory_space<vmem>>) dst(%dma_wait3A_243 : memref<10240x128xf32, #tpu.memory_space<vmem_shared>>)
      %dma_wait3A_244 = arith.constant 896 : i32
      %dma_wait3A_245 = tpu.memref_slice %arg11[%dma_wait3A_244] : memref<2048xi32, #tpu.memory_space<vmem>> -> memref<128xi32, #tpu.memory_space<vmem>>
      %dma_wait3A_246 = arith.constant 0 : i32
      %dma_wait3A_247 = arith.constant 0 : i32
      %dma_wait3A_248 = tpu.memref_slice %arg14[%dma_wait3A_246, %dma_wait3A_247] : memref<10240x128xf32, #tpu.memory_space<vmem_shared>> -> memref<10240x128xf32, #tpu.memory_space<vmem_shared>>
      tpu.wait_indirect_dma semaphore(%arg15 : memref<!tpu.dma_semaphore, #tpu.memory_space<semaphore_mem>>) src(%arg12 : memref<128x128xf32, #tpu.memory_space<vmem>>) dst(%dma_wait3A_248 : memref<10240x128xf32, #tpu.memory_space<vmem_shared>>)
      %dma_wait3A_249 = arith.constant 1024 : i32
      %dma_wait3A_250 = tpu.memref_slice %arg11[%dma_wait3A_249] : memref<2048xi32, #tpu.memory_space<vmem>> -> memref<128xi32, #tpu.memory_space<vmem>>
      %dma_wait3A_251 = arith.constant 0 : i32
      %dma_wait3A_252 = arith.constant 0 : i32
      %dma_wait3A_253 = tpu.memref_slice %arg14[%dma_wait3A_251, %dma_wait3A_252] : memref<10240x128xf32, #tpu.memory_space<vmem_shared>> -> memref<10240x128xf32, #tpu.memory_space<vmem_shared>>
      tpu.wait_indirect_dma semaphore(%arg15 : memref<!tpu.dma_semaphore, #tpu.memory_space<semaphore_mem>>) src(%arg12 : memref<128x128xf32, #tpu.memory_space<vmem>>) dst(%dma_wait3A_253 : memref<10240x128xf32, #tpu.memory_space<vmem_shared>>)
      %dma_wait3A_254 = arith.constant 1152 : i32
      %dma_wait3A_255 = tpu.memref_slice %arg11[%dma_wait3A_254] : memref<2048xi32, #tpu.memory_space<vmem>> -> memref<128xi32, #tpu.memory_space<vmem>>
      %dma_wait3A_256 = arith.constant 0 : i32
      %dma_wait3A_257 = arith.constant 0 : i32
      %dma_wait3A_258 = tpu.memref_slice %arg14[%dma_wait3A_256, %dma_wait3A_257] : memref<10240x128xf32, #tpu.memory_space<vmem_shared>> -> memref<10240x128xf32, #tpu.memory_space<vmem_shared>>
      tpu.wait_indirect_dma semaphore(%arg15 : memref<!tpu.dma_semaphore, #tpu.memory_space<semaphore_mem>>) src(%arg12 : memref<128x128xf32, #tpu.memory_space<vmem>>) dst(%dma_wait3A_258 : memref<10240x128xf32, #tpu.memory_space<vmem_shared>>)
      %dma_wait3A_259 = arith.constant 1280 : i32
      %dma_wait3A_260 = tpu.memref_slice %arg11[%dma_wait3A_259] : memref<2048xi32, #tpu.memory_space<vmem>> -> memref<128xi32, #tpu.memory_space<vmem>>
      %dma_wait3A_261 = arith.constant 0 : i32
      %dma_wait3A_262 = arith.constant 0 : i32
      %dma_wait3A_263 = tpu.memref_slice %arg14[%dma_wait3A_261, %dma_wait3A_262] : memref<10240x128xf32, #tpu.memory_space<vmem_shared>> -> memref<10240x128xf32, #tpu.memory_space<vmem_shared>>
      tpu.wait_indirect_dma semaphore(%arg15 : memref<!tpu.dma_semaphore, #tpu.memory_space<semaphore_mem>>) src(%arg12 : memref<128x128xf32, #tpu.memory_space<vmem>>) dst(%dma_wait3A_263 : memref<10240x128xf32, #tpu.memory_space<vmem_shared>>)
      %dma_wait3A_264 = arith.constant 1408 : i32
      %dma_wait3A_265 = tpu.memref_slice %arg11[%dma_wait3A_264] : memref<2048xi32, #tpu.memory_space<vmem>> -> memref<128xi32, #tpu.memory_space<vmem>>
      %dma_wait3A_266 = arith.constant 0 : i32
      %dma_wait3A_267 = arith.constant 0 : i32
      %dma_wait3A_268 = tpu.memref_slice %arg14[%dma_wait3A_266, %dma_wait3A_267] : memref<10240x128xf32, #tpu.memory_space<vmem_shared>> -> memref<10240x128xf32, #tpu.memory_space<vmem_shared>>
      tpu.wait_indirect_dma semaphore(%arg15 : memref<!tpu.dma_semaphore, #tpu.memory_space<semaphore_mem>>) src(%arg12 : memref<128x128xf32, #tpu.memory_space<vmem>>) dst(%dma_wait3A_268 : memref<10240x128xf32, #tpu.memory_space<vmem_shared>>)
      %dma_wait3A_269 = arith.constant 1536 : i32
      %dma_wait3A_270 = tpu.memref_slice %arg11[%dma_wait3A_269] : memref<2048xi32, #tpu.memory_space<vmem>> -> memref<128xi32, #tpu.memory_space<vmem>>
      %dma_wait3A_271 = arith.constant 0 : i32
      %dma_wait3A_272 = arith.constant 0 : i32
      %dma_wait3A_273 = tpu.memref_slice %arg14[%dma_wait3A_271, %dma_wait3A_272] : memref<10240x128xf32, #tpu.memory_space<vmem_shared>> -> memref<10240x128xf32, #tpu.memory_space<vmem_shared>>
      tpu.wait_indirect_dma semaphore(%arg15 : memref<!tpu.dma_semaphore, #tpu.memory_space<semaphore_mem>>) src(%arg12 : memref<128x128xf32, #tpu.memory_space<vmem>>) dst(%dma_wait3A_273 : memref<10240x128xf32, #tpu.memory_space<vmem_shared>>)
      %dma_wait3A_274 = arith.constant 1664 : i32
      %dma_wait3A_275 = tpu.memref_slice %arg11[%dma_wait3A_274] : memref<2048xi32, #tpu.memory_space<vmem>> -> memref<128xi32, #tpu.memory_space<vmem>>
      %dma_wait3A_276 = arith.constant 0 : i32
      %dma_wait3A_277 = arith.constant 0 : i32
      %dma_wait3A_278 = tpu.memref_slice %arg14[%dma_wait3A_276, %dma_wait3A_277] : memref<10240x128xf32, #tpu.memory_space<vmem_shared>> -> memref<10240x128xf32, #tpu.memory_space<vmem_shared>>
      tpu.wait_indirect_dma semaphore(%arg15 : memref<!tpu.dma_semaphore, #tpu.memory_space<semaphore_mem>>) src(%arg12 : memref<128x128xf32, #tpu.memory_space<vmem>>) dst(%dma_wait3A_278 : memref<10240x128xf32, #tpu.memory_space<vmem_shared>>)
      %dma_wait3A_279 = arith.constant 1792 : i32
      %dma_wait3A_280 = tpu.memref_slice %arg11[%dma_wait3A_279] : memref<2048xi32, #tpu.memory_space<vmem>> -> memref<128xi32, #tpu.memory_space<vmem>>
      %dma_wait3A_281 = arith.constant 0 : i32
      %dma_wait3A_282 = arith.constant 0 : i32
      %dma_wait3A_283 = tpu.memref_slice %arg14[%dma_wait3A_281, %dma_wait3A_282] : memref<10240x128xf32, #tpu.memory_space<vmem_shared>> -> memref<10240x128xf32, #tpu.memory_space<vmem_shared>>
      tpu.wait_indirect_dma semaphore(%arg15 : memref<!tpu.dma_semaphore, #tpu.memory_space<semaphore_mem>>) src(%arg12 : memref<128x128xf32, #tpu.memory_space<vmem>>) dst(%dma_wait3A_283 : memref<10240x128xf32, #tpu.memory_space<vmem_shared>>)
      %dma_wait3A_284 = arith.constant 1920 : i32
      %dma_wait3A_285 = tpu.memref_slice %arg11[%dma_wait3A_284] : memref<2048xi32, #tpu.memory_space<vmem>> -> memref<128xi32, #tpu.memory_space<vmem>>
      %dma_wait3A_286 = arith.constant 0 : i32
      %dma_wait3A_287 = arith.constant 0 : i32
      %dma_wait3A_288 = tpu.memref_slice %arg14[%dma_wait3A_286, %dma_wait3A_287] : memref<10240x128xf32, #tpu.memory_space<vmem_shared>> -> memref<10240x128xf32, #tpu.memory_space<vmem_shared>>
      tpu.wait_indirect_dma semaphore(%arg15 : memref<!tpu.dma_semaphore, #tpu.memory_space<semaphore_mem>>) src(%arg12 : memref<128x128xf32, #tpu.memory_space<vmem>>) dst(%dma_wait3A_288 : memref<10240x128xf32, #tpu.memory_space<vmem_shared>>)
    }
    %scan3A_31 = arith.constant 10 : i32
    %barrier3A_32 = arith.constant 0 : index
    tpu.barrier barrier_id(%barrier3A_32)
    "tpu.trace_stop"() : () -> ()
    "tpu.trace_start"() <{level = 10 : i32, message = "rcp_ep"}> : () -> ()
    %scan3A_33 = arith.constant 0 : i32
    %scan3A_34 = arith.constant 16 : i32
    %scan3A_35 = arith.addi %scan3A_33, %scan3A_34 : i32
    %scan3A_36 = arith.constant 1 : i32
    scf.for %scan3A_121 = %scan3A_33 to %scan3A_35 step %scan3A_36  : i32 {
      %mul3A_122 = arith.constant 1 : i32
      %mul3A_123 = arith.muli %scan3A_121, %mul3A_122 : i32
      %add3A_124 = arith.constant 0 : i32
      %add3A_125 = arith.addi %add3A_124, %mul3A_123 : i32
      %mul3A_126 = arith.constant 40 : i32
      %mul3A_127 = arith.muli %add3A_125, %mul3A_126 : i32
      %add3A_128 = arith.addi %mul3A_4, %mul3A_127 : i32
      "tpu.region"() ({
        %run_scoped3A = tpu.sem_alloc : memref<!tpu.dma_semaphore, #tpu.memory_space<semaphore_mem>>
        %dma_start3A = arith.constant 0 : i32
        %dma_start3A_137 = arith.constant 0 : i32
        %dma_start3A_138 = tpu.memref_slice %arg12[%dma_start3A, %dma_start3A_137] : memref<128x128xf32, #tpu.memory_space<vmem>> -> memref<40x128xf32, #tpu.memory_space<vmem>>
        %dma_start3A_139 = arith.constant 0 : i32
        %dma_start3A_140 = tpu.memref_slice %arg14[%add3A_128, %dma_start3A_139] : memref<10240x128xf32, #tpu.memory_space<vmem_shared>> -> memref<40x128xf32, #tpu.memory_space<vmem_shared>>
        %dma_start3A_141 = arith.constant 0 : i32
        %dma_start3A_142 = arith.constant 0 : i32
        %dma_start3A_143 = tpu.memref_slice %arg12[%dma_start3A_141, %dma_start3A_142] : memref<128x128xf32, #tpu.memory_space<vmem>> -> memref<40x128xf32, #tpu.memory_space<vmem>>
        %dma_start3A_144 = arith.constant 0 : i32
        %dma_start3A_145 = tpu.memref_slice %arg14[%add3A_128, %dma_start3A_144] : memref<10240x128xf32, #tpu.memory_space<vmem_shared>> -> memref<40x128xf32, #tpu.memory_space<vmem_shared>>
        tpu.enqueue_dma source(%dma_start3A_145 : memref<40x128xf32, #tpu.memory_space<vmem_shared>>) target(%dma_start3A_143 : memref<40x128xf32, #tpu.memory_space<vmem>>) target_semaphore(%run_scoped3A : memref<!tpu.dma_semaphore, #tpu.memory_space<semaphore_mem>>)
        %dma_wait3A = arith.constant 0 : i32
        %dma_wait3A_146 = arith.constant 0 : i32
        %dma_wait3A_147 = tpu.memref_slice %arg12[%dma_wait3A, %dma_wait3A_146] : memref<128x128xf32, #tpu.memory_space<vmem>> -> memref<40x128xf32, #tpu.memory_space<vmem>>
        %dma_wait3A_148 = arith.constant 0 : i32
        %dma_wait3A_149 = tpu.memref_slice %arg14[%add3A_128, %dma_wait3A_148] : memref<10240x128xf32, #tpu.memory_space<vmem_shared>> -> memref<40x128xf32, #tpu.memory_space<vmem_shared>>
        %dma_wait3A_150 = arith.constant 0 : i32
        %dma_wait3A_151 = arith.constant 0 : i32
        %dma_wait3A_152 = tpu.memref_slice %arg12[%dma_wait3A_150, %dma_wait3A_151] : memref<128x128xf32, #tpu.memory_space<vmem>> -> memref<40x128xf32, #tpu.memory_space<vmem>>
        %dma_wait3A_153 = arith.constant 0 : i32
        %dma_wait3A_154 = tpu.memref_slice %arg14[%add3A_128, %dma_wait3A_153] : memref<10240x128xf32, #tpu.memory_space<vmem_shared>> -> memref<40x128xf32, #tpu.memory_space<vmem_shared>>
        tpu.wait_dma2 semaphore(%run_scoped3A : memref<!tpu.dma_semaphore, #tpu.memory_space<semaphore_mem>>) src(%dma_wait3A_154 : memref<40x128xf32, #tpu.memory_space<vmem_shared>>) dst(%dma_wait3A_152 : memref<40x128xf32, #tpu.memory_space<vmem>>)
        tpu.yield
      }) : () -> ()
      %scan3A_129 = arith.constant 0 : i32
      %scan3A_130 = arith.constant 40 : i32
      %scan3A_131 = arith.addi %scan3A_129, %scan3A_130 : i32
      %scan3A_132 = arith.constant 1 : i32
      scf.for %scan3A_137 = %scan3A_129 to %scan3A_131 step %scan3A_132  : i32 {
        %mul3A_138 = arith.constant 1 : i32
        %mul3A_139 = arith.muli %scan3A_137, %mul3A_138 : i32
        %add3A_140 = arith.constant 0 : i32
        %add3A_141 = arith.addi %add3A_140, %mul3A_139 : i32
        %get3A = arith.index_cast %add3A_141 : i32 to index
        %get3A_142 = arith.constant 0 : index
        %get3A_143 = tpu.vector_load %arg12[%get3A, %get3A_142] {strides = array<i32>} : memref<128x128xf32, #tpu.memory_space<vmem>>, vector<1x16xf32>,
        %get3A_144 = vector.shape_cast %get3A_143 : vector<1x16xf32> to vector<16xf32>
        %max3A = arith.constant 1.000000e+00 : f32
        %max3A_145 = vector.broadcast %max3A : f32 to vector<16xf32>
        %max3A_146 = arith.maximumf %get3A_144, %max3A_145 : vector<16xf32>
        %div3A = arith.constant 1.000000e+00 : f32
        %div3A_147 = vector.broadcast %div3A : f32 to vector<16xf32>
        %div3A_148 = arith.divf %div3A_147, %max3A_146 : vector<16xf32>
        %swap3A = arith.index_cast %add3A_141 : i32 to index
        %swap3A_149 = arith.constant 0 : index
        %swap3A_150 = tpu.vector_load %arg13[%swap3A, %swap3A_149] {strides = array<i32>} : memref<128x128xf32, #tpu.memory_space<vmem>>, vector<1x16xf32>,
        %swap3A_151 = vector.shape_cast %swap3A_150 : vector<1x16xf32> to vector<16xf32>
        %swap3A_152 = vector.shape_cast %div3A_148 : vector<16xf32> to vector<1x16xf32>
        tpu.vector_store %arg13[%swap3A, %swap3A_149], %swap3A_152 {strides = array<i32>} : memref<128x128xf32, #tpu.memory_space<vmem>>, vector<1x16xf32>,
        %swap3A_153 = arith.index_cast %add3A_141 : i32 to index
        %swap3A_154 = arith.constant 16 : index
        %swap3A_155 = tpu.vector_load %arg13[%swap3A_153, %swap3A_154] {strides = array<i32>} : memref<128x128xf32, #tpu.memory_space<vmem>>, vector<1x16xf32>,
        %swap3A_156 = vector.shape_cast %swap3A_155 : vector<1x16xf32> to vector<16xf32>
        %swap3A_157 = vector.shape_cast %div3A_148 : vector<16xf32> to vector<1x16xf32>
        tpu.vector_store %arg13[%swap3A_153, %swap3A_154], %swap3A_157 {strides = array<i32>} : memref<128x128xf32, #tpu.memory_space<vmem>>, vector<1x16xf32>,
        %swap3A_158 = arith.index_cast %add3A_141 : i32 to index
        %swap3A_159 = arith.constant 32 : index
        %swap3A_160 = tpu.vector_load %arg13[%swap3A_158, %swap3A_159] {strides = array<i32>} : memref<128x128xf32, #tpu.memory_space<vmem>>, vector<1x16xf32>,
        %swap3A_161 = vector.shape_cast %swap3A_160 : vector<1x16xf32> to vector<16xf32>
        %swap3A_162 = vector.shape_cast %div3A_148 : vector<16xf32> to vector<1x16xf32>
        tpu.vector_store %arg13[%swap3A_158, %swap3A_159], %swap3A_162 {strides = array<i32>} : memref<128x128xf32, #tpu.memory_space<vmem>>, vector<1x16xf32>,
        %swap3A_163 = arith.index_cast %add3A_141 : i32 to index
        %swap3A_164 = arith.constant 48 : index
        %swap3A_165 = tpu.vector_load %arg13[%swap3A_163, %swap3A_164] {strides = array<i32>} : memref<128x128xf32, #tpu.memory_space<vmem>>, vector<1x16xf32>,
        %swap3A_166 = vector.shape_cast %swap3A_165 : vector<1x16xf32> to vector<16xf32>
        %swap3A_167 = vector.shape_cast %div3A_148 : vector<16xf32> to vector<1x16xf32>
        tpu.vector_store %arg13[%swap3A_163, %swap3A_164], %swap3A_167 {strides = array<i32>} : memref<128x128xf32, #tpu.memory_space<vmem>>, vector<1x16xf32>,
        %swap3A_168 = arith.index_cast %add3A_141 : i32 to index
        %swap3A_169 = arith.constant 64 : index
        %swap3A_170 = tpu.vector_load %arg13[%swap3A_168, %swap3A_169] {strides = array<i32>} : memref<128x128xf32, #tpu.memory_space<vmem>>, vector<1x16xf32>,
        %swap3A_171 = vector.shape_cast %swap3A_170 : vector<1x16xf32> to vector<16xf32>
        %swap3A_172 = vector.shape_cast %div3A_148 : vector<16xf32> to vector<1x16xf32>
        tpu.vector_store %arg13[%swap3A_168, %swap3A_169], %swap3A_172 {strides = array<i32>} : memref<128x128xf32, #tpu.memory_space<vmem>>, vector<1x16xf32>,
        %swap3A_173 = arith.index_cast %add3A_141 : i32 to index
        %swap3A_174 = arith.constant 80 : index
        %swap3A_175 = tpu.vector_load %arg13[%swap3A_173, %swap3A_174] {strides = array<i32>} : memref<128x128xf32, #tpu.memory_space<vmem>>, vector<1x16xf32>,
        %swap3A_176 = vector.shape_cast %swap3A_175 : vector<1x16xf32> to vector<16xf32>
        %swap3A_177 = vector.shape_cast %div3A_148 : vector<16xf32> to vector<1x16xf32>
        tpu.vector_store %arg13[%swap3A_173, %swap3A_174], %swap3A_177 {strides = array<i32>} : memref<128x128xf32, #tpu.memory_space<vmem>>, vector<1x16xf32>,
        %swap3A_178 = arith.index_cast %add3A_141 : i32 to index
        %swap3A_179 = arith.constant 96 : index
        %swap3A_180 = tpu.vector_load %arg13[%swap3A_178, %swap3A_179] {strides = array<i32>} : memref<128x128xf32, #tpu.memory_space<vmem>>, vector<1x16xf32>,
        %swap3A_181 = vector.shape_cast %swap3A_180 : vector<1x16xf32> to vector<16xf32>
        %swap3A_182 = vector.shape_cast %div3A_148 : vector<16xf32> to vector<1x16xf32>
        tpu.vector_store %arg13[%swap3A_178, %swap3A_179], %swap3A_182 {strides = array<i32>} : memref<128x128xf32, #tpu.memory_space<vmem>>, vector<1x16xf32>,
        %swap3A_183 = arith.index_cast %add3A_141 : i32 to index
        %swap3A_184 = arith.constant 112 : index
        %swap3A_185 = tpu.vector_load %arg13[%swap3A_183, %swap3A_184] {strides = array<i32>} : memref<128x128xf32, #tpu.memory_space<vmem>>, vector<1x16xf32>,
        %swap3A_186 = vector.shape_cast %swap3A_185 : vector<1x16xf32> to vector<16xf32>
        %swap3A_187 = vector.shape_cast %div3A_148 : vector<16xf32> to vector<1x16xf32>
        tpu.vector_store %arg13[%swap3A_183, %swap3A_184], %swap3A_187 {strides = array<i32>} : memref<128x128xf32, #tpu.memory_space<vmem>>, vector<1x16xf32>,
      }
      %scan3A_133 = arith.constant 40 : i32
      %mul3A_134 = arith.constant 40 : i32
      %mul3A_135 = arith.muli %add3A_125, %mul3A_134 : i32
      %add3A_136 = arith.addi %add3A_9, %mul3A_135 : i32
      "tpu.region"() ({
        %run_scoped3A = tpu.sem_alloc : memref<!tpu.dma_semaphore, #tpu.memory_space<semaphore_mem>>
        %dma_start3A = arith.constant 0 : i32
        %dma_start3A_137 = arith.constant 0 : i32
        %dma_start3A_138 = tpu.memref_slice %arg13[%dma_start3A, %dma_start3A_137] : memref<128x128xf32, #tpu.memory_space<vmem>> -> memref<40x128xf32, #tpu.memory_space<vmem>>
        %dma_start3A_139 = arith.constant 0 : i32
        %dma_start3A_140 = tpu.memref_slice %arg9[%add3A_136, %dma_start3A_139] : memref<20480x128xf32, #tpu.memory_space<hbm>> -> memref<40x128xf32, #tpu.memory_space<hbm>>
        %dma_start3A_141 = arith.constant 0 : i32
        %dma_start3A_142 = tpu.memref_slice %arg9[%add3A_136, %dma_start3A_141] : memref<20480x128xf32, #tpu.memory_space<hbm>> -> memref<40x128xf32, #tpu.memory_space<hbm>>
        %dma_start3A_143 = arith.constant 0 : i32
        %dma_start3A_144 = arith.constant 0 : i32
        %dma_start3A_145 = tpu.memref_slice %arg13[%dma_start3A_143, %dma_start3A_144] : memref<128x128xf32, #tpu.memory_space<vmem>> -> memref<40x128xf32, #tpu.memory_space<vmem>>
        tpu.enqueue_dma source(%dma_start3A_145 : memref<40x128xf32, #tpu.memory_space<vmem>>) target(%dma_start3A_142 : memref<40x128xf32, #tpu.memory_space<hbm>>) target_semaphore(%run_scoped3A : memref<!tpu.dma_semaphore, #tpu.memory_space<semaphore_mem>>)
        %dma_wait3A = arith.constant 0 : i32
        %dma_wait3A_146 = arith.constant 0 : i32
        %dma_wait3A_147 = tpu.memref_slice %arg13[%dma_wait3A, %dma_wait3A_146] : memref<128x128xf32, #tpu.memory_space<vmem>> -> memref<40x128xf32, #tpu.memory_space<vmem>>
        %dma_wait3A_148 = arith.constant 0 : i32
        %dma_wait3A_149 = tpu.memref_slice %arg9[%add3A_136, %dma_wait3A_148] : memref<20480x128xf32, #tpu.memory_space<hbm>> -> memref<40x128xf32, #tpu.memory_space<hbm>>
        %dma_wait3A_150 = arith.constant 0 : i32
        %dma_wait3A_151 = tpu.memref_slice %arg9[%add3A_136, %dma_wait3A_150] : memref<20480x128xf32, #tpu.memory_space<hbm>> -> memref<40x128xf32, #tpu.memory_space<hbm>>
        %dma_wait3A_152 = arith.constant 0 : i32
        %dma_wait3A_153 = arith.constant 0 : i32
        %dma_wait3A_154 = tpu.memref_slice %arg13[%dma_wait3A_152, %dma_wait3A_153] : memref<128x128xf32, #tpu.memory_space<vmem>> -> memref<40x128xf32, #tpu.memory_space<vmem>>
        tpu.wait_dma2 semaphore(%run_scoped3A : memref<!tpu.dma_semaphore, #tpu.memory_space<semaphore_mem>>) src(%dma_wait3A_154 : memref<40x128xf32, #tpu.memory_space<vmem>>) dst(%dma_wait3A_151 : memref<40x128xf32, #tpu.memory_space<hbm>>)
        tpu.yield
      }) : () -> ()
    }
    %scan3A_37 = arith.constant 16 : i32
    %barrier3A_38 = arith.constant 0 : index
    tpu.barrier barrier_id(%barrier3A_38)
    %broadcast_in_dim3A_39 = arith.constant 0.000000e+00 : f32
    "tpu.trace_stop"() : () -> ()
    "tpu.trace_start"() <{level = 10 : i32, message = "zero2"}> : () -> ()
    %broadcast_in_dim3A_40 = vector.broadcast %broadcast_in_dim3A_39 : f32 to vector<16xf32>
    %scan3A_41 = arith.constant 0 : i32
    %scan3A_42 = arith.constant 128 : i32
    %scan3A_43 = arith.addi %scan3A_41, %scan3A_42 : i32
    %scan3A_44 = arith.constant 1 : i32
    scf.for %scan3A_121 = %scan3A_41 to %scan3A_43 step %scan3A_44  : i32 {
      %mul3A_122 = arith.constant 1 : i32
      %mul3A_123 = arith.muli %scan3A_121, %mul3A_122 : i32
      %add3A_124 = arith.constant 0 : i32
      %add3A_125 = arith.addi %add3A_124, %mul3A_123 : i32
      %swap3A = arith.index_cast %add3A_125 : i32 to index
      %swap3A_126 = arith.constant 0 : index
      %swap3A_127 = tpu.vector_load %arg12[%swap3A, %swap3A_126] {strides = array<i32>} : memref<128x128xf32, #tpu.memory_space<vmem>>, vector<1x16xf32>,
      %swap3A_128 = vector.shape_cast %swap3A_127 : vector<1x16xf32> to vector<16xf32>
      %swap3A_129 = vector.shape_cast %broadcast_in_dim3A_40 : vector<16xf32> to vector<1x16xf32>
      tpu.vector_store %arg12[%swap3A, %swap3A_126], %swap3A_129 {strides = array<i32>} : memref<128x128xf32, #tpu.memory_space<vmem>>, vector<1x16xf32>,
      %swap3A_130 = arith.index_cast %add3A_125 : i32 to index
      %swap3A_131 = arith.constant 16 : index
      %swap3A_132 = tpu.vector_load %arg12[%swap3A_130, %swap3A_131] {strides = array<i32>} : memref<128x128xf32, #tpu.memory_space<vmem>>, vector<1x16xf32>,
      %swap3A_133 = vector.shape_cast %swap3A_132 : vector<1x16xf32> to vector<16xf32>
      %swap3A_134 = vector.shape_cast %broadcast_in_dim3A_40 : vector<16xf32> to vector<1x16xf32>
      tpu.vector_store %arg12[%swap3A_130, %swap3A_131], %swap3A_134 {strides = array<i32>} : memref<128x128xf32, #tpu.memory_space<vmem>>, vector<1x16xf32>,
      %swap3A_135 = arith.index_cast %add3A_125 : i32 to index
      %swap3A_136 = arith.constant 32 : index
      %swap3A_137 = tpu.vector_load %arg12[%swap3A_135, %swap3A_136] {strides = array<i32>} : memref<128x128xf32, #tpu.memory_space<vmem>>, vector<1x16xf32>,
      %swap3A_138 = vector.shape_cast %swap3A_137 : vector<1x16xf32> to vector<16xf32>
      %swap3A_139 = vector.shape_cast %broadcast_in_dim3A_40 : vector<16xf32> to vector<1x16xf32>
      tpu.vector_store %arg12[%swap3A_135, %swap3A_136], %swap3A_139 {strides = array<i32>} : memref<128x128xf32, #tpu.memory_space<vmem>>, vector<1x16xf32>,
      %swap3A_140 = arith.index_cast %add3A_125 : i32 to index
      %swap3A_141 = arith.constant 48 : index
      %swap3A_142 = tpu.vector_load %arg12[%swap3A_140, %swap3A_141] {strides = array<i32>} : memref<128x128xf32, #tpu.memory_space<vmem>>, vector<1x16xf32>,
      %swap3A_143 = vector.shape_cast %swap3A_142 : vector<1x16xf32> to vector<16xf32>
      %swap3A_144 = vector.shape_cast %broadcast_in_dim3A_40 : vector<16xf32> to vector<1x16xf32>
      tpu.vector_store %arg12[%swap3A_140, %swap3A_141], %swap3A_144 {strides = array<i32>} : memref<128x128xf32, #tpu.memory_space<vmem>>, vector<1x16xf32>,
      %swap3A_145 = arith.index_cast %add3A_125 : i32 to index
      %swap3A_146 = arith.constant 64 : index
      %swap3A_147 = tpu.vector_load %arg12[%swap3A_145, %swap3A_146] {strides = array<i32>} : memref<128x128xf32, #tpu.memory_space<vmem>>, vector<1x16xf32>,
      %swap3A_148 = vector.shape_cast %swap3A_147 : vector<1x16xf32> to vector<16xf32>
      %swap3A_149 = vector.shape_cast %broadcast_in_dim3A_40 : vector<16xf32> to vector<1x16xf32>
      tpu.vector_store %arg12[%swap3A_145, %swap3A_146], %swap3A_149 {strides = array<i32>} : memref<128x128xf32, #tpu.memory_space<vmem>>, vector<1x16xf32>,
      %swap3A_150 = arith.index_cast %add3A_125 : i32 to index
      %swap3A_151 = arith.constant 80 : index
      %swap3A_152 = tpu.vector_load %arg12[%swap3A_150, %swap3A_151] {strides = array<i32>} : memref<128x128xf32, #tpu.memory_space<vmem>>, vector<1x16xf32>,
      %swap3A_153 = vector.shape_cast %swap3A_152 : vector<1x16xf32> to vector<16xf32>
      %swap3A_154 = vector.shape_cast %broadcast_in_dim3A_40 : vector<16xf32> to vector<1x16xf32>
      tpu.vector_store %arg12[%swap3A_150, %swap3A_151], %swap3A_154 {strides = array<i32>} : memref<128x128xf32, #tpu.memory_space<vmem>>, vector<1x16xf32>,
      %swap3A_155 = arith.index_cast %add3A_125 : i32 to index
      %swap3A_156 = arith.constant 96 : index
      %swap3A_157 = tpu.vector_load %arg12[%swap3A_155, %swap3A_156] {strides = array<i32>} : memref<128x128xf32, #tpu.memory_space<vmem>>, vector<1x16xf32>,
      %swap3A_158 = vector.shape_cast %swap3A_157 : vector<1x16xf32> to vector<16xf32>
      %swap3A_159 = vector.shape_cast %broadcast_in_dim3A_40 : vector<16xf32> to vector<1x16xf32>
      tpu.vector_store %arg12[%swap3A_155, %swap3A_156], %swap3A_159 {strides = array<i32>} : memref<128x128xf32, #tpu.memory_space<vmem>>, vector<1x16xf32>,
      %swap3A_160 = arith.index_cast %add3A_125 : i32 to index
      %swap3A_161 = arith.constant 112 : index
      %swap3A_162 = tpu.vector_load %arg12[%swap3A_160, %swap3A_161] {strides = array<i32>} : memref<128x128xf32, #tpu.memory_space<vmem>>, vector<1x16xf32>,
      %swap3A_163 = vector.shape_cast %swap3A_162 : vector<1x16xf32> to vector<16xf32>
      %swap3A_164 = vector.shape_cast %broadcast_in_dim3A_40 : vector<16xf32> to vector<1x16xf32>
      tpu.vector_store %arg12[%swap3A_160, %swap3A_161], %swap3A_164 {strides = array<i32>} : memref<128x128xf32, #tpu.memory_space<vmem>>, vector<1x16xf32>,
    }
    %scan3A_45 = arith.constant 128 : i32
    %scan3A_46 = arith.constant 0 : i32
    %scan3A_47 = arith.constant 5 : i32
    %scan3A_48 = arith.addi %scan3A_46, %scan3A_47 : i32
    %scan3A_49 = arith.constant 1 : i32
    scf.for %scan3A_121 = %scan3A_46 to %scan3A_48 step %scan3A_49  : i32 {
      %mul3A_122 = arith.constant 1 : i32
      %mul3A_123 = arith.muli %scan3A_121, %mul3A_122 : i32
      %add3A_124 = arith.constant 0 : i32
      %add3A_125 = arith.addi %add3A_124, %mul3A_123 : i32
      %mul3A_126 = arith.constant 128 : i32
      %mul3A_127 = arith.muli %add3A_125, %mul3A_126 : i32
      %add3A_128 = arith.addi %mul3A_4, %mul3A_127 : i32
      "tpu.region"() ({
        %run_scoped3A = tpu.sem_alloc : memref<!tpu.dma_semaphore, #tpu.memory_space<semaphore_mem>>
        %dma_start3A = arith.constant 0 : i32
        %dma_start3A_129 = tpu.memref_slice %arg14[%add3A_128, %dma_start3A] : memref<10240x128xf32, #tpu.memory_space<vmem_shared>> -> memref<128x128xf32, #tpu.memory_space<vmem_shared>>
        %dma_start3A_130 = arith.constant 0 : i32
        %dma_start3A_131 = tpu.memref_slice %arg14[%add3A_128, %dma_start3A_130] : memref<10240x128xf32, #tpu.memory_space<vmem_shared>> -> memref<128x128xf32, #tpu.memory_space<vmem_shared>>
        tpu.enqueue_dma source(%arg12 : memref<128x128xf32, #tpu.memory_space<vmem>>) target(%dma_start3A_131 : memref<128x128xf32, #tpu.memory_space<vmem_shared>>) target_semaphore(%run_scoped3A : memref<!tpu.dma_semaphore, #tpu.memory_space<semaphore_mem>>)
        %dma_wait3A = arith.constant 0 : i32
        %dma_wait3A_132 = tpu.memref_slice %arg14[%add3A_128, %dma_wait3A] : memref<10240x128xf32, #tpu.memory_space<vmem_shared>> -> memref<128x128xf32, #tpu.memory_space<vmem_shared>>
        %dma_wait3A_133 = arith.constant 0 : i32
        %dma_wait3A_134 = tpu.memref_slice %arg14[%add3A_128, %dma_wait3A_133] : memref<10240x128xf32, #tpu.memory_space<vmem_shared>> -> memref<128x128xf32, #tpu.memory_space<vmem_shared>>
        tpu.wait_dma2 semaphore(%run_scoped3A : memref<!tpu.dma_semaphore, #tpu.memory_space<semaphore_mem>>) src(%arg12 : memref<128x128xf32, #tpu.memory_space<vmem>>) dst(%dma_wait3A_134 : memref<128x128xf32, #tpu.memory_space<vmem_shared>>)
        tpu.yield
      }) : () -> ()
    }
    %scan3A_50 = arith.constant 5 : i32
    %barrier3A_51 = arith.constant 0 : index
    tpu.barrier barrier_id(%barrier3A_51)
    "tpu.trace_stop"() : () -> ()
    %scan3A_52 = arith.constant 0 : i32
    %scan3A_53 = arith.constant 10 : i32
    %scan3A_54 = arith.addi %scan3A_52, %scan3A_53 : i32
    %scan3A_55 = arith.constant 1 : i32
    scf.for %scan3A_121 = %scan3A_52 to %scan3A_54 step %scan3A_55  : i32 {
      %mul3A_122 = arith.constant 1 : i32
      %mul3A_123 = arith.muli %scan3A_121, %mul3A_122 : i32
      %add3A_124 = arith.constant 0 : i32
      %add3A_125 = arith.addi %add3A_124, %mul3A_123 : i32
      %mul3A_126 = arith.constant 16 : i32
      %mul3A_127 = arith.muli %add3A_125, %mul3A_126 : i32
      %mul3A_128 = arith.constant 128 : i32
      %mul3A_129 = arith.muli %mul3A_127, %mul3A_128 : i32
      %add3A_130 = arith.addi %mul3A_2, %mul3A_129 : i32
      "tpu.region"() ({
        %run_scoped3A = tpu.sem_alloc : memref<!tpu.dma_semaphore, #tpu.memory_space<semaphore_mem>>
        %dma_start3A_294 = tpu.memref_slice %arg4[%add3A_130] : memref<655360xi32, #tpu.memory_space<hbm>> -> memref<2048xi32, #tpu.memory_space<hbm>>
        %dma_start3A_295 = tpu.memref_slice %arg4[%add3A_130] : memref<655360xi32, #tpu.memory_space<hbm>> -> memref<2048xi32, #tpu.memory_space<hbm>>
        tpu.enqueue_dma source(%dma_start3A_295 : memref<2048xi32, #tpu.memory_space<hbm>>) target(%arg10 : memref<2048xi32, #tpu.memory_space<vmem>>) target_semaphore(%run_scoped3A : memref<!tpu.dma_semaphore, #tpu.memory_space<semaphore_mem>>)
        %dma_wait3A_296 = tpu.memref_slice %arg4[%add3A_130] : memref<655360xi32, #tpu.memory_space<hbm>> -> memref<2048xi32, #tpu.memory_space<hbm>>
        %dma_wait3A_297 = tpu.memref_slice %arg4[%add3A_130] : memref<655360xi32, #tpu.memory_space<hbm>> -> memref<2048xi32, #tpu.memory_space<hbm>>
        tpu.wait_dma2 semaphore(%run_scoped3A : memref<!tpu.dma_semaphore, #tpu.memory_space<semaphore_mem>>) src(%dma_wait3A_297 : memref<2048xi32, #tpu.memory_space<hbm>>) dst(%arg10 : memref<2048xi32, #tpu.memory_space<vmem>>)
        tpu.yield
      }) : () -> ()
      %mul3A_131 = arith.constant 16 : i32
      %mul3A_132 = arith.muli %add3A_125, %mul3A_131 : i32
      %mul3A_133 = arith.constant 128 : i32
      %mul3A_134 = arith.muli %mul3A_132, %mul3A_133 : i32
      %add3A_135 = arith.addi %mul3A_2, %mul3A_134 : i32
      "tpu.region"() ({
        %run_scoped3A = tpu.sem_alloc : memref<!tpu.dma_semaphore, #tpu.memory_space<semaphore_mem>>
        %dma_start3A_294 = tpu.memref_slice %arg5[%add3A_135] : memref<655360xi32, #tpu.memory_space<hbm>> -> memref<2048xi32, #tpu.memory_space<hbm>>
        %dma_start3A_295 = tpu.memref_slice %arg5[%add3A_135] : memref<655360xi32, #tpu.memory_space<hbm>> -> memref<2048xi32, #tpu.memory_space<hbm>>
        tpu.enqueue_dma source(%dma_start3A_295 : memref<2048xi32, #tpu.memory_space<hbm>>) target(%arg11 : memref<2048xi32, #tpu.memory_space<vmem>>) target_semaphore(%run_scoped3A : memref<!tpu.dma_semaphore, #tpu.memory_space<semaphore_mem>>)
        %dma_wait3A_296 = tpu.memref_slice %arg5[%add3A_135] : memref<655360xi32, #tpu.memory_space<hbm>> -> memref<2048xi32, #tpu.memory_space<hbm>>
        %dma_wait3A_297 = tpu.memref_slice %arg5[%add3A_135] : memref<655360xi32, #tpu.memory_space<hbm>> -> memref<2048xi32, #tpu.memory_space<hbm>>
        tpu.wait_dma2 semaphore(%run_scoped3A : memref<!tpu.dma_semaphore, #tpu.memory_space<semaphore_mem>>) src(%dma_wait3A_297 : memref<2048xi32, #tpu.memory_space<hbm>>) dst(%arg11 : memref<2048xi32, #tpu.memory_space<vmem>>)
        tpu.yield
      }) : () -> ()
      %dma_start3A = arith.constant 0 : i32
      %dma_start3A_136 = tpu.memref_slice %arg10[%dma_start3A] : memref<2048xi32, #tpu.memory_space<vmem>> -> memref<128xi32, #tpu.memory_space<vmem>>
      %dma_start3A_137 = arith.constant 0 : i32
      %dma_start3A_138 = arith.constant 0 : i32
      %dma_start3A_139 = tpu.memref_slice %arg2[%dma_start3A_137, %dma_start3A_138] : memref<20000x128xf32, #tpu.memory_space<hbm>> -> memref<20000x128xf32, #tpu.memory_space<hbm>>
      tpu.enqueue_indirect_dma source(%dma_start3A_139 : memref<20000x128xf32, #tpu.memory_space<hbm>>) target(%arg12 : memref<128x128xf32, #tpu.memory_space<vmem>>) offsets(%dma_start3A_136 : memref<128xi32, #tpu.memory_space<vmem>>) semaphore(%arg15 : memref<!tpu.dma_semaphore, #tpu.memory_space<semaphore_mem>>)
      %dma_start3A_140 = arith.constant 128 : i32
      %dma_start3A_141 = tpu.memref_slice %arg10[%dma_start3A_140] : memref<2048xi32, #tpu.memory_space<vmem>> -> memref<128xi32, #tpu.memory_space<vmem>>
      %dma_start3A_142 = arith.constant 0 : i32
      %dma_start3A_143 = arith.constant 0 : i32
      %dma_start3A_144 = tpu.memref_slice %arg2[%dma_start3A_142, %dma_start3A_143] : memref<20000x128xf32, #tpu.memory_space<hbm>> -> memref<20000x128xf32, #tpu.memory_space<hbm>>
      tpu.enqueue_indirect_dma source(%dma_start3A_144 : memref<20000x128xf32, #tpu.memory_space<hbm>>) target(%arg13 : memref<128x128xf32, #tpu.memory_space<vmem>>) offsets(%dma_start3A_141 : memref<128xi32, #tpu.memory_space<vmem>>) semaphore(%arg16 : memref<!tpu.dma_semaphore, #tpu.memory_space<semaphore_mem>>)
      %dma_wait3A = arith.constant 0 : i32
      %dma_wait3A_145 = tpu.memref_slice %arg10[%dma_wait3A] : memref<2048xi32, #tpu.memory_space<vmem>> -> memref<128xi32, #tpu.memory_space<vmem>>
      %dma_wait3A_146 = arith.constant 0 : i32
      %dma_wait3A_147 = arith.constant 0 : i32
      %dma_wait3A_148 = tpu.memref_slice %arg2[%dma_wait3A_146, %dma_wait3A_147] : memref<20000x128xf32, #tpu.memory_space<hbm>> -> memref<20000x128xf32, #tpu.memory_space<hbm>>
      tpu.wait_indirect_dma semaphore(%arg15 : memref<!tpu.dma_semaphore, #tpu.memory_space<semaphore_mem>>) src(%dma_wait3A_148 : memref<20000x128xf32, #tpu.memory_space<hbm>>) dst(%arg12 : memref<128x128xf32, #tpu.memory_space<vmem>>)
      "tpu.region"() ({
        %run_scoped3A = tpu.sem_alloc : memref<!tpu.dma_semaphore, #tpu.memory_space<semaphore_mem>>
        %dma_start3A_294 = arith.constant 0 : i32
        %dma_start3A_295 = tpu.memref_slice %arg11[%dma_start3A_294] : memref<2048xi32, #tpu.memory_space<vmem>> -> memref<128xi32, #tpu.memory_space<vmem>>
        %dma_start3A_296 = arith.constant 0 : i32
        %dma_start3A_297 = arith.constant 0 : i32
        %dma_start3A_298 = tpu.memref_slice %arg14[%dma_start3A_296, %dma_start3A_297] : memref<10240x128xf32, #tpu.memory_space<vmem_shared>> -> memref<10240x128xf32, #tpu.memory_space<vmem_shared>>
        tpu.enqueue_indirect_dma source(%arg12 : memref<128x128xf32, #tpu.memory_space<vmem>>) target(%dma_start3A_298 : memref<10240x128xf32, #tpu.memory_space<vmem_shared>>) offsets(%dma_start3A_295 : memref<128xi32, #tpu.memory_space<vmem>>) semaphore(%run_scoped3A : memref<!tpu.dma_semaphore, #tpu.memory_space<semaphore_mem>>) {add = true}
        %dma_wait3A_299 = arith.constant 0 : i32
        %dma_wait3A_300 = tpu.memref_slice %arg11[%dma_wait3A_299] : memref<2048xi32, #tpu.memory_space<vmem>> -> memref<128xi32, #tpu.memory_space<vmem>>
        %dma_wait3A_301 = arith.constant 0 : i32
        %dma_wait3A_302 = arith.constant 0 : i32
        %dma_wait3A_303 = tpu.memref_slice %arg14[%dma_wait3A_301, %dma_wait3A_302] : memref<10240x128xf32, #tpu.memory_space<vmem_shared>> -> memref<10240x128xf32, #tpu.memory_space<vmem_shared>>
        tpu.wait_indirect_dma semaphore(%run_scoped3A : memref<!tpu.dma_semaphore, #tpu.memory_space<semaphore_mem>>) src(%arg12 : memref<128x128xf32, #tpu.memory_space<vmem>>) dst(%dma_wait3A_303 : memref<10240x128xf32, #tpu.memory_space<vmem_shared>>)
        tpu.yield
      }) : () -> ()
      %dma_start3A_149 = arith.constant 256 : i32
      %dma_start3A_150 = tpu.memref_slice %arg10[%dma_start3A_149] : memref<2048xi32, #tpu.memory_space<vmem>> -> memref<128xi32, #tpu.memory_space<vmem>>
      %dma_start3A_151 = arith.constant 0 : i32
      %dma_start3A_152 = arith.constant 0 : i32
      %dma_start3A_153 = tpu.memref_slice %arg2[%dma_start3A_151, %dma_start3A_152] : memref<20000x128xf32, #tpu.memory_space<hbm>> -> memref<20000x128xf32, #tpu.memory_space<hbm>>
      tpu.enqueue_indirect_dma source(%dma_start3A_153 : memref<20000x128xf32, #tpu.memory_space<hbm>>) target(%arg12 : memref<128x128xf32, #tpu.memory_space<vmem>>) offsets(%dma_start3A_150 : memref<128xi32, #tpu.memory_space<vmem>>) semaphore(%arg15 : memref<!tpu.dma_semaphore, #tpu.memory_space<semaphore_mem>>)
      %dma_wait3A_154 = arith.constant 128 : i32
      %dma_wait3A_155 = tpu.memref_slice %arg10[%dma_wait3A_154] : memref<2048xi32, #tpu.memory_space<vmem>> -> memref<128xi32, #tpu.memory_space<vmem>>
      %dma_wait3A_156 = arith.constant 0 : i32
      %dma_wait3A_157 = arith.constant 0 : i32
      %dma_wait3A_158 = tpu.memref_slice %arg2[%dma_wait3A_156, %dma_wait3A_157] : memref<20000x128xf32, #tpu.memory_space<hbm>> -> memref<20000x128xf32, #tpu.memory_space<hbm>>
      tpu.wait_indirect_dma semaphore(%arg16 : memref<!tpu.dma_semaphore, #tpu.memory_space<semaphore_mem>>) src(%dma_wait3A_158 : memref<20000x128xf32, #tpu.memory_space<hbm>>) dst(%arg13 : memref<128x128xf32, #tpu.memory_space<vmem>>)
      "tpu.region"() ({
        %run_scoped3A = tpu.sem_alloc : memref<!tpu.dma_semaphore, #tpu.memory_space<semaphore_mem>>
        %dma_start3A_294 = arith.constant 128 : i32
        %dma_start3A_295 = tpu.memref_slice %arg11[%dma_start3A_294] : memref<2048xi32, #tpu.memory_space<vmem>> -> memref<128xi32, #tpu.memory_space<vmem>>
        %dma_start3A_296 = arith.constant 0 : i32
        %dma_start3A_297 = arith.constant 0 : i32
        %dma_start3A_298 = tpu.memref_slice %arg14[%dma_start3A_296, %dma_start3A_297] : memref<10240x128xf32, #tpu.memory_space<vmem_shared>> -> memref<10240x128xf32, #tpu.memory_space<vmem_shared>>
        tpu.enqueue_indirect_dma source(%arg13 : memref<128x128xf32, #tpu.memory_space<vmem>>) target(%dma_start3A_298 : memref<10240x128xf32, #tpu.memory_space<vmem_shared>>) offsets(%dma_start3A_295 : memref<128xi32, #tpu.memory_space<vmem>>) semaphore(%run_scoped3A : memref<!tpu.dma_semaphore, #tpu.memory_space<semaphore_mem>>) {add = true}
        %dma_wait3A_299 = arith.constant 128 : i32
        %dma_wait3A_300 = tpu.memref_slice %arg11[%dma_wait3A_299] : memref<2048xi32, #tpu.memory_space<vmem>> -> memref<128xi32, #tpu.memory_space<vmem>>
        %dma_wait3A_301 = arith.constant 0 : i32
        %dma_wait3A_302 = arith.constant 0 : i32
        %dma_wait3A_303 = tpu.memref_slice %arg14[%dma_wait3A_301, %dma_wait3A_302] : memref<10240x128xf32, #tpu.memory_space<vmem_shared>> -> memref<10240x128xf32, #tpu.memory_space<vmem_shared>>
        tpu.wait_indirect_dma semaphore(%run_scoped3A : memref<!tpu.dma_semaphore, #tpu.memory_space<semaphore_mem>>) src(%arg13 : memref<128x128xf32, #tpu.memory_space<vmem>>) dst(%dma_wait3A_303 : memref<10240x128xf32, #tpu.memory_space<vmem_shared>>)
        tpu.yield
      }) : () -> ()
      %dma_start3A_159 = arith.constant 384 : i32
      %dma_start3A_160 = tpu.memref_slice %arg10[%dma_start3A_159] : memref<2048xi32, #tpu.memory_space<vmem>> -> memref<128xi32, #tpu.memory_space<vmem>>
      %dma_start3A_161 = arith.constant 0 : i32
      %dma_start3A_162 = arith.constant 0 : i32
      %dma_start3A_163 = tpu.memref_slice %arg2[%dma_start3A_161, %dma_start3A_162] : memref<20000x128xf32, #tpu.memory_space<hbm>> -> memref<20000x128xf32, #tpu.memory_space<hbm>>
      tpu.enqueue_indirect_dma source(%dma_start3A_163 : memref<20000x128xf32, #tpu.memory_space<hbm>>) target(%arg13 : memref<128x128xf32, #tpu.memory_space<vmem>>) offsets(%dma_start3A_160 : memref<128xi32, #tpu.memory_space<vmem>>) semaphore(%arg16 : memref<!tpu.dma_semaphore, #tpu.memory_space<semaphore_mem>>)
      %dma_wait3A_164 = arith.constant 256 : i32
      %dma_wait3A_165 = tpu.memref_slice %arg10[%dma_wait3A_164] : memref<2048xi32, #tpu.memory_space<vmem>> -> memref<128xi32, #tpu.memory_space<vmem>>
      %dma_wait3A_166 = arith.constant 0 : i32
      %dma_wait3A_167 = arith.constant 0 : i32
      %dma_wait3A_168 = tpu.memref_slice %arg2[%dma_wait3A_166, %dma_wait3A_167] : memref<20000x128xf32, #tpu.memory_space<hbm>> -> memref<20000x128xf32, #tpu.memory_space<hbm>>
      tpu.wait_indirect_dma semaphore(%arg15 : memref<!tpu.dma_semaphore, #tpu.memory_space<semaphore_mem>>) src(%dma_wait3A_168 : memref<20000x128xf32, #tpu.memory_space<hbm>>) dst(%arg12 : memref<128x128xf32, #tpu.memory_space<vmem>>)
      "tpu.region"() ({
        %run_scoped3A = tpu.sem_alloc : memref<!tpu.dma_semaphore, #tpu.memory_space<semaphore_mem>>
        %dma_start3A_294 = arith.constant 256 : i32
        %dma_start3A_295 = tpu.memref_slice %arg11[%dma_start3A_294] : memref<2048xi32, #tpu.memory_space<vmem>> -> memref<128xi32, #tpu.memory_space<vmem>>
        %dma_start3A_296 = arith.constant 0 : i32
        %dma_start3A_297 = arith.constant 0 : i32
        %dma_start3A_298 = tpu.memref_slice %arg14[%dma_start3A_296, %dma_start3A_297] : memref<10240x128xf32, #tpu.memory_space<vmem_shared>> -> memref<10240x128xf32, #tpu.memory_space<vmem_shared>>
        tpu.enqueue_indirect_dma source(%arg12 : memref<128x128xf32, #tpu.memory_space<vmem>>) target(%dma_start3A_298 : memref<10240x128xf32, #tpu.memory_space<vmem_shared>>) offsets(%dma_start3A_295 : memref<128xi32, #tpu.memory_space<vmem>>) semaphore(%run_scoped3A : memref<!tpu.dma_semaphore, #tpu.memory_space<semaphore_mem>>) {add = true}
        %dma_wait3A_299 = arith.constant 256 : i32
        %dma_wait3A_300 = tpu.memref_slice %arg11[%dma_wait3A_299] : memref<2048xi32, #tpu.memory_space<vmem>> -> memref<128xi32, #tpu.memory_space<vmem>>
        %dma_wait3A_301 = arith.constant 0 : i32
        %dma_wait3A_302 = arith.constant 0 : i32
        %dma_wait3A_303 = tpu.memref_slice %arg14[%dma_wait3A_301, %dma_wait3A_302] : memref<10240x128xf32, #tpu.memory_space<vmem_shared>> -> memref<10240x128xf32, #tpu.memory_space<vmem_shared>>
        tpu.wait_indirect_dma semaphore(%run_scoped3A : memref<!tpu.dma_semaphore, #tpu.memory_space<semaphore_mem>>) src(%arg12 : memref<128x128xf32, #tpu.memory_space<vmem>>) dst(%dma_wait3A_303 : memref<10240x128xf32, #tpu.memory_space<vmem_shared>>)
        tpu.yield
      }) : () -> ()
      %dma_start3A_169 = arith.constant 512 : i32
      %dma_start3A_170 = tpu.memref_slice %arg10[%dma_start3A_169] : memref<2048xi32, #tpu.memory_space<vmem>> -> memref<128xi32, #tpu.memory_space<vmem>>
      %dma_start3A_171 = arith.constant 0 : i32
      %dma_start3A_172 = arith.constant 0 : i32
      %dma_start3A_173 = tpu.memref_slice %arg2[%dma_start3A_171, %dma_start3A_172] : memref<20000x128xf32, #tpu.memory_space<hbm>> -> memref<20000x128xf32, #tpu.memory_space<hbm>>
      tpu.enqueue_indirect_dma source(%dma_start3A_173 : memref<20000x128xf32, #tpu.memory_space<hbm>>) target(%arg12 : memref<128x128xf32, #tpu.memory_space<vmem>>) offsets(%dma_start3A_170 : memref<128xi32, #tpu.memory_space<vmem>>) semaphore(%arg15 : memref<!tpu.dma_semaphore, #tpu.memory_space<semaphore_mem>>)
      %dma_wait3A_174 = arith.constant 384 : i32
      %dma_wait3A_175 = tpu.memref_slice %arg10[%dma_wait3A_174] : memref<2048xi32, #tpu.memory_space<vmem>> -> memref<128xi32, #tpu.memory_space<vmem>>
      %dma_wait3A_176 = arith.constant 0 : i32
      %dma_wait3A_177 = arith.constant 0 : i32
      %dma_wait3A_178 = tpu.memref_slice %arg2[%dma_wait3A_176, %dma_wait3A_177] : memref<20000x128xf32, #tpu.memory_space<hbm>> -> memref<20000x128xf32, #tpu.memory_space<hbm>>
      tpu.wait_indirect_dma semaphore(%arg16 : memref<!tpu.dma_semaphore, #tpu.memory_space<semaphore_mem>>) src(%dma_wait3A_178 : memref<20000x128xf32, #tpu.memory_space<hbm>>) dst(%arg13 : memref<128x128xf32, #tpu.memory_space<vmem>>)
      "tpu.region"() ({
        %run_scoped3A = tpu.sem_alloc : memref<!tpu.dma_semaphore, #tpu.memory_space<semaphore_mem>>
        %dma_start3A_294 = arith.constant 384 : i32
        %dma_start3A_295 = tpu.memref_slice %arg11[%dma_start3A_294] : memref<2048xi32, #tpu.memory_space<vmem>> -> memref<128xi32, #tpu.memory_space<vmem>>
        %dma_start3A_296 = arith.constant 0 : i32
        %dma_start3A_297 = arith.constant 0 : i32
        %dma_start3A_298 = tpu.memref_slice %arg14[%dma_start3A_296, %dma_start3A_297] : memref<10240x128xf32, #tpu.memory_space<vmem_shared>> -> memref<10240x128xf32, #tpu.memory_space<vmem_shared>>
        tpu.enqueue_indirect_dma source(%arg13 : memref<128x128xf32, #tpu.memory_space<vmem>>) target(%dma_start3A_298 : memref<10240x128xf32, #tpu.memory_space<vmem_shared>>) offsets(%dma_start3A_295 : memref<128xi32, #tpu.memory_space<vmem>>) semaphore(%run_scoped3A : memref<!tpu.dma_semaphore, #tpu.memory_space<semaphore_mem>>) {add = true}
        %dma_wait3A_299 = arith.constant 384 : i32
        %dma_wait3A_300 = tpu.memref_slice %arg11[%dma_wait3A_299] : memref<2048xi32, #tpu.memory_space<vmem>> -> memref<128xi32, #tpu.memory_space<vmem>>
        %dma_wait3A_301 = arith.constant 0 : i32
        %dma_wait3A_302 = arith.constant 0 : i32
        %dma_wait3A_303 = tpu.memref_slice %arg14[%dma_wait3A_301, %dma_wait3A_302] : memref<10240x128xf32, #tpu.memory_space<vmem_shared>> -> memref<10240x128xf32, #tpu.memory_space<vmem_shared>>
        tpu.wait_indirect_dma semaphore(%run_scoped3A : memref<!tpu.dma_semaphore, #tpu.memory_space<semaphore_mem>>) src(%arg13 : memref<128x128xf32, #tpu.memory_space<vmem>>) dst(%dma_wait3A_303 : memref<10240x128xf32, #tpu.memory_space<vmem_shared>>)
        tpu.yield
      }) : () -> ()
      %dma_start3A_179 = arith.constant 640 : i32
      %dma_start3A_180 = tpu.memref_slice %arg10[%dma_start3A_179] : memref<2048xi32, #tpu.memory_space<vmem>> -> memref<128xi32, #tpu.memory_space<vmem>>
      %dma_start3A_181 = arith.constant 0 : i32
      %dma_start3A_182 = arith.constant 0 : i32
      %dma_start3A_183 = tpu.memref_slice %arg2[%dma_start3A_181, %dma_start3A_182] : memref<20000x128xf32, #tpu.memory_space<hbm>> -> memref<20000x128xf32, #tpu.memory_space<hbm>>
      tpu.enqueue_indirect_dma source(%dma_start3A_183 : memref<20000x128xf32, #tpu.memory_space<hbm>>) target(%arg13 : memref<128x128xf32, #tpu.memory_space<vmem>>) offsets(%dma_start3A_180 : memref<128xi32, #tpu.memory_space<vmem>>) semaphore(%arg16 : memref<!tpu.dma_semaphore, #tpu.memory_space<semaphore_mem>>)
      %dma_wait3A_184 = arith.constant 512 : i32
      %dma_wait3A_185 = tpu.memref_slice %arg10[%dma_wait3A_184] : memref<2048xi32, #tpu.memory_space<vmem>> -> memref<128xi32, #tpu.memory_space<vmem>>
      %dma_wait3A_186 = arith.constant 0 : i32
      %dma_wait3A_187 = arith.constant 0 : i32
      %dma_wait3A_188 = tpu.memref_slice %arg2[%dma_wait3A_186, %dma_wait3A_187] : memref<20000x128xf32, #tpu.memory_space<hbm>> -> memref<20000x128xf32, #tpu.memory_space<hbm>>
      tpu.wait_indirect_dma semaphore(%arg15 : memref<!tpu.dma_semaphore, #tpu.memory_space<semaphore_mem>>) src(%dma_wait3A_188 : memref<20000x128xf32, #tpu.memory_space<hbm>>) dst(%arg12 : memref<128x128xf32, #tpu.memory_space<vmem>>)
      "tpu.region"() ({
        %run_scoped3A = tpu.sem_alloc : memref<!tpu.dma_semaphore, #tpu.memory_space<semaphore_mem>>
        %dma_start3A_294 = arith.constant 512 : i32
        %dma_start3A_295 = tpu.memref_slice %arg11[%dma_start3A_294] : memref<2048xi32, #tpu.memory_space<vmem>> -> memref<128xi32, #tpu.memory_space<vmem>>
        %dma_start3A_296 = arith.constant 0 : i32
        %dma_start3A_297 = arith.constant 0 : i32
        %dma_start3A_298 = tpu.memref_slice %arg14[%dma_start3A_296, %dma_start3A_297] : memref<10240x128xf32, #tpu.memory_space<vmem_shared>> -> memref<10240x128xf32, #tpu.memory_space<vmem_shared>>
        tpu.enqueue_indirect_dma source(%arg12 : memref<128x128xf32, #tpu.memory_space<vmem>>) target(%dma_start3A_298 : memref<10240x128xf32, #tpu.memory_space<vmem_shared>>) offsets(%dma_start3A_295 : memref<128xi32, #tpu.memory_space<vmem>>) semaphore(%run_scoped3A : memref<!tpu.dma_semaphore, #tpu.memory_space<semaphore_mem>>) {add = true}
        %dma_wait3A_299 = arith.constant 512 : i32
        %dma_wait3A_300 = tpu.memref_slice %arg11[%dma_wait3A_299] : memref<2048xi32, #tpu.memory_space<vmem>> -> memref<128xi32, #tpu.memory_space<vmem>>
        %dma_wait3A_301 = arith.constant 0 : i32
        %dma_wait3A_302 = arith.constant 0 : i32
        %dma_wait3A_303 = tpu.memref_slice %arg14[%dma_wait3A_301, %dma_wait3A_302] : memref<10240x128xf32, #tpu.memory_space<vmem_shared>> -> memref<10240x128xf32, #tpu.memory_space<vmem_shared>>
        tpu.wait_indirect_dma semaphore(%run_scoped3A : memref<!tpu.dma_semaphore, #tpu.memory_space<semaphore_mem>>) src(%arg12 : memref<128x128xf32, #tpu.memory_space<vmem>>) dst(%dma_wait3A_303 : memref<10240x128xf32, #tpu.memory_space<vmem_shared>>)
        tpu.yield
      }) : () -> ()
      %dma_start3A_189 = arith.constant 768 : i32
      %dma_start3A_190 = tpu.memref_slice %arg10[%dma_start3A_189] : memref<2048xi32, #tpu.memory_space<vmem>> -> memref<128xi32, #tpu.memory_space<vmem>>
      %dma_start3A_191 = arith.constant 0 : i32
      %dma_start3A_192 = arith.constant 0 : i32
      %dma_start3A_193 = tpu.memref_slice %arg2[%dma_start3A_191, %dma_start3A_192] : memref<20000x128xf32, #tpu.memory_space<hbm>> -> memref<20000x128xf32, #tpu.memory_space<hbm>>
      tpu.enqueue_indirect_dma source(%dma_start3A_193 : memref<20000x128xf32, #tpu.memory_space<hbm>>) target(%arg12 : memref<128x128xf32, #tpu.memory_space<vmem>>) offsets(%dma_start3A_190 : memref<128xi32, #tpu.memory_space<vmem>>) semaphore(%arg15 : memref<!tpu.dma_semaphore, #tpu.memory_space<semaphore_mem>>)
      %dma_wait3A_194 = arith.constant 640 : i32
      %dma_wait3A_195 = tpu.memref_slice %arg10[%dma_wait3A_194] : memref<2048xi32, #tpu.memory_space<vmem>> -> memref<128xi32, #tpu.memory_space<vmem>>
      %dma_wait3A_196 = arith.constant 0 : i32
      %dma_wait3A_197 = arith.constant 0 : i32
      %dma_wait3A_198 = tpu.memref_slice %arg2[%dma_wait3A_196, %dma_wait3A_197] : memref<20000x128xf32, #tpu.memory_space<hbm>> -> memref<20000x128xf32, #tpu.memory_space<hbm>>
      tpu.wait_indirect_dma semaphore(%arg16 : memref<!tpu.dma_semaphore, #tpu.memory_space<semaphore_mem>>) src(%dma_wait3A_198 : memref<20000x128xf32, #tpu.memory_space<hbm>>) dst(%arg13 : memref<128x128xf32, #tpu.memory_space<vmem>>)
      "tpu.region"() ({
        %run_scoped3A = tpu.sem_alloc : memref<!tpu.dma_semaphore, #tpu.memory_space<semaphore_mem>>
        %dma_start3A_294 = arith.constant 640 : i32
        %dma_start3A_295 = tpu.memref_slice %arg11[%dma_start3A_294] : memref<2048xi32, #tpu.memory_space<vmem>> -> memref<128xi32, #tpu.memory_space<vmem>>
        %dma_start3A_296 = arith.constant 0 : i32
        %dma_start3A_297 = arith.constant 0 : i32
        %dma_start3A_298 = tpu.memref_slice %arg14[%dma_start3A_296, %dma_start3A_297] : memref<10240x128xf32, #tpu.memory_space<vmem_shared>> -> memref<10240x128xf32, #tpu.memory_space<vmem_shared>>
        tpu.enqueue_indirect_dma source(%arg13 : memref<128x128xf32, #tpu.memory_space<vmem>>) target(%dma_start3A_298 : memref<10240x128xf32, #tpu.memory_space<vmem_shared>>) offsets(%dma_start3A_295 : memref<128xi32, #tpu.memory_space<vmem>>) semaphore(%run_scoped3A : memref<!tpu.dma_semaphore, #tpu.memory_space<semaphore_mem>>) {add = true}
        %dma_wait3A_299 = arith.constant 640 : i32
        %dma_wait3A_300 = tpu.memref_slice %arg11[%dma_wait3A_299] : memref<2048xi32, #tpu.memory_space<vmem>> -> memref<128xi32, #tpu.memory_space<vmem>>
        %dma_wait3A_301 = arith.constant 0 : i32
        %dma_wait3A_302 = arith.constant 0 : i32
        %dma_wait3A_303 = tpu.memref_slice %arg14[%dma_wait3A_301, %dma_wait3A_302] : memref<10240x128xf32, #tpu.memory_space<vmem_shared>> -> memref<10240x128xf32, #tpu.memory_space<vmem_shared>>
        tpu.wait_indirect_dma semaphore(%run_scoped3A : memref<!tpu.dma_semaphore, #tpu.memory_space<semaphore_mem>>) src(%arg13 : memref<128x128xf32, #tpu.memory_space<vmem>>) dst(%dma_wait3A_303 : memref<10240x128xf32, #tpu.memory_space<vmem_shared>>)
        tpu.yield
      }) : () -> ()
      %dma_start3A_199 = arith.constant 896 : i32
      %dma_start3A_200 = tpu.memref_slice %arg10[%dma_start3A_199] : memref<2048xi32, #tpu.memory_space<vmem>> -> memref<128xi32, #tpu.memory_space<vmem>>
      %dma_start3A_201 = arith.constant 0 : i32
      %dma_start3A_202 = arith.constant 0 : i32
      %dma_start3A_203 = tpu.memref_slice %arg2[%dma_start3A_201, %dma_start3A_202] : memref<20000x128xf32, #tpu.memory_space<hbm>> -> memref<20000x128xf32, #tpu.memory_space<hbm>>
      tpu.enqueue_indirect_dma source(%dma_start3A_203 : memref<20000x128xf32, #tpu.memory_space<hbm>>) target(%arg13 : memref<128x128xf32, #tpu.memory_space<vmem>>) offsets(%dma_start3A_200 : memref<128xi32, #tpu.memory_space<vmem>>) semaphore(%arg16 : memref<!tpu.dma_semaphore, #tpu.memory_space<semaphore_mem>>)
      %dma_wait3A_204 = arith.constant 768 : i32
      %dma_wait3A_205 = tpu.memref_slice %arg10[%dma_wait3A_204] : memref<2048xi32, #tpu.memory_space<vmem>> -> memref<128xi32, #tpu.memory_space<vmem>>
      %dma_wait3A_206 = arith.constant 0 : i32
      %dma_wait3A_207 = arith.constant 0 : i32
      %dma_wait3A_208 = tpu.memref_slice %arg2[%dma_wait3A_206, %dma_wait3A_207] : memref<20000x128xf32, #tpu.memory_space<hbm>> -> memref<20000x128xf32, #tpu.memory_space<hbm>>
      tpu.wait_indirect_dma semaphore(%arg15 : memref<!tpu.dma_semaphore, #tpu.memory_space<semaphore_mem>>) src(%dma_wait3A_208 : memref<20000x128xf32, #tpu.memory_space<hbm>>) dst(%arg12 : memref<128x128xf32, #tpu.memory_space<vmem>>)
      "tpu.region"() ({
        %run_scoped3A = tpu.sem_alloc : memref<!tpu.dma_semaphore, #tpu.memory_space<semaphore_mem>>
        %dma_start3A_294 = arith.constant 768 : i32
        %dma_start3A_295 = tpu.memref_slice %arg11[%dma_start3A_294] : memref<2048xi32, #tpu.memory_space<vmem>> -> memref<128xi32, #tpu.memory_space<vmem>>
        %dma_start3A_296 = arith.constant 0 : i32
        %dma_start3A_297 = arith.constant 0 : i32
        %dma_start3A_298 = tpu.memref_slice %arg14[%dma_start3A_296, %dma_start3A_297] : memref<10240x128xf32, #tpu.memory_space<vmem_shared>> -> memref<10240x128xf32, #tpu.memory_space<vmem_shared>>
        tpu.enqueue_indirect_dma source(%arg12 : memref<128x128xf32, #tpu.memory_space<vmem>>) target(%dma_start3A_298 : memref<10240x128xf32, #tpu.memory_space<vmem_shared>>) offsets(%dma_start3A_295 : memref<128xi32, #tpu.memory_space<vmem>>) semaphore(%run_scoped3A : memref<!tpu.dma_semaphore, #tpu.memory_space<semaphore_mem>>) {add = true}
        %dma_wait3A_299 = arith.constant 768 : i32
        %dma_wait3A_300 = tpu.memref_slice %arg11[%dma_wait3A_299] : memref<2048xi32, #tpu.memory_space<vmem>> -> memref<128xi32, #tpu.memory_space<vmem>>
        %dma_wait3A_301 = arith.constant 0 : i32
        %dma_wait3A_302 = arith.constant 0 : i32
        %dma_wait3A_303 = tpu.memref_slice %arg14[%dma_wait3A_301, %dma_wait3A_302] : memref<10240x128xf32, #tpu.memory_space<vmem_shared>> -> memref<10240x128xf32, #tpu.memory_space<vmem_shared>>
        tpu.wait_indirect_dma semaphore(%run_scoped3A : memref<!tpu.dma_semaphore, #tpu.memory_space<semaphore_mem>>) src(%arg12 : memref<128x128xf32, #tpu.memory_space<vmem>>) dst(%dma_wait3A_303 : memref<10240x128xf32, #tpu.memory_space<vmem_shared>>)
        tpu.yield
      }) : () -> ()
      %dma_start3A_209 = arith.constant 1024 : i32
      %dma_start3A_210 = tpu.memref_slice %arg10[%dma_start3A_209] : memref<2048xi32, #tpu.memory_space<vmem>> -> memref<128xi32, #tpu.memory_space<vmem>>
      %dma_start3A_211 = arith.constant 0 : i32
      %dma_start3A_212 = arith.constant 0 : i32
      %dma_start3A_213 = tpu.memref_slice %arg2[%dma_start3A_211, %dma_start3A_212] : memref<20000x128xf32, #tpu.memory_space<hbm>> -> memref<20000x128xf32, #tpu.memory_space<hbm>>
      tpu.enqueue_indirect_dma source(%dma_start3A_213 : memref<20000x128xf32, #tpu.memory_space<hbm>>) target(%arg12 : memref<128x128xf32, #tpu.memory_space<vmem>>) offsets(%dma_start3A_210 : memref<128xi32, #tpu.memory_space<vmem>>) semaphore(%arg15 : memref<!tpu.dma_semaphore, #tpu.memory_space<semaphore_mem>>)
      %dma_wait3A_214 = arith.constant 896 : i32
      %dma_wait3A_215 = tpu.memref_slice %arg10[%dma_wait3A_214] : memref<2048xi32, #tpu.memory_space<vmem>> -> memref<128xi32, #tpu.memory_space<vmem>>
      %dma_wait3A_216 = arith.constant 0 : i32
      %dma_wait3A_217 = arith.constant 0 : i32
      %dma_wait3A_218 = tpu.memref_slice %arg2[%dma_wait3A_216, %dma_wait3A_217] : memref<20000x128xf32, #tpu.memory_space<hbm>> -> memref<20000x128xf32, #tpu.memory_space<hbm>>
      tpu.wait_indirect_dma semaphore(%arg16 : memref<!tpu.dma_semaphore, #tpu.memory_space<semaphore_mem>>) src(%dma_wait3A_218 : memref<20000x128xf32, #tpu.memory_space<hbm>>) dst(%arg13 : memref<128x128xf32, #tpu.memory_space<vmem>>)
      "tpu.region"() ({
        %run_scoped3A = tpu.sem_alloc : memref<!tpu.dma_semaphore, #tpu.memory_space<semaphore_mem>>
        %dma_start3A_294 = arith.constant 896 : i32
        %dma_start3A_295 = tpu.memref_slice %arg11[%dma_start3A_294] : memref<2048xi32, #tpu.memory_space<vmem>> -> memref<128xi32, #tpu.memory_space<vmem>>
        %dma_start3A_296 = arith.constant 0 : i32
        %dma_start3A_297 = arith.constant 0 : i32
        %dma_start3A_298 = tpu.memref_slice %arg14[%dma_start3A_296, %dma_start3A_297] : memref<10240x128xf32, #tpu.memory_space<vmem_shared>> -> memref<10240x128xf32, #tpu.memory_space<vmem_shared>>
        tpu.enqueue_indirect_dma source(%arg13 : memref<128x128xf32, #tpu.memory_space<vmem>>) target(%dma_start3A_298 : memref<10240x128xf32, #tpu.memory_space<vmem_shared>>) offsets(%dma_start3A_295 : memref<128xi32, #tpu.memory_space<vmem>>) semaphore(%run_scoped3A : memref<!tpu.dma_semaphore, #tpu.memory_space<semaphore_mem>>) {add = true}
        %dma_wait3A_299 = arith.constant 896 : i32
        %dma_wait3A_300 = tpu.memref_slice %arg11[%dma_wait3A_299] : memref<2048xi32, #tpu.memory_space<vmem>> -> memref<128xi32, #tpu.memory_space<vmem>>
        %dma_wait3A_301 = arith.constant 0 : i32
        %dma_wait3A_302 = arith.constant 0 : i32
        %dma_wait3A_303 = tpu.memref_slice %arg14[%dma_wait3A_301, %dma_wait3A_302] : memref<10240x128xf32, #tpu.memory_space<vmem_shared>> -> memref<10240x128xf32, #tpu.memory_space<vmem_shared>>
        tpu.wait_indirect_dma semaphore(%run_scoped3A : memref<!tpu.dma_semaphore, #tpu.memory_space<semaphore_mem>>) src(%arg13 : memref<128x128xf32, #tpu.memory_space<vmem>>) dst(%dma_wait3A_303 : memref<10240x128xf32, #tpu.memory_space<vmem_shared>>)
        tpu.yield
      }) : () -> ()
      %dma_start3A_219 = arith.constant 1152 : i32
      %dma_start3A_220 = tpu.memref_slice %arg10[%dma_start3A_219] : memref<2048xi32, #tpu.memory_space<vmem>> -> memref<128xi32, #tpu.memory_space<vmem>>
      %dma_start3A_221 = arith.constant 0 : i32
      %dma_start3A_222 = arith.constant 0 : i32
      %dma_start3A_223 = tpu.memref_slice %arg2[%dma_start3A_221, %dma_start3A_222] : memref<20000x128xf32, #tpu.memory_space<hbm>> -> memref<20000x128xf32, #tpu.memory_space<hbm>>
      tpu.enqueue_indirect_dma source(%dma_start3A_223 : memref<20000x128xf32, #tpu.memory_space<hbm>>) target(%arg13 : memref<128x128xf32, #tpu.memory_space<vmem>>) offsets(%dma_start3A_220 : memref<128xi32, #tpu.memory_space<vmem>>) semaphore(%arg16 : memref<!tpu.dma_semaphore, #tpu.memory_space<semaphore_mem>>)
      %dma_wait3A_224 = arith.constant 1024 : i32
      %dma_wait3A_225 = tpu.memref_slice %arg10[%dma_wait3A_224] : memref<2048xi32, #tpu.memory_space<vmem>> -> memref<128xi32, #tpu.memory_space<vmem>>
      %dma_wait3A_226 = arith.constant 0 : i32
      %dma_wait3A_227 = arith.constant 0 : i32
      %dma_wait3A_228 = tpu.memref_slice %arg2[%dma_wait3A_226, %dma_wait3A_227] : memref<20000x128xf32, #tpu.memory_space<hbm>> -> memref<20000x128xf32, #tpu.memory_space<hbm>>
      tpu.wait_indirect_dma semaphore(%arg15 : memref<!tpu.dma_semaphore, #tpu.memory_space<semaphore_mem>>) src(%dma_wait3A_228 : memref<20000x128xf32, #tpu.memory_space<hbm>>) dst(%arg12 : memref<128x128xf32, #tpu.memory_space<vmem>>)
      "tpu.region"() ({
        %run_scoped3A = tpu.sem_alloc : memref<!tpu.dma_semaphore, #tpu.memory_space<semaphore_mem>>
        %dma_start3A_294 = arith.constant 1024 : i32
        %dma_start3A_295 = tpu.memref_slice %arg11[%dma_start3A_294] : memref<2048xi32, #tpu.memory_space<vmem>> -> memref<128xi32, #tpu.memory_space<vmem>>
        %dma_start3A_296 = arith.constant 0 : i32
        %dma_start3A_297 = arith.constant 0 : i32
        %dma_start3A_298 = tpu.memref_slice %arg14[%dma_start3A_296, %dma_start3A_297] : memref<10240x128xf32, #tpu.memory_space<vmem_shared>> -> memref<10240x128xf32, #tpu.memory_space<vmem_shared>>
        tpu.enqueue_indirect_dma source(%arg12 : memref<128x128xf32, #tpu.memory_space<vmem>>) target(%dma_start3A_298 : memref<10240x128xf32, #tpu.memory_space<vmem_shared>>) offsets(%dma_start3A_295 : memref<128xi32, #tpu.memory_space<vmem>>) semaphore(%run_scoped3A : memref<!tpu.dma_semaphore, #tpu.memory_space<semaphore_mem>>) {add = true}
        %dma_wait3A_299 = arith.constant 1024 : i32
        %dma_wait3A_300 = tpu.memref_slice %arg11[%dma_wait3A_299] : memref<2048xi32, #tpu.memory_space<vmem>> -> memref<128xi32, #tpu.memory_space<vmem>>
        %dma_wait3A_301 = arith.constant 0 : i32
        %dma_wait3A_302 = arith.constant 0 : i32
        %dma_wait3A_303 = tpu.memref_slice %arg14[%dma_wait3A_301, %dma_wait3A_302] : memref<10240x128xf32, #tpu.memory_space<vmem_shared>> -> memref<10240x128xf32, #tpu.memory_space<vmem_shared>>
        tpu.wait_indirect_dma semaphore(%run_scoped3A : memref<!tpu.dma_semaphore, #tpu.memory_space<semaphore_mem>>) src(%arg12 : memref<128x128xf32, #tpu.memory_space<vmem>>) dst(%dma_wait3A_303 : memref<10240x128xf32, #tpu.memory_space<vmem_shared>>)
        tpu.yield
      }) : () -> ()
      %dma_start3A_229 = arith.constant 1280 : i32
      %dma_start3A_230 = tpu.memref_slice %arg10[%dma_start3A_229] : memref<2048xi32, #tpu.memory_space<vmem>> -> memref<128xi32, #tpu.memory_space<vmem>>
      %dma_start3A_231 = arith.constant 0 : i32
      %dma_start3A_232 = arith.constant 0 : i32
      %dma_start3A_233 = tpu.memref_slice %arg2[%dma_start3A_231, %dma_start3A_232] : memref<20000x128xf32, #tpu.memory_space<hbm>> -> memref<20000x128xf32, #tpu.memory_space<hbm>>
      tpu.enqueue_indirect_dma source(%dma_start3A_233 : memref<20000x128xf32, #tpu.memory_space<hbm>>) target(%arg12 : memref<128x128xf32, #tpu.memory_space<vmem>>) offsets(%dma_start3A_230 : memref<128xi32, #tpu.memory_space<vmem>>) semaphore(%arg15 : memref<!tpu.dma_semaphore, #tpu.memory_space<semaphore_mem>>)
      %dma_wait3A_234 = arith.constant 1152 : i32
      %dma_wait3A_235 = tpu.memref_slice %arg10[%dma_wait3A_234] : memref<2048xi32, #tpu.memory_space<vmem>> -> memref<128xi32, #tpu.memory_space<vmem>>
      %dma_wait3A_236 = arith.constant 0 : i32
      %dma_wait3A_237 = arith.constant 0 : i32
      %dma_wait3A_238 = tpu.memref_slice %arg2[%dma_wait3A_236, %dma_wait3A_237] : memref<20000x128xf32, #tpu.memory_space<hbm>> -> memref<20000x128xf32, #tpu.memory_space<hbm>>
      tpu.wait_indirect_dma semaphore(%arg16 : memref<!tpu.dma_semaphore, #tpu.memory_space<semaphore_mem>>) src(%dma_wait3A_238 : memref<20000x128xf32, #tpu.memory_space<hbm>>) dst(%arg13 : memref<128x128xf32, #tpu.memory_space<vmem>>)
      "tpu.region"() ({
        %run_scoped3A = tpu.sem_alloc : memref<!tpu.dma_semaphore, #tpu.memory_space<semaphore_mem>>
        %dma_start3A_294 = arith.constant 1152 : i32
        %dma_start3A_295 = tpu.memref_slice %arg11[%dma_start3A_294] : memref<2048xi32, #tpu.memory_space<vmem>> -> memref<128xi32, #tpu.memory_space<vmem>>
        %dma_start3A_296 = arith.constant 0 : i32
        %dma_start3A_297 = arith.constant 0 : i32
        %dma_start3A_298 = tpu.memref_slice %arg14[%dma_start3A_296, %dma_start3A_297] : memref<10240x128xf32, #tpu.memory_space<vmem_shared>> -> memref<10240x128xf32, #tpu.memory_space<vmem_shared>>
        tpu.enqueue_indirect_dma source(%arg13 : memref<128x128xf32, #tpu.memory_space<vmem>>) target(%dma_start3A_298 : memref<10240x128xf32, #tpu.memory_space<vmem_shared>>) offsets(%dma_start3A_295 : memref<128xi32, #tpu.memory_space<vmem>>) semaphore(%run_scoped3A : memref<!tpu.dma_semaphore, #tpu.memory_space<semaphore_mem>>) {add = true}
        %dma_wait3A_299 = arith.constant 1152 : i32
        %dma_wait3A_300 = tpu.memref_slice %arg11[%dma_wait3A_299] : memref<2048xi32, #tpu.memory_space<vmem>> -> memref<128xi32, #tpu.memory_space<vmem>>
        %dma_wait3A_301 = arith.constant 0 : i32
        %dma_wait3A_302 = arith.constant 0 : i32
        %dma_wait3A_303 = tpu.memref_slice %arg14[%dma_wait3A_301, %dma_wait3A_302] : memref<10240x128xf32, #tpu.memory_space<vmem_shared>> -> memref<10240x128xf32, #tpu.memory_space<vmem_shared>>
        tpu.wait_indirect_dma semaphore(%run_scoped3A : memref<!tpu.dma_semaphore, #tpu.memory_space<semaphore_mem>>) src(%arg13 : memref<128x128xf32, #tpu.memory_space<vmem>>) dst(%dma_wait3A_303 : memref<10240x128xf32, #tpu.memory_space<vmem_shared>>)
        tpu.yield
      }) : () -> ()
      %dma_start3A_239 = arith.constant 1408 : i32
      %dma_start3A_240 = tpu.memref_slice %arg10[%dma_start3A_239] : memref<2048xi32, #tpu.memory_space<vmem>> -> memref<128xi32, #tpu.memory_space<vmem>>
      %dma_start3A_241 = arith.constant 0 : i32
      %dma_start3A_242 = arith.constant 0 : i32
      %dma_start3A_243 = tpu.memref_slice %arg2[%dma_start3A_241, %dma_start3A_242] : memref<20000x128xf32, #tpu.memory_space<hbm>> -> memref<20000x128xf32, #tpu.memory_space<hbm>>
      tpu.enqueue_indirect_dma source(%dma_start3A_243 : memref<20000x128xf32, #tpu.memory_space<hbm>>) target(%arg13 : memref<128x128xf32, #tpu.memory_space<vmem>>) offsets(%dma_start3A_240 : memref<128xi32, #tpu.memory_space<vmem>>) semaphore(%arg16 : memref<!tpu.dma_semaphore, #tpu.memory_space<semaphore_mem>>)
      %dma_wait3A_244 = arith.constant 1280 : i32
      %dma_wait3A_245 = tpu.memref_slice %arg10[%dma_wait3A_244] : memref<2048xi32, #tpu.memory_space<vmem>> -> memref<128xi32, #tpu.memory_space<vmem>>
      %dma_wait3A_246 = arith.constant 0 : i32
      %dma_wait3A_247 = arith.constant 0 : i32
      %dma_wait3A_248 = tpu.memref_slice %arg2[%dma_wait3A_246, %dma_wait3A_247] : memref<20000x128xf32, #tpu.memory_space<hbm>> -> memref<20000x128xf32, #tpu.memory_space<hbm>>
      tpu.wait_indirect_dma semaphore(%arg15 : memref<!tpu.dma_semaphore, #tpu.memory_space<semaphore_mem>>) src(%dma_wait3A_248 : memref<20000x128xf32, #tpu.memory_space<hbm>>) dst(%arg12 : memref<128x128xf32, #tpu.memory_space<vmem>>)
      "tpu.region"() ({
        %run_scoped3A = tpu.sem_alloc : memref<!tpu.dma_semaphore, #tpu.memory_space<semaphore_mem>>
        %dma_start3A_294 = arith.constant 1280 : i32
        %dma_start3A_295 = tpu.memref_slice %arg11[%dma_start3A_294] : memref<2048xi32, #tpu.memory_space<vmem>> -> memref<128xi32, #tpu.memory_space<vmem>>
        %dma_start3A_296 = arith.constant 0 : i32
        %dma_start3A_297 = arith.constant 0 : i32
        %dma_start3A_298 = tpu.memref_slice %arg14[%dma_start3A_296, %dma_start3A_297] : memref<10240x128xf32, #tpu.memory_space<vmem_shared>> -> memref<10240x128xf32, #tpu.memory_space<vmem_shared>>
        tpu.enqueue_indirect_dma source(%arg12 : memref<128x128xf32, #tpu.memory_space<vmem>>) target(%dma_start3A_298 : memref<10240x128xf32, #tpu.memory_space<vmem_shared>>) offsets(%dma_start3A_295 : memref<128xi32, #tpu.memory_space<vmem>>) semaphore(%run_scoped3A : memref<!tpu.dma_semaphore, #tpu.memory_space<semaphore_mem>>) {add = true}
        %dma_wait3A_299 = arith.constant 1280 : i32
        %dma_wait3A_300 = tpu.memref_slice %arg11[%dma_wait3A_299] : memref<2048xi32, #tpu.memory_space<vmem>> -> memref<128xi32, #tpu.memory_space<vmem>>
        %dma_wait3A_301 = arith.constant 0 : i32
        %dma_wait3A_302 = arith.constant 0 : i32
        %dma_wait3A_303 = tpu.memref_slice %arg14[%dma_wait3A_301, %dma_wait3A_302] : memref<10240x128xf32, #tpu.memory_space<vmem_shared>> -> memref<10240x128xf32, #tpu.memory_space<vmem_shared>>
        tpu.wait_indirect_dma semaphore(%run_scoped3A : memref<!tpu.dma_semaphore, #tpu.memory_space<semaphore_mem>>) src(%arg12 : memref<128x128xf32, #tpu.memory_space<vmem>>) dst(%dma_wait3A_303 : memref<10240x128xf32, #tpu.memory_space<vmem_shared>>)
        tpu.yield
      }) : () -> ()
      %dma_start3A_249 = arith.constant 1536 : i32
      %dma_start3A_250 = tpu.memref_slice %arg10[%dma_start3A_249] : memref<2048xi32, #tpu.memory_space<vmem>> -> memref<128xi32, #tpu.memory_space<vmem>>
      %dma_start3A_251 = arith.constant 0 : i32
      %dma_start3A_252 = arith.constant 0 : i32
      %dma_start3A_253 = tpu.memref_slice %arg2[%dma_start3A_251, %dma_start3A_252] : memref<20000x128xf32, #tpu.memory_space<hbm>> -> memref<20000x128xf32, #tpu.memory_space<hbm>>
      tpu.enqueue_indirect_dma source(%dma_start3A_253 : memref<20000x128xf32, #tpu.memory_space<hbm>>) target(%arg12 : memref<128x128xf32, #tpu.memory_space<vmem>>) offsets(%dma_start3A_250 : memref<128xi32, #tpu.memory_space<vmem>>) semaphore(%arg15 : memref<!tpu.dma_semaphore, #tpu.memory_space<semaphore_mem>>)
      %dma_wait3A_254 = arith.constant 1408 : i32
      %dma_wait3A_255 = tpu.memref_slice %arg10[%dma_wait3A_254] : memref<2048xi32, #tpu.memory_space<vmem>> -> memref<128xi32, #tpu.memory_space<vmem>>
      %dma_wait3A_256 = arith.constant 0 : i32
      %dma_wait3A_257 = arith.constant 0 : i32
      %dma_wait3A_258 = tpu.memref_slice %arg2[%dma_wait3A_256, %dma_wait3A_257] : memref<20000x128xf32, #tpu.memory_space<hbm>> -> memref<20000x128xf32, #tpu.memory_space<hbm>>
      tpu.wait_indirect_dma semaphore(%arg16 : memref<!tpu.dma_semaphore, #tpu.memory_space<semaphore_mem>>) src(%dma_wait3A_258 : memref<20000x128xf32, #tpu.memory_space<hbm>>) dst(%arg13 : memref<128x128xf32, #tpu.memory_space<vmem>>)
      "tpu.region"() ({
        %run_scoped3A = tpu.sem_alloc : memref<!tpu.dma_semaphore, #tpu.memory_space<semaphore_mem>>
        %dma_start3A_294 = arith.constant 1408 : i32
        %dma_start3A_295 = tpu.memref_slice %arg11[%dma_start3A_294] : memref<2048xi32, #tpu.memory_space<vmem>> -> memref<128xi32, #tpu.memory_space<vmem>>
        %dma_start3A_296 = arith.constant 0 : i32
        %dma_start3A_297 = arith.constant 0 : i32
        %dma_start3A_298 = tpu.memref_slice %arg14[%dma_start3A_296, %dma_start3A_297] : memref<10240x128xf32, #tpu.memory_space<vmem_shared>> -> memref<10240x128xf32, #tpu.memory_space<vmem_shared>>
        tpu.enqueue_indirect_dma source(%arg13 : memref<128x128xf32, #tpu.memory_space<vmem>>) target(%dma_start3A_298 : memref<10240x128xf32, #tpu.memory_space<vmem_shared>>) offsets(%dma_start3A_295 : memref<128xi32, #tpu.memory_space<vmem>>) semaphore(%run_scoped3A : memref<!tpu.dma_semaphore, #tpu.memory_space<semaphore_mem>>) {add = true}
        %dma_wait3A_299 = arith.constant 1408 : i32
        %dma_wait3A_300 = tpu.memref_slice %arg11[%dma_wait3A_299] : memref<2048xi32, #tpu.memory_space<vmem>> -> memref<128xi32, #tpu.memory_space<vmem>>
        %dma_wait3A_301 = arith.constant 0 : i32
        %dma_wait3A_302 = arith.constant 0 : i32
        %dma_wait3A_303 = tpu.memref_slice %arg14[%dma_wait3A_301, %dma_wait3A_302] : memref<10240x128xf32, #tpu.memory_space<vmem_shared>> -> memref<10240x128xf32, #tpu.memory_space<vmem_shared>>
        tpu.wait_indirect_dma semaphore(%run_scoped3A : memref<!tpu.dma_semaphore, #tpu.memory_space<semaphore_mem>>) src(%arg13 : memref<128x128xf32, #tpu.memory_space<vmem>>) dst(%dma_wait3A_303 : memref<10240x128xf32, #tpu.memory_space<vmem_shared>>)
        tpu.yield
      }) : () -> ()
      %dma_start3A_259 = arith.constant 1664 : i32
      %dma_start3A_260 = tpu.memref_slice %arg10[%dma_start3A_259] : memref<2048xi32, #tpu.memory_space<vmem>> -> memref<128xi32, #tpu.memory_space<vmem>>
      %dma_start3A_261 = arith.constant 0 : i32
      %dma_start3A_262 = arith.constant 0 : i32
      %dma_start3A_263 = tpu.memref_slice %arg2[%dma_start3A_261, %dma_start3A_262] : memref<20000x128xf32, #tpu.memory_space<hbm>> -> memref<20000x128xf32, #tpu.memory_space<hbm>>
      tpu.enqueue_indirect_dma source(%dma_start3A_263 : memref<20000x128xf32, #tpu.memory_space<hbm>>) target(%arg13 : memref<128x128xf32, #tpu.memory_space<vmem>>) offsets(%dma_start3A_260 : memref<128xi32, #tpu.memory_space<vmem>>) semaphore(%arg16 : memref<!tpu.dma_semaphore, #tpu.memory_space<semaphore_mem>>)
      %dma_wait3A_264 = arith.constant 1536 : i32
      %dma_wait3A_265 = tpu.memref_slice %arg10[%dma_wait3A_264] : memref<2048xi32, #tpu.memory_space<vmem>> -> memref<128xi32, #tpu.memory_space<vmem>>
      %dma_wait3A_266 = arith.constant 0 : i32
      %dma_wait3A_267 = arith.constant 0 : i32
      %dma_wait3A_268 = tpu.memref_slice %arg2[%dma_wait3A_266, %dma_wait3A_267] : memref<20000x128xf32, #tpu.memory_space<hbm>> -> memref<20000x128xf32, #tpu.memory_space<hbm>>
      tpu.wait_indirect_dma semaphore(%arg15 : memref<!tpu.dma_semaphore, #tpu.memory_space<semaphore_mem>>) src(%dma_wait3A_268 : memref<20000x128xf32, #tpu.memory_space<hbm>>) dst(%arg12 : memref<128x128xf32, #tpu.memory_space<vmem>>)
      "tpu.region"() ({
        %run_scoped3A = tpu.sem_alloc : memref<!tpu.dma_semaphore, #tpu.memory_space<semaphore_mem>>
        %dma_start3A_294 = arith.constant 1536 : i32
        %dma_start3A_295 = tpu.memref_slice %arg11[%dma_start3A_294] : memref<2048xi32, #tpu.memory_space<vmem>> -> memref<128xi32, #tpu.memory_space<vmem>>
        %dma_start3A_296 = arith.constant 0 : i32
        %dma_start3A_297 = arith.constant 0 : i32
        %dma_start3A_298 = tpu.memref_slice %arg14[%dma_start3A_296, %dma_start3A_297] : memref<10240x128xf32, #tpu.memory_space<vmem_shared>> -> memref<10240x128xf32, #tpu.memory_space<vmem_shared>>
        tpu.enqueue_indirect_dma source(%arg12 : memref<128x128xf32, #tpu.memory_space<vmem>>) target(%dma_start3A_298 : memref<10240x128xf32, #tpu.memory_space<vmem_shared>>) offsets(%dma_start3A_295 : memref<128xi32, #tpu.memory_space<vmem>>) semaphore(%run_scoped3A : memref<!tpu.dma_semaphore, #tpu.memory_space<semaphore_mem>>) {add = true}
        %dma_wait3A_299 = arith.constant 1536 : i32
        %dma_wait3A_300 = tpu.memref_slice %arg11[%dma_wait3A_299] : memref<2048xi32, #tpu.memory_space<vmem>> -> memref<128xi32, #tpu.memory_space<vmem>>
        %dma_wait3A_301 = arith.constant 0 : i32
        %dma_wait3A_302 = arith.constant 0 : i32
        %dma_wait3A_303 = tpu.memref_slice %arg14[%dma_wait3A_301, %dma_wait3A_302] : memref<10240x128xf32, #tpu.memory_space<vmem_shared>> -> memref<10240x128xf32, #tpu.memory_space<vmem_shared>>
        tpu.wait_indirect_dma semaphore(%run_scoped3A : memref<!tpu.dma_semaphore, #tpu.memory_space<semaphore_mem>>) src(%arg12 : memref<128x128xf32, #tpu.memory_space<vmem>>) dst(%dma_wait3A_303 : memref<10240x128xf32, #tpu.memory_space<vmem_shared>>)
        tpu.yield
      }) : () -> ()
      %dma_start3A_269 = arith.constant 1792 : i32
      %dma_start3A_270 = tpu.memref_slice %arg10[%dma_start3A_269] : memref<2048xi32, #tpu.memory_space<vmem>> -> memref<128xi32, #tpu.memory_space<vmem>>
      %dma_start3A_271 = arith.constant 0 : i32
      %dma_start3A_272 = arith.constant 0 : i32
      %dma_start3A_273 = tpu.memref_slice %arg2[%dma_start3A_271, %dma_start3A_272] : memref<20000x128xf32, #tpu.memory_space<hbm>> -> memref<20000x128xf32, #tpu.memory_space<hbm>>
      tpu.enqueue_indirect_dma source(%dma_start3A_273 : memref<20000x128xf32, #tpu.memory_space<hbm>>) target(%arg12 : memref<128x128xf32, #tpu.memory_space<vmem>>) offsets(%dma_start3A_270 : memref<128xi32, #tpu.memory_space<vmem>>) semaphore(%arg15 : memref<!tpu.dma_semaphore, #tpu.memory_space<semaphore_mem>>)
      %dma_wait3A_274 = arith.constant 1664 : i32
      %dma_wait3A_275 = tpu.memref_slice %arg10[%dma_wait3A_274] : memref<2048xi32, #tpu.memory_space<vmem>> -> memref<128xi32, #tpu.memory_space<vmem>>
      %dma_wait3A_276 = arith.constant 0 : i32
      %dma_wait3A_277 = arith.constant 0 : i32
      %dma_wait3A_278 = tpu.memref_slice %arg2[%dma_wait3A_276, %dma_wait3A_277] : memref<20000x128xf32, #tpu.memory_space<hbm>> -> memref<20000x128xf32, #tpu.memory_space<hbm>>
      tpu.wait_indirect_dma semaphore(%arg16 : memref<!tpu.dma_semaphore, #tpu.memory_space<semaphore_mem>>) src(%dma_wait3A_278 : memref<20000x128xf32, #tpu.memory_space<hbm>>) dst(%arg13 : memref<128x128xf32, #tpu.memory_space<vmem>>)
      "tpu.region"() ({
        %run_scoped3A = tpu.sem_alloc : memref<!tpu.dma_semaphore, #tpu.memory_space<semaphore_mem>>
        %dma_start3A_294 = arith.constant 1664 : i32
        %dma_start3A_295 = tpu.memref_slice %arg11[%dma_start3A_294] : memref<2048xi32, #tpu.memory_space<vmem>> -> memref<128xi32, #tpu.memory_space<vmem>>
        %dma_start3A_296 = arith.constant 0 : i32
        %dma_start3A_297 = arith.constant 0 : i32
        %dma_start3A_298 = tpu.memref_slice %arg14[%dma_start3A_296, %dma_start3A_297] : memref<10240x128xf32, #tpu.memory_space<vmem_shared>> -> memref<10240x128xf32, #tpu.memory_space<vmem_shared>>
        tpu.enqueue_indirect_dma source(%arg13 : memref<128x128xf32, #tpu.memory_space<vmem>>) target(%dma_start3A_298 : memref<10240x128xf32, #tpu.memory_space<vmem_shared>>) offsets(%dma_start3A_295 : memref<128xi32, #tpu.memory_space<vmem>>) semaphore(%run_scoped3A : memref<!tpu.dma_semaphore, #tpu.memory_space<semaphore_mem>>) {add = true}
        %dma_wait3A_299 = arith.constant 1664 : i32
        %dma_wait3A_300 = tpu.memref_slice %arg11[%dma_wait3A_299] : memref<2048xi32, #tpu.memory_space<vmem>> -> memref<128xi32, #tpu.memory_space<vmem>>
        %dma_wait3A_301 = arith.constant 0 : i32
        %dma_wait3A_302 = arith.constant 0 : i32
        %dma_wait3A_303 = tpu.memref_slice %arg14[%dma_wait3A_301, %dma_wait3A_302] : memref<10240x128xf32, #tpu.memory_space<vmem_shared>> -> memref<10240x128xf32, #tpu.memory_space<vmem_shared>>
        tpu.wait_indirect_dma semaphore(%run_scoped3A : memref<!tpu.dma_semaphore, #tpu.memory_space<semaphore_mem>>) src(%arg13 : memref<128x128xf32, #tpu.memory_space<vmem>>) dst(%dma_wait3A_303 : memref<10240x128xf32, #tpu.memory_space<vmem_shared>>)
        tpu.yield
      }) : () -> ()
      %dma_start3A_279 = arith.constant 1920 : i32
      %dma_start3A_280 = tpu.memref_slice %arg10[%dma_start3A_279] : memref<2048xi32, #tpu.memory_space<vmem>> -> memref<128xi32, #tpu.memory_space<vmem>>
      %dma_start3A_281 = arith.constant 0 : i32
      %dma_start3A_282 = arith.constant 0 : i32
      %dma_start3A_283 = tpu.memref_slice %arg2[%dma_start3A_281, %dma_start3A_282] : memref<20000x128xf32, #tpu.memory_space<hbm>> -> memref<20000x128xf32, #tpu.memory_space<hbm>>
      tpu.enqueue_indirect_dma source(%dma_start3A_283 : memref<20000x128xf32, #tpu.memory_space<hbm>>) target(%arg13 : memref<128x128xf32, #tpu.memory_space<vmem>>) offsets(%dma_start3A_280 : memref<128xi32, #tpu.memory_space<vmem>>) semaphore(%arg16 : memref<!tpu.dma_semaphore, #tpu.memory_space<semaphore_mem>>)
      %dma_wait3A_284 = arith.constant 1792 : i32
      %dma_wait3A_285 = tpu.memref_slice %arg10[%dma_wait3A_284] : memref<2048xi32, #tpu.memory_space<vmem>> -> memref<128xi32, #tpu.memory_space<vmem>>
      %dma_wait3A_286 = arith.constant 0 : i32
      %dma_wait3A_287 = arith.constant 0 : i32
      %dma_wait3A_288 = tpu.memref_slice %arg2[%dma_wait3A_286, %dma_wait3A_287] : memref<20000x128xf32, #tpu.memory_space<hbm>> -> memref<20000x128xf32, #tpu.memory_space<hbm>>
      tpu.wait_indirect_dma semaphore(%arg15 : memref<!tpu.dma_semaphore, #tpu.memory_space<semaphore_mem>>) src(%dma_wait3A_288 : memref<20000x128xf32, #tpu.memory_space<hbm>>) dst(%arg12 : memref<128x128xf32, #tpu.memory_space<vmem>>)
      "tpu.region"() ({
        %run_scoped3A = tpu.sem_alloc : memref<!tpu.dma_semaphore, #tpu.memory_space<semaphore_mem>>
        %dma_start3A_294 = arith.constant 1792 : i32
        %dma_start3A_295 = tpu.memref_slice %arg11[%dma_start3A_294] : memref<2048xi32, #tpu.memory_space<vmem>> -> memref<128xi32, #tpu.memory_space<vmem>>
        %dma_start3A_296 = arith.constant 0 : i32
        %dma_start3A_297 = arith.constant 0 : i32
        %dma_start3A_298 = tpu.memref_slice %arg14[%dma_start3A_296, %dma_start3A_297] : memref<10240x128xf32, #tpu.memory_space<vmem_shared>> -> memref<10240x128xf32, #tpu.memory_space<vmem_shared>>
        tpu.enqueue_indirect_dma source(%arg12 : memref<128x128xf32, #tpu.memory_space<vmem>>) target(%dma_start3A_298 : memref<10240x128xf32, #tpu.memory_space<vmem_shared>>) offsets(%dma_start3A_295 : memref<128xi32, #tpu.memory_space<vmem>>) semaphore(%run_scoped3A : memref<!tpu.dma_semaphore, #tpu.memory_space<semaphore_mem>>) {add = true}
        %dma_wait3A_299 = arith.constant 1792 : i32
        %dma_wait3A_300 = tpu.memref_slice %arg11[%dma_wait3A_299] : memref<2048xi32, #tpu.memory_space<vmem>> -> memref<128xi32, #tpu.memory_space<vmem>>
        %dma_wait3A_301 = arith.constant 0 : i32
        %dma_wait3A_302 = arith.constant 0 : i32
        %dma_wait3A_303 = tpu.memref_slice %arg14[%dma_wait3A_301, %dma_wait3A_302] : memref<10240x128xf32, #tpu.memory_space<vmem_shared>> -> memref<10240x128xf32, #tpu.memory_space<vmem_shared>>
        tpu.wait_indirect_dma semaphore(%run_scoped3A : memref<!tpu.dma_semaphore, #tpu.memory_space<semaphore_mem>>) src(%arg12 : memref<128x128xf32, #tpu.memory_space<vmem>>) dst(%dma_wait3A_303 : memref<10240x128xf32, #tpu.memory_space<vmem_shared>>)
        tpu.yield
      }) : () -> ()
      %dma_wait3A_289 = arith.constant 1920 : i32
      %dma_wait3A_290 = tpu.memref_slice %arg10[%dma_wait3A_289] : memref<2048xi32, #tpu.memory_space<vmem>> -> memref<128xi32, #tpu.memory_space<vmem>>
      %dma_wait3A_291 = arith.constant 0 : i32
      %dma_wait3A_292 = arith.constant 0 : i32
      %dma_wait3A_293 = tpu.memref_slice %arg2[%dma_wait3A_291, %dma_wait3A_292] : memref<20000x128xf32, #tpu.memory_space<hbm>> -> memref<20000x128xf32, #tpu.memory_space<hbm>>
      tpu.wait_indirect_dma semaphore(%arg16 : memref<!tpu.dma_semaphore, #tpu.memory_space<semaphore_mem>>) src(%dma_wait3A_293 : memref<20000x128xf32, #tpu.memory_space<hbm>>) dst(%arg13 : memref<128x128xf32, #tpu.memory_space<vmem>>)
      "tpu.region"() ({
        %run_scoped3A = tpu.sem_alloc : memref<!tpu.dma_semaphore, #tpu.memory_space<semaphore_mem>>
        %dma_start3A_294 = arith.constant 1920 : i32
        %dma_start3A_295 = tpu.memref_slice %arg11[%dma_start3A_294] : memref<2048xi32, #tpu.memory_space<vmem>> -> memref<128xi32, #tpu.memory_space<vmem>>
        %dma_start3A_296 = arith.constant 0 : i32
        %dma_start3A_297 = arith.constant 0 : i32
        %dma_start3A_298 = tpu.memref_slice %arg14[%dma_start3A_296, %dma_start3A_297] : memref<10240x128xf32, #tpu.memory_space<vmem_shared>> -> memref<10240x128xf32, #tpu.memory_space<vmem_shared>>
        tpu.enqueue_indirect_dma source(%arg13 : memref<128x128xf32, #tpu.memory_space<vmem>>) target(%dma_start3A_298 : memref<10240x128xf32, #tpu.memory_space<vmem_shared>>) offsets(%dma_start3A_295 : memref<128xi32, #tpu.memory_space<vmem>>) semaphore(%run_scoped3A : memref<!tpu.dma_semaphore, #tpu.memory_space<semaphore_mem>>) {add = true}
        %dma_wait3A_299 = arith.constant 1920 : i32
        %dma_wait3A_300 = tpu.memref_slice %arg11[%dma_wait3A_299] : memref<2048xi32, #tpu.memory_space<vmem>> -> memref<128xi32, #tpu.memory_space<vmem>>
        %dma_wait3A_301 = arith.constant 0 : i32
        %dma_wait3A_302 = arith.constant 0 : i32
        %dma_wait3A_303 = tpu.memref_slice %arg14[%dma_wait3A_301, %dma_wait3A_302] : memref<10240x128xf32, #tpu.memory_space<vmem_shared>> -> memref<10240x128xf32, #tpu.memory_space<vmem_shared>>
        tpu.wait_indirect_dma semaphore(%run_scoped3A : memref<!tpu.dma_semaphore, #tpu.memory_space<semaphore_mem>>) src(%arg13 : memref<128x128xf32, #tpu.memory_space<vmem>>) dst(%dma_wait3A_303 : memref<10240x128xf32, #tpu.memory_space<vmem_shared>>)
        tpu.yield
      }) : () -> ()
    }
    %scan3A_56 = arith.constant 10 : i32
    %barrier3A_57 = arith.constant 0 : index
    tpu.barrier barrier_id(%barrier3A_57)
    %scan3A_58 = arith.constant 0 : i32
    %scan3A_59 = arith.constant 16 : i32
    %scan3A_60 = arith.addi %scan3A_58, %scan3A_59 : i32
    %scan3A_61 = arith.constant 1 : i32
    scf.for %scan3A_121 = %scan3A_58 to %scan3A_60 step %scan3A_61  : i32 {
      %mul3A_122 = arith.constant 1 : i32
      %mul3A_123 = arith.muli %scan3A_121, %mul3A_122 : i32
      %add3A_124 = arith.constant 0 : i32
      %add3A_125 = arith.addi %add3A_124, %mul3A_123 : i32
      %mul3A_126 = arith.constant 40 : i32
      %mul3A_127 = arith.muli %add3A_125, %mul3A_126 : i32
      %add3A_128 = arith.addi %mul3A_4, %mul3A_127 : i32
      "tpu.region"() ({
        %run_scoped3A = tpu.sem_alloc : memref<!tpu.dma_semaphore, #tpu.memory_space<semaphore_mem>>
        %dma_start3A = arith.constant 0 : i32
        %dma_start3A_140 = arith.constant 0 : i32
        %dma_start3A_141 = tpu.memref_slice %arg12[%dma_start3A, %dma_start3A_140] : memref<128x128xf32, #tpu.memory_space<vmem>> -> memref<40x128xf32, #tpu.memory_space<vmem>>
        %dma_start3A_142 = arith.constant 0 : i32
        %dma_start3A_143 = tpu.memref_slice %arg14[%add3A_128, %dma_start3A_142] : memref<10240x128xf32, #tpu.memory_space<vmem_shared>> -> memref<40x128xf32, #tpu.memory_space<vmem_shared>>
        %dma_start3A_144 = arith.constant 0 : i32
        %dma_start3A_145 = arith.constant 0 : i32
        %dma_start3A_146 = tpu.memref_slice %arg12[%dma_start3A_144, %dma_start3A_145] : memref<128x128xf32, #tpu.memory_space<vmem>> -> memref<40x128xf32, #tpu.memory_space<vmem>>
        %dma_start3A_147 = arith.constant 0 : i32
        %dma_start3A_148 = tpu.memref_slice %arg14[%add3A_128, %dma_start3A_147] : memref<10240x128xf32, #tpu.memory_space<vmem_shared>> -> memref<40x128xf32, #tpu.memory_space<vmem_shared>>
        tpu.enqueue_dma source(%dma_start3A_148 : memref<40x128xf32, #tpu.memory_space<vmem_shared>>) target(%dma_start3A_146 : memref<40x128xf32, #tpu.memory_space<vmem>>) target_semaphore(%run_scoped3A : memref<!tpu.dma_semaphore, #tpu.memory_space<semaphore_mem>>)
        %dma_wait3A = arith.constant 0 : i32
        %dma_wait3A_149 = arith.constant 0 : i32
        %dma_wait3A_150 = tpu.memref_slice %arg12[%dma_wait3A, %dma_wait3A_149] : memref<128x128xf32, #tpu.memory_space<vmem>> -> memref<40x128xf32, #tpu.memory_space<vmem>>
        %dma_wait3A_151 = arith.constant 0 : i32
        %dma_wait3A_152 = tpu.memref_slice %arg14[%add3A_128, %dma_wait3A_151] : memref<10240x128xf32, #tpu.memory_space<vmem_shared>> -> memref<40x128xf32, #tpu.memory_space<vmem_shared>>
        %dma_wait3A_153 = arith.constant 0 : i32
        %dma_wait3A_154 = arith.constant 0 : i32
        %dma_wait3A_155 = tpu.memref_slice %arg12[%dma_wait3A_153, %dma_wait3A_154] : memref<128x128xf32, #tpu.memory_space<vmem>> -> memref<40x128xf32, #tpu.memory_space<vmem>>
        %dma_wait3A_156 = arith.constant 0 : i32
        %dma_wait3A_157 = tpu.memref_slice %arg14[%add3A_128, %dma_wait3A_156] : memref<10240x128xf32, #tpu.memory_space<vmem_shared>> -> memref<40x128xf32, #tpu.memory_space<vmem_shared>>
        tpu.wait_dma2 semaphore(%run_scoped3A : memref<!tpu.dma_semaphore, #tpu.memory_space<semaphore_mem>>) src(%dma_wait3A_157 : memref<40x128xf32, #tpu.memory_space<vmem_shared>>) dst(%dma_wait3A_155 : memref<40x128xf32, #tpu.memory_space<vmem>>)
        tpu.yield
      }) : () -> ()
      %mul3A_129 = arith.constant 40 : i32
      %mul3A_130 = arith.muli %add3A_125, %mul3A_129 : i32
      %add3A_131 = arith.addi %add3A_9, %mul3A_130 : i32
      "tpu.region"() ({
        %run_scoped3A = tpu.sem_alloc : memref<!tpu.dma_semaphore, #tpu.memory_space<semaphore_mem>>
        %dma_start3A = arith.constant 0 : i32
        %dma_start3A_140 = arith.constant 0 : i32
        %dma_start3A_141 = tpu.memref_slice %arg13[%dma_start3A, %dma_start3A_140] : memref<128x128xf32, #tpu.memory_space<vmem>> -> memref<40x128xf32, #tpu.memory_space<vmem>>
        %dma_start3A_142 = arith.constant 0 : i32
        %dma_start3A_143 = tpu.memref_slice %arg9[%add3A_131, %dma_start3A_142] : memref<20480x128xf32, #tpu.memory_space<hbm>> -> memref<40x128xf32, #tpu.memory_space<hbm>>
        %dma_start3A_144 = arith.constant 0 : i32
        %dma_start3A_145 = arith.constant 0 : i32
        %dma_start3A_146 = tpu.memref_slice %arg13[%dma_start3A_144, %dma_start3A_145] : memref<128x128xf32, #tpu.memory_space<vmem>> -> memref<40x128xf32, #tpu.memory_space<vmem>>
        %dma_start3A_147 = arith.constant 0 : i32
        %dma_start3A_148 = tpu.memref_slice %arg9[%add3A_131, %dma_start3A_147] : memref<20480x128xf32, #tpu.memory_space<hbm>> -> memref<40x128xf32, #tpu.memory_space<hbm>>
        tpu.enqueue_dma source(%dma_start3A_148 : memref<40x128xf32, #tpu.memory_space<hbm>>) target(%dma_start3A_146 : memref<40x128xf32, #tpu.memory_space<vmem>>) target_semaphore(%run_scoped3A : memref<!tpu.dma_semaphore, #tpu.memory_space<semaphore_mem>>)
        %dma_wait3A = arith.constant 0 : i32
        %dma_wait3A_149 = arith.constant 0 : i32
        %dma_wait3A_150 = tpu.memref_slice %arg13[%dma_wait3A, %dma_wait3A_149] : memref<128x128xf32, #tpu.memory_space<vmem>> -> memref<40x128xf32, #tpu.memory_space<vmem>>
        %dma_wait3A_151 = arith.constant 0 : i32
        %dma_wait3A_152 = tpu.memref_slice %arg9[%add3A_131, %dma_wait3A_151] : memref<20480x128xf32, #tpu.memory_space<hbm>> -> memref<40x128xf32, #tpu.memory_space<hbm>>
        %dma_wait3A_153 = arith.constant 0 : i32
        %dma_wait3A_154 = arith.constant 0 : i32
        %dma_wait3A_155 = tpu.memref_slice %arg13[%dma_wait3A_153, %dma_wait3A_154] : memref<128x128xf32, #tpu.memory_space<vmem>> -> memref<40x128xf32, #tpu.memory_space<vmem>>
        %dma_wait3A_156 = arith.constant 0 : i32
        %dma_wait3A_157 = tpu.memref_slice %arg9[%add3A_131, %dma_wait3A_156] : memref<20480x128xf32, #tpu.memory_space<hbm>> -> memref<40x128xf32, #tpu.memory_space<hbm>>
        tpu.wait_dma2 semaphore(%run_scoped3A : memref<!tpu.dma_semaphore, #tpu.memory_space<semaphore_mem>>) src(%dma_wait3A_157 : memref<40x128xf32, #tpu.memory_space<hbm>>) dst(%dma_wait3A_155 : memref<40x128xf32, #tpu.memory_space<vmem>>)
        tpu.yield
      }) : () -> ()
      %scan3A_132 = arith.constant 0 : i32
      %scan3A_133 = arith.constant 40 : i32
      %scan3A_134 = arith.addi %scan3A_132, %scan3A_133 : i32
      %scan3A_135 = arith.constant 1 : i32
      scf.for %scan3A_140 = %scan3A_132 to %scan3A_134 step %scan3A_135  : i32 {
        %mul3A_141 = arith.constant 1 : i32
        %mul3A_142 = arith.muli %scan3A_140, %mul3A_141 : i32
        %add3A_143 = arith.constant 0 : i32
        %add3A_144 = arith.addi %add3A_143, %mul3A_142 : i32
        %get3A = arith.index_cast %add3A_144 : i32 to index
        %get3A_145 = arith.constant 0 : index
        %get3A_146 = tpu.vector_load %arg12[%get3A, %get3A_145] {strides = array<i32>} : memref<128x128xf32, #tpu.memory_space<vmem>>, vector<1x16xf32>,
        %get3A_147 = vector.shape_cast %get3A_146 : vector<1x16xf32> to vector<16xf32>
        %get3A_148 = arith.index_cast %add3A_144 : i32 to index
        %get3A_149 = arith.constant 0 : index
        %get3A_150 = tpu.vector_load %arg13[%get3A_148, %get3A_149] {strides = array<i32>} : memref<128x128xf32, #tpu.memory_space<vmem>>, vector<1x16xf32>,
        %get3A_151 = vector.shape_cast %get3A_150 : vector<1x16xf32> to vector<16xf32>
        %mul3A_152 = arith.mulf %get3A_147, %get3A_151 : vector<16xf32>
        %add3A_153 = arith.constant 40 : i32
        %add3A_154 = arith.addi %add3A_153, %add3A_144 : i32
        %swap3A = arith.index_cast %add3A_154 : i32 to index
        %swap3A_155 = arith.constant 0 : index
        %swap3A_156 = tpu.vector_load %arg13[%swap3A, %swap3A_155] {strides = array<i32>} : memref<128x128xf32, #tpu.memory_space<vmem>>, vector<1x16xf32>,
        %swap3A_157 = vector.shape_cast %swap3A_156 : vector<1x16xf32> to vector<16xf32>
        %swap3A_158 = vector.shape_cast %mul3A_152 : vector<16xf32> to vector<1x16xf32>
        tpu.vector_store %arg13[%swap3A, %swap3A_155], %swap3A_158 {strides = array<i32>} : memref<128x128xf32, #tpu.memory_space<vmem>>, vector<1x16xf32>,
        %get3A_159 = arith.index_cast %add3A_144 : i32 to index
        %get3A_160 = arith.constant 16 : index
        %get3A_161 = tpu.vector_load %arg12[%get3A_159, %get3A_160] {strides = array<i32>} : memref<128x128xf32, #tpu.memory_space<vmem>>, vector<1x16xf32>,
        %get3A_162 = vector.shape_cast %get3A_161 : vector<1x16xf32> to vector<16xf32>
        %get3A_163 = arith.index_cast %add3A_144 : i32 to index
        %get3A_164 = arith.constant 16 : index
        %get3A_165 = tpu.vector_load %arg13[%get3A_163, %get3A_164] {strides = array<i32>} : memref<128x128xf32, #tpu.memory_space<vmem>>, vector<1x16xf32>,
        %get3A_166 = vector.shape_cast %get3A_165 : vector<1x16xf32> to vector<16xf32>
        %mul3A_167 = arith.mulf %get3A_162, %get3A_166 : vector<16xf32>
        %add3A_168 = arith.constant 40 : i32
        %add3A_169 = arith.addi %add3A_168, %add3A_144 : i32
        %swap3A_170 = arith.index_cast %add3A_169 : i32 to index
        %swap3A_171 = arith.constant 16 : index
        %swap3A_172 = tpu.vector_load %arg13[%swap3A_170, %swap3A_171] {strides = array<i32>} : memref<128x128xf32, #tpu.memory_space<vmem>>, vector<1x16xf32>,
        %swap3A_173 = vector.shape_cast %swap3A_172 : vector<1x16xf32> to vector<16xf32>
        %swap3A_174 = vector.shape_cast %mul3A_167 : vector<16xf32> to vector<1x16xf32>
        tpu.vector_store %arg13[%swap3A_170, %swap3A_171], %swap3A_174 {strides = array<i32>} : memref<128x128xf32, #tpu.memory_space<vmem>>, vector<1x16xf32>,
        %get3A_175 = arith.index_cast %add3A_144 : i32 to index
        %get3A_176 = arith.constant 32 : index
        %get3A_177 = tpu.vector_load %arg12[%get3A_175, %get3A_176] {strides = array<i32>} : memref<128x128xf32, #tpu.memory_space<vmem>>, vector<1x16xf32>,
        %get3A_178 = vector.shape_cast %get3A_177 : vector<1x16xf32> to vector<16xf32>
        %get3A_179 = arith.index_cast %add3A_144 : i32 to index
        %get3A_180 = arith.constant 32 : index
        %get3A_181 = tpu.vector_load %arg13[%get3A_179, %get3A_180] {strides = array<i32>} : memref<128x128xf32, #tpu.memory_space<vmem>>, vector<1x16xf32>,
        %get3A_182 = vector.shape_cast %get3A_181 : vector<1x16xf32> to vector<16xf32>
        %mul3A_183 = arith.mulf %get3A_178, %get3A_182 : vector<16xf32>
        %add3A_184 = arith.constant 40 : i32
        %add3A_185 = arith.addi %add3A_184, %add3A_144 : i32
        %swap3A_186 = arith.index_cast %add3A_185 : i32 to index
        %swap3A_187 = arith.constant 32 : index
        %swap3A_188 = tpu.vector_load %arg13[%swap3A_186, %swap3A_187] {strides = array<i32>} : memref<128x128xf32, #tpu.memory_space<vmem>>, vector<1x16xf32>,
        %swap3A_189 = vector.shape_cast %swap3A_188 : vector<1x16xf32> to vector<16xf32>
        %swap3A_190 = vector.shape_cast %mul3A_183 : vector<16xf32> to vector<1x16xf32>
        tpu.vector_store %arg13[%swap3A_186, %swap3A_187], %swap3A_190 {strides = array<i32>} : memref<128x128xf32, #tpu.memory_space<vmem>>, vector<1x16xf32>,
        %get3A_191 = arith.index_cast %add3A_144 : i32 to index
        %get3A_192 = arith.constant 48 : index
        %get3A_193 = tpu.vector_load %arg12[%get3A_191, %get3A_192] {strides = array<i32>} : memref<128x128xf32, #tpu.memory_space<vmem>>, vector<1x16xf32>,
        %get3A_194 = vector.shape_cast %get3A_193 : vector<1x16xf32> to vector<16xf32>
        %get3A_195 = arith.index_cast %add3A_144 : i32 to index
        %get3A_196 = arith.constant 48 : index
        %get3A_197 = tpu.vector_load %arg13[%get3A_195, %get3A_196] {strides = array<i32>} : memref<128x128xf32, #tpu.memory_space<vmem>>, vector<1x16xf32>,
        %get3A_198 = vector.shape_cast %get3A_197 : vector<1x16xf32> to vector<16xf32>
        %mul3A_199 = arith.mulf %get3A_194, %get3A_198 : vector<16xf32>
        %add3A_200 = arith.constant 40 : i32
        %add3A_201 = arith.addi %add3A_200, %add3A_144 : i32
        %swap3A_202 = arith.index_cast %add3A_201 : i32 to index
        %swap3A_203 = arith.constant 48 : index
        %swap3A_204 = tpu.vector_load %arg13[%swap3A_202, %swap3A_203] {strides = array<i32>} : memref<128x128xf32, #tpu.memory_space<vmem>>, vector<1x16xf32>,
        %swap3A_205 = vector.shape_cast %swap3A_204 : vector<1x16xf32> to vector<16xf32>
        %swap3A_206 = vector.shape_cast %mul3A_199 : vector<16xf32> to vector<1x16xf32>
        tpu.vector_store %arg13[%swap3A_202, %swap3A_203], %swap3A_206 {strides = array<i32>} : memref<128x128xf32, #tpu.memory_space<vmem>>, vector<1x16xf32>,
        %get3A_207 = arith.index_cast %add3A_144 : i32 to index
        %get3A_208 = arith.constant 64 : index
        %get3A_209 = tpu.vector_load %arg12[%get3A_207, %get3A_208] {strides = array<i32>} : memref<128x128xf32, #tpu.memory_space<vmem>>, vector<1x16xf32>,
        %get3A_210 = vector.shape_cast %get3A_209 : vector<1x16xf32> to vector<16xf32>
        %get3A_211 = arith.index_cast %add3A_144 : i32 to index
        %get3A_212 = arith.constant 64 : index
        %get3A_213 = tpu.vector_load %arg13[%get3A_211, %get3A_212] {strides = array<i32>} : memref<128x128xf32, #tpu.memory_space<vmem>>, vector<1x16xf32>,
        %get3A_214 = vector.shape_cast %get3A_213 : vector<1x16xf32> to vector<16xf32>
        %mul3A_215 = arith.mulf %get3A_210, %get3A_214 : vector<16xf32>
        %add3A_216 = arith.constant 40 : i32
        %add3A_217 = arith.addi %add3A_216, %add3A_144 : i32
        %swap3A_218 = arith.index_cast %add3A_217 : i32 to index
        %swap3A_219 = arith.constant 64 : index
        %swap3A_220 = tpu.vector_load %arg13[%swap3A_218, %swap3A_219] {strides = array<i32>} : memref<128x128xf32, #tpu.memory_space<vmem>>, vector<1x16xf32>,
        %swap3A_221 = vector.shape_cast %swap3A_220 : vector<1x16xf32> to vector<16xf32>
        %swap3A_222 = vector.shape_cast %mul3A_215 : vector<16xf32> to vector<1x16xf32>
        tpu.vector_store %arg13[%swap3A_218, %swap3A_219], %swap3A_222 {strides = array<i32>} : memref<128x128xf32, #tpu.memory_space<vmem>>, vector<1x16xf32>,
        %get3A_223 = arith.index_cast %add3A_144 : i32 to index
        %get3A_224 = arith.constant 80 : index
        %get3A_225 = tpu.vector_load %arg12[%get3A_223, %get3A_224] {strides = array<i32>} : memref<128x128xf32, #tpu.memory_space<vmem>>, vector<1x16xf32>,
        %get3A_226 = vector.shape_cast %get3A_225 : vector<1x16xf32> to vector<16xf32>
        %get3A_227 = arith.index_cast %add3A_144 : i32 to index
        %get3A_228 = arith.constant 80 : index
        %get3A_229 = tpu.vector_load %arg13[%get3A_227, %get3A_228] {strides = array<i32>} : memref<128x128xf32, #tpu.memory_space<vmem>>, vector<1x16xf32>,
        %get3A_230 = vector.shape_cast %get3A_229 : vector<1x16xf32> to vector<16xf32>
        %mul3A_231 = arith.mulf %get3A_226, %get3A_230 : vector<16xf32>
        %add3A_232 = arith.constant 40 : i32
        %add3A_233 = arith.addi %add3A_232, %add3A_144 : i32
        %swap3A_234 = arith.index_cast %add3A_233 : i32 to index
        %swap3A_235 = arith.constant 80 : index
        %swap3A_236 = tpu.vector_load %arg13[%swap3A_234, %swap3A_235] {strides = array<i32>} : memref<128x128xf32, #tpu.memory_space<vmem>>, vector<1x16xf32>,
        %swap3A_237 = vector.shape_cast %swap3A_236 : vector<1x16xf32> to vector<16xf32>
        %swap3A_238 = vector.shape_cast %mul3A_231 : vector<16xf32> to vector<1x16xf32>
        tpu.vector_store %arg13[%swap3A_234, %swap3A_235], %swap3A_238 {strides = array<i32>} : memref<128x128xf32, #tpu.memory_space<vmem>>, vector<1x16xf32>,
        %get3A_239 = arith.index_cast %add3A_144 : i32 to index
        %get3A_240 = arith.constant 96 : index
        %get3A_241 = tpu.vector_load %arg12[%get3A_239, %get3A_240] {strides = array<i32>} : memref<128x128xf32, #tpu.memory_space<vmem>>, vector<1x16xf32>,
        %get3A_242 = vector.shape_cast %get3A_241 : vector<1x16xf32> to vector<16xf32>
        %get3A_243 = arith.index_cast %add3A_144 : i32 to index
        %get3A_244 = arith.constant 96 : index
        %get3A_245 = tpu.vector_load %arg13[%get3A_243, %get3A_244] {strides = array<i32>} : memref<128x128xf32, #tpu.memory_space<vmem>>, vector<1x16xf32>,
        %get3A_246 = vector.shape_cast %get3A_245 : vector<1x16xf32> to vector<16xf32>
        %mul3A_247 = arith.mulf %get3A_242, %get3A_246 : vector<16xf32>
        %add3A_248 = arith.constant 40 : i32
        %add3A_249 = arith.addi %add3A_248, %add3A_144 : i32
        %swap3A_250 = arith.index_cast %add3A_249 : i32 to index
        %swap3A_251 = arith.constant 96 : index
        %swap3A_252 = tpu.vector_load %arg13[%swap3A_250, %swap3A_251] {strides = array<i32>} : memref<128x128xf32, #tpu.memory_space<vmem>>, vector<1x16xf32>,
        %swap3A_253 = vector.shape_cast %swap3A_252 : vector<1x16xf32> to vector<16xf32>
        %swap3A_254 = vector.shape_cast %mul3A_247 : vector<16xf32> to vector<1x16xf32>
        tpu.vector_store %arg13[%swap3A_250, %swap3A_251], %swap3A_254 {strides = array<i32>} : memref<128x128xf32, #tpu.memory_space<vmem>>, vector<1x16xf32>,
        %get3A_255 = arith.index_cast %add3A_144 : i32 to index
        %get3A_256 = arith.constant 112 : index
        %get3A_257 = tpu.vector_load %arg12[%get3A_255, %get3A_256] {strides = array<i32>} : memref<128x128xf32, #tpu.memory_space<vmem>>, vector<1x16xf32>,
        %get3A_258 = vector.shape_cast %get3A_257 : vector<1x16xf32> to vector<16xf32>
        %get3A_259 = arith.index_cast %add3A_144 : i32 to index
        %get3A_260 = arith.constant 112 : index
        %get3A_261 = tpu.vector_load %arg13[%get3A_259, %get3A_260] {strides = array<i32>} : memref<128x128xf32, #tpu.memory_space<vmem>>, vector<1x16xf32>,
        %get3A_262 = vector.shape_cast %get3A_261 : vector<1x16xf32> to vector<16xf32>
        %mul3A_263 = arith.mulf %get3A_258, %get3A_262 : vector<16xf32>
        %add3A_264 = arith.constant 40 : i32
        %add3A_265 = arith.addi %add3A_264, %add3A_144 : i32
        %swap3A_266 = arith.index_cast %add3A_265 : i32 to index
        %swap3A_267 = arith.constant 112 : index
        %swap3A_268 = tpu.vector_load %arg13[%swap3A_266, %swap3A_267] {strides = array<i32>} : memref<128x128xf32, #tpu.memory_space<vmem>>, vector<1x16xf32>,
        %swap3A_269 = vector.shape_cast %swap3A_268 : vector<1x16xf32> to vector<16xf32>
        %swap3A_270 = vector.shape_cast %mul3A_263 : vector<16xf32> to vector<1x16xf32>
        tpu.vector_store %arg13[%swap3A_266, %swap3A_267], %swap3A_270 {strides = array<i32>} : memref<128x128xf32, #tpu.memory_space<vmem>>, vector<1x16xf32>,
      }
      %scan3A_136 = arith.constant 40 : i32
      %mul3A_137 = arith.constant 40 : i32
      %mul3A_138 = arith.muli %add3A_125, %mul3A_137 : i32
      %add3A_139 = arith.addi %add3A_9, %mul3A_138 : i32
      "tpu.region"() ({
        %run_scoped3A = tpu.sem_alloc : memref<!tpu.dma_semaphore, #tpu.memory_space<semaphore_mem>>
        %dma_start3A = arith.constant 40 : i32
        %dma_start3A_140 = arith.constant 0 : i32
        %dma_start3A_141 = tpu.memref_slice %arg13[%dma_start3A, %dma_start3A_140] : memref<128x128xf32, #tpu.memory_space<vmem>> -> memref<40x128xf32, #tpu.memory_space<vmem>>
        %dma_start3A_142 = arith.constant 0 : i32
        %dma_start3A_143 = tpu.memref_slice %arg8[%add3A_139, %dma_start3A_142] : memref<20480x128xf32, #tpu.memory_space<hbm>> -> memref<40x128xf32, #tpu.memory_space<hbm>>
        %dma_start3A_144 = arith.constant 0 : i32
        %dma_start3A_145 = tpu.memref_slice %arg8[%add3A_139, %dma_start3A_144] : memref<20480x128xf32, #tpu.memory_space<hbm>> -> memref<40x128xf32, #tpu.memory_space<hbm>>
        %dma_start3A_146 = arith.constant 40 : i32
        %dma_start3A_147 = arith.constant 0 : i32
        %dma_start3A_148 = tpu.memref_slice %arg13[%dma_start3A_146, %dma_start3A_147] : memref<128x128xf32, #tpu.memory_space<vmem>> -> memref<40x128xf32, #tpu.memory_space<vmem>>
        tpu.enqueue_dma source(%dma_start3A_148 : memref<40x128xf32, #tpu.memory_space<vmem>>) target(%dma_start3A_145 : memref<40x128xf32, #tpu.memory_space<hbm>>) target_semaphore(%run_scoped3A : memref<!tpu.dma_semaphore, #tpu.memory_space<semaphore_mem>>)
        %dma_wait3A = arith.constant 40 : i32
        %dma_wait3A_149 = arith.constant 0 : i32
        %dma_wait3A_150 = tpu.memref_slice %arg13[%dma_wait3A, %dma_wait3A_149] : memref<128x128xf32, #tpu.memory_space<vmem>> -> memref<40x128xf32, #tpu.memory_space<vmem>>
        %dma_wait3A_151 = arith.constant 0 : i32
        %dma_wait3A_152 = tpu.memref_slice %arg8[%add3A_139, %dma_wait3A_151] : memref<20480x128xf32, #tpu.memory_space<hbm>> -> memref<40x128xf32, #tpu.memory_space<hbm>>
        %dma_wait3A_153 = arith.constant 0 : i32
        %dma_wait3A_154 = tpu.memref_slice %arg8[%add3A_139, %dma_wait3A_153] : memref<20480x128xf32, #tpu.memory_space<hbm>> -> memref<40x128xf32, #tpu.memory_space<hbm>>
        %dma_wait3A_155 = arith.constant 40 : i32
        %dma_wait3A_156 = arith.constant 0 : i32
        %dma_wait3A_157 = tpu.memref_slice %arg13[%dma_wait3A_155, %dma_wait3A_156] : memref<128x128xf32, #tpu.memory_space<vmem>> -> memref<40x128xf32, #tpu.memory_space<vmem>>
        tpu.wait_dma2 semaphore(%run_scoped3A : memref<!tpu.dma_semaphore, #tpu.memory_space<semaphore_mem>>) src(%dma_wait3A_157 : memref<40x128xf32, #tpu.memory_space<vmem>>) dst(%dma_wait3A_154 : memref<40x128xf32, #tpu.memory_space<hbm>>)
        tpu.yield
      }) : () -> ()
    }
    %scan3A_62 = arith.constant 16 : i32
    %barrier3A_63 = arith.constant 0 : index
    tpu.barrier barrier_id(%barrier3A_63)
    %broadcast_in_dim3A_64 = arith.constant 0.000000e+00 : f32
    "tpu.trace_start"() <{level = 10 : i32, message = "zero1"}> : () -> ()
    %broadcast_in_dim3A_65 = vector.broadcast %broadcast_in_dim3A_64 : f32 to vector<16xf32>
    %scan3A_66 = arith.constant 0 : i32
    %scan3A_67 = arith.constant 128 : i32
    %scan3A_68 = arith.addi %scan3A_66, %scan3A_67 : i32
    %scan3A_69 = arith.constant 1 : i32
    scf.for %scan3A_121 = %scan3A_66 to %scan3A_68 step %scan3A_69  : i32 {
      %mul3A_122 = arith.constant 1 : i32
      %mul3A_123 = arith.muli %scan3A_121, %mul3A_122 : i32
      %add3A_124 = arith.constant 0 : i32
      %add3A_125 = arith.addi %add3A_124, %mul3A_123 : i32
      %swap3A = arith.index_cast %add3A_125 : i32 to index
      %swap3A_126 = arith.constant 0 : index
      %swap3A_127 = tpu.vector_load %arg12[%swap3A, %swap3A_126] {strides = array<i32>} : memref<128x128xf32, #tpu.memory_space<vmem>>, vector<1x16xf32>,
      %swap3A_128 = vector.shape_cast %swap3A_127 : vector<1x16xf32> to vector<16xf32>
      %swap3A_129 = vector.shape_cast %broadcast_in_dim3A_65 : vector<16xf32> to vector<1x16xf32>
      tpu.vector_store %arg12[%swap3A, %swap3A_126], %swap3A_129 {strides = array<i32>} : memref<128x128xf32, #tpu.memory_space<vmem>>, vector<1x16xf32>,
      %swap3A_130 = arith.index_cast %add3A_125 : i32 to index
      %swap3A_131 = arith.constant 16 : index
      %swap3A_132 = tpu.vector_load %arg12[%swap3A_130, %swap3A_131] {strides = array<i32>} : memref<128x128xf32, #tpu.memory_space<vmem>>, vector<1x16xf32>,
      %swap3A_133 = vector.shape_cast %swap3A_132 : vector<1x16xf32> to vector<16xf32>
      %swap3A_134 = vector.shape_cast %broadcast_in_dim3A_65 : vector<16xf32> to vector<1x16xf32>
      tpu.vector_store %arg12[%swap3A_130, %swap3A_131], %swap3A_134 {strides = array<i32>} : memref<128x128xf32, #tpu.memory_space<vmem>>, vector<1x16xf32>,
      %swap3A_135 = arith.index_cast %add3A_125 : i32 to index
      %swap3A_136 = arith.constant 32 : index
      %swap3A_137 = tpu.vector_load %arg12[%swap3A_135, %swap3A_136] {strides = array<i32>} : memref<128x128xf32, #tpu.memory_space<vmem>>, vector<1x16xf32>,
      %swap3A_138 = vector.shape_cast %swap3A_137 : vector<1x16xf32> to vector<16xf32>
      %swap3A_139 = vector.shape_cast %broadcast_in_dim3A_65 : vector<16xf32> to vector<1x16xf32>
      tpu.vector_store %arg12[%swap3A_135, %swap3A_136], %swap3A_139 {strides = array<i32>} : memref<128x128xf32, #tpu.memory_space<vmem>>, vector<1x16xf32>,
      %swap3A_140 = arith.index_cast %add3A_125 : i32 to index
      %swap3A_141 = arith.constant 48 : index
      %swap3A_142 = tpu.vector_load %arg12[%swap3A_140, %swap3A_141] {strides = array<i32>} : memref<128x128xf32, #tpu.memory_space<vmem>>, vector<1x16xf32>,
      %swap3A_143 = vector.shape_cast %swap3A_142 : vector<1x16xf32> to vector<16xf32>
      %swap3A_144 = vector.shape_cast %broadcast_in_dim3A_65 : vector<16xf32> to vector<1x16xf32>
      tpu.vector_store %arg12[%swap3A_140, %swap3A_141], %swap3A_144 {strides = array<i32>} : memref<128x128xf32, #tpu.memory_space<vmem>>, vector<1x16xf32>,
      %swap3A_145 = arith.index_cast %add3A_125 : i32 to index
      %swap3A_146 = arith.constant 64 : index
      %swap3A_147 = tpu.vector_load %arg12[%swap3A_145, %swap3A_146] {strides = array<i32>} : memref<128x128xf32, #tpu.memory_space<vmem>>, vector<1x16xf32>,
      %swap3A_148 = vector.shape_cast %swap3A_147 : vector<1x16xf32> to vector<16xf32>
      %swap3A_149 = vector.shape_cast %broadcast_in_dim3A_65 : vector<16xf32> to vector<1x16xf32>
      tpu.vector_store %arg12[%swap3A_145, %swap3A_146], %swap3A_149 {strides = array<i32>} : memref<128x128xf32, #tpu.memory_space<vmem>>, vector<1x16xf32>,
      %swap3A_150 = arith.index_cast %add3A_125 : i32 to index
      %swap3A_151 = arith.constant 80 : index
      %swap3A_152 = tpu.vector_load %arg12[%swap3A_150, %swap3A_151] {strides = array<i32>} : memref<128x128xf32, #tpu.memory_space<vmem>>, vector<1x16xf32>,
      %swap3A_153 = vector.shape_cast %swap3A_152 : vector<1x16xf32> to vector<16xf32>
      %swap3A_154 = vector.shape_cast %broadcast_in_dim3A_65 : vector<16xf32> to vector<1x16xf32>
      tpu.vector_store %arg12[%swap3A_150, %swap3A_151], %swap3A_154 {strides = array<i32>} : memref<128x128xf32, #tpu.memory_space<vmem>>, vector<1x16xf32>,
      %swap3A_155 = arith.index_cast %add3A_125 : i32 to index
      %swap3A_156 = arith.constant 96 : index
      %swap3A_157 = tpu.vector_load %arg12[%swap3A_155, %swap3A_156] {strides = array<i32>} : memref<128x128xf32, #tpu.memory_space<vmem>>, vector<1x16xf32>,
      %swap3A_158 = vector.shape_cast %swap3A_157 : vector<1x16xf32> to vector<16xf32>
      %swap3A_159 = vector.shape_cast %broadcast_in_dim3A_65 : vector<16xf32> to vector<1x16xf32>
      tpu.vector_store %arg12[%swap3A_155, %swap3A_156], %swap3A_159 {strides = array<i32>} : memref<128x128xf32, #tpu.memory_space<vmem>>, vector<1x16xf32>,
      %swap3A_160 = arith.index_cast %add3A_125 : i32 to index
      %swap3A_161 = arith.constant 112 : index
      %swap3A_162 = tpu.vector_load %arg12[%swap3A_160, %swap3A_161] {strides = array<i32>} : memref<128x128xf32, #tpu.memory_space<vmem>>, vector<1x16xf32>,
      %swap3A_163 = vector.shape_cast %swap3A_162 : vector<1x16xf32> to vector<16xf32>
      %swap3A_164 = vector.shape_cast %broadcast_in_dim3A_65 : vector<16xf32> to vector<1x16xf32>
      tpu.vector_store %arg12[%swap3A_160, %swap3A_161], %swap3A_164 {strides = array<i32>} : memref<128x128xf32, #tpu.memory_space<vmem>>, vector<1x16xf32>,
    }
    %scan3A_70 = arith.constant 128 : i32
    %scan3A_71 = arith.constant 0 : i32
    %scan3A_72 = arith.constant 5 : i32
    %scan3A_73 = arith.addi %scan3A_71, %scan3A_72 : i32
    %scan3A_74 = arith.constant 1 : i32
    scf.for %scan3A_121 = %scan3A_71 to %scan3A_73 step %scan3A_74  : i32 {
      %mul3A_122 = arith.constant 1 : i32
      %mul3A_123 = arith.muli %scan3A_121, %mul3A_122 : i32
      %add3A_124 = arith.constant 0 : i32
      %add3A_125 = arith.addi %add3A_124, %mul3A_123 : i32
      %mul3A_126 = arith.constant 128 : i32
      %mul3A_127 = arith.muli %add3A_125, %mul3A_126 : i32
      %add3A_128 = arith.addi %mul3A_4, %mul3A_127 : i32
      "tpu.region"() ({
        %run_scoped3A = tpu.sem_alloc : memref<!tpu.dma_semaphore, #tpu.memory_space<semaphore_mem>>
        %dma_start3A = arith.constant 0 : i32
        %dma_start3A_129 = tpu.memref_slice %arg14[%add3A_128, %dma_start3A] : memref<10240x128xf32, #tpu.memory_space<vmem_shared>> -> memref<128x128xf32, #tpu.memory_space<vmem_shared>>
        %dma_start3A_130 = arith.constant 0 : i32
        %dma_start3A_131 = tpu.memref_slice %arg14[%add3A_128, %dma_start3A_130] : memref<10240x128xf32, #tpu.memory_space<vmem_shared>> -> memref<128x128xf32, #tpu.memory_space<vmem_shared>>
        tpu.enqueue_dma source(%arg12 : memref<128x128xf32, #tpu.memory_space<vmem>>) target(%dma_start3A_131 : memref<128x128xf32, #tpu.memory_space<vmem_shared>>) target_semaphore(%run_scoped3A : memref<!tpu.dma_semaphore, #tpu.memory_space<semaphore_mem>>)
        %dma_wait3A = arith.constant 0 : i32
        %dma_wait3A_132 = tpu.memref_slice %arg14[%add3A_128, %dma_wait3A] : memref<10240x128xf32, #tpu.memory_space<vmem_shared>> -> memref<128x128xf32, #tpu.memory_space<vmem_shared>>
        %dma_wait3A_133 = arith.constant 0 : i32
        %dma_wait3A_134 = tpu.memref_slice %arg14[%add3A_128, %dma_wait3A_133] : memref<10240x128xf32, #tpu.memory_space<vmem_shared>> -> memref<128x128xf32, #tpu.memory_space<vmem_shared>>
        tpu.wait_dma2 semaphore(%run_scoped3A : memref<!tpu.dma_semaphore, #tpu.memory_space<semaphore_mem>>) src(%arg12 : memref<128x128xf32, #tpu.memory_space<vmem>>) dst(%dma_wait3A_134 : memref<128x128xf32, #tpu.memory_space<vmem_shared>>)
        tpu.yield
      }) : () -> ()
    }
    %scan3A_75 = arith.constant 5 : i32
    %broadcast_in_dim3A_76 = arith.constant 1.000000e+00 : f32
    %broadcast_in_dim3A_77 = vector.broadcast %broadcast_in_dim3A_76 : f32 to vector<16xf32>
    %scan3A_78 = arith.constant 0 : i32
    %scan3A_79 = arith.constant 128 : i32
    %scan3A_80 = arith.addi %scan3A_78, %scan3A_79 : i32
    %scan3A_81 = arith.constant 1 : i32
    scf.for %scan3A_121 = %scan3A_78 to %scan3A_80 step %scan3A_81  : i32 {
      %mul3A_122 = arith.constant 1 : i32
      %mul3A_123 = arith.muli %scan3A_121, %mul3A_122 : i32
      %add3A_124 = arith.constant 0 : i32
      %add3A_125 = arith.addi %add3A_124, %mul3A_123 : i32
      %swap3A = arith.index_cast %add3A_125 : i32 to index
      %swap3A_126 = arith.constant 0 : index
      %swap3A_127 = tpu.vector_load %arg12[%swap3A, %swap3A_126] {strides = array<i32>} : memref<128x128xf32, #tpu.memory_space<vmem>>, vector<1x16xf32>,
      %swap3A_128 = vector.shape_cast %swap3A_127 : vector<1x16xf32> to vector<16xf32>
      %swap3A_129 = vector.shape_cast %broadcast_in_dim3A_77 : vector<16xf32> to vector<1x16xf32>
      tpu.vector_store %arg12[%swap3A, %swap3A_126], %swap3A_129 {strides = array<i32>} : memref<128x128xf32, #tpu.memory_space<vmem>>, vector<1x16xf32>,
      %swap3A_130 = arith.index_cast %add3A_125 : i32 to index
      %swap3A_131 = arith.constant 16 : index
      %swap3A_132 = tpu.vector_load %arg12[%swap3A_130, %swap3A_131] {strides = array<i32>} : memref<128x128xf32, #tpu.memory_space<vmem>>, vector<1x16xf32>,
      %swap3A_133 = vector.shape_cast %swap3A_132 : vector<1x16xf32> to vector<16xf32>
      %swap3A_134 = vector.shape_cast %broadcast_in_dim3A_77 : vector<16xf32> to vector<1x16xf32>
      tpu.vector_store %arg12[%swap3A_130, %swap3A_131], %swap3A_134 {strides = array<i32>} : memref<128x128xf32, #tpu.memory_space<vmem>>, vector<1x16xf32>,
      %swap3A_135 = arith.index_cast %add3A_125 : i32 to index
      %swap3A_136 = arith.constant 32 : index
      %swap3A_137 = tpu.vector_load %arg12[%swap3A_135, %swap3A_136] {strides = array<i32>} : memref<128x128xf32, #tpu.memory_space<vmem>>, vector<1x16xf32>,
      %swap3A_138 = vector.shape_cast %swap3A_137 : vector<1x16xf32> to vector<16xf32>
      %swap3A_139 = vector.shape_cast %broadcast_in_dim3A_77 : vector<16xf32> to vector<1x16xf32>
      tpu.vector_store %arg12[%swap3A_135, %swap3A_136], %swap3A_139 {strides = array<i32>} : memref<128x128xf32, #tpu.memory_space<vmem>>, vector<1x16xf32>,
      %swap3A_140 = arith.index_cast %add3A_125 : i32 to index
      %swap3A_141 = arith.constant 48 : index
      %swap3A_142 = tpu.vector_load %arg12[%swap3A_140, %swap3A_141] {strides = array<i32>} : memref<128x128xf32, #tpu.memory_space<vmem>>, vector<1x16xf32>,
      %swap3A_143 = vector.shape_cast %swap3A_142 : vector<1x16xf32> to vector<16xf32>
      %swap3A_144 = vector.shape_cast %broadcast_in_dim3A_77 : vector<16xf32> to vector<1x16xf32>
      tpu.vector_store %arg12[%swap3A_140, %swap3A_141], %swap3A_144 {strides = array<i32>} : memref<128x128xf32, #tpu.memory_space<vmem>>, vector<1x16xf32>,
      %swap3A_145 = arith.index_cast %add3A_125 : i32 to index
      %swap3A_146 = arith.constant 64 : index
      %swap3A_147 = tpu.vector_load %arg12[%swap3A_145, %swap3A_146] {strides = array<i32>} : memref<128x128xf32, #tpu.memory_space<vmem>>, vector<1x16xf32>,
      %swap3A_148 = vector.shape_cast %swap3A_147 : vector<1x16xf32> to vector<16xf32>
      %swap3A_149 = vector.shape_cast %broadcast_in_dim3A_77 : vector<16xf32> to vector<1x16xf32>
      tpu.vector_store %arg12[%swap3A_145, %swap3A_146], %swap3A_149 {strides = array<i32>} : memref<128x128xf32, #tpu.memory_space<vmem>>, vector<1x16xf32>,
      %swap3A_150 = arith.index_cast %add3A_125 : i32 to index
      %swap3A_151 = arith.constant 80 : index
      %swap3A_152 = tpu.vector_load %arg12[%swap3A_150, %swap3A_151] {strides = array<i32>} : memref<128x128xf32, #tpu.memory_space<vmem>>, vector<1x16xf32>,
      %swap3A_153 = vector.shape_cast %swap3A_152 : vector<1x16xf32> to vector<16xf32>
      %swap3A_154 = vector.shape_cast %broadcast_in_dim3A_77 : vector<16xf32> to vector<1x16xf32>
      tpu.vector_store %arg12[%swap3A_150, %swap3A_151], %swap3A_154 {strides = array<i32>} : memref<128x128xf32, #tpu.memory_space<vmem>>, vector<1x16xf32>,
      %swap3A_155 = arith.index_cast %add3A_125 : i32 to index
      %swap3A_156 = arith.constant 96 : index
      %swap3A_157 = tpu.vector_load %arg12[%swap3A_155, %swap3A_156] {strides = array<i32>} : memref<128x128xf32, #tpu.memory_space<vmem>>, vector<1x16xf32>,
      %swap3A_158 = vector.shape_cast %swap3A_157 : vector<1x16xf32> to vector<16xf32>
      %swap3A_159 = vector.shape_cast %broadcast_in_dim3A_77 : vector<16xf32> to vector<1x16xf32>
      tpu.vector_store %arg12[%swap3A_155, %swap3A_156], %swap3A_159 {strides = array<i32>} : memref<128x128xf32, #tpu.memory_space<vmem>>, vector<1x16xf32>,
      %swap3A_160 = arith.index_cast %add3A_125 : i32 to index
      %swap3A_161 = arith.constant 112 : index
      %swap3A_162 = tpu.vector_load %arg12[%swap3A_160, %swap3A_161] {strides = array<i32>} : memref<128x128xf32, #tpu.memory_space<vmem>>, vector<1x16xf32>,
      %swap3A_163 = vector.shape_cast %swap3A_162 : vector<1x16xf32> to vector<16xf32>
      %swap3A_164 = vector.shape_cast %broadcast_in_dim3A_77 : vector<16xf32> to vector<1x16xf32>
      tpu.vector_store %arg12[%swap3A_160, %swap3A_161], %swap3A_164 {strides = array<i32>} : memref<128x128xf32, #tpu.memory_space<vmem>>, vector<1x16xf32>,
    }
    %scan3A_82 = arith.constant 128 : i32
    %barrier3A_83 = arith.constant 0 : index
    tpu.barrier barrier_id(%barrier3A_83)
    "tpu.trace_stop"() : () -> ()
    "tpu.trace_start"() <{level = 10 : i32, message = "counts"}> : () -> ()
    %scan3A_84 = arith.constant 0 : i32
    %scan3A_85 = arith.constant 10 : i32
    %scan3A_86 = arith.addi %scan3A_84, %scan3A_85 : i32
    %scan3A_87 = arith.constant 1 : i32
    scf.for %scan3A_121 = %scan3A_84 to %scan3A_86 step %scan3A_87  : i32 {
      %mul3A_122 = arith.constant 1 : i32
      %mul3A_123 = arith.muli %scan3A_121, %mul3A_122 : i32
      %add3A_124 = arith.constant 0 : i32
      %add3A_125 = arith.addi %add3A_124, %mul3A_123 : i32
      %mul3A_126 = arith.constant 16 : i32
      %mul3A_127 = arith.muli %add3A_125, %mul3A_126 : i32
      %mul3A_128 = arith.constant 128 : i32
      %mul3A_129 = arith.muli %mul3A_127, %mul3A_128 : i32
      %add3A_130 = arith.addi %mul3A_2, %mul3A_129 : i32
      "tpu.region"() ({
        %run_scoped3A = tpu.sem_alloc : memref<!tpu.dma_semaphore, #tpu.memory_space<semaphore_mem>>
        %dma_start3A_289 = tpu.memref_slice %arg7[%add3A_130] : memref<655360xi32, #tpu.memory_space<hbm>> -> memref<2048xi32, #tpu.memory_space<hbm>>
        %dma_start3A_290 = tpu.memref_slice %arg7[%add3A_130] : memref<655360xi32, #tpu.memory_space<hbm>> -> memref<2048xi32, #tpu.memory_space<hbm>>
        tpu.enqueue_dma source(%dma_start3A_290 : memref<2048xi32, #tpu.memory_space<hbm>>) target(%arg11 : memref<2048xi32, #tpu.memory_space<vmem>>) target_semaphore(%run_scoped3A : memref<!tpu.dma_semaphore, #tpu.memory_space<semaphore_mem>>)
        %dma_wait3A_291 = tpu.memref_slice %arg7[%add3A_130] : memref<655360xi32, #tpu.memory_space<hbm>> -> memref<2048xi32, #tpu.memory_space<hbm>>
        %dma_wait3A_292 = tpu.memref_slice %arg7[%add3A_130] : memref<655360xi32, #tpu.memory_space<hbm>> -> memref<2048xi32, #tpu.memory_space<hbm>>
        tpu.wait_dma2 semaphore(%run_scoped3A : memref<!tpu.dma_semaphore, #tpu.memory_space<semaphore_mem>>) src(%dma_wait3A_292 : memref<2048xi32, #tpu.memory_space<hbm>>) dst(%arg11 : memref<2048xi32, #tpu.memory_space<vmem>>)
        tpu.yield
      }) : () -> ()
      %dma_start3A = arith.constant 0 : i32
      %dma_start3A_131 = tpu.memref_slice %arg11[%dma_start3A] : memref<2048xi32, #tpu.memory_space<vmem>> -> memref<128xi32, #tpu.memory_space<vmem>>
      %dma_start3A_132 = arith.constant 0 : i32
      %dma_start3A_133 = arith.constant 0 : i32
      %dma_start3A_134 = tpu.memref_slice %arg14[%dma_start3A_132, %dma_start3A_133] : memref<10240x128xf32, #tpu.memory_space<vmem_shared>> -> memref<10240x128xf32, #tpu.memory_space<vmem_shared>>
      tpu.enqueue_indirect_dma source(%arg12 : memref<128x128xf32, #tpu.memory_space<vmem>>) target(%dma_start3A_134 : memref<10240x128xf32, #tpu.memory_space<vmem_shared>>) offsets(%dma_start3A_131 : memref<128xi32, #tpu.memory_space<vmem>>) semaphore(%arg15 : memref<!tpu.dma_semaphore, #tpu.memory_space<semaphore_mem>>) {add = true}
      %dma_start3A_135 = arith.constant 128 : i32
      %dma_start3A_136 = tpu.memref_slice %arg11[%dma_start3A_135] : memref<2048xi32, #tpu.memory_space<vmem>> -> memref<128xi32, #tpu.memory_space<vmem>>
      %dma_start3A_137 = arith.constant 0 : i32
      %dma_start3A_138 = arith.constant 0 : i32
      %dma_start3A_139 = tpu.memref_slice %arg14[%dma_start3A_137, %dma_start3A_138] : memref<10240x128xf32, #tpu.memory_space<vmem_shared>> -> memref<10240x128xf32, #tpu.memory_space<vmem_shared>>
      tpu.enqueue_indirect_dma source(%arg12 : memref<128x128xf32, #tpu.memory_space<vmem>>) target(%dma_start3A_139 : memref<10240x128xf32, #tpu.memory_space<vmem_shared>>) offsets(%dma_start3A_136 : memref<128xi32, #tpu.memory_space<vmem>>) semaphore(%arg15 : memref<!tpu.dma_semaphore, #tpu.memory_space<semaphore_mem>>) {add = true}
      %dma_start3A_140 = arith.constant 256 : i32
      %dma_start3A_141 = tpu.memref_slice %arg11[%dma_start3A_140] : memref<2048xi32, #tpu.memory_space<vmem>> -> memref<128xi32, #tpu.memory_space<vmem>>
      %dma_start3A_142 = arith.constant 0 : i32
      %dma_start3A_143 = arith.constant 0 : i32
      %dma_start3A_144 = tpu.memref_slice %arg14[%dma_start3A_142, %dma_start3A_143] : memref<10240x128xf32, #tpu.memory_space<vmem_shared>> -> memref<10240x128xf32, #tpu.memory_space<vmem_shared>>
      tpu.enqueue_indirect_dma source(%arg12 : memref<128x128xf32, #tpu.memory_space<vmem>>) target(%dma_start3A_144 : memref<10240x128xf32, #tpu.memory_space<vmem_shared>>) offsets(%dma_start3A_141 : memref<128xi32, #tpu.memory_space<vmem>>) semaphore(%arg15 : memref<!tpu.dma_semaphore, #tpu.memory_space<semaphore_mem>>) {add = true}
      %dma_start3A_145 = arith.constant 384 : i32
      %dma_start3A_146 = tpu.memref_slice %arg11[%dma_start3A_145] : memref<2048xi32, #tpu.memory_space<vmem>> -> memref<128xi32, #tpu.memory_space<vmem>>
      %dma_start3A_147 = arith.constant 0 : i32
      %dma_start3A_148 = arith.constant 0 : i32
      %dma_start3A_149 = tpu.memref_slice %arg14[%dma_start3A_147, %dma_start3A_148] : memref<10240x128xf32, #tpu.memory_space<vmem_shared>> -> memref<10240x128xf32, #tpu.memory_space<vmem_shared>>
      tpu.enqueue_indirect_dma source(%arg12 : memref<128x128xf32, #tpu.memory_space<vmem>>) target(%dma_start3A_149 : memref<10240x128xf32, #tpu.memory_space<vmem_shared>>) offsets(%dma_start3A_146 : memref<128xi32, #tpu.memory_space<vmem>>) semaphore(%arg15 : memref<!tpu.dma_semaphore, #tpu.memory_space<semaphore_mem>>) {add = true}
      %dma_start3A_150 = arith.constant 512 : i32
      %dma_start3A_151 = tpu.memref_slice %arg11[%dma_start3A_150] : memref<2048xi32, #tpu.memory_space<vmem>> -> memref<128xi32, #tpu.memory_space<vmem>>
      %dma_start3A_152 = arith.constant 0 : i32
      %dma_start3A_153 = arith.constant 0 : i32
      %dma_start3A_154 = tpu.memref_slice %arg14[%dma_start3A_152, %dma_start3A_153] : memref<10240x128xf32, #tpu.memory_space<vmem_shared>> -> memref<10240x128xf32, #tpu.memory_space<vmem_shared>>
      tpu.enqueue_indirect_dma source(%arg12 : memref<128x128xf32, #tpu.memory_space<vmem>>) target(%dma_start3A_154 : memref<10240x128xf32, #tpu.memory_space<vmem_shared>>) offsets(%dma_start3A_151 : memref<128xi32, #tpu.memory_space<vmem>>) semaphore(%arg15 : memref<!tpu.dma_semaphore, #tpu.memory_space<semaphore_mem>>) {add = true}
      %dma_start3A_155 = arith.constant 640 : i32
      %dma_start3A_156 = tpu.memref_slice %arg11[%dma_start3A_155] : memref<2048xi32, #tpu.memory_space<vmem>> -> memref<128xi32, #tpu.memory_space<vmem>>
      %dma_start3A_157 = arith.constant 0 : i32
      %dma_start3A_158 = arith.constant 0 : i32
      %dma_start3A_159 = tpu.memref_slice %arg14[%dma_start3A_157, %dma_start3A_158] : memref<10240x128xf32, #tpu.memory_space<vmem_shared>> -> memref<10240x128xf32, #tpu.memory_space<vmem_shared>>
      tpu.enqueue_indirect_dma source(%arg12 : memref<128x128xf32, #tpu.memory_space<vmem>>) target(%dma_start3A_159 : memref<10240x128xf32, #tpu.memory_space<vmem_shared>>) offsets(%dma_start3A_156 : memref<128xi32, #tpu.memory_space<vmem>>) semaphore(%arg15 : memref<!tpu.dma_semaphore, #tpu.memory_space<semaphore_mem>>) {add = true}
      %dma_start3A_160 = arith.constant 768 : i32
      %dma_start3A_161 = tpu.memref_slice %arg11[%dma_start3A_160] : memref<2048xi32, #tpu.memory_space<vmem>> -> memref<128xi32, #tpu.memory_space<vmem>>
      %dma_start3A_162 = arith.constant 0 : i32
      %dma_start3A_163 = arith.constant 0 : i32
      %dma_start3A_164 = tpu.memref_slice %arg14[%dma_start3A_162, %dma_start3A_163] : memref<10240x128xf32, #tpu.memory_space<vmem_shared>> -> memref<10240x128xf32, #tpu.memory_space<vmem_shared>>
      tpu.enqueue_indirect_dma source(%arg12 : memref<128x128xf32, #tpu.memory_space<vmem>>) target(%dma_start3A_164 : memref<10240x128xf32, #tpu.memory_space<vmem_shared>>) offsets(%dma_start3A_161 : memref<128xi32, #tpu.memory_space<vmem>>) semaphore(%arg15 : memref<!tpu.dma_semaphore, #tpu.memory_space<semaphore_mem>>) {add = true}
      %dma_start3A_165 = arith.constant 896 : i32
      %dma_start3A_166 = tpu.memref_slice %arg11[%dma_start3A_165] : memref<2048xi32, #tpu.memory_space<vmem>> -> memref<128xi32, #tpu.memory_space<vmem>>
      %dma_start3A_167 = arith.constant 0 : i32
      %dma_start3A_168 = arith.constant 0 : i32
      %dma_start3A_169 = tpu.memref_slice %arg14[%dma_start3A_167, %dma_start3A_168] : memref<10240x128xf32, #tpu.memory_space<vmem_shared>> -> memref<10240x128xf32, #tpu.memory_space<vmem_shared>>
      tpu.enqueue_indirect_dma source(%arg12 : memref<128x128xf32, #tpu.memory_space<vmem>>) target(%dma_start3A_169 : memref<10240x128xf32, #tpu.memory_space<vmem_shared>>) offsets(%dma_start3A_166 : memref<128xi32, #tpu.memory_space<vmem>>) semaphore(%arg15 : memref<!tpu.dma_semaphore, #tpu.memory_space<semaphore_mem>>) {add = true}
      %dma_start3A_170 = arith.constant 1024 : i32
      %dma_start3A_171 = tpu.memref_slice %arg11[%dma_start3A_170] : memref<2048xi32, #tpu.memory_space<vmem>> -> memref<128xi32, #tpu.memory_space<vmem>>
      %dma_start3A_172 = arith.constant 0 : i32
      %dma_start3A_173 = arith.constant 0 : i32
      %dma_start3A_174 = tpu.memref_slice %arg14[%dma_start3A_172, %dma_start3A_173] : memref<10240x128xf32, #tpu.memory_space<vmem_shared>> -> memref<10240x128xf32, #tpu.memory_space<vmem_shared>>
      tpu.enqueue_indirect_dma source(%arg12 : memref<128x128xf32, #tpu.memory_space<vmem>>) target(%dma_start3A_174 : memref<10240x128xf32, #tpu.memory_space<vmem_shared>>) offsets(%dma_start3A_171 : memref<128xi32, #tpu.memory_space<vmem>>) semaphore(%arg15 : memref<!tpu.dma_semaphore, #tpu.memory_space<semaphore_mem>>) {add = true}
      %dma_start3A_175 = arith.constant 1152 : i32
      %dma_start3A_176 = tpu.memref_slice %arg11[%dma_start3A_175] : memref<2048xi32, #tpu.memory_space<vmem>> -> memref<128xi32, #tpu.memory_space<vmem>>
      %dma_start3A_177 = arith.constant 0 : i32
      %dma_start3A_178 = arith.constant 0 : i32
      %dma_start3A_179 = tpu.memref_slice %arg14[%dma_start3A_177, %dma_start3A_178] : memref<10240x128xf32, #tpu.memory_space<vmem_shared>> -> memref<10240x128xf32, #tpu.memory_space<vmem_shared>>
      tpu.enqueue_indirect_dma source(%arg12 : memref<128x128xf32, #tpu.memory_space<vmem>>) target(%dma_start3A_179 : memref<10240x128xf32, #tpu.memory_space<vmem_shared>>) offsets(%dma_start3A_176 : memref<128xi32, #tpu.memory_space<vmem>>) semaphore(%arg15 : memref<!tpu.dma_semaphore, #tpu.memory_space<semaphore_mem>>) {add = true}
      %dma_start3A_180 = arith.constant 1280 : i32
      %dma_start3A_181 = tpu.memref_slice %arg11[%dma_start3A_180] : memref<2048xi32, #tpu.memory_space<vmem>> -> memref<128xi32, #tpu.memory_space<vmem>>
      %dma_start3A_182 = arith.constant 0 : i32
      %dma_start3A_183 = arith.constant 0 : i32
      %dma_start3A_184 = tpu.memref_slice %arg14[%dma_start3A_182, %dma_start3A_183] : memref<10240x128xf32, #tpu.memory_space<vmem_shared>> -> memref<10240x128xf32, #tpu.memory_space<vmem_shared>>
      tpu.enqueue_indirect_dma source(%arg12 : memref<128x128xf32, #tpu.memory_space<vmem>>) target(%dma_start3A_184 : memref<10240x128xf32, #tpu.memory_space<vmem_shared>>) offsets(%dma_start3A_181 : memref<128xi32, #tpu.memory_space<vmem>>) semaphore(%arg15 : memref<!tpu.dma_semaphore, #tpu.memory_space<semaphore_mem>>) {add = true}
      %dma_start3A_185 = arith.constant 1408 : i32
      %dma_start3A_186 = tpu.memref_slice %arg11[%dma_start3A_185] : memref<2048xi32, #tpu.memory_space<vmem>> -> memref<128xi32, #tpu.memory_space<vmem>>
      %dma_start3A_187 = arith.constant 0 : i32
      %dma_start3A_188 = arith.constant 0 : i32
      %dma_start3A_189 = tpu.memref_slice %arg14[%dma_start3A_187, %dma_start3A_188] : memref<10240x128xf32, #tpu.memory_space<vmem_shared>> -> memref<10240x128xf32, #tpu.memory_space<vmem_shared>>
      tpu.enqueue_indirect_dma source(%arg12 : memref<128x128xf32, #tpu.memory_space<vmem>>) target(%dma_start3A_189 : memref<10240x128xf32, #tpu.memory_space<vmem_shared>>) offsets(%dma_start3A_186 : memref<128xi32, #tpu.memory_space<vmem>>) semaphore(%arg15 : memref<!tpu.dma_semaphore, #tpu.memory_space<semaphore_mem>>) {add = true}
      %dma_start3A_190 = arith.constant 1536 : i32
      %dma_start3A_191 = tpu.memref_slice %arg11[%dma_start3A_190] : memref<2048xi32, #tpu.memory_space<vmem>> -> memref<128xi32, #tpu.memory_space<vmem>>
      %dma_start3A_192 = arith.constant 0 : i32
      %dma_start3A_193 = arith.constant 0 : i32
      %dma_start3A_194 = tpu.memref_slice %arg14[%dma_start3A_192, %dma_start3A_193] : memref<10240x128xf32, #tpu.memory_space<vmem_shared>> -> memref<10240x128xf32, #tpu.memory_space<vmem_shared>>
      tpu.enqueue_indirect_dma source(%arg12 : memref<128x128xf32, #tpu.memory_space<vmem>>) target(%dma_start3A_194 : memref<10240x128xf32, #tpu.memory_space<vmem_shared>>) offsets(%dma_start3A_191 : memref<128xi32, #tpu.memory_space<vmem>>) semaphore(%arg15 : memref<!tpu.dma_semaphore, #tpu.memory_space<semaphore_mem>>) {add = true}
      %dma_start3A_195 = arith.constant 1664 : i32
      %dma_start3A_196 = tpu.memref_slice %arg11[%dma_start3A_195] : memref<2048xi32, #tpu.memory_space<vmem>> -> memref<128xi32, #tpu.memory_space<vmem>>
      %dma_start3A_197 = arith.constant 0 : i32
      %dma_start3A_198 = arith.constant 0 : i32
      %dma_start3A_199 = tpu.memref_slice %arg14[%dma_start3A_197, %dma_start3A_198] : memref<10240x128xf32, #tpu.memory_space<vmem_shared>> -> memref<10240x128xf32, #tpu.memory_space<vmem_shared>>
      tpu.enqueue_indirect_dma source(%arg12 : memref<128x128xf32, #tpu.memory_space<vmem>>) target(%dma_start3A_199 : memref<10240x128xf32, #tpu.memory_space<vmem_shared>>) offsets(%dma_start3A_196 : memref<128xi32, #tpu.memory_space<vmem>>) semaphore(%arg15 : memref<!tpu.dma_semaphore, #tpu.memory_space<semaphore_mem>>) {add = true}
      %dma_start3A_200 = arith.constant 1792 : i32
      %dma_start3A_201 = tpu.memref_slice %arg11[%dma_start3A_200] : memref<2048xi32, #tpu.memory_space<vmem>> -> memref<128xi32, #tpu.memory_space<vmem>>
      %dma_start3A_202 = arith.constant 0 : i32
      %dma_start3A_203 = arith.constant 0 : i32
      %dma_start3A_204 = tpu.memref_slice %arg14[%dma_start3A_202, %dma_start3A_203] : memref<10240x128xf32, #tpu.memory_space<vmem_shared>> -> memref<10240x128xf32, #tpu.memory_space<vmem_shared>>
      tpu.enqueue_indirect_dma source(%arg12 : memref<128x128xf32, #tpu.memory_space<vmem>>) target(%dma_start3A_204 : memref<10240x128xf32, #tpu.memory_space<vmem_shared>>) offsets(%dma_start3A_201 : memref<128xi32, #tpu.memory_space<vmem>>) semaphore(%arg15 : memref<!tpu.dma_semaphore, #tpu.memory_space<semaphore_mem>>) {add = true}
      %dma_start3A_205 = arith.constant 1920 : i32
      %dma_start3A_206 = tpu.memref_slice %arg11[%dma_start3A_205] : memref<2048xi32, #tpu.memory_space<vmem>> -> memref<128xi32, #tpu.memory_space<vmem>>
      %dma_start3A_207 = arith.constant 0 : i32
      %dma_start3A_208 = arith.constant 0 : i32
      %dma_start3A_209 = tpu.memref_slice %arg14[%dma_start3A_207, %dma_start3A_208] : memref<10240x128xf32, #tpu.memory_space<vmem_shared>> -> memref<10240x128xf32, #tpu.memory_space<vmem_shared>>
      tpu.enqueue_indirect_dma source(%arg12 : memref<128x128xf32, #tpu.memory_space<vmem>>) target(%dma_start3A_209 : memref<10240x128xf32, #tpu.memory_space<vmem_shared>>) offsets(%dma_start3A_206 : memref<128xi32, #tpu.memory_space<vmem>>) semaphore(%arg15 : memref<!tpu.dma_semaphore, #tpu.memory_space<semaphore_mem>>) {add = true}
      %dma_wait3A = arith.constant 0 : i32
      %dma_wait3A_210 = tpu.memref_slice %arg11[%dma_wait3A] : memref<2048xi32, #tpu.memory_space<vmem>> -> memref<128xi32, #tpu.memory_space<vmem>>
      %dma_wait3A_211 = arith.constant 0 : i32
      %dma_wait3A_212 = arith.constant 0 : i32
      %dma_wait3A_213 = tpu.memref_slice %arg14[%dma_wait3A_211, %dma_wait3A_212] : memref<10240x128xf32, #tpu.memory_space<vmem_shared>> -> memref<10240x128xf32, #tpu.memory_space<vmem_shared>>
      tpu.wait_indirect_dma semaphore(%arg15 : memref<!tpu.dma_semaphore, #tpu.memory_space<semaphore_mem>>) src(%arg12 : memref<128x128xf32, #tpu.memory_space<vmem>>) dst(%dma_wait3A_213 : memref<10240x128xf32, #tpu.memory_space<vmem_shared>>)
      %dma_wait3A_214 = arith.constant 128 : i32
      %dma_wait3A_215 = tpu.memref_slice %arg11[%dma_wait3A_214] : memref<2048xi32, #tpu.memory_space<vmem>> -> memref<128xi32, #tpu.memory_space<vmem>>
      %dma_wait3A_216 = arith.constant 0 : i32
      %dma_wait3A_217 = arith.constant 0 : i32
      %dma_wait3A_218 = tpu.memref_slice %arg14[%dma_wait3A_216, %dma_wait3A_217] : memref<10240x128xf32, #tpu.memory_space<vmem_shared>> -> memref<10240x128xf32, #tpu.memory_space<vmem_shared>>
      tpu.wait_indirect_dma semaphore(%arg15 : memref<!tpu.dma_semaphore, #tpu.memory_space<semaphore_mem>>) src(%arg12 : memref<128x128xf32, #tpu.memory_space<vmem>>) dst(%dma_wait3A_218 : memref<10240x128xf32, #tpu.memory_space<vmem_shared>>)
      %dma_wait3A_219 = arith.constant 256 : i32
      %dma_wait3A_220 = tpu.memref_slice %arg11[%dma_wait3A_219] : memref<2048xi32, #tpu.memory_space<vmem>> -> memref<128xi32, #tpu.memory_space<vmem>>
      %dma_wait3A_221 = arith.constant 0 : i32
      %dma_wait3A_222 = arith.constant 0 : i32
      %dma_wait3A_223 = tpu.memref_slice %arg14[%dma_wait3A_221, %dma_wait3A_222] : memref<10240x128xf32, #tpu.memory_space<vmem_shared>> -> memref<10240x128xf32, #tpu.memory_space<vmem_shared>>
      tpu.wait_indirect_dma semaphore(%arg15 : memref<!tpu.dma_semaphore, #tpu.memory_space<semaphore_mem>>) src(%arg12 : memref<128x128xf32, #tpu.memory_space<vmem>>) dst(%dma_wait3A_223 : memref<10240x128xf32, #tpu.memory_space<vmem_shared>>)
      %dma_wait3A_224 = arith.constant 384 : i32
      %dma_wait3A_225 = tpu.memref_slice %arg11[%dma_wait3A_224] : memref<2048xi32, #tpu.memory_space<vmem>> -> memref<128xi32, #tpu.memory_space<vmem>>
      %dma_wait3A_226 = arith.constant 0 : i32
      %dma_wait3A_227 = arith.constant 0 : i32
      %dma_wait3A_228 = tpu.memref_slice %arg14[%dma_wait3A_226, %dma_wait3A_227] : memref<10240x128xf32, #tpu.memory_space<vmem_shared>> -> memref<10240x128xf32, #tpu.memory_space<vmem_shared>>
      tpu.wait_indirect_dma semaphore(%arg15 : memref<!tpu.dma_semaphore, #tpu.memory_space<semaphore_mem>>) src(%arg12 : memref<128x128xf32, #tpu.memory_space<vmem>>) dst(%dma_wait3A_228 : memref<10240x128xf32, #tpu.memory_space<vmem_shared>>)
      %dma_wait3A_229 = arith.constant 512 : i32
      %dma_wait3A_230 = tpu.memref_slice %arg11[%dma_wait3A_229] : memref<2048xi32, #tpu.memory_space<vmem>> -> memref<128xi32, #tpu.memory_space<vmem>>
      %dma_wait3A_231 = arith.constant 0 : i32
      %dma_wait3A_232 = arith.constant 0 : i32
      %dma_wait3A_233 = tpu.memref_slice %arg14[%dma_wait3A_231, %dma_wait3A_232] : memref<10240x128xf32, #tpu.memory_space<vmem_shared>> -> memref<10240x128xf32, #tpu.memory_space<vmem_shared>>
      tpu.wait_indirect_dma semaphore(%arg15 : memref<!tpu.dma_semaphore, #tpu.memory_space<semaphore_mem>>) src(%arg12 : memref<128x128xf32, #tpu.memory_space<vmem>>) dst(%dma_wait3A_233 : memref<10240x128xf32, #tpu.memory_space<vmem_shared>>)
      %dma_wait3A_234 = arith.constant 640 : i32
      %dma_wait3A_235 = tpu.memref_slice %arg11[%dma_wait3A_234] : memref<2048xi32, #tpu.memory_space<vmem>> -> memref<128xi32, #tpu.memory_space<vmem>>
      %dma_wait3A_236 = arith.constant 0 : i32
      %dma_wait3A_237 = arith.constant 0 : i32
      %dma_wait3A_238 = tpu.memref_slice %arg14[%dma_wait3A_236, %dma_wait3A_237] : memref<10240x128xf32, #tpu.memory_space<vmem_shared>> -> memref<10240x128xf32, #tpu.memory_space<vmem_shared>>
      tpu.wait_indirect_dma semaphore(%arg15 : memref<!tpu.dma_semaphore, #tpu.memory_space<semaphore_mem>>) src(%arg12 : memref<128x128xf32, #tpu.memory_space<vmem>>) dst(%dma_wait3A_238 : memref<10240x128xf32, #tpu.memory_space<vmem_shared>>)
      %dma_wait3A_239 = arith.constant 768 : i32
      %dma_wait3A_240 = tpu.memref_slice %arg11[%dma_wait3A_239] : memref<2048xi32, #tpu.memory_space<vmem>> -> memref<128xi32, #tpu.memory_space<vmem>>
      %dma_wait3A_241 = arith.constant 0 : i32
      %dma_wait3A_242 = arith.constant 0 : i32
      %dma_wait3A_243 = tpu.memref_slice %arg14[%dma_wait3A_241, %dma_wait3A_242] : memref<10240x128xf32, #tpu.memory_space<vmem_shared>> -> memref<10240x128xf32, #tpu.memory_space<vmem_shared>>
      tpu.wait_indirect_dma semaphore(%arg15 : memref<!tpu.dma_semaphore, #tpu.memory_space<semaphore_mem>>) src(%arg12 : memref<128x128xf32, #tpu.memory_space<vmem>>) dst(%dma_wait3A_243 : memref<10240x128xf32, #tpu.memory_space<vmem_shared>>)
      %dma_wait3A_244 = arith.constant 896 : i32
      %dma_wait3A_245 = tpu.memref_slice %arg11[%dma_wait3A_244] : memref<2048xi32, #tpu.memory_space<vmem>> -> memref<128xi32, #tpu.memory_space<vmem>>
      %dma_wait3A_246 = arith.constant 0 : i32
      %dma_wait3A_247 = arith.constant 0 : i32
      %dma_wait3A_248 = tpu.memref_slice %arg14[%dma_wait3A_246, %dma_wait3A_247] : memref<10240x128xf32, #tpu.memory_space<vmem_shared>> -> memref<10240x128xf32, #tpu.memory_space<vmem_shared>>
      tpu.wait_indirect_dma semaphore(%arg15 : memref<!tpu.dma_semaphore, #tpu.memory_space<semaphore_mem>>) src(%arg12 : memref<128x128xf32, #tpu.memory_space<vmem>>) dst(%dma_wait3A_248 : memref<10240x128xf32, #tpu.memory_space<vmem_shared>>)
      %dma_wait3A_249 = arith.constant 1024 : i32
      %dma_wait3A_250 = tpu.memref_slice %arg11[%dma_wait3A_249] : memref<2048xi32, #tpu.memory_space<vmem>> -> memref<128xi32, #tpu.memory_space<vmem>>
      %dma_wait3A_251 = arith.constant 0 : i32
      %dma_wait3A_252 = arith.constant 0 : i32
      %dma_wait3A_253 = tpu.memref_slice %arg14[%dma_wait3A_251, %dma_wait3A_252] : memref<10240x128xf32, #tpu.memory_space<vmem_shared>> -> memref<10240x128xf32, #tpu.memory_space<vmem_shared>>
      tpu.wait_indirect_dma semaphore(%arg15 : memref<!tpu.dma_semaphore, #tpu.memory_space<semaphore_mem>>) src(%arg12 : memref<128x128xf32, #tpu.memory_space<vmem>>) dst(%dma_wait3A_253 : memref<10240x128xf32, #tpu.memory_space<vmem_shared>>)
      %dma_wait3A_254 = arith.constant 1152 : i32
      %dma_wait3A_255 = tpu.memref_slice %arg11[%dma_wait3A_254] : memref<2048xi32, #tpu.memory_space<vmem>> -> memref<128xi32, #tpu.memory_space<vmem>>
      %dma_wait3A_256 = arith.constant 0 : i32
      %dma_wait3A_257 = arith.constant 0 : i32
      %dma_wait3A_258 = tpu.memref_slice %arg14[%dma_wait3A_256, %dma_wait3A_257] : memref<10240x128xf32, #tpu.memory_space<vmem_shared>> -> memref<10240x128xf32, #tpu.memory_space<vmem_shared>>
      tpu.wait_indirect_dma semaphore(%arg15 : memref<!tpu.dma_semaphore, #tpu.memory_space<semaphore_mem>>) src(%arg12 : memref<128x128xf32, #tpu.memory_space<vmem>>) dst(%dma_wait3A_258 : memref<10240x128xf32, #tpu.memory_space<vmem_shared>>)
      %dma_wait3A_259 = arith.constant 1280 : i32
      %dma_wait3A_260 = tpu.memref_slice %arg11[%dma_wait3A_259] : memref<2048xi32, #tpu.memory_space<vmem>> -> memref<128xi32, #tpu.memory_space<vmem>>
      %dma_wait3A_261 = arith.constant 0 : i32
      %dma_wait3A_262 = arith.constant 0 : i32
      %dma_wait3A_263 = tpu.memref_slice %arg14[%dma_wait3A_261, %dma_wait3A_262] : memref<10240x128xf32, #tpu.memory_space<vmem_shared>> -> memref<10240x128xf32, #tpu.memory_space<vmem_shared>>
      tpu.wait_indirect_dma semaphore(%arg15 : memref<!tpu.dma_semaphore, #tpu.memory_space<semaphore_mem>>) src(%arg12 : memref<128x128xf32, #tpu.memory_space<vmem>>) dst(%dma_wait3A_263 : memref<10240x128xf32, #tpu.memory_space<vmem_shared>>)
      %dma_wait3A_264 = arith.constant 1408 : i32
      %dma_wait3A_265 = tpu.memref_slice %arg11[%dma_wait3A_264] : memref<2048xi32, #tpu.memory_space<vmem>> -> memref<128xi32, #tpu.memory_space<vmem>>
      %dma_wait3A_266 = arith.constant 0 : i32
      %dma_wait3A_267 = arith.constant 0 : i32
      %dma_wait3A_268 = tpu.memref_slice %arg14[%dma_wait3A_266, %dma_wait3A_267] : memref<10240x128xf32, #tpu.memory_space<vmem_shared>> -> memref<10240x128xf32, #tpu.memory_space<vmem_shared>>
      tpu.wait_indirect_dma semaphore(%arg15 : memref<!tpu.dma_semaphore, #tpu.memory_space<semaphore_mem>>) src(%arg12 : memref<128x128xf32, #tpu.memory_space<vmem>>) dst(%dma_wait3A_268 : memref<10240x128xf32, #tpu.memory_space<vmem_shared>>)
      %dma_wait3A_269 = arith.constant 1536 : i32
      %dma_wait3A_270 = tpu.memref_slice %arg11[%dma_wait3A_269] : memref<2048xi32, #tpu.memory_space<vmem>> -> memref<128xi32, #tpu.memory_space<vmem>>
      %dma_wait3A_271 = arith.constant 0 : i32
      %dma_wait3A_272 = arith.constant 0 : i32
      %dma_wait3A_273 = tpu.memref_slice %arg14[%dma_wait3A_271, %dma_wait3A_272] : memref<10240x128xf32, #tpu.memory_space<vmem_shared>> -> memref<10240x128xf32, #tpu.memory_space<vmem_shared>>
      tpu.wait_indirect_dma semaphore(%arg15 : memref<!tpu.dma_semaphore, #tpu.memory_space<semaphore_mem>>) src(%arg12 : memref<128x128xf32, #tpu.memory_space<vmem>>) dst(%dma_wait3A_273 : memref<10240x128xf32, #tpu.memory_space<vmem_shared>>)
      %dma_wait3A_274 = arith.constant 1664 : i32
      %dma_wait3A_275 = tpu.memref_slice %arg11[%dma_wait3A_274] : memref<2048xi32, #tpu.memory_space<vmem>> -> memref<128xi32, #tpu.memory_space<vmem>>
      %dma_wait3A_276 = arith.constant 0 : i32
      %dma_wait3A_277 = arith.constant 0 : i32
      %dma_wait3A_278 = tpu.memref_slice %arg14[%dma_wait3A_276, %dma_wait3A_277] : memref<10240x128xf32, #tpu.memory_space<vmem_shared>> -> memref<10240x128xf32, #tpu.memory_space<vmem_shared>>
      tpu.wait_indirect_dma semaphore(%arg15 : memref<!tpu.dma_semaphore, #tpu.memory_space<semaphore_mem>>) src(%arg12 : memref<128x128xf32, #tpu.memory_space<vmem>>) dst(%dma_wait3A_278 : memref<10240x128xf32, #tpu.memory_space<vmem_shared>>)
      %dma_wait3A_279 = arith.constant 1792 : i32
      %dma_wait3A_280 = tpu.memref_slice %arg11[%dma_wait3A_279] : memref<2048xi32, #tpu.memory_space<vmem>> -> memref<128xi32, #tpu.memory_space<vmem>>
      %dma_wait3A_281 = arith.constant 0 : i32
      %dma_wait3A_282 = arith.constant 0 : i32
      %dma_wait3A_283 = tpu.memref_slice %arg14[%dma_wait3A_281, %dma_wait3A_282] : memref<10240x128xf32, #tpu.memory_space<vmem_shared>> -> memref<10240x128xf32, #tpu.memory_space<vmem_shared>>
      tpu.wait_indirect_dma semaphore(%arg15 : memref<!tpu.dma_semaphore, #tpu.memory_space<semaphore_mem>>) src(%arg12 : memref<128x128xf32, #tpu.memory_space<vmem>>) dst(%dma_wait3A_283 : memref<10240x128xf32, #tpu.memory_space<vmem_shared>>)
      %dma_wait3A_284 = arith.constant 1920 : i32
      %dma_wait3A_285 = tpu.memref_slice %arg11[%dma_wait3A_284] : memref<2048xi32, #tpu.memory_space<vmem>> -> memref<128xi32, #tpu.memory_space<vmem>>
      %dma_wait3A_286 = arith.constant 0 : i32
      %dma_wait3A_287 = arith.constant 0 : i32
      %dma_wait3A_288 = tpu.memref_slice %arg14[%dma_wait3A_286, %dma_wait3A_287] : memref<10240x128xf32, #tpu.memory_space<vmem_shared>> -> memref<10240x128xf32, #tpu.memory_space<vmem_shared>>
      tpu.wait_indirect_dma semaphore(%arg15 : memref<!tpu.dma_semaphore, #tpu.memory_space<semaphore_mem>>) src(%arg12 : memref<128x128xf32, #tpu.memory_space<vmem>>) dst(%dma_wait3A_288 : memref<10240x128xf32, #tpu.memory_space<vmem_shared>>)
    }
    %scan3A_88 = arith.constant 10 : i32
    %barrier3A_89 = arith.constant 0 : index
    tpu.barrier barrier_id(%barrier3A_89)
    "tpu.trace_stop"() : () -> ()
    "tpu.trace_start"() <{level = 10 : i32, message = "rcp_ep"}> : () -> ()
    %scan3A_90 = arith.constant 0 : i32
    %scan3A_91 = arith.constant 16 : i32
    %scan3A_92 = arith.addi %scan3A_90, %scan3A_91 : i32
    %scan3A_93 = arith.constant 1 : i32
    scf.for %scan3A_121 = %scan3A_90 to %scan3A_92 step %scan3A_93  : i32 {
      %mul3A_122 = arith.constant 1 : i32
      %mul3A_123 = arith.muli %scan3A_121, %mul3A_122 : i32
      %add3A_124 = arith.constant 0 : i32
      %add3A_125 = arith.addi %add3A_124, %mul3A_123 : i32
      %mul3A_126 = arith.constant 40 : i32
      %mul3A_127 = arith.muli %add3A_125, %mul3A_126 : i32
      %add3A_128 = arith.addi %mul3A_4, %mul3A_127 : i32
      "tpu.region"() ({
        %run_scoped3A = tpu.sem_alloc : memref<!tpu.dma_semaphore, #tpu.memory_space<semaphore_mem>>
        %dma_start3A = arith.constant 0 : i32
        %dma_start3A_137 = arith.constant 0 : i32
        %dma_start3A_138 = tpu.memref_slice %arg12[%dma_start3A, %dma_start3A_137] : memref<128x128xf32, #tpu.memory_space<vmem>> -> memref<40x128xf32, #tpu.memory_space<vmem>>
        %dma_start3A_139 = arith.constant 0 : i32
        %dma_start3A_140 = tpu.memref_slice %arg14[%add3A_128, %dma_start3A_139] : memref<10240x128xf32, #tpu.memory_space<vmem_shared>> -> memref<40x128xf32, #tpu.memory_space<vmem_shared>>
        %dma_start3A_141 = arith.constant 0 : i32
        %dma_start3A_142 = arith.constant 0 : i32
        %dma_start3A_143 = tpu.memref_slice %arg12[%dma_start3A_141, %dma_start3A_142] : memref<128x128xf32, #tpu.memory_space<vmem>> -> memref<40x128xf32, #tpu.memory_space<vmem>>
        %dma_start3A_144 = arith.constant 0 : i32
        %dma_start3A_145 = tpu.memref_slice %arg14[%add3A_128, %dma_start3A_144] : memref<10240x128xf32, #tpu.memory_space<vmem_shared>> -> memref<40x128xf32, #tpu.memory_space<vmem_shared>>
        tpu.enqueue_dma source(%dma_start3A_145 : memref<40x128xf32, #tpu.memory_space<vmem_shared>>) target(%dma_start3A_143 : memref<40x128xf32, #tpu.memory_space<vmem>>) target_semaphore(%run_scoped3A : memref<!tpu.dma_semaphore, #tpu.memory_space<semaphore_mem>>)
        %dma_wait3A = arith.constant 0 : i32
        %dma_wait3A_146 = arith.constant 0 : i32
        %dma_wait3A_147 = tpu.memref_slice %arg12[%dma_wait3A, %dma_wait3A_146] : memref<128x128xf32, #tpu.memory_space<vmem>> -> memref<40x128xf32, #tpu.memory_space<vmem>>
        %dma_wait3A_148 = arith.constant 0 : i32
        %dma_wait3A_149 = tpu.memref_slice %arg14[%add3A_128, %dma_wait3A_148] : memref<10240x128xf32, #tpu.memory_space<vmem_shared>> -> memref<40x128xf32, #tpu.memory_space<vmem_shared>>
        %dma_wait3A_150 = arith.constant 0 : i32
        %dma_wait3A_151 = arith.constant 0 : i32
        %dma_wait3A_152 = tpu.memref_slice %arg12[%dma_wait3A_150, %dma_wait3A_151] : memref<128x128xf32, #tpu.memory_space<vmem>> -> memref<40x128xf32, #tpu.memory_space<vmem>>
        %dma_wait3A_153 = arith.constant 0 : i32
        %dma_wait3A_154 = tpu.memref_slice %arg14[%add3A_128, %dma_wait3A_153] : memref<10240x128xf32, #tpu.memory_space<vmem_shared>> -> memref<40x128xf32, #tpu.memory_space<vmem_shared>>
        tpu.wait_dma2 semaphore(%run_scoped3A : memref<!tpu.dma_semaphore, #tpu.memory_space<semaphore_mem>>) src(%dma_wait3A_154 : memref<40x128xf32, #tpu.memory_space<vmem_shared>>) dst(%dma_wait3A_152 : memref<40x128xf32, #tpu.memory_space<vmem>>)
        tpu.yield
      }) : () -> ()
      %scan3A_129 = arith.constant 0 : i32
      %scan3A_130 = arith.constant 40 : i32
      %scan3A_131 = arith.addi %scan3A_129, %scan3A_130 : i32
      %scan3A_132 = arith.constant 1 : i32
      scf.for %scan3A_137 = %scan3A_129 to %scan3A_131 step %scan3A_132  : i32 {
        %mul3A_138 = arith.constant 1 : i32
        %mul3A_139 = arith.muli %scan3A_137, %mul3A_138 : i32
        %add3A_140 = arith.constant 0 : i32
        %add3A_141 = arith.addi %add3A_140, %mul3A_139 : i32
        %get3A = arith.index_cast %add3A_141 : i32 to index
        %get3A_142 = arith.constant 0 : index
        %get3A_143 = tpu.vector_load %arg12[%get3A, %get3A_142] {strides = array<i32>} : memref<128x128xf32, #tpu.memory_space<vmem>>, vector<1x16xf32>,
        %get3A_144 = vector.shape_cast %get3A_143 : vector<1x16xf32> to vector<16xf32>
        %max3A = arith.constant 1.000000e+00 : f32
        %max3A_145 = vector.broadcast %max3A : f32 to vector<16xf32>
        %max3A_146 = arith.maximumf %get3A_144, %max3A_145 : vector<16xf32>
        %div3A = arith.constant 1.000000e+00 : f32
        %div3A_147 = vector.broadcast %div3A : f32 to vector<16xf32>
        %div3A_148 = arith.divf %div3A_147, %max3A_146 : vector<16xf32>
        %swap3A = arith.index_cast %add3A_141 : i32 to index
        %swap3A_149 = arith.constant 0 : index
        %swap3A_150 = tpu.vector_load %arg13[%swap3A, %swap3A_149] {strides = array<i32>} : memref<128x128xf32, #tpu.memory_space<vmem>>, vector<1x16xf32>,
        %swap3A_151 = vector.shape_cast %swap3A_150 : vector<1x16xf32> to vector<16xf32>
        %swap3A_152 = vector.shape_cast %div3A_148 : vector<16xf32> to vector<1x16xf32>
        tpu.vector_store %arg13[%swap3A, %swap3A_149], %swap3A_152 {strides = array<i32>} : memref<128x128xf32, #tpu.memory_space<vmem>>, vector<1x16xf32>,
        %swap3A_153 = arith.index_cast %add3A_141 : i32 to index
        %swap3A_154 = arith.constant 16 : index
        %swap3A_155 = tpu.vector_load %arg13[%swap3A_153, %swap3A_154] {strides = array<i32>} : memref<128x128xf32, #tpu.memory_space<vmem>>, vector<1x16xf32>,
        %swap3A_156 = vector.shape_cast %swap3A_155 : vector<1x16xf32> to vector<16xf32>
        %swap3A_157 = vector.shape_cast %div3A_148 : vector<16xf32> to vector<1x16xf32>
        tpu.vector_store %arg13[%swap3A_153, %swap3A_154], %swap3A_157 {strides = array<i32>} : memref<128x128xf32, #tpu.memory_space<vmem>>, vector<1x16xf32>,
        %swap3A_158 = arith.index_cast %add3A_141 : i32 to index
        %swap3A_159 = arith.constant 32 : index
        %swap3A_160 = tpu.vector_load %arg13[%swap3A_158, %swap3A_159] {strides = array<i32>} : memref<128x128xf32, #tpu.memory_space<vmem>>, vector<1x16xf32>,
        %swap3A_161 = vector.shape_cast %swap3A_160 : vector<1x16xf32> to vector<16xf32>
        %swap3A_162 = vector.shape_cast %div3A_148 : vector<16xf32> to vector<1x16xf32>
        tpu.vector_store %arg13[%swap3A_158, %swap3A_159], %swap3A_162 {strides = array<i32>} : memref<128x128xf32, #tpu.memory_space<vmem>>, vector<1x16xf32>,
        %swap3A_163 = arith.index_cast %add3A_141 : i32 to index
        %swap3A_164 = arith.constant 48 : index
        %swap3A_165 = tpu.vector_load %arg13[%swap3A_163, %swap3A_164] {strides = array<i32>} : memref<128x128xf32, #tpu.memory_space<vmem>>, vector<1x16xf32>,
        %swap3A_166 = vector.shape_cast %swap3A_165 : vector<1x16xf32> to vector<16xf32>
        %swap3A_167 = vector.shape_cast %div3A_148 : vector<16xf32> to vector<1x16xf32>
        tpu.vector_store %arg13[%swap3A_163, %swap3A_164], %swap3A_167 {strides = array<i32>} : memref<128x128xf32, #tpu.memory_space<vmem>>, vector<1x16xf32>,
        %swap3A_168 = arith.index_cast %add3A_141 : i32 to index
        %swap3A_169 = arith.constant 64 : index
        %swap3A_170 = tpu.vector_load %arg13[%swap3A_168, %swap3A_169] {strides = array<i32>} : memref<128x128xf32, #tpu.memory_space<vmem>>, vector<1x16xf32>,
        %swap3A_171 = vector.shape_cast %swap3A_170 : vector<1x16xf32> to vector<16xf32>
        %swap3A_172 = vector.shape_cast %div3A_148 : vector<16xf32> to vector<1x16xf32>
        tpu.vector_store %arg13[%swap3A_168, %swap3A_169], %swap3A_172 {strides = array<i32>} : memref<128x128xf32, #tpu.memory_space<vmem>>, vector<1x16xf32>,
        %swap3A_173 = arith.index_cast %add3A_141 : i32 to index
        %swap3A_174 = arith.constant 80 : index
        %swap3A_175 = tpu.vector_load %arg13[%swap3A_173, %swap3A_174] {strides = array<i32>} : memref<128x128xf32, #tpu.memory_space<vmem>>, vector<1x16xf32>,
        %swap3A_176 = vector.shape_cast %swap3A_175 : vector<1x16xf32> to vector<16xf32>
        %swap3A_177 = vector.shape_cast %div3A_148 : vector<16xf32> to vector<1x16xf32>
        tpu.vector_store %arg13[%swap3A_173, %swap3A_174], %swap3A_177 {strides = array<i32>} : memref<128x128xf32, #tpu.memory_space<vmem>>, vector<1x16xf32>,
        %swap3A_178 = arith.index_cast %add3A_141 : i32 to index
        %swap3A_179 = arith.constant 96 : index
        %swap3A_180 = tpu.vector_load %arg13[%swap3A_178, %swap3A_179] {strides = array<i32>} : memref<128x128xf32, #tpu.memory_space<vmem>>, vector<1x16xf32>,
        %swap3A_181 = vector.shape_cast %swap3A_180 : vector<1x16xf32> to vector<16xf32>
        %swap3A_182 = vector.shape_cast %div3A_148 : vector<16xf32> to vector<1x16xf32>
        tpu.vector_store %arg13[%swap3A_178, %swap3A_179], %swap3A_182 {strides = array<i32>} : memref<128x128xf32, #tpu.memory_space<vmem>>, vector<1x16xf32>,
        %swap3A_183 = arith.index_cast %add3A_141 : i32 to index
        %swap3A_184 = arith.constant 112 : index
        %swap3A_185 = tpu.vector_load %arg13[%swap3A_183, %swap3A_184] {strides = array<i32>} : memref<128x128xf32, #tpu.memory_space<vmem>>, vector<1x16xf32>,
        %swap3A_186 = vector.shape_cast %swap3A_185 : vector<1x16xf32> to vector<16xf32>
        %swap3A_187 = vector.shape_cast %div3A_148 : vector<16xf32> to vector<1x16xf32>
        tpu.vector_store %arg13[%swap3A_183, %swap3A_184], %swap3A_187 {strides = array<i32>} : memref<128x128xf32, #tpu.memory_space<vmem>>, vector<1x16xf32>,
      }
      %scan3A_133 = arith.constant 40 : i32
      %mul3A_134 = arith.constant 40 : i32
      %mul3A_135 = arith.muli %add3A_125, %mul3A_134 : i32
      %add3A_136 = arith.addi %add3A_9, %mul3A_135 : i32
      "tpu.region"() ({
        %run_scoped3A = tpu.sem_alloc : memref<!tpu.dma_semaphore, #tpu.memory_space<semaphore_mem>>
        %dma_start3A = arith.constant 0 : i32
        %dma_start3A_137 = arith.constant 0 : i32
        %dma_start3A_138 = tpu.memref_slice %arg13[%dma_start3A, %dma_start3A_137] : memref<128x128xf32, #tpu.memory_space<vmem>> -> memref<40x128xf32, #tpu.memory_space<vmem>>
        %dma_start3A_139 = arith.constant 0 : i32
        %dma_start3A_140 = tpu.memref_slice %arg9[%add3A_136, %dma_start3A_139] : memref<20480x128xf32, #tpu.memory_space<hbm>> -> memref<40x128xf32, #tpu.memory_space<hbm>>
        %dma_start3A_141 = arith.constant 0 : i32
        %dma_start3A_142 = tpu.memref_slice %arg9[%add3A_136, %dma_start3A_141] : memref<20480x128xf32, #tpu.memory_space<hbm>> -> memref<40x128xf32, #tpu.memory_space<hbm>>
        %dma_start3A_143 = arith.constant 0 : i32
        %dma_start3A_144 = arith.constant 0 : i32
        %dma_start3A_145 = tpu.memref_slice %arg13[%dma_start3A_143, %dma_start3A_144] : memref<128x128xf32, #tpu.memory_space<vmem>> -> memref<40x128xf32, #tpu.memory_space<vmem>>
        tpu.enqueue_dma source(%dma_start3A_145 : memref<40x128xf32, #tpu.memory_space<vmem>>) target(%dma_start3A_142 : memref<40x128xf32, #tpu.memory_space<hbm>>) target_semaphore(%run_scoped3A : memref<!tpu.dma_semaphore, #tpu.memory_space<semaphore_mem>>)
        %dma_wait3A = arith.constant 0 : i32
        %dma_wait3A_146 = arith.constant 0 : i32
        %dma_wait3A_147 = tpu.memref_slice %arg13[%dma_wait3A, %dma_wait3A_146] : memref<128x128xf32, #tpu.memory_space<vmem>> -> memref<40x128xf32, #tpu.memory_space<vmem>>
        %dma_wait3A_148 = arith.constant 0 : i32
        %dma_wait3A_149 = tpu.memref_slice %arg9[%add3A_136, %dma_wait3A_148] : memref<20480x128xf32, #tpu.memory_space<hbm>> -> memref<40x128xf32, #tpu.memory_space<hbm>>
        %dma_wait3A_150 = arith.constant 0 : i32
        %dma_wait3A_151 = tpu.memref_slice %arg9[%add3A_136, %dma_wait3A_150] : memref<20480x128xf32, #tpu.memory_space<hbm>> -> memref<40x128xf32, #tpu.memory_space<hbm>>
        %dma_wait3A_152 = arith.constant 0 : i32
        %dma_wait3A_153 = arith.constant 0 : i32
        %dma_wait3A_154 = tpu.memref_slice %arg13[%dma_wait3A_152, %dma_wait3A_153] : memref<128x128xf32, #tpu.memory_space<vmem>> -> memref<40x128xf32, #tpu.memory_space<vmem>>
        tpu.wait_dma2 semaphore(%run_scoped3A : memref<!tpu.dma_semaphore, #tpu.memory_space<semaphore_mem>>) src(%dma_wait3A_154 : memref<40x128xf32, #tpu.memory_space<vmem>>) dst(%dma_wait3A_151 : memref<40x128xf32, #tpu.memory_space<hbm>>)
        tpu.yield
      }) : () -> ()
    }
    %scan3A_94 = arith.constant 16 : i32
    %barrier3A_95 = arith.constant 0 : index
    tpu.barrier barrier_id(%barrier3A_95)
    %broadcast_in_dim3A_96 = arith.constant 0.000000e+00 : f32
    "tpu.trace_stop"() : () -> ()
    "tpu.trace_start"() <{level = 10 : i32, message = "zero2"}> : () -> ()
    %broadcast_in_dim3A_97 = vector.broadcast %broadcast_in_dim3A_96 : f32 to vector<16xf32>
    %scan3A_98 = arith.constant 0 : i32
    %scan3A_99 = arith.constant 128 : i32
    %scan3A_100 = arith.addi %scan3A_98, %scan3A_99 : i32
    %scan3A_101 = arith.constant 1 : i32
    scf.for %scan3A_121 = %scan3A_98 to %scan3A_100 step %scan3A_101  : i32 {
      %mul3A_122 = arith.constant 1 : i32
      %mul3A_123 = arith.muli %scan3A_121, %mul3A_122 : i32
      %add3A_124 = arith.constant 0 : i32
      %add3A_125 = arith.addi %add3A_124, %mul3A_123 : i32
      %swap3A = arith.index_cast %add3A_125 : i32 to index
      %swap3A_126 = arith.constant 0 : index
      %swap3A_127 = tpu.vector_load %arg12[%swap3A, %swap3A_126] {strides = array<i32>} : memref<128x128xf32, #tpu.memory_space<vmem>>, vector<1x16xf32>,
      %swap3A_128 = vector.shape_cast %swap3A_127 : vector<1x16xf32> to vector<16xf32>
      %swap3A_129 = vector.shape_cast %broadcast_in_dim3A_97 : vector<16xf32> to vector<1x16xf32>
      tpu.vector_store %arg12[%swap3A, %swap3A_126], %swap3A_129 {strides = array<i32>} : memref<128x128xf32, #tpu.memory_space<vmem>>, vector<1x16xf32>,
      %swap3A_130 = arith.index_cast %add3A_125 : i32 to index
      %swap3A_131 = arith.constant 16 : index
      %swap3A_132 = tpu.vector_load %arg12[%swap3A_130, %swap3A_131] {strides = array<i32>} : memref<128x128xf32, #tpu.memory_space<vmem>>, vector<1x16xf32>,
      %swap3A_133 = vector.shape_cast %swap3A_132 : vector<1x16xf32> to vector<16xf32>
      %swap3A_134 = vector.shape_cast %broadcast_in_dim3A_97 : vector<16xf32> to vector<1x16xf32>
      tpu.vector_store %arg12[%swap3A_130, %swap3A_131], %swap3A_134 {strides = array<i32>} : memref<128x128xf32, #tpu.memory_space<vmem>>, vector<1x16xf32>,
      %swap3A_135 = arith.index_cast %add3A_125 : i32 to index
      %swap3A_136 = arith.constant 32 : index
      %swap3A_137 = tpu.vector_load %arg12[%swap3A_135, %swap3A_136] {strides = array<i32>} : memref<128x128xf32, #tpu.memory_space<vmem>>, vector<1x16xf32>,
      %swap3A_138 = vector.shape_cast %swap3A_137 : vector<1x16xf32> to vector<16xf32>
      %swap3A_139 = vector.shape_cast %broadcast_in_dim3A_97 : vector<16xf32> to vector<1x16xf32>
      tpu.vector_store %arg12[%swap3A_135, %swap3A_136], %swap3A_139 {strides = array<i32>} : memref<128x128xf32, #tpu.memory_space<vmem>>, vector<1x16xf32>,
      %swap3A_140 = arith.index_cast %add3A_125 : i32 to index
      %swap3A_141 = arith.constant 48 : index
      %swap3A_142 = tpu.vector_load %arg12[%swap3A_140, %swap3A_141] {strides = array<i32>} : memref<128x128xf32, #tpu.memory_space<vmem>>, vector<1x16xf32>,
      %swap3A_143 = vector.shape_cast %swap3A_142 : vector<1x16xf32> to vector<16xf32>
      %swap3A_144 = vector.shape_cast %broadcast_in_dim3A_97 : vector<16xf32> to vector<1x16xf32>
      tpu.vector_store %arg12[%swap3A_140, %swap3A_141], %swap3A_144 {strides = array<i32>} : memref<128x128xf32, #tpu.memory_space<vmem>>, vector<1x16xf32>,
      %swap3A_145 = arith.index_cast %add3A_125 : i32 to index
      %swap3A_146 = arith.constant 64 : index
      %swap3A_147 = tpu.vector_load %arg12[%swap3A_145, %swap3A_146] {strides = array<i32>} : memref<128x128xf32, #tpu.memory_space<vmem>>, vector<1x16xf32>,
      %swap3A_148 = vector.shape_cast %swap3A_147 : vector<1x16xf32> to vector<16xf32>
      %swap3A_149 = vector.shape_cast %broadcast_in_dim3A_97 : vector<16xf32> to vector<1x16xf32>
      tpu.vector_store %arg12[%swap3A_145, %swap3A_146], %swap3A_149 {strides = array<i32>} : memref<128x128xf32, #tpu.memory_space<vmem>>, vector<1x16xf32>,
      %swap3A_150 = arith.index_cast %add3A_125 : i32 to index
      %swap3A_151 = arith.constant 80 : index
      %swap3A_152 = tpu.vector_load %arg12[%swap3A_150, %swap3A_151] {strides = array<i32>} : memref<128x128xf32, #tpu.memory_space<vmem>>, vector<1x16xf32>,
      %swap3A_153 = vector.shape_cast %swap3A_152 : vector<1x16xf32> to vector<16xf32>
      %swap3A_154 = vector.shape_cast %broadcast_in_dim3A_97 : vector<16xf32> to vector<1x16xf32>
      tpu.vector_store %arg12[%swap3A_150, %swap3A_151], %swap3A_154 {strides = array<i32>} : memref<128x128xf32, #tpu.memory_space<vmem>>, vector<1x16xf32>,
      %swap3A_155 = arith.index_cast %add3A_125 : i32 to index
      %swap3A_156 = arith.constant 96 : index
      %swap3A_157 = tpu.vector_load %arg12[%swap3A_155, %swap3A_156] {strides = array<i32>} : memref<128x128xf32, #tpu.memory_space<vmem>>, vector<1x16xf32>,
      %swap3A_158 = vector.shape_cast %swap3A_157 : vector<1x16xf32> to vector<16xf32>
      %swap3A_159 = vector.shape_cast %broadcast_in_dim3A_97 : vector<16xf32> to vector<1x16xf32>
      tpu.vector_store %arg12[%swap3A_155, %swap3A_156], %swap3A_159 {strides = array<i32>} : memref<128x128xf32, #tpu.memory_space<vmem>>, vector<1x16xf32>,
      %swap3A_160 = arith.index_cast %add3A_125 : i32 to index
      %swap3A_161 = arith.constant 112 : index
      %swap3A_162 = tpu.vector_load %arg12[%swap3A_160, %swap3A_161] {strides = array<i32>} : memref<128x128xf32, #tpu.memory_space<vmem>>, vector<1x16xf32>,
      %swap3A_163 = vector.shape_cast %swap3A_162 : vector<1x16xf32> to vector<16xf32>
      %swap3A_164 = vector.shape_cast %broadcast_in_dim3A_97 : vector<16xf32> to vector<1x16xf32>
      tpu.vector_store %arg12[%swap3A_160, %swap3A_161], %swap3A_164 {strides = array<i32>} : memref<128x128xf32, #tpu.memory_space<vmem>>, vector<1x16xf32>,
    }
    %scan3A_102 = arith.constant 128 : i32
    %scan3A_103 = arith.constant 0 : i32
    %scan3A_104 = arith.constant 5 : i32
    %scan3A_105 = arith.addi %scan3A_103, %scan3A_104 : i32
    %scan3A_106 = arith.constant 1 : i32
    scf.for %scan3A_121 = %scan3A_103 to %scan3A_105 step %scan3A_106  : i32 {
      %mul3A_122 = arith.constant 1 : i32
      %mul3A_123 = arith.muli %scan3A_121, %mul3A_122 : i32
      %add3A_124 = arith.constant 0 : i32
      %add3A_125 = arith.addi %add3A_124, %mul3A_123 : i32
      %mul3A_126 = arith.constant 128 : i32
      %mul3A_127 = arith.muli %add3A_125, %mul3A_126 : i32
      %add3A_128 = arith.addi %mul3A_4, %mul3A_127 : i32
      "tpu.region"() ({
        %run_scoped3A = tpu.sem_alloc : memref<!tpu.dma_semaphore, #tpu.memory_space<semaphore_mem>>
        %dma_start3A = arith.constant 0 : i32
        %dma_start3A_129 = tpu.memref_slice %arg14[%add3A_128, %dma_start3A] : memref<10240x128xf32, #tpu.memory_space<vmem_shared>> -> memref<128x128xf32, #tpu.memory_space<vmem_shared>>
        %dma_start3A_130 = arith.constant 0 : i32
        %dma_start3A_131 = tpu.memref_slice %arg14[%add3A_128, %dma_start3A_130] : memref<10240x128xf32, #tpu.memory_space<vmem_shared>> -> memref<128x128xf32, #tpu.memory_space<vmem_shared>>
        tpu.enqueue_dma source(%arg12 : memref<128x128xf32, #tpu.memory_space<vmem>>) target(%dma_start3A_131 : memref<128x128xf32, #tpu.memory_space<vmem_shared>>) target_semaphore(%run_scoped3A : memref<!tpu.dma_semaphore, #tpu.memory_space<semaphore_mem>>)
        %dma_wait3A = arith.constant 0 : i32
        %dma_wait3A_132 = tpu.memref_slice %arg14[%add3A_128, %dma_wait3A] : memref<10240x128xf32, #tpu.memory_space<vmem_shared>> -> memref<128x128xf32, #tpu.memory_space<vmem_shared>>
        %dma_wait3A_133 = arith.constant 0 : i32
        %dma_wait3A_134 = tpu.memref_slice %arg14[%add3A_128, %dma_wait3A_133] : memref<10240x128xf32, #tpu.memory_space<vmem_shared>> -> memref<128x128xf32, #tpu.memory_space<vmem_shared>>
        tpu.wait_dma2 semaphore(%run_scoped3A : memref<!tpu.dma_semaphore, #tpu.memory_space<semaphore_mem>>) src(%arg12 : memref<128x128xf32, #tpu.memory_space<vmem>>) dst(%dma_wait3A_134 : memref<128x128xf32, #tpu.memory_space<vmem_shared>>)
        tpu.yield
      }) : () -> ()
    }
    %scan3A_107 = arith.constant 5 : i32
    %barrier3A_108 = arith.constant 0 : index
    tpu.barrier barrier_id(%barrier3A_108)
    "tpu.trace_stop"() : () -> ()
    %scan3A_109 = arith.constant 0 : i32
    %scan3A_110 = arith.constant 10 : i32
    %scan3A_111 = arith.addi %scan3A_109, %scan3A_110 : i32
    %scan3A_112 = arith.constant 1 : i32
    scf.for %scan3A_121 = %scan3A_109 to %scan3A_111 step %scan3A_112  : i32 {
      %mul3A_122 = arith.constant 1 : i32
      %mul3A_123 = arith.muli %scan3A_121, %mul3A_122 : i32
      %add3A_124 = arith.constant 0 : i32
      %add3A_125 = arith.addi %add3A_124, %mul3A_123 : i32
      %mul3A_126 = arith.constant 16 : i32
      %mul3A_127 = arith.muli %add3A_125, %mul3A_126 : i32
      %mul3A_128 = arith.constant 128 : i32
      %mul3A_129 = arith.muli %mul3A_127, %mul3A_128 : i32
      %add3A_130 = arith.addi %mul3A_2, %mul3A_129 : i32
      "tpu.region"() ({
        %run_scoped3A = tpu.sem_alloc : memref<!tpu.dma_semaphore, #tpu.memory_space<semaphore_mem>>
        %dma_start3A_294 = tpu.memref_slice %arg6[%add3A_130] : memref<655360xi32, #tpu.memory_space<hbm>> -> memref<2048xi32, #tpu.memory_space<hbm>>
        %dma_start3A_295 = tpu.memref_slice %arg6[%add3A_130] : memref<655360xi32, #tpu.memory_space<hbm>> -> memref<2048xi32, #tpu.memory_space<hbm>>
        tpu.enqueue_dma source(%dma_start3A_295 : memref<2048xi32, #tpu.memory_space<hbm>>) target(%arg10 : memref<2048xi32, #tpu.memory_space<vmem>>) target_semaphore(%run_scoped3A : memref<!tpu.dma_semaphore, #tpu.memory_space<semaphore_mem>>)
        %dma_wait3A_296 = tpu.memref_slice %arg6[%add3A_130] : memref<655360xi32, #tpu.memory_space<hbm>> -> memref<2048xi32, #tpu.memory_space<hbm>>
        %dma_wait3A_297 = tpu.memref_slice %arg6[%add3A_130] : memref<655360xi32, #tpu.memory_space<hbm>> -> memref<2048xi32, #tpu.memory_space<hbm>>
        tpu.wait_dma2 semaphore(%run_scoped3A : memref<!tpu.dma_semaphore, #tpu.memory_space<semaphore_mem>>) src(%dma_wait3A_297 : memref<2048xi32, #tpu.memory_space<hbm>>) dst(%arg10 : memref<2048xi32, #tpu.memory_space<vmem>>)
        tpu.yield
      }) : () -> ()
      %mul3A_131 = arith.constant 16 : i32
      %mul3A_132 = arith.muli %add3A_125, %mul3A_131 : i32
      %mul3A_133 = arith.constant 128 : i32
      %mul3A_134 = arith.muli %mul3A_132, %mul3A_133 : i32
      %add3A_135 = arith.addi %mul3A_2, %mul3A_134 : i32
      "tpu.region"() ({
        %run_scoped3A = tpu.sem_alloc : memref<!tpu.dma_semaphore, #tpu.memory_space<semaphore_mem>>
        %dma_start3A_294 = tpu.memref_slice %arg7[%add3A_135] : memref<655360xi32, #tpu.memory_space<hbm>> -> memref<2048xi32, #tpu.memory_space<hbm>>
        %dma_start3A_295 = tpu.memref_slice %arg7[%add3A_135] : memref<655360xi32, #tpu.memory_space<hbm>> -> memref<2048xi32, #tpu.memory_space<hbm>>
        tpu.enqueue_dma source(%dma_start3A_295 : memref<2048xi32, #tpu.memory_space<hbm>>) target(%arg11 : memref<2048xi32, #tpu.memory_space<vmem>>) target_semaphore(%run_scoped3A : memref<!tpu.dma_semaphore, #tpu.memory_space<semaphore_mem>>)
        %dma_wait3A_296 = tpu.memref_slice %arg7[%add3A_135] : memref<655360xi32, #tpu.memory_space<hbm>> -> memref<2048xi32, #tpu.memory_space<hbm>>
        %dma_wait3A_297 = tpu.memref_slice %arg7[%add3A_135] : memref<655360xi32, #tpu.memory_space<hbm>> -> memref<2048xi32, #tpu.memory_space<hbm>>
        tpu.wait_dma2 semaphore(%run_scoped3A : memref<!tpu.dma_semaphore, #tpu.memory_space<semaphore_mem>>) src(%dma_wait3A_297 : memref<2048xi32, #tpu.memory_space<hbm>>) dst(%arg11 : memref<2048xi32, #tpu.memory_space<vmem>>)
        tpu.yield
      }) : () -> ()
      %dma_start3A = arith.constant 0 : i32
      %dma_start3A_136 = tpu.memref_slice %arg10[%dma_start3A] : memref<2048xi32, #tpu.memory_space<vmem>> -> memref<128xi32, #tpu.memory_space<vmem>>
      %dma_start3A_137 = arith.constant 0 : i32
      %dma_start3A_138 = arith.constant 0 : i32
      %dma_start3A_139 = tpu.memref_slice %arg3[%dma_start3A_137, %dma_start3A_138] : memref<20000x128xf32, #tpu.memory_space<hbm>> -> memref<20000x128xf32, #tpu.memory_space<hbm>>
      tpu.enqueue_indirect_dma source(%dma_start3A_139 : memref<20000x128xf32, #tpu.memory_space<hbm>>) target(%arg12 : memref<128x128xf32, #tpu.memory_space<vmem>>) offsets(%dma_start3A_136 : memref<128xi32, #tpu.memory_space<vmem>>) semaphore(%arg15 : memref<!tpu.dma_semaphore, #tpu.memory_space<semaphore_mem>>)
      %dma_start3A_140 = arith.constant 128 : i32
      %dma_start3A_141 = tpu.memref_slice %arg10[%dma_start3A_140] : memref<2048xi32, #tpu.memory_space<vmem>> -> memref<128xi32, #tpu.memory_space<vmem>>
      %dma_start3A_142 = arith.constant 0 : i32
      %dma_start3A_143 = arith.constant 0 : i32
      %dma_start3A_144 = tpu.memref_slice %arg3[%dma_start3A_142, %dma_start3A_143] : memref<20000x128xf32, #tpu.memory_space<hbm>> -> memref<20000x128xf32, #tpu.memory_space<hbm>>
      tpu.enqueue_indirect_dma source(%dma_start3A_144 : memref<20000x128xf32, #tpu.memory_space<hbm>>) target(%arg13 : memref<128x128xf32, #tpu.memory_space<vmem>>) offsets(%dma_start3A_141 : memref<128xi32, #tpu.memory_space<vmem>>) semaphore(%arg16 : memref<!tpu.dma_semaphore, #tpu.memory_space<semaphore_mem>>)
      %dma_wait3A = arith.constant 0 : i32
      %dma_wait3A_145 = tpu.memref_slice %arg10[%dma_wait3A] : memref<2048xi32, #tpu.memory_space<vmem>> -> memref<128xi32, #tpu.memory_space<vmem>>
      %dma_wait3A_146 = arith.constant 0 : i32
      %dma_wait3A_147 = arith.constant 0 : i32
      %dma_wait3A_148 = tpu.memref_slice %arg3[%dma_wait3A_146, %dma_wait3A_147] : memref<20000x128xf32, #tpu.memory_space<hbm>> -> memref<20000x128xf32, #tpu.memory_space<hbm>>
      tpu.wait_indirect_dma semaphore(%arg15 : memref<!tpu.dma_semaphore, #tpu.memory_space<semaphore_mem>>) src(%dma_wait3A_148 : memref<20000x128xf32, #tpu.memory_space<hbm>>) dst(%arg12 : memref<128x128xf32, #tpu.memory_space<vmem>>)
      "tpu.region"() ({
        %run_scoped3A = tpu.sem_alloc : memref<!tpu.dma_semaphore, #tpu.memory_space<semaphore_mem>>
        %dma_start3A_294 = arith.constant 0 : i32
        %dma_start3A_295 = tpu.memref_slice %arg11[%dma_start3A_294] : memref<2048xi32, #tpu.memory_space<vmem>> -> memref<128xi32, #tpu.memory_space<vmem>>
        %dma_start3A_296 = arith.constant 0 : i32
        %dma_start3A_297 = arith.constant 0 : i32
        %dma_start3A_298 = tpu.memref_slice %arg14[%dma_start3A_296, %dma_start3A_297] : memref<10240x128xf32, #tpu.memory_space<vmem_shared>> -> memref<10240x128xf32, #tpu.memory_space<vmem_shared>>
        tpu.enqueue_indirect_dma source(%arg12 : memref<128x128xf32, #tpu.memory_space<vmem>>) target(%dma_start3A_298 : memref<10240x128xf32, #tpu.memory_space<vmem_shared>>) offsets(%dma_start3A_295 : memref<128xi32, #tpu.memory_space<vmem>>) semaphore(%run_scoped3A : memref<!tpu.dma_semaphore, #tpu.memory_space<semaphore_mem>>) {add = true}
        %dma_wait3A_299 = arith.constant 0 : i32
        %dma_wait3A_300 = tpu.memref_slice %arg11[%dma_wait3A_299] : memref<2048xi32, #tpu.memory_space<vmem>> -> memref<128xi32, #tpu.memory_space<vmem>>
        %dma_wait3A_301 = arith.constant 0 : i32
        %dma_wait3A_302 = arith.constant 0 : i32
        %dma_wait3A_303 = tpu.memref_slice %arg14[%dma_wait3A_301, %dma_wait3A_302] : memref<10240x128xf32, #tpu.memory_space<vmem_shared>> -> memref<10240x128xf32, #tpu.memory_space<vmem_shared>>
        tpu.wait_indirect_dma semaphore(%run_scoped3A : memref<!tpu.dma_semaphore, #tpu.memory_space<semaphore_mem>>) src(%arg12 : memref<128x128xf32, #tpu.memory_space<vmem>>) dst(%dma_wait3A_303 : memref<10240x128xf32, #tpu.memory_space<vmem_shared>>)
        tpu.yield
      }) : () -> ()
      %dma_start3A_149 = arith.constant 256 : i32
      %dma_start3A_150 = tpu.memref_slice %arg10[%dma_start3A_149] : memref<2048xi32, #tpu.memory_space<vmem>> -> memref<128xi32, #tpu.memory_space<vmem>>
      %dma_start3A_151 = arith.constant 0 : i32
      %dma_start3A_152 = arith.constant 0 : i32
      %dma_start3A_153 = tpu.memref_slice %arg3[%dma_start3A_151, %dma_start3A_152] : memref<20000x128xf32, #tpu.memory_space<hbm>> -> memref<20000x128xf32, #tpu.memory_space<hbm>>
      tpu.enqueue_indirect_dma source(%dma_start3A_153 : memref<20000x128xf32, #tpu.memory_space<hbm>>) target(%arg12 : memref<128x128xf32, #tpu.memory_space<vmem>>) offsets(%dma_start3A_150 : memref<128xi32, #tpu.memory_space<vmem>>) semaphore(%arg15 : memref<!tpu.dma_semaphore, #tpu.memory_space<semaphore_mem>>)
      %dma_wait3A_154 = arith.constant 128 : i32
      %dma_wait3A_155 = tpu.memref_slice %arg10[%dma_wait3A_154] : memref<2048xi32, #tpu.memory_space<vmem>> -> memref<128xi32, #tpu.memory_space<vmem>>
      %dma_wait3A_156 = arith.constant 0 : i32
      %dma_wait3A_157 = arith.constant 0 : i32
      %dma_wait3A_158 = tpu.memref_slice %arg3[%dma_wait3A_156, %dma_wait3A_157] : memref<20000x128xf32, #tpu.memory_space<hbm>> -> memref<20000x128xf32, #tpu.memory_space<hbm>>
      tpu.wait_indirect_dma semaphore(%arg16 : memref<!tpu.dma_semaphore, #tpu.memory_space<semaphore_mem>>) src(%dma_wait3A_158 : memref<20000x128xf32, #tpu.memory_space<hbm>>) dst(%arg13 : memref<128x128xf32, #tpu.memory_space<vmem>>)
      "tpu.region"() ({
        %run_scoped3A = tpu.sem_alloc : memref<!tpu.dma_semaphore, #tpu.memory_space<semaphore_mem>>
        %dma_start3A_294 = arith.constant 128 : i32
        %dma_start3A_295 = tpu.memref_slice %arg11[%dma_start3A_294] : memref<2048xi32, #tpu.memory_space<vmem>> -> memref<128xi32, #tpu.memory_space<vmem>>
        %dma_start3A_296 = arith.constant 0 : i32
        %dma_start3A_297 = arith.constant 0 : i32
        %dma_start3A_298 = tpu.memref_slice %arg14[%dma_start3A_296, %dma_start3A_297] : memref<10240x128xf32, #tpu.memory_space<vmem_shared>> -> memref<10240x128xf32, #tpu.memory_space<vmem_shared>>
        tpu.enqueue_indirect_dma source(%arg13 : memref<128x128xf32, #tpu.memory_space<vmem>>) target(%dma_start3A_298 : memref<10240x128xf32, #tpu.memory_space<vmem_shared>>) offsets(%dma_start3A_295 : memref<128xi32, #tpu.memory_space<vmem>>) semaphore(%run_scoped3A : memref<!tpu.dma_semaphore, #tpu.memory_space<semaphore_mem>>) {add = true}
        %dma_wait3A_299 = arith.constant 128 : i32
        %dma_wait3A_300 = tpu.memref_slice %arg11[%dma_wait3A_299] : memref<2048xi32, #tpu.memory_space<vmem>> -> memref<128xi32, #tpu.memory_space<vmem>>
        %dma_wait3A_301 = arith.constant 0 : i32
        %dma_wait3A_302 = arith.constant 0 : i32
        %dma_wait3A_303 = tpu.memref_slice %arg14[%dma_wait3A_301, %dma_wait3A_302] : memref<10240x128xf32, #tpu.memory_space<vmem_shared>> -> memref<10240x128xf32, #tpu.memory_space<vmem_shared>>
        tpu.wait_indirect_dma semaphore(%run_scoped3A : memref<!tpu.dma_semaphore, #tpu.memory_space<semaphore_mem>>) src(%arg13 : memref<128x128xf32, #tpu.memory_space<vmem>>) dst(%dma_wait3A_303 : memref<10240x128xf32, #tpu.memory_space<vmem_shared>>)
        tpu.yield
      }) : () -> ()
      %dma_start3A_159 = arith.constant 384 : i32
      %dma_start3A_160 = tpu.memref_slice %arg10[%dma_start3A_159] : memref<2048xi32, #tpu.memory_space<vmem>> -> memref<128xi32, #tpu.memory_space<vmem>>
      %dma_start3A_161 = arith.constant 0 : i32
      %dma_start3A_162 = arith.constant 0 : i32
      %dma_start3A_163 = tpu.memref_slice %arg3[%dma_start3A_161, %dma_start3A_162] : memref<20000x128xf32, #tpu.memory_space<hbm>> -> memref<20000x128xf32, #tpu.memory_space<hbm>>
      tpu.enqueue_indirect_dma source(%dma_start3A_163 : memref<20000x128xf32, #tpu.memory_space<hbm>>) target(%arg13 : memref<128x128xf32, #tpu.memory_space<vmem>>) offsets(%dma_start3A_160 : memref<128xi32, #tpu.memory_space<vmem>>) semaphore(%arg16 : memref<!tpu.dma_semaphore, #tpu.memory_space<semaphore_mem>>)
      %dma_wait3A_164 = arith.constant 256 : i32
      %dma_wait3A_165 = tpu.memref_slice %arg10[%dma_wait3A_164] : memref<2048xi32, #tpu.memory_space<vmem>> -> memref<128xi32, #tpu.memory_space<vmem>>
      %dma_wait3A_166 = arith.constant 0 : i32
      %dma_wait3A_167 = arith.constant 0 : i32
      %dma_wait3A_168 = tpu.memref_slice %arg3[%dma_wait3A_166, %dma_wait3A_167] : memref<20000x128xf32, #tpu.memory_space<hbm>> -> memref<20000x128xf32, #tpu.memory_space<hbm>>
      tpu.wait_indirect_dma semaphore(%arg15 : memref<!tpu.dma_semaphore, #tpu.memory_space<semaphore_mem>>) src(%dma_wait3A_168 : memref<20000x128xf32, #tpu.memory_space<hbm>>) dst(%arg12 : memref<128x128xf32, #tpu.memory_space<vmem>>)
      "tpu.region"() ({
        %run_scoped3A = tpu.sem_alloc : memref<!tpu.dma_semaphore, #tpu.memory_space<semaphore_mem>>
        %dma_start3A_294 = arith.constant 256 : i32
        %dma_start3A_295 = tpu.memref_slice %arg11[%dma_start3A_294] : memref<2048xi32, #tpu.memory_space<vmem>> -> memref<128xi32, #tpu.memory_space<vmem>>
        %dma_start3A_296 = arith.constant 0 : i32
        %dma_start3A_297 = arith.constant 0 : i32
        %dma_start3A_298 = tpu.memref_slice %arg14[%dma_start3A_296, %dma_start3A_297] : memref<10240x128xf32, #tpu.memory_space<vmem_shared>> -> memref<10240x128xf32, #tpu.memory_space<vmem_shared>>
        tpu.enqueue_indirect_dma source(%arg12 : memref<128x128xf32, #tpu.memory_space<vmem>>) target(%dma_start3A_298 : memref<10240x128xf32, #tpu.memory_space<vmem_shared>>) offsets(%dma_start3A_295 : memref<128xi32, #tpu.memory_space<vmem>>) semaphore(%run_scoped3A : memref<!tpu.dma_semaphore, #tpu.memory_space<semaphore_mem>>) {add = true}
        %dma_wait3A_299 = arith.constant 256 : i32
        %dma_wait3A_300 = tpu.memref_slice %arg11[%dma_wait3A_299] : memref<2048xi32, #tpu.memory_space<vmem>> -> memref<128xi32, #tpu.memory_space<vmem>>
        %dma_wait3A_301 = arith.constant 0 : i32
        %dma_wait3A_302 = arith.constant 0 : i32
        %dma_wait3A_303 = tpu.memref_slice %arg14[%dma_wait3A_301, %dma_wait3A_302] : memref<10240x128xf32, #tpu.memory_space<vmem_shared>> -> memref<10240x128xf32, #tpu.memory_space<vmem_shared>>
        tpu.wait_indirect_dma semaphore(%run_scoped3A : memref<!tpu.dma_semaphore, #tpu.memory_space<semaphore_mem>>) src(%arg12 : memref<128x128xf32, #tpu.memory_space<vmem>>) dst(%dma_wait3A_303 : memref<10240x128xf32, #tpu.memory_space<vmem_shared>>)
        tpu.yield
      }) : () -> ()
      %dma_start3A_169 = arith.constant 512 : i32
      %dma_start3A_170 = tpu.memref_slice %arg10[%dma_start3A_169] : memref<2048xi32, #tpu.memory_space<vmem>> -> memref<128xi32, #tpu.memory_space<vmem>>
      %dma_start3A_171 = arith.constant 0 : i32
      %dma_start3A_172 = arith.constant 0 : i32
      %dma_start3A_173 = tpu.memref_slice %arg3[%dma_start3A_171, %dma_start3A_172] : memref<20000x128xf32, #tpu.memory_space<hbm>> -> memref<20000x128xf32, #tpu.memory_space<hbm>>
      tpu.enqueue_indirect_dma source(%dma_start3A_173 : memref<20000x128xf32, #tpu.memory_space<hbm>>) target(%arg12 : memref<128x128xf32, #tpu.memory_space<vmem>>) offsets(%dma_start3A_170 : memref<128xi32, #tpu.memory_space<vmem>>) semaphore(%arg15 : memref<!tpu.dma_semaphore, #tpu.memory_space<semaphore_mem>>)
      %dma_wait3A_174 = arith.constant 384 : i32
      %dma_wait3A_175 = tpu.memref_slice %arg10[%dma_wait3A_174] : memref<2048xi32, #tpu.memory_space<vmem>> -> memref<128xi32, #tpu.memory_space<vmem>>
      %dma_wait3A_176 = arith.constant 0 : i32
      %dma_wait3A_177 = arith.constant 0 : i32
      %dma_wait3A_178 = tpu.memref_slice %arg3[%dma_wait3A_176, %dma_wait3A_177] : memref<20000x128xf32, #tpu.memory_space<hbm>> -> memref<20000x128xf32, #tpu.memory_space<hbm>>
      tpu.wait_indirect_dma semaphore(%arg16 : memref<!tpu.dma_semaphore, #tpu.memory_space<semaphore_mem>>) src(%dma_wait3A_178 : memref<20000x128xf32, #tpu.memory_space<hbm>>) dst(%arg13 : memref<128x128xf32, #tpu.memory_space<vmem>>)
      "tpu.region"() ({
        %run_scoped3A = tpu.sem_alloc : memref<!tpu.dma_semaphore, #tpu.memory_space<semaphore_mem>>
        %dma_start3A_294 = arith.constant 384 : i32
        %dma_start3A_295 = tpu.memref_slice %arg11[%dma_start3A_294] : memref<2048xi32, #tpu.memory_space<vmem>> -> memref<128xi32, #tpu.memory_space<vmem>>
        %dma_start3A_296 = arith.constant 0 : i32
        %dma_start3A_297 = arith.constant 0 : i32
        %dma_start3A_298 = tpu.memref_slice %arg14[%dma_start3A_296, %dma_start3A_297] : memref<10240x128xf32, #tpu.memory_space<vmem_shared>> -> memref<10240x128xf32, #tpu.memory_space<vmem_shared>>
        tpu.enqueue_indirect_dma source(%arg13 : memref<128x128xf32, #tpu.memory_space<vmem>>) target(%dma_start3A_298 : memref<10240x128xf32, #tpu.memory_space<vmem_shared>>) offsets(%dma_start3A_295 : memref<128xi32, #tpu.memory_space<vmem>>) semaphore(%run_scoped3A : memref<!tpu.dma_semaphore, #tpu.memory_space<semaphore_mem>>) {add = true}
        %dma_wait3A_299 = arith.constant 384 : i32
        %dma_wait3A_300 = tpu.memref_slice %arg11[%dma_wait3A_299] : memref<2048xi32, #tpu.memory_space<vmem>> -> memref<128xi32, #tpu.memory_space<vmem>>
        %dma_wait3A_301 = arith.constant 0 : i32
        %dma_wait3A_302 = arith.constant 0 : i32
        %dma_wait3A_303 = tpu.memref_slice %arg14[%dma_wait3A_301, %dma_wait3A_302] : memref<10240x128xf32, #tpu.memory_space<vmem_shared>> -> memref<10240x128xf32, #tpu.memory_space<vmem_shared>>
        tpu.wait_indirect_dma semaphore(%run_scoped3A : memref<!tpu.dma_semaphore, #tpu.memory_space<semaphore_mem>>) src(%arg13 : memref<128x128xf32, #tpu.memory_space<vmem>>) dst(%dma_wait3A_303 : memref<10240x128xf32, #tpu.memory_space<vmem_shared>>)
        tpu.yield
      }) : () -> ()
      %dma_start3A_179 = arith.constant 640 : i32
      %dma_start3A_180 = tpu.memref_slice %arg10[%dma_start3A_179] : memref<2048xi32, #tpu.memory_space<vmem>> -> memref<128xi32, #tpu.memory_space<vmem>>
      %dma_start3A_181 = arith.constant 0 : i32
      %dma_start3A_182 = arith.constant 0 : i32
      %dma_start3A_183 = tpu.memref_slice %arg3[%dma_start3A_181, %dma_start3A_182] : memref<20000x128xf32, #tpu.memory_space<hbm>> -> memref<20000x128xf32, #tpu.memory_space<hbm>>
      tpu.enqueue_indirect_dma source(%dma_start3A_183 : memref<20000x128xf32, #tpu.memory_space<hbm>>) target(%arg13 : memref<128x128xf32, #tpu.memory_space<vmem>>) offsets(%dma_start3A_180 : memref<128xi32, #tpu.memory_space<vmem>>) semaphore(%arg16 : memref<!tpu.dma_semaphore, #tpu.memory_space<semaphore_mem>>)
      %dma_wait3A_184 = arith.constant 512 : i32
      %dma_wait3A_185 = tpu.memref_slice %arg10[%dma_wait3A_184] : memref<2048xi32, #tpu.memory_space<vmem>> -> memref<128xi32, #tpu.memory_space<vmem>>
      %dma_wait3A_186 = arith.constant 0 : i32
      %dma_wait3A_187 = arith.constant 0 : i32
      %dma_wait3A_188 = tpu.memref_slice %arg3[%dma_wait3A_186, %dma_wait3A_187] : memref<20000x128xf32, #tpu.memory_space<hbm>> -> memref<20000x128xf32, #tpu.memory_space<hbm>>
      tpu.wait_indirect_dma semaphore(%arg15 : memref<!tpu.dma_semaphore, #tpu.memory_space<semaphore_mem>>) src(%dma_wait3A_188 : memref<20000x128xf32, #tpu.memory_space<hbm>>) dst(%arg12 : memref<128x128xf32, #tpu.memory_space<vmem>>)
      "tpu.region"() ({
        %run_scoped3A = tpu.sem_alloc : memref<!tpu.dma_semaphore, #tpu.memory_space<semaphore_mem>>
        %dma_start3A_294 = arith.constant 512 : i32
        %dma_start3A_295 = tpu.memref_slice %arg11[%dma_start3A_294] : memref<2048xi32, #tpu.memory_space<vmem>> -> memref<128xi32, #tpu.memory_space<vmem>>
        %dma_start3A_296 = arith.constant 0 : i32
        %dma_start3A_297 = arith.constant 0 : i32
        %dma_start3A_298 = tpu.memref_slice %arg14[%dma_start3A_296, %dma_start3A_297] : memref<10240x128xf32, #tpu.memory_space<vmem_shared>> -> memref<10240x128xf32, #tpu.memory_space<vmem_shared>>
        tpu.enqueue_indirect_dma source(%arg12 : memref<128x128xf32, #tpu.memory_space<vmem>>) target(%dma_start3A_298 : memref<10240x128xf32, #tpu.memory_space<vmem_shared>>) offsets(%dma_start3A_295 : memref<128xi32, #tpu.memory_space<vmem>>) semaphore(%run_scoped3A : memref<!tpu.dma_semaphore, #tpu.memory_space<semaphore_mem>>) {add = true}
        %dma_wait3A_299 = arith.constant 512 : i32
        %dma_wait3A_300 = tpu.memref_slice %arg11[%dma_wait3A_299] : memref<2048xi32, #tpu.memory_space<vmem>> -> memref<128xi32, #tpu.memory_space<vmem>>
        %dma_wait3A_301 = arith.constant 0 : i32
        %dma_wait3A_302 = arith.constant 0 : i32
        %dma_wait3A_303 = tpu.memref_slice %arg14[%dma_wait3A_301, %dma_wait3A_302] : memref<10240x128xf32, #tpu.memory_space<vmem_shared>> -> memref<10240x128xf32, #tpu.memory_space<vmem_shared>>
        tpu.wait_indirect_dma semaphore(%run_scoped3A : memref<!tpu.dma_semaphore, #tpu.memory_space<semaphore_mem>>) src(%arg12 : memref<128x128xf32, #tpu.memory_space<vmem>>) dst(%dma_wait3A_303 : memref<10240x128xf32, #tpu.memory_space<vmem_shared>>)
        tpu.yield
      }) : () -> ()
      %dma_start3A_189 = arith.constant 768 : i32
      %dma_start3A_190 = tpu.memref_slice %arg10[%dma_start3A_189] : memref<2048xi32, #tpu.memory_space<vmem>> -> memref<128xi32, #tpu.memory_space<vmem>>
      %dma_start3A_191 = arith.constant 0 : i32
      %dma_start3A_192 = arith.constant 0 : i32
      %dma_start3A_193 = tpu.memref_slice %arg3[%dma_start3A_191, %dma_start3A_192] : memref<20000x128xf32, #tpu.memory_space<hbm>> -> memref<20000x128xf32, #tpu.memory_space<hbm>>
      tpu.enqueue_indirect_dma source(%dma_start3A_193 : memref<20000x128xf32, #tpu.memory_space<hbm>>) target(%arg12 : memref<128x128xf32, #tpu.memory_space<vmem>>) offsets(%dma_start3A_190 : memref<128xi32, #tpu.memory_space<vmem>>) semaphore(%arg15 : memref<!tpu.dma_semaphore, #tpu.memory_space<semaphore_mem>>)
      %dma_wait3A_194 = arith.constant 640 : i32
      %dma_wait3A_195 = tpu.memref_slice %arg10[%dma_wait3A_194] : memref<2048xi32, #tpu.memory_space<vmem>> -> memref<128xi32, #tpu.memory_space<vmem>>
      %dma_wait3A_196 = arith.constant 0 : i32
      %dma_wait3A_197 = arith.constant 0 : i32
      %dma_wait3A_198 = tpu.memref_slice %arg3[%dma_wait3A_196, %dma_wait3A_197] : memref<20000x128xf32, #tpu.memory_space<hbm>> -> memref<20000x128xf32, #tpu.memory_space<hbm>>
      tpu.wait_indirect_dma semaphore(%arg16 : memref<!tpu.dma_semaphore, #tpu.memory_space<semaphore_mem>>) src(%dma_wait3A_198 : memref<20000x128xf32, #tpu.memory_space<hbm>>) dst(%arg13 : memref<128x128xf32, #tpu.memory_space<vmem>>)
      "tpu.region"() ({
        %run_scoped3A = tpu.sem_alloc : memref<!tpu.dma_semaphore, #tpu.memory_space<semaphore_mem>>
        %dma_start3A_294 = arith.constant 640 : i32
        %dma_start3A_295 = tpu.memref_slice %arg11[%dma_start3A_294] : memref<2048xi32, #tpu.memory_space<vmem>> -> memref<128xi32, #tpu.memory_space<vmem>>
        %dma_start3A_296 = arith.constant 0 : i32
        %dma_start3A_297 = arith.constant 0 : i32
        %dma_start3A_298 = tpu.memref_slice %arg14[%dma_start3A_296, %dma_start3A_297] : memref<10240x128xf32, #tpu.memory_space<vmem_shared>> -> memref<10240x128xf32, #tpu.memory_space<vmem_shared>>
        tpu.enqueue_indirect_dma source(%arg13 : memref<128x128xf32, #tpu.memory_space<vmem>>) target(%dma_start3A_298 : memref<10240x128xf32, #tpu.memory_space<vmem_shared>>) offsets(%dma_start3A_295 : memref<128xi32, #tpu.memory_space<vmem>>) semaphore(%run_scoped3A : memref<!tpu.dma_semaphore, #tpu.memory_space<semaphore_mem>>) {add = true}
        %dma_wait3A_299 = arith.constant 640 : i32
        %dma_wait3A_300 = tpu.memref_slice %arg11[%dma_wait3A_299] : memref<2048xi32, #tpu.memory_space<vmem>> -> memref<128xi32, #tpu.memory_space<vmem>>
        %dma_wait3A_301 = arith.constant 0 : i32
        %dma_wait3A_302 = arith.constant 0 : i32
        %dma_wait3A_303 = tpu.memref_slice %arg14[%dma_wait3A_301, %dma_wait3A_302] : memref<10240x128xf32, #tpu.memory_space<vmem_shared>> -> memref<10240x128xf32, #tpu.memory_space<vmem_shared>>
        tpu.wait_indirect_dma semaphore(%run_scoped3A : memref<!tpu.dma_semaphore, #tpu.memory_space<semaphore_mem>>) src(%arg13 : memref<128x128xf32, #tpu.memory_space<vmem>>) dst(%dma_wait3A_303 : memref<10240x128xf32, #tpu.memory_space<vmem_shared>>)
        tpu.yield
      }) : () -> ()
      %dma_start3A_199 = arith.constant 896 : i32
      %dma_start3A_200 = tpu.memref_slice %arg10[%dma_start3A_199] : memref<2048xi32, #tpu.memory_space<vmem>> -> memref<128xi32, #tpu.memory_space<vmem>>
      %dma_start3A_201 = arith.constant 0 : i32
      %dma_start3A_202 = arith.constant 0 : i32
      %dma_start3A_203 = tpu.memref_slice %arg3[%dma_start3A_201, %dma_start3A_202] : memref<20000x128xf32, #tpu.memory_space<hbm>> -> memref<20000x128xf32, #tpu.memory_space<hbm>>
      tpu.enqueue_indirect_dma source(%dma_start3A_203 : memref<20000x128xf32, #tpu.memory_space<hbm>>) target(%arg13 : memref<128x128xf32, #tpu.memory_space<vmem>>) offsets(%dma_start3A_200 : memref<128xi32, #tpu.memory_space<vmem>>) semaphore(%arg16 : memref<!tpu.dma_semaphore, #tpu.memory_space<semaphore_mem>>)
      %dma_wait3A_204 = arith.constant 768 : i32
      %dma_wait3A_205 = tpu.memref_slice %arg10[%dma_wait3A_204] : memref<2048xi32, #tpu.memory_space<vmem>> -> memref<128xi32, #tpu.memory_space<vmem>>
      %dma_wait3A_206 = arith.constant 0 : i32
      %dma_wait3A_207 = arith.constant 0 : i32
      %dma_wait3A_208 = tpu.memref_slice %arg3[%dma_wait3A_206, %dma_wait3A_207] : memref<20000x128xf32, #tpu.memory_space<hbm>> -> memref<20000x128xf32, #tpu.memory_space<hbm>>
      tpu.wait_indirect_dma semaphore(%arg15 : memref<!tpu.dma_semaphore, #tpu.memory_space<semaphore_mem>>) src(%dma_wait3A_208 : memref<20000x128xf32, #tpu.memory_space<hbm>>) dst(%arg12 : memref<128x128xf32, #tpu.memory_space<vmem>>)
      "tpu.region"() ({
        %run_scoped3A = tpu.sem_alloc : memref<!tpu.dma_semaphore, #tpu.memory_space<semaphore_mem>>
        %dma_start3A_294 = arith.constant 768 : i32
        %dma_start3A_295 = tpu.memref_slice %arg11[%dma_start3A_294] : memref<2048xi32, #tpu.memory_space<vmem>> -> memref<128xi32, #tpu.memory_space<vmem>>
        %dma_start3A_296 = arith.constant 0 : i32
        %dma_start3A_297 = arith.constant 0 : i32
        %dma_start3A_298 = tpu.memref_slice %arg14[%dma_start3A_296, %dma_start3A_297] : memref<10240x128xf32, #tpu.memory_space<vmem_shared>> -> memref<10240x128xf32, #tpu.memory_space<vmem_shared>>
        tpu.enqueue_indirect_dma source(%arg12 : memref<128x128xf32, #tpu.memory_space<vmem>>) target(%dma_start3A_298 : memref<10240x128xf32, #tpu.memory_space<vmem_shared>>) offsets(%dma_start3A_295 : memref<128xi32, #tpu.memory_space<vmem>>) semaphore(%run_scoped3A : memref<!tpu.dma_semaphore, #tpu.memory_space<semaphore_mem>>) {add = true}
        %dma_wait3A_299 = arith.constant 768 : i32
        %dma_wait3A_300 = tpu.memref_slice %arg11[%dma_wait3A_299] : memref<2048xi32, #tpu.memory_space<vmem>> -> memref<128xi32, #tpu.memory_space<vmem>>
        %dma_wait3A_301 = arith.constant 0 : i32
        %dma_wait3A_302 = arith.constant 0 : i32
        %dma_wait3A_303 = tpu.memref_slice %arg14[%dma_wait3A_301, %dma_wait3A_302] : memref<10240x128xf32, #tpu.memory_space<vmem_shared>> -> memref<10240x128xf32, #tpu.memory_space<vmem_shared>>
        tpu.wait_indirect_dma semaphore(%run_scoped3A : memref<!tpu.dma_semaphore, #tpu.memory_space<semaphore_mem>>) src(%arg12 : memref<128x128xf32, #tpu.memory_space<vmem>>) dst(%dma_wait3A_303 : memref<10240x128xf32, #tpu.memory_space<vmem_shared>>)
        tpu.yield
      }) : () -> ()
      %dma_start3A_209 = arith.constant 1024 : i32
      %dma_start3A_210 = tpu.memref_slice %arg10[%dma_start3A_209] : memref<2048xi32, #tpu.memory_space<vmem>> -> memref<128xi32, #tpu.memory_space<vmem>>
      %dma_start3A_211 = arith.constant 0 : i32
      %dma_start3A_212 = arith.constant 0 : i32
      %dma_start3A_213 = tpu.memref_slice %arg3[%dma_start3A_211, %dma_start3A_212] : memref<20000x128xf32, #tpu.memory_space<hbm>> -> memref<20000x128xf32, #tpu.memory_space<hbm>>
      tpu.enqueue_indirect_dma source(%dma_start3A_213 : memref<20000x128xf32, #tpu.memory_space<hbm>>) target(%arg12 : memref<128x128xf32, #tpu.memory_space<vmem>>) offsets(%dma_start3A_210 : memref<128xi32, #tpu.memory_space<vmem>>) semaphore(%arg15 : memref<!tpu.dma_semaphore, #tpu.memory_space<semaphore_mem>>)
      %dma_wait3A_214 = arith.constant 896 : i32
      %dma_wait3A_215 = tpu.memref_slice %arg10[%dma_wait3A_214] : memref<2048xi32, #tpu.memory_space<vmem>> -> memref<128xi32, #tpu.memory_space<vmem>>
      %dma_wait3A_216 = arith.constant 0 : i32
      %dma_wait3A_217 = arith.constant 0 : i32
      %dma_wait3A_218 = tpu.memref_slice %arg3[%dma_wait3A_216, %dma_wait3A_217] : memref<20000x128xf32, #tpu.memory_space<hbm>> -> memref<20000x128xf32, #tpu.memory_space<hbm>>
      tpu.wait_indirect_dma semaphore(%arg16 : memref<!tpu.dma_semaphore, #tpu.memory_space<semaphore_mem>>) src(%dma_wait3A_218 : memref<20000x128xf32, #tpu.memory_space<hbm>>) dst(%arg13 : memref<128x128xf32, #tpu.memory_space<vmem>>)
      "tpu.region"() ({
        %run_scoped3A = tpu.sem_alloc : memref<!tpu.dma_semaphore, #tpu.memory_space<semaphore_mem>>
        %dma_start3A_294 = arith.constant 896 : i32
        %dma_start3A_295 = tpu.memref_slice %arg11[%dma_start3A_294] : memref<2048xi32, #tpu.memory_space<vmem>> -> memref<128xi32, #tpu.memory_space<vmem>>
        %dma_start3A_296 = arith.constant 0 : i32
        %dma_start3A_297 = arith.constant 0 : i32
        %dma_start3A_298 = tpu.memref_slice %arg14[%dma_start3A_296, %dma_start3A_297] : memref<10240x128xf32, #tpu.memory_space<vmem_shared>> -> memref<10240x128xf32, #tpu.memory_space<vmem_shared>>
        tpu.enqueue_indirect_dma source(%arg13 : memref<128x128xf32, #tpu.memory_space<vmem>>) target(%dma_start3A_298 : memref<10240x128xf32, #tpu.memory_space<vmem_shared>>) offsets(%dma_start3A_295 : memref<128xi32, #tpu.memory_space<vmem>>) semaphore(%run_scoped3A : memref<!tpu.dma_semaphore, #tpu.memory_space<semaphore_mem>>) {add = true}
        %dma_wait3A_299 = arith.constant 896 : i32
        %dma_wait3A_300 = tpu.memref_slice %arg11[%dma_wait3A_299] : memref<2048xi32, #tpu.memory_space<vmem>> -> memref<128xi32, #tpu.memory_space<vmem>>
        %dma_wait3A_301 = arith.constant 0 : i32
        %dma_wait3A_302 = arith.constant 0 : i32
        %dma_wait3A_303 = tpu.memref_slice %arg14[%dma_wait3A_301, %dma_wait3A_302] : memref<10240x128xf32, #tpu.memory_space<vmem_shared>> -> memref<10240x128xf32, #tpu.memory_space<vmem_shared>>
        tpu.wait_indirect_dma semaphore(%run_scoped3A : memref<!tpu.dma_semaphore, #tpu.memory_space<semaphore_mem>>) src(%arg13 : memref<128x128xf32, #tpu.memory_space<vmem>>) dst(%dma_wait3A_303 : memref<10240x128xf32, #tpu.memory_space<vmem_shared>>)
        tpu.yield
      }) : () -> ()
      %dma_start3A_219 = arith.constant 1152 : i32
      %dma_start3A_220 = tpu.memref_slice %arg10[%dma_start3A_219] : memref<2048xi32, #tpu.memory_space<vmem>> -> memref<128xi32, #tpu.memory_space<vmem>>
      %dma_start3A_221 = arith.constant 0 : i32
      %dma_start3A_222 = arith.constant 0 : i32
      %dma_start3A_223 = tpu.memref_slice %arg3[%dma_start3A_221, %dma_start3A_222] : memref<20000x128xf32, #tpu.memory_space<hbm>> -> memref<20000x128xf32, #tpu.memory_space<hbm>>
      tpu.enqueue_indirect_dma source(%dma_start3A_223 : memref<20000x128xf32, #tpu.memory_space<hbm>>) target(%arg13 : memref<128x128xf32, #tpu.memory_space<vmem>>) offsets(%dma_start3A_220 : memref<128xi32, #tpu.memory_space<vmem>>) semaphore(%arg16 : memref<!tpu.dma_semaphore, #tpu.memory_space<semaphore_mem>>)
      %dma_wait3A_224 = arith.constant 1024 : i32
      %dma_wait3A_225 = tpu.memref_slice %arg10[%dma_wait3A_224] : memref<2048xi32, #tpu.memory_space<vmem>> -> memref<128xi32, #tpu.memory_space<vmem>>
      %dma_wait3A_226 = arith.constant 0 : i32
      %dma_wait3A_227 = arith.constant 0 : i32
      %dma_wait3A_228 = tpu.memref_slice %arg3[%dma_wait3A_226, %dma_wait3A_227] : memref<20000x128xf32, #tpu.memory_space<hbm>> -> memref<20000x128xf32, #tpu.memory_space<hbm>>
      tpu.wait_indirect_dma semaphore(%arg15 : memref<!tpu.dma_semaphore, #tpu.memory_space<semaphore_mem>>) src(%dma_wait3A_228 : memref<20000x128xf32, #tpu.memory_space<hbm>>) dst(%arg12 : memref<128x128xf32, #tpu.memory_space<vmem>>)
      "tpu.region"() ({
        %run_scoped3A = tpu.sem_alloc : memref<!tpu.dma_semaphore, #tpu.memory_space<semaphore_mem>>
        %dma_start3A_294 = arith.constant 1024 : i32
        %dma_start3A_295 = tpu.memref_slice %arg11[%dma_start3A_294] : memref<2048xi32, #tpu.memory_space<vmem>> -> memref<128xi32, #tpu.memory_space<vmem>>
        %dma_start3A_296 = arith.constant 0 : i32
        %dma_start3A_297 = arith.constant 0 : i32
        %dma_start3A_298 = tpu.memref_slice %arg14[%dma_start3A_296, %dma_start3A_297] : memref<10240x128xf32, #tpu.memory_space<vmem_shared>> -> memref<10240x128xf32, #tpu.memory_space<vmem_shared>>
        tpu.enqueue_indirect_dma source(%arg12 : memref<128x128xf32, #tpu.memory_space<vmem>>) target(%dma_start3A_298 : memref<10240x128xf32, #tpu.memory_space<vmem_shared>>) offsets(%dma_start3A_295 : memref<128xi32, #tpu.memory_space<vmem>>) semaphore(%run_scoped3A : memref<!tpu.dma_semaphore, #tpu.memory_space<semaphore_mem>>) {add = true}
        %dma_wait3A_299 = arith.constant 1024 : i32
        %dma_wait3A_300 = tpu.memref_slice %arg11[%dma_wait3A_299] : memref<2048xi32, #tpu.memory_space<vmem>> -> memref<128xi32, #tpu.memory_space<vmem>>
        %dma_wait3A_301 = arith.constant 0 : i32
        %dma_wait3A_302 = arith.constant 0 : i32
        %dma_wait3A_303 = tpu.memref_slice %arg14[%dma_wait3A_301, %dma_wait3A_302] : memref<10240x128xf32, #tpu.memory_space<vmem_shared>> -> memref<10240x128xf32, #tpu.memory_space<vmem_shared>>
        tpu.wait_indirect_dma semaphore(%run_scoped3A : memref<!tpu.dma_semaphore, #tpu.memory_space<semaphore_mem>>) src(%arg12 : memref<128x128xf32, #tpu.memory_space<vmem>>) dst(%dma_wait3A_303 : memref<10240x128xf32, #tpu.memory_space<vmem_shared>>)
        tpu.yield
      }) : () -> ()
      %dma_start3A_229 = arith.constant 1280 : i32
      %dma_start3A_230 = tpu.memref_slice %arg10[%dma_start3A_229] : memref<2048xi32, #tpu.memory_space<vmem>> -> memref<128xi32, #tpu.memory_space<vmem>>
      %dma_start3A_231 = arith.constant 0 : i32
      %dma_start3A_232 = arith.constant 0 : i32
      %dma_start3A_233 = tpu.memref_slice %arg3[%dma_start3A_231, %dma_start3A_232] : memref<20000x128xf32, #tpu.memory_space<hbm>> -> memref<20000x128xf32, #tpu.memory_space<hbm>>
      tpu.enqueue_indirect_dma source(%dma_start3A_233 : memref<20000x128xf32, #tpu.memory_space<hbm>>) target(%arg12 : memref<128x128xf32, #tpu.memory_space<vmem>>) offsets(%dma_start3A_230 : memref<128xi32, #tpu.memory_space<vmem>>) semaphore(%arg15 : memref<!tpu.dma_semaphore, #tpu.memory_space<semaphore_mem>>)
      %dma_wait3A_234 = arith.constant 1152 : i32
      %dma_wait3A_235 = tpu.memref_slice %arg10[%dma_wait3A_234] : memref<2048xi32, #tpu.memory_space<vmem>> -> memref<128xi32, #tpu.memory_space<vmem>>
      %dma_wait3A_236 = arith.constant 0 : i32
      %dma_wait3A_237 = arith.constant 0 : i32
      %dma_wait3A_238 = tpu.memref_slice %arg3[%dma_wait3A_236, %dma_wait3A_237] : memref<20000x128xf32, #tpu.memory_space<hbm>> -> memref<20000x128xf32, #tpu.memory_space<hbm>>
      tpu.wait_indirect_dma semaphore(%arg16 : memref<!tpu.dma_semaphore, #tpu.memory_space<semaphore_mem>>) src(%dma_wait3A_238 : memref<20000x128xf32, #tpu.memory_space<hbm>>) dst(%arg13 : memref<128x128xf32, #tpu.memory_space<vmem>>)
      "tpu.region"() ({
        %run_scoped3A = tpu.sem_alloc : memref<!tpu.dma_semaphore, #tpu.memory_space<semaphore_mem>>
        %dma_start3A_294 = arith.constant 1152 : i32
        %dma_start3A_295 = tpu.memref_slice %arg11[%dma_start3A_294] : memref<2048xi32, #tpu.memory_space<vmem>> -> memref<128xi32, #tpu.memory_space<vmem>>
        %dma_start3A_296 = arith.constant 0 : i32
        %dma_start3A_297 = arith.constant 0 : i32
        %dma_start3A_298 = tpu.memref_slice %arg14[%dma_start3A_296, %dma_start3A_297] : memref<10240x128xf32, #tpu.memory_space<vmem_shared>> -> memref<10240x128xf32, #tpu.memory_space<vmem_shared>>
        tpu.enqueue_indirect_dma source(%arg13 : memref<128x128xf32, #tpu.memory_space<vmem>>) target(%dma_start3A_298 : memref<10240x128xf32, #tpu.memory_space<vmem_shared>>) offsets(%dma_start3A_295 : memref<128xi32, #tpu.memory_space<vmem>>) semaphore(%run_scoped3A : memref<!tpu.dma_semaphore, #tpu.memory_space<semaphore_mem>>) {add = true}
        %dma_wait3A_299 = arith.constant 1152 : i32
        %dma_wait3A_300 = tpu.memref_slice %arg11[%dma_wait3A_299] : memref<2048xi32, #tpu.memory_space<vmem>> -> memref<128xi32, #tpu.memory_space<vmem>>
        %dma_wait3A_301 = arith.constant 0 : i32
        %dma_wait3A_302 = arith.constant 0 : i32
        %dma_wait3A_303 = tpu.memref_slice %arg14[%dma_wait3A_301, %dma_wait3A_302] : memref<10240x128xf32, #tpu.memory_space<vmem_shared>> -> memref<10240x128xf32, #tpu.memory_space<vmem_shared>>
        tpu.wait_indirect_dma semaphore(%run_scoped3A : memref<!tpu.dma_semaphore, #tpu.memory_space<semaphore_mem>>) src(%arg13 : memref<128x128xf32, #tpu.memory_space<vmem>>) dst(%dma_wait3A_303 : memref<10240x128xf32, #tpu.memory_space<vmem_shared>>)
        tpu.yield
      }) : () -> ()
      %dma_start3A_239 = arith.constant 1408 : i32
      %dma_start3A_240 = tpu.memref_slice %arg10[%dma_start3A_239] : memref<2048xi32, #tpu.memory_space<vmem>> -> memref<128xi32, #tpu.memory_space<vmem>>
      %dma_start3A_241 = arith.constant 0 : i32
      %dma_start3A_242 = arith.constant 0 : i32
      %dma_start3A_243 = tpu.memref_slice %arg3[%dma_start3A_241, %dma_start3A_242] : memref<20000x128xf32, #tpu.memory_space<hbm>> -> memref<20000x128xf32, #tpu.memory_space<hbm>>
      tpu.enqueue_indirect_dma source(%dma_start3A_243 : memref<20000x128xf32, #tpu.memory_space<hbm>>) target(%arg13 : memref<128x128xf32, #tpu.memory_space<vmem>>) offsets(%dma_start3A_240 : memref<128xi32, #tpu.memory_space<vmem>>) semaphore(%arg16 : memref<!tpu.dma_semaphore, #tpu.memory_space<semaphore_mem>>)
      %dma_wait3A_244 = arith.constant 1280 : i32
      %dma_wait3A_245 = tpu.memref_slice %arg10[%dma_wait3A_244] : memref<2048xi32, #tpu.memory_space<vmem>> -> memref<128xi32, #tpu.memory_space<vmem>>
      %dma_wait3A_246 = arith.constant 0 : i32
      %dma_wait3A_247 = arith.constant 0 : i32
      %dma_wait3A_248 = tpu.memref_slice %arg3[%dma_wait3A_246, %dma_wait3A_247] : memref<20000x128xf32, #tpu.memory_space<hbm>> -> memref<20000x128xf32, #tpu.memory_space<hbm>>
      tpu.wait_indirect_dma semaphore(%arg15 : memref<!tpu.dma_semaphore, #tpu.memory_space<semaphore_mem>>) src(%dma_wait3A_248 : memref<20000x128xf32, #tpu.memory_space<hbm>>) dst(%arg12 : memref<128x128xf32, #tpu.memory_space<vmem>>)
      "tpu.region"() ({
        %run_scoped3A = tpu.sem_alloc : memref<!tpu.dma_semaphore, #tpu.memory_space<semaphore_mem>>
        %dma_start3A_294 = arith.constant 1280 : i32
        %dma_start3A_295 = tpu.memref_slice %arg11[%dma_start3A_294] : memref<2048xi32, #tpu.memory_space<vmem>> -> memref<128xi32, #tpu.memory_space<vmem>>
        %dma_start3A_296 = arith.constant 0 : i32
        %dma_start3A_297 = arith.constant 0 : i32
        %dma_start3A_298 = tpu.memref_slice %arg14[%dma_start3A_296, %dma_start3A_297] : memref<10240x128xf32, #tpu.memory_space<vmem_shared>> -> memref<10240x128xf32, #tpu.memory_space<vmem_shared>>
        tpu.enqueue_indirect_dma source(%arg12 : memref<128x128xf32, #tpu.memory_space<vmem>>) target(%dma_start3A_298 : memref<10240x128xf32, #tpu.memory_space<vmem_shared>>) offsets(%dma_start3A_295 : memref<128xi32, #tpu.memory_space<vmem>>) semaphore(%run_scoped3A : memref<!tpu.dma_semaphore, #tpu.memory_space<semaphore_mem>>) {add = true}
        %dma_wait3A_299 = arith.constant 1280 : i32
        %dma_wait3A_300 = tpu.memref_slice %arg11[%dma_wait3A_299] : memref<2048xi32, #tpu.memory_space<vmem>> -> memref<128xi32, #tpu.memory_space<vmem>>
        %dma_wait3A_301 = arith.constant 0 : i32
        %dma_wait3A_302 = arith.constant 0 : i32
        %dma_wait3A_303 = tpu.memref_slice %arg14[%dma_wait3A_301, %dma_wait3A_302] : memref<10240x128xf32, #tpu.memory_space<vmem_shared>> -> memref<10240x128xf32, #tpu.memory_space<vmem_shared>>
        tpu.wait_indirect_dma semaphore(%run_scoped3A : memref<!tpu.dma_semaphore, #tpu.memory_space<semaphore_mem>>) src(%arg12 : memref<128x128xf32, #tpu.memory_space<vmem>>) dst(%dma_wait3A_303 : memref<10240x128xf32, #tpu.memory_space<vmem_shared>>)
        tpu.yield
      }) : () -> ()
      %dma_start3A_249 = arith.constant 1536 : i32
      %dma_start3A_250 = tpu.memref_slice %arg10[%dma_start3A_249] : memref<2048xi32, #tpu.memory_space<vmem>> -> memref<128xi32, #tpu.memory_space<vmem>>
      %dma_start3A_251 = arith.constant 0 : i32
      %dma_start3A_252 = arith.constant 0 : i32
      %dma_start3A_253 = tpu.memref_slice %arg3[%dma_start3A_251, %dma_start3A_252] : memref<20000x128xf32, #tpu.memory_space<hbm>> -> memref<20000x128xf32, #tpu.memory_space<hbm>>
      tpu.enqueue_indirect_dma source(%dma_start3A_253 : memref<20000x128xf32, #tpu.memory_space<hbm>>) target(%arg12 : memref<128x128xf32, #tpu.memory_space<vmem>>) offsets(%dma_start3A_250 : memref<128xi32, #tpu.memory_space<vmem>>) semaphore(%arg15 : memref<!tpu.dma_semaphore, #tpu.memory_space<semaphore_mem>>)
      %dma_wait3A_254 = arith.constant 1408 : i32
      %dma_wait3A_255 = tpu.memref_slice %arg10[%dma_wait3A_254] : memref<2048xi32, #tpu.memory_space<vmem>> -> memref<128xi32, #tpu.memory_space<vmem>>
      %dma_wait3A_256 = arith.constant 0 : i32
      %dma_wait3A_257 = arith.constant 0 : i32
      %dma_wait3A_258 = tpu.memref_slice %arg3[%dma_wait3A_256, %dma_wait3A_257] : memref<20000x128xf32, #tpu.memory_space<hbm>> -> memref<20000x128xf32, #tpu.memory_space<hbm>>
      tpu.wait_indirect_dma semaphore(%arg16 : memref<!tpu.dma_semaphore, #tpu.memory_space<semaphore_mem>>) src(%dma_wait3A_258 : memref<20000x128xf32, #tpu.memory_space<hbm>>) dst(%arg13 : memref<128x128xf32, #tpu.memory_space<vmem>>)
      "tpu.region"() ({
        %run_scoped3A = tpu.sem_alloc : memref<!tpu.dma_semaphore, #tpu.memory_space<semaphore_mem>>
        %dma_start3A_294 = arith.constant 1408 : i32
        %dma_start3A_295 = tpu.memref_slice %arg11[%dma_start3A_294] : memref<2048xi32, #tpu.memory_space<vmem>> -> memref<128xi32, #tpu.memory_space<vmem>>
        %dma_start3A_296 = arith.constant 0 : i32
        %dma_start3A_297 = arith.constant 0 : i32
        %dma_start3A_298 = tpu.memref_slice %arg14[%dma_start3A_296, %dma_start3A_297] : memref<10240x128xf32, #tpu.memory_space<vmem_shared>> -> memref<10240x128xf32, #tpu.memory_space<vmem_shared>>
        tpu.enqueue_indirect_dma source(%arg13 : memref<128x128xf32, #tpu.memory_space<vmem>>) target(%dma_start3A_298 : memref<10240x128xf32, #tpu.memory_space<vmem_shared>>) offsets(%dma_start3A_295 : memref<128xi32, #tpu.memory_space<vmem>>) semaphore(%run_scoped3A : memref<!tpu.dma_semaphore, #tpu.memory_space<semaphore_mem>>) {add = true}
        %dma_wait3A_299 = arith.constant 1408 : i32
        %dma_wait3A_300 = tpu.memref_slice %arg11[%dma_wait3A_299] : memref<2048xi32, #tpu.memory_space<vmem>> -> memref<128xi32, #tpu.memory_space<vmem>>
        %dma_wait3A_301 = arith.constant 0 : i32
        %dma_wait3A_302 = arith.constant 0 : i32
        %dma_wait3A_303 = tpu.memref_slice %arg14[%dma_wait3A_301, %dma_wait3A_302] : memref<10240x128xf32, #tpu.memory_space<vmem_shared>> -> memref<10240x128xf32, #tpu.memory_space<vmem_shared>>
        tpu.wait_indirect_dma semaphore(%run_scoped3A : memref<!tpu.dma_semaphore, #tpu.memory_space<semaphore_mem>>) src(%arg13 : memref<128x128xf32, #tpu.memory_space<vmem>>) dst(%dma_wait3A_303 : memref<10240x128xf32, #tpu.memory_space<vmem_shared>>)
        tpu.yield
      }) : () -> ()
      %dma_start3A_259 = arith.constant 1664 : i32
      %dma_start3A_260 = tpu.memref_slice %arg10[%dma_start3A_259] : memref<2048xi32, #tpu.memory_space<vmem>> -> memref<128xi32, #tpu.memory_space<vmem>>
      %dma_start3A_261 = arith.constant 0 : i32
      %dma_start3A_262 = arith.constant 0 : i32
      %dma_start3A_263 = tpu.memref_slice %arg3[%dma_start3A_261, %dma_start3A_262] : memref<20000x128xf32, #tpu.memory_space<hbm>> -> memref<20000x128xf32, #tpu.memory_space<hbm>>
      tpu.enqueue_indirect_dma source(%dma_start3A_263 : memref<20000x128xf32, #tpu.memory_space<hbm>>) target(%arg13 : memref<128x128xf32, #tpu.memory_space<vmem>>) offsets(%dma_start3A_260 : memref<128xi32, #tpu.memory_space<vmem>>) semaphore(%arg16 : memref<!tpu.dma_semaphore, #tpu.memory_space<semaphore_mem>>)
      %dma_wait3A_264 = arith.constant 1536 : i32
      %dma_wait3A_265 = tpu.memref_slice %arg10[%dma_wait3A_264] : memref<2048xi32, #tpu.memory_space<vmem>> -> memref<128xi32, #tpu.memory_space<vmem>>
      %dma_wait3A_266 = arith.constant 0 : i32
      %dma_wait3A_267 = arith.constant 0 : i32
      %dma_wait3A_268 = tpu.memref_slice %arg3[%dma_wait3A_266, %dma_wait3A_267] : memref<20000x128xf32, #tpu.memory_space<hbm>> -> memref<20000x128xf32, #tpu.memory_space<hbm>>
      tpu.wait_indirect_dma semaphore(%arg15 : memref<!tpu.dma_semaphore, #tpu.memory_space<semaphore_mem>>) src(%dma_wait3A_268 : memref<20000x128xf32, #tpu.memory_space<hbm>>) dst(%arg12 : memref<128x128xf32, #tpu.memory_space<vmem>>)
      "tpu.region"() ({
        %run_scoped3A = tpu.sem_alloc : memref<!tpu.dma_semaphore, #tpu.memory_space<semaphore_mem>>
        %dma_start3A_294 = arith.constant 1536 : i32
        %dma_start3A_295 = tpu.memref_slice %arg11[%dma_start3A_294] : memref<2048xi32, #tpu.memory_space<vmem>> -> memref<128xi32, #tpu.memory_space<vmem>>
        %dma_start3A_296 = arith.constant 0 : i32
        %dma_start3A_297 = arith.constant 0 : i32
        %dma_start3A_298 = tpu.memref_slice %arg14[%dma_start3A_296, %dma_start3A_297] : memref<10240x128xf32, #tpu.memory_space<vmem_shared>> -> memref<10240x128xf32, #tpu.memory_space<vmem_shared>>
        tpu.enqueue_indirect_dma source(%arg12 : memref<128x128xf32, #tpu.memory_space<vmem>>) target(%dma_start3A_298 : memref<10240x128xf32, #tpu.memory_space<vmem_shared>>) offsets(%dma_start3A_295 : memref<128xi32, #tpu.memory_space<vmem>>) semaphore(%run_scoped3A : memref<!tpu.dma_semaphore, #tpu.memory_space<semaphore_mem>>) {add = true}
        %dma_wait3A_299 = arith.constant 1536 : i32
        %dma_wait3A_300 = tpu.memref_slice %arg11[%dma_wait3A_299] : memref<2048xi32, #tpu.memory_space<vmem>> -> memref<128xi32, #tpu.memory_space<vmem>>
        %dma_wait3A_301 = arith.constant 0 : i32
        %dma_wait3A_302 = arith.constant 0 : i32
        %dma_wait3A_303 = tpu.memref_slice %arg14[%dma_wait3A_301, %dma_wait3A_302] : memref<10240x128xf32, #tpu.memory_space<vmem_shared>> -> memref<10240x128xf32, #tpu.memory_space<vmem_shared>>
        tpu.wait_indirect_dma semaphore(%run_scoped3A : memref<!tpu.dma_semaphore, #tpu.memory_space<semaphore_mem>>) src(%arg12 : memref<128x128xf32, #tpu.memory_space<vmem>>) dst(%dma_wait3A_303 : memref<10240x128xf32, #tpu.memory_space<vmem_shared>>)
        tpu.yield
      }) : () -> ()
      %dma_start3A_269 = arith.constant 1792 : i32
      %dma_start3A_270 = tpu.memref_slice %arg10[%dma_start3A_269] : memref<2048xi32, #tpu.memory_space<vmem>> -> memref<128xi32, #tpu.memory_space<vmem>>
      %dma_start3A_271 = arith.constant 0 : i32
      %dma_start3A_272 = arith.constant 0 : i32
      %dma_start3A_273 = tpu.memref_slice %arg3[%dma_start3A_271, %dma_start3A_272] : memref<20000x128xf32, #tpu.memory_space<hbm>> -> memref<20000x128xf32, #tpu.memory_space<hbm>>
      tpu.enqueue_indirect_dma source(%dma_start3A_273 : memref<20000x128xf32, #tpu.memory_space<hbm>>) target(%arg12 : memref<128x128xf32, #tpu.memory_space<vmem>>) offsets(%dma_start3A_270 : memref<128xi32, #tpu.memory_space<vmem>>) semaphore(%arg15 : memref<!tpu.dma_semaphore, #tpu.memory_space<semaphore_mem>>)
      %dma_wait3A_274 = arith.constant 1664 : i32
      %dma_wait3A_275 = tpu.memref_slice %arg10[%dma_wait3A_274] : memref<2048xi32, #tpu.memory_space<vmem>> -> memref<128xi32, #tpu.memory_space<vmem>>
      %dma_wait3A_276 = arith.constant 0 : i32
      %dma_wait3A_277 = arith.constant 0 : i32
      %dma_wait3A_278 = tpu.memref_slice %arg3[%dma_wait3A_276, %dma_wait3A_277] : memref<20000x128xf32, #tpu.memory_space<hbm>> -> memref<20000x128xf32, #tpu.memory_space<hbm>>
      tpu.wait_indirect_dma semaphore(%arg16 : memref<!tpu.dma_semaphore, #tpu.memory_space<semaphore_mem>>) src(%dma_wait3A_278 : memref<20000x128xf32, #tpu.memory_space<hbm>>) dst(%arg13 : memref<128x128xf32, #tpu.memory_space<vmem>>)
      "tpu.region"() ({
        %run_scoped3A = tpu.sem_alloc : memref<!tpu.dma_semaphore, #tpu.memory_space<semaphore_mem>>
        %dma_start3A_294 = arith.constant 1664 : i32
        %dma_start3A_295 = tpu.memref_slice %arg11[%dma_start3A_294] : memref<2048xi32, #tpu.memory_space<vmem>> -> memref<128xi32, #tpu.memory_space<vmem>>
        %dma_start3A_296 = arith.constant 0 : i32
        %dma_start3A_297 = arith.constant 0 : i32
        %dma_start3A_298 = tpu.memref_slice %arg14[%dma_start3A_296, %dma_start3A_297] : memref<10240x128xf32, #tpu.memory_space<vmem_shared>> -> memref<10240x128xf32, #tpu.memory_space<vmem_shared>>
        tpu.enqueue_indirect_dma source(%arg13 : memref<128x128xf32, #tpu.memory_space<vmem>>) target(%dma_start3A_298 : memref<10240x128xf32, #tpu.memory_space<vmem_shared>>) offsets(%dma_start3A_295 : memref<128xi32, #tpu.memory_space<vmem>>) semaphore(%run_scoped3A : memref<!tpu.dma_semaphore, #tpu.memory_space<semaphore_mem>>) {add = true}
        %dma_wait3A_299 = arith.constant 1664 : i32
        %dma_wait3A_300 = tpu.memref_slice %arg11[%dma_wait3A_299] : memref<2048xi32, #tpu.memory_space<vmem>> -> memref<128xi32, #tpu.memory_space<vmem>>
        %dma_wait3A_301 = arith.constant 0 : i32
        %dma_wait3A_302 = arith.constant 0 : i32
        %dma_wait3A_303 = tpu.memref_slice %arg14[%dma_wait3A_301, %dma_wait3A_302] : memref<10240x128xf32, #tpu.memory_space<vmem_shared>> -> memref<10240x128xf32, #tpu.memory_space<vmem_shared>>
        tpu.wait_indirect_dma semaphore(%run_scoped3A : memref<!tpu.dma_semaphore, #tpu.memory_space<semaphore_mem>>) src(%arg13 : memref<128x128xf32, #tpu.memory_space<vmem>>) dst(%dma_wait3A_303 : memref<10240x128xf32, #tpu.memory_space<vmem_shared>>)
        tpu.yield
      }) : () -> ()
      %dma_start3A_279 = arith.constant 1920 : i32
      %dma_start3A_280 = tpu.memref_slice %arg10[%dma_start3A_279] : memref<2048xi32, #tpu.memory_space<vmem>> -> memref<128xi32, #tpu.memory_space<vmem>>
      %dma_start3A_281 = arith.constant 0 : i32
      %dma_start3A_282 = arith.constant 0 : i32
      %dma_start3A_283 = tpu.memref_slice %arg3[%dma_start3A_281, %dma_start3A_282] : memref<20000x128xf32, #tpu.memory_space<hbm>> -> memref<20000x128xf32, #tpu.memory_space<hbm>>
      tpu.enqueue_indirect_dma source(%dma_start3A_283 : memref<20000x128xf32, #tpu.memory_space<hbm>>) target(%arg13 : memref<128x128xf32, #tpu.memory_space<vmem>>) offsets(%dma_start3A_280 : memref<128xi32, #tpu.memory_space<vmem>>) semaphore(%arg16 : memref<!tpu.dma_semaphore, #tpu.memory_space<semaphore_mem>>)
      %dma_wait3A_284 = arith.constant 1792 : i32
      %dma_wait3A_285 = tpu.memref_slice %arg10[%dma_wait3A_284] : memref<2048xi32, #tpu.memory_space<vmem>> -> memref<128xi32, #tpu.memory_space<vmem>>
      %dma_wait3A_286 = arith.constant 0 : i32
      %dma_wait3A_287 = arith.constant 0 : i32
      %dma_wait3A_288 = tpu.memref_slice %arg3[%dma_wait3A_286, %dma_wait3A_287] : memref<20000x128xf32, #tpu.memory_space<hbm>> -> memref<20000x128xf32, #tpu.memory_space<hbm>>
      tpu.wait_indirect_dma semaphore(%arg15 : memref<!tpu.dma_semaphore, #tpu.memory_space<semaphore_mem>>) src(%dma_wait3A_288 : memref<20000x128xf32, #tpu.memory_space<hbm>>) dst(%arg12 : memref<128x128xf32, #tpu.memory_space<vmem>>)
      "tpu.region"() ({
        %run_scoped3A = tpu.sem_alloc : memref<!tpu.dma_semaphore, #tpu.memory_space<semaphore_mem>>
        %dma_start3A_294 = arith.constant 1792 : i32
        %dma_start3A_295 = tpu.memref_slice %arg11[%dma_start3A_294] : memref<2048xi32, #tpu.memory_space<vmem>> -> memref<128xi32, #tpu.memory_space<vmem>>
        %dma_start3A_296 = arith.constant 0 : i32
        %dma_start3A_297 = arith.constant 0 : i32
        %dma_start3A_298 = tpu.memref_slice %arg14[%dma_start3A_296, %dma_start3A_297] : memref<10240x128xf32, #tpu.memory_space<vmem_shared>> -> memref<10240x128xf32, #tpu.memory_space<vmem_shared>>
        tpu.enqueue_indirect_dma source(%arg12 : memref<128x128xf32, #tpu.memory_space<vmem>>) target(%dma_start3A_298 : memref<10240x128xf32, #tpu.memory_space<vmem_shared>>) offsets(%dma_start3A_295 : memref<128xi32, #tpu.memory_space<vmem>>) semaphore(%run_scoped3A : memref<!tpu.dma_semaphore, #tpu.memory_space<semaphore_mem>>) {add = true}
        %dma_wait3A_299 = arith.constant 1792 : i32
        %dma_wait3A_300 = tpu.memref_slice %arg11[%dma_wait3A_299] : memref<2048xi32, #tpu.memory_space<vmem>> -> memref<128xi32, #tpu.memory_space<vmem>>
        %dma_wait3A_301 = arith.constant 0 : i32
        %dma_wait3A_302 = arith.constant 0 : i32
        %dma_wait3A_303 = tpu.memref_slice %arg14[%dma_wait3A_301, %dma_wait3A_302] : memref<10240x128xf32, #tpu.memory_space<vmem_shared>> -> memref<10240x128xf32, #tpu.memory_space<vmem_shared>>
        tpu.wait_indirect_dma semaphore(%run_scoped3A : memref<!tpu.dma_semaphore, #tpu.memory_space<semaphore_mem>>) src(%arg12 : memref<128x128xf32, #tpu.memory_space<vmem>>) dst(%dma_wait3A_303 : memref<10240x128xf32, #tpu.memory_space<vmem_shared>>)
        tpu.yield
      }) : () -> ()
      %dma_wait3A_289 = arith.constant 1920 : i32
      %dma_wait3A_290 = tpu.memref_slice %arg10[%dma_wait3A_289] : memref<2048xi32, #tpu.memory_space<vmem>> -> memref<128xi32, #tpu.memory_space<vmem>>
      %dma_wait3A_291 = arith.constant 0 : i32
      %dma_wait3A_292 = arith.constant 0 : i32
      %dma_wait3A_293 = tpu.memref_slice %arg3[%dma_wait3A_291, %dma_wait3A_292] : memref<20000x128xf32, #tpu.memory_space<hbm>> -> memref<20000x128xf32, #tpu.memory_space<hbm>>
      tpu.wait_indirect_dma semaphore(%arg16 : memref<!tpu.dma_semaphore, #tpu.memory_space<semaphore_mem>>) src(%dma_wait3A_293 : memref<20000x128xf32, #tpu.memory_space<hbm>>) dst(%arg13 : memref<128x128xf32, #tpu.memory_space<vmem>>)
      "tpu.region"() ({
        %run_scoped3A = tpu.sem_alloc : memref<!tpu.dma_semaphore, #tpu.memory_space<semaphore_mem>>
        %dma_start3A_294 = arith.constant 1920 : i32
        %dma_start3A_295 = tpu.memref_slice %arg11[%dma_start3A_294] : memref<2048xi32, #tpu.memory_space<vmem>> -> memref<128xi32, #tpu.memory_space<vmem>>
        %dma_start3A_296 = arith.constant 0 : i32
        %dma_start3A_297 = arith.constant 0 : i32
        %dma_start3A_298 = tpu.memref_slice %arg14[%dma_start3A_296, %dma_start3A_297] : memref<10240x128xf32, #tpu.memory_space<vmem_shared>> -> memref<10240x128xf32, #tpu.memory_space<vmem_shared>>
        tpu.enqueue_indirect_dma source(%arg13 : memref<128x128xf32, #tpu.memory_space<vmem>>) target(%dma_start3A_298 : memref<10240x128xf32, #tpu.memory_space<vmem_shared>>) offsets(%dma_start3A_295 : memref<128xi32, #tpu.memory_space<vmem>>) semaphore(%run_scoped3A : memref<!tpu.dma_semaphore, #tpu.memory_space<semaphore_mem>>) {add = true}
        %dma_wait3A_299 = arith.constant 1920 : i32
        %dma_wait3A_300 = tpu.memref_slice %arg11[%dma_wait3A_299] : memref<2048xi32, #tpu.memory_space<vmem>> -> memref<128xi32, #tpu.memory_space<vmem>>
        %dma_wait3A_301 = arith.constant 0 : i32
        %dma_wait3A_302 = arith.constant 0 : i32
        %dma_wait3A_303 = tpu.memref_slice %arg14[%dma_wait3A_301, %dma_wait3A_302] : memref<10240x128xf32, #tpu.memory_space<vmem_shared>> -> memref<10240x128xf32, #tpu.memory_space<vmem_shared>>
        tpu.wait_indirect_dma semaphore(%run_scoped3A : memref<!tpu.dma_semaphore, #tpu.memory_space<semaphore_mem>>) src(%arg13 : memref<128x128xf32, #tpu.memory_space<vmem>>) dst(%dma_wait3A_303 : memref<10240x128xf32, #tpu.memory_space<vmem_shared>>)
        tpu.yield
      }) : () -> ()
    }
    %scan3A_113 = arith.constant 10 : i32
    %barrier3A_114 = arith.constant 0 : index
    tpu.barrier barrier_id(%barrier3A_114)
    %scan3A_115 = arith.constant 0 : i32
    %scan3A_116 = arith.constant 16 : i32
    %scan3A_117 = arith.addi %scan3A_115, %scan3A_116 : i32
    %scan3A_118 = arith.constant 1 : i32
    scf.for %scan3A_121 = %scan3A_115 to %scan3A_117 step %scan3A_118  : i32 {
      %mul3A_122 = arith.constant 1 : i32
      %mul3A_123 = arith.muli %scan3A_121, %mul3A_122 : i32
      %add3A_124 = arith.constant 0 : i32
      %add3A_125 = arith.addi %add3A_124, %mul3A_123 : i32
      %mul3A_126 = arith.constant 40 : i32
      %mul3A_127 = arith.muli %add3A_125, %mul3A_126 : i32
      %add3A_128 = arith.addi %mul3A_4, %mul3A_127 : i32
      "tpu.region"() ({
        %run_scoped3A = tpu.sem_alloc : memref<!tpu.dma_semaphore, #tpu.memory_space<semaphore_mem>>
        %dma_start3A = arith.constant 0 : i32
        %dma_start3A_143 = arith.constant 0 : i32
        %dma_start3A_144 = tpu.memref_slice %arg12[%dma_start3A, %dma_start3A_143] : memref<128x128xf32, #tpu.memory_space<vmem>> -> memref<40x128xf32, #tpu.memory_space<vmem>>
        %dma_start3A_145 = arith.constant 0 : i32
        %dma_start3A_146 = tpu.memref_slice %arg14[%add3A_128, %dma_start3A_145] : memref<10240x128xf32, #tpu.memory_space<vmem_shared>> -> memref<40x128xf32, #tpu.memory_space<vmem_shared>>
        %dma_start3A_147 = arith.constant 0 : i32
        %dma_start3A_148 = arith.constant 0 : i32
        %dma_start3A_149 = tpu.memref_slice %arg12[%dma_start3A_147, %dma_start3A_148] : memref<128x128xf32, #tpu.memory_space<vmem>> -> memref<40x128xf32, #tpu.memory_space<vmem>>
        %dma_start3A_150 = arith.constant 0 : i32
        %dma_start3A_151 = tpu.memref_slice %arg14[%add3A_128, %dma_start3A_150] : memref<10240x128xf32, #tpu.memory_space<vmem_shared>> -> memref<40x128xf32, #tpu.memory_space<vmem_shared>>
        tpu.enqueue_dma source(%dma_start3A_151 : memref<40x128xf32, #tpu.memory_space<vmem_shared>>) target(%dma_start3A_149 : memref<40x128xf32, #tpu.memory_space<vmem>>) target_semaphore(%run_scoped3A : memref<!tpu.dma_semaphore, #tpu.memory_space<semaphore_mem>>)
        %dma_wait3A = arith.constant 0 : i32
        %dma_wait3A_152 = arith.constant 0 : i32
        %dma_wait3A_153 = tpu.memref_slice %arg12[%dma_wait3A, %dma_wait3A_152] : memref<128x128xf32, #tpu.memory_space<vmem>> -> memref<40x128xf32, #tpu.memory_space<vmem>>
        %dma_wait3A_154 = arith.constant 0 : i32
        %dma_wait3A_155 = tpu.memref_slice %arg14[%add3A_128, %dma_wait3A_154] : memref<10240x128xf32, #tpu.memory_space<vmem_shared>> -> memref<40x128xf32, #tpu.memory_space<vmem_shared>>
        %dma_wait3A_156 = arith.constant 0 : i32
        %dma_wait3A_157 = arith.constant 0 : i32
        %dma_wait3A_158 = tpu.memref_slice %arg12[%dma_wait3A_156, %dma_wait3A_157] : memref<128x128xf32, #tpu.memory_space<vmem>> -> memref<40x128xf32, #tpu.memory_space<vmem>>
        %dma_wait3A_159 = arith.constant 0 : i32
        %dma_wait3A_160 = tpu.memref_slice %arg14[%add3A_128, %dma_wait3A_159] : memref<10240x128xf32, #tpu.memory_space<vmem_shared>> -> memref<40x128xf32, #tpu.memory_space<vmem_shared>>
        tpu.wait_dma2 semaphore(%run_scoped3A : memref<!tpu.dma_semaphore, #tpu.memory_space<semaphore_mem>>) src(%dma_wait3A_160 : memref<40x128xf32, #tpu.memory_space<vmem_shared>>) dst(%dma_wait3A_158 : memref<40x128xf32, #tpu.memory_space<vmem>>)
        tpu.yield
      }) : () -> ()
      %mul3A_129 = arith.constant 40 : i32
      %mul3A_130 = arith.muli %add3A_125, %mul3A_129 : i32
      %add3A_131 = arith.addi %add3A_9, %mul3A_130 : i32
      "tpu.region"() ({
        %run_scoped3A = tpu.sem_alloc : memref<!tpu.dma_semaphore, #tpu.memory_space<semaphore_mem>>
        %dma_start3A = arith.constant 0 : i32
        %dma_start3A_143 = arith.constant 0 : i32
        %dma_start3A_144 = tpu.memref_slice %arg13[%dma_start3A, %dma_start3A_143] : memref<128x128xf32, #tpu.memory_space<vmem>> -> memref<40x128xf32, #tpu.memory_space<vmem>>
        %dma_start3A_145 = arith.constant 0 : i32
        %dma_start3A_146 = tpu.memref_slice %arg9[%add3A_131, %dma_start3A_145] : memref<20480x128xf32, #tpu.memory_space<hbm>> -> memref<40x128xf32, #tpu.memory_space<hbm>>
        %dma_start3A_147 = arith.constant 0 : i32
        %dma_start3A_148 = arith.constant 0 : i32
        %dma_start3A_149 = tpu.memref_slice %arg13[%dma_start3A_147, %dma_start3A_148] : memref<128x128xf32, #tpu.memory_space<vmem>> -> memref<40x128xf32, #tpu.memory_space<vmem>>
        %dma_start3A_150 = arith.constant 0 : i32
        %dma_start3A_151 = tpu.memref_slice %arg9[%add3A_131, %dma_start3A_150] : memref<20480x128xf32, #tpu.memory_space<hbm>> -> memref<40x128xf32, #tpu.memory_space<hbm>>
        tpu.enqueue_dma source(%dma_start3A_151 : memref<40x128xf32, #tpu.memory_space<hbm>>) target(%dma_start3A_149 : memref<40x128xf32, #tpu.memory_space<vmem>>) target_semaphore(%run_scoped3A : memref<!tpu.dma_semaphore, #tpu.memory_space<semaphore_mem>>)
        %dma_wait3A = arith.constant 0 : i32
        %dma_wait3A_152 = arith.constant 0 : i32
        %dma_wait3A_153 = tpu.memref_slice %arg13[%dma_wait3A, %dma_wait3A_152] : memref<128x128xf32, #tpu.memory_space<vmem>> -> memref<40x128xf32, #tpu.memory_space<vmem>>
        %dma_wait3A_154 = arith.constant 0 : i32
        %dma_wait3A_155 = tpu.memref_slice %arg9[%add3A_131, %dma_wait3A_154] : memref<20480x128xf32, #tpu.memory_space<hbm>> -> memref<40x128xf32, #tpu.memory_space<hbm>>
        %dma_wait3A_156 = arith.constant 0 : i32
        %dma_wait3A_157 = arith.constant 0 : i32
        %dma_wait3A_158 = tpu.memref_slice %arg13[%dma_wait3A_156, %dma_wait3A_157] : memref<128x128xf32, #tpu.memory_space<vmem>> -> memref<40x128xf32, #tpu.memory_space<vmem>>
        %dma_wait3A_159 = arith.constant 0 : i32
        %dma_wait3A_160 = tpu.memref_slice %arg9[%add3A_131, %dma_wait3A_159] : memref<20480x128xf32, #tpu.memory_space<hbm>> -> memref<40x128xf32, #tpu.memory_space<hbm>>
        tpu.wait_dma2 semaphore(%run_scoped3A : memref<!tpu.dma_semaphore, #tpu.memory_space<semaphore_mem>>) src(%dma_wait3A_160 : memref<40x128xf32, #tpu.memory_space<hbm>>) dst(%dma_wait3A_158 : memref<40x128xf32, #tpu.memory_space<vmem>>)
        tpu.yield
      }) : () -> ()
      %mul3A_132 = arith.constant 40 : i32
      %mul3A_133 = arith.muli %add3A_125, %mul3A_132 : i32
      %add3A_134 = arith.addi %add3A_9, %mul3A_133 : i32
      "tpu.region"() ({
        %run_scoped3A = tpu.sem_alloc : memref<!tpu.dma_semaphore, #tpu.memory_space<semaphore_mem>>
        %dma_start3A = arith.constant 40 : i32
        %dma_start3A_143 = arith.constant 0 : i32
        %dma_start3A_144 = tpu.memref_slice %arg12[%dma_start3A, %dma_start3A_143] : memref<128x128xf32, #tpu.memory_space<vmem>> -> memref<40x128xf32, #tpu.memory_space<vmem>>
        %dma_start3A_145 = arith.constant 0 : i32
        %dma_start3A_146 = tpu.memref_slice %arg8[%add3A_134, %dma_start3A_145] : memref<20480x128xf32, #tpu.memory_space<hbm>> -> memref<40x128xf32, #tpu.memory_space<hbm>>
        %dma_start3A_147 = arith.constant 40 : i32
        %dma_start3A_148 = arith.constant 0 : i32
        %dma_start3A_149 = tpu.memref_slice %arg12[%dma_start3A_147, %dma_start3A_148] : memref<128x128xf32, #tpu.memory_space<vmem>> -> memref<40x128xf32, #tpu.memory_space<vmem>>
        %dma_start3A_150 = arith.constant 0 : i32
        %dma_start3A_151 = tpu.memref_slice %arg8[%add3A_134, %dma_start3A_150] : memref<20480x128xf32, #tpu.memory_space<hbm>> -> memref<40x128xf32, #tpu.memory_space<hbm>>
        tpu.enqueue_dma source(%dma_start3A_151 : memref<40x128xf32, #tpu.memory_space<hbm>>) target(%dma_start3A_149 : memref<40x128xf32, #tpu.memory_space<vmem>>) target_semaphore(%run_scoped3A : memref<!tpu.dma_semaphore, #tpu.memory_space<semaphore_mem>>)
        %dma_wait3A = arith.constant 40 : i32
        %dma_wait3A_152 = arith.constant 0 : i32
        %dma_wait3A_153 = tpu.memref_slice %arg12[%dma_wait3A, %dma_wait3A_152] : memref<128x128xf32, #tpu.memory_space<vmem>> -> memref<40x128xf32, #tpu.memory_space<vmem>>
        %dma_wait3A_154 = arith.constant 0 : i32
        %dma_wait3A_155 = tpu.memref_slice %arg8[%add3A_134, %dma_wait3A_154] : memref<20480x128xf32, #tpu.memory_space<hbm>> -> memref<40x128xf32, #tpu.memory_space<hbm>>
        %dma_wait3A_156 = arith.constant 40 : i32
        %dma_wait3A_157 = arith.constant 0 : i32
        %dma_wait3A_158 = tpu.memref_slice %arg12[%dma_wait3A_156, %dma_wait3A_157] : memref<128x128xf32, #tpu.memory_space<vmem>> -> memref<40x128xf32, #tpu.memory_space<vmem>>
        %dma_wait3A_159 = arith.constant 0 : i32
        %dma_wait3A_160 = tpu.memref_slice %arg8[%add3A_134, %dma_wait3A_159] : memref<20480x128xf32, #tpu.memory_space<hbm>> -> memref<40x128xf32, #tpu.memory_space<hbm>>
        tpu.wait_dma2 semaphore(%run_scoped3A : memref<!tpu.dma_semaphore, #tpu.memory_space<semaphore_mem>>) src(%dma_wait3A_160 : memref<40x128xf32, #tpu.memory_space<hbm>>) dst(%dma_wait3A_158 : memref<40x128xf32, #tpu.memory_space<vmem>>)
        tpu.yield
      }) : () -> ()
      %scan3A_135 = arith.constant 0 : i32
      %scan3A_136 = arith.constant 40 : i32
      %scan3A_137 = arith.addi %scan3A_135, %scan3A_136 : i32
      %scan3A_138 = arith.constant 1 : i32
      scf.for %scan3A_143 = %scan3A_135 to %scan3A_137 step %scan3A_138  : i32 {
        %mul3A_144 = arith.constant 1 : i32
        %mul3A_145 = arith.muli %scan3A_143, %mul3A_144 : i32
        %add3A_146 = arith.constant 0 : i32
        %add3A_147 = arith.addi %add3A_146, %mul3A_145 : i32
        %get3A = arith.index_cast %add3A_147 : i32 to index
        %get3A_148 = arith.constant 0 : index
        %get3A_149 = tpu.vector_load %arg12[%get3A, %get3A_148] {strides = array<i32>} : memref<128x128xf32, #tpu.memory_space<vmem>>, vector<1x16xf32>,
        %get3A_150 = vector.shape_cast %get3A_149 : vector<1x16xf32> to vector<16xf32>
        %get3A_151 = arith.index_cast %add3A_147 : i32 to index
        %get3A_152 = arith.constant 0 : index
        %get3A_153 = tpu.vector_load %arg13[%get3A_151, %get3A_152] {strides = array<i32>} : memref<128x128xf32, #tpu.memory_space<vmem>>, vector<1x16xf32>,
        %get3A_154 = vector.shape_cast %get3A_153 : vector<1x16xf32> to vector<16xf32>
        %mul3A_155 = arith.mulf %get3A_150, %get3A_154 : vector<16xf32>
        %add3A_156 = arith.constant 40 : i32
        %add3A_157 = arith.addi %add3A_156, %add3A_147 : i32
        %get3A_158 = arith.index_cast %add3A_157 : i32 to index
        %get3A_159 = arith.constant 0 : index
        %get3A_160 = tpu.vector_load %arg12[%get3A_158, %get3A_159] {strides = array<i32>} : memref<128x128xf32, #tpu.memory_space<vmem>>, vector<1x16xf32>,
        %get3A_161 = vector.shape_cast %get3A_160 : vector<1x16xf32> to vector<16xf32>
        %add3A_162 = arith.addf %mul3A_155, %get3A_161 : vector<16xf32>
        %mul3A_163 = arith.constant 5.000000e-01 : f32
        %mul3A_164 = vector.broadcast %mul3A_163 : f32 to vector<16xf32>
        %mul3A_165 = arith.mulf %add3A_162, %mul3A_164 : vector<16xf32>
        %max3A = arith.constant 0.000000e+00 : f32
        %max3A_166 = vector.broadcast %max3A : f32 to vector<16xf32>
        %max3A_167 = arith.maximumf %mul3A_165, %max3A_166 : vector<16xf32>
        %add3A_168 = arith.constant 40 : i32
        %add3A_169 = arith.addi %add3A_168, %add3A_147 : i32
        %swap3A = arith.index_cast %add3A_169 : i32 to index
        %swap3A_170 = arith.constant 0 : index
        %swap3A_171 = tpu.vector_load %arg13[%swap3A, %swap3A_170] {strides = array<i32>} : memref<128x128xf32, #tpu.memory_space<vmem>>, vector<1x16xf32>,
        %swap3A_172 = vector.shape_cast %swap3A_171 : vector<1x16xf32> to vector<16xf32>
        %swap3A_173 = vector.shape_cast %max3A_167 : vector<16xf32> to vector<1x16xf32>
        tpu.vector_store %arg13[%swap3A, %swap3A_170], %swap3A_173 {strides = array<i32>} : memref<128x128xf32, #tpu.memory_space<vmem>>, vector<1x16xf32>,
        %get3A_174 = arith.index_cast %add3A_147 : i32 to index
        %get3A_175 = arith.constant 16 : index
        %get3A_176 = tpu.vector_load %arg12[%get3A_174, %get3A_175] {strides = array<i32>} : memref<128x128xf32, #tpu.memory_space<vmem>>, vector<1x16xf32>,
        %get3A_177 = vector.shape_cast %get3A_176 : vector<1x16xf32> to vector<16xf32>
        %get3A_178 = arith.index_cast %add3A_147 : i32 to index
        %get3A_179 = arith.constant 16 : index
        %get3A_180 = tpu.vector_load %arg13[%get3A_178, %get3A_179] {strides = array<i32>} : memref<128x128xf32, #tpu.memory_space<vmem>>, vector<1x16xf32>,
        %get3A_181 = vector.shape_cast %get3A_180 : vector<1x16xf32> to vector<16xf32>
        %mul3A_182 = arith.mulf %get3A_177, %get3A_181 : vector<16xf32>
        %add3A_183 = arith.constant 40 : i32
        %add3A_184 = arith.addi %add3A_183, %add3A_147 : i32
        %get3A_185 = arith.index_cast %add3A_184 : i32 to index
        %get3A_186 = arith.constant 16 : index
        %get3A_187 = tpu.vector_load %arg12[%get3A_185, %get3A_186] {strides = array<i32>} : memref<128x128xf32, #tpu.memory_space<vmem>>, vector<1x16xf32>,
        %get3A_188 = vector.shape_cast %get3A_187 : vector<1x16xf32> to vector<16xf32>
        %add3A_189 = arith.addf %mul3A_182, %get3A_188 : vector<16xf32>
        %mul3A_190 = arith.constant 5.000000e-01 : f32
        %mul3A_191 = vector.broadcast %mul3A_190 : f32 to vector<16xf32>
        %mul3A_192 = arith.mulf %add3A_189, %mul3A_191 : vector<16xf32>
        %max3A_193 = arith.constant 0.000000e+00 : f32
        %max3A_194 = vector.broadcast %max3A_193 : f32 to vector<16xf32>
        %max3A_195 = arith.maximumf %mul3A_192, %max3A_194 : vector<16xf32>
        %add3A_196 = arith.constant 40 : i32
        %add3A_197 = arith.addi %add3A_196, %add3A_147 : i32
        %swap3A_198 = arith.index_cast %add3A_197 : i32 to index
        %swap3A_199 = arith.constant 16 : index
        %swap3A_200 = tpu.vector_load %arg13[%swap3A_198, %swap3A_199] {strides = array<i32>} : memref<128x128xf32, #tpu.memory_space<vmem>>, vector<1x16xf32>,
        %swap3A_201 = vector.shape_cast %swap3A_200 : vector<1x16xf32> to vector<16xf32>
        %swap3A_202 = vector.shape_cast %max3A_195 : vector<16xf32> to vector<1x16xf32>
        tpu.vector_store %arg13[%swap3A_198, %swap3A_199], %swap3A_202 {strides = array<i32>} : memref<128x128xf32, #tpu.memory_space<vmem>>, vector<1x16xf32>,
        %get3A_203 = arith.index_cast %add3A_147 : i32 to index
        %get3A_204 = arith.constant 32 : index
        %get3A_205 = tpu.vector_load %arg12[%get3A_203, %get3A_204] {strides = array<i32>} : memref<128x128xf32, #tpu.memory_space<vmem>>, vector<1x16xf32>,
        %get3A_206 = vector.shape_cast %get3A_205 : vector<1x16xf32> to vector<16xf32>
        %get3A_207 = arith.index_cast %add3A_147 : i32 to index
        %get3A_208 = arith.constant 32 : index
        %get3A_209 = tpu.vector_load %arg13[%get3A_207, %get3A_208] {strides = array<i32>} : memref<128x128xf32, #tpu.memory_space<vmem>>, vector<1x16xf32>,
        %get3A_210 = vector.shape_cast %get3A_209 : vector<1x16xf32> to vector<16xf32>
        %mul3A_211 = arith.mulf %get3A_206, %get3A_210 : vector<16xf32>
        %add3A_212 = arith.constant 40 : i32
        %add3A_213 = arith.addi %add3A_212, %add3A_147 : i32
        %get3A_214 = arith.index_cast %add3A_213 : i32 to index
        %get3A_215 = arith.constant 32 : index
        %get3A_216 = tpu.vector_load %arg12[%get3A_214, %get3A_215] {strides = array<i32>} : memref<128x128xf32, #tpu.memory_space<vmem>>, vector<1x16xf32>,
        %get3A_217 = vector.shape_cast %get3A_216 : vector<1x16xf32> to vector<16xf32>
        %add3A_218 = arith.addf %mul3A_211, %get3A_217 : vector<16xf32>
        %mul3A_219 = arith.constant 5.000000e-01 : f32
        %mul3A_220 = vector.broadcast %mul3A_219 : f32 to vector<16xf32>
        %mul3A_221 = arith.mulf %add3A_218, %mul3A_220 : vector<16xf32>
        %max3A_222 = arith.constant 0.000000e+00 : f32
        %max3A_223 = vector.broadcast %max3A_222 : f32 to vector<16xf32>
        %max3A_224 = arith.maximumf %mul3A_221, %max3A_223 : vector<16xf32>
        %add3A_225 = arith.constant 40 : i32
        %add3A_226 = arith.addi %add3A_225, %add3A_147 : i32
        %swap3A_227 = arith.index_cast %add3A_226 : i32 to index
        %swap3A_228 = arith.constant 32 : index
        %swap3A_229 = tpu.vector_load %arg13[%swap3A_227, %swap3A_228] {strides = array<i32>} : memref<128x128xf32, #tpu.memory_space<vmem>>, vector<1x16xf32>,
        %swap3A_230 = vector.shape_cast %swap3A_229 : vector<1x16xf32> to vector<16xf32>
        %swap3A_231 = vector.shape_cast %max3A_224 : vector<16xf32> to vector<1x16xf32>
        tpu.vector_store %arg13[%swap3A_227, %swap3A_228], %swap3A_231 {strides = array<i32>} : memref<128x128xf32, #tpu.memory_space<vmem>>, vector<1x16xf32>,
        %get3A_232 = arith.index_cast %add3A_147 : i32 to index
        %get3A_233 = arith.constant 48 : index
        %get3A_234 = tpu.vector_load %arg12[%get3A_232, %get3A_233] {strides = array<i32>} : memref<128x128xf32, #tpu.memory_space<vmem>>, vector<1x16xf32>,
        %get3A_235 = vector.shape_cast %get3A_234 : vector<1x16xf32> to vector<16xf32>
        %get3A_236 = arith.index_cast %add3A_147 : i32 to index
        %get3A_237 = arith.constant 48 : index
        %get3A_238 = tpu.vector_load %arg13[%get3A_236, %get3A_237] {strides = array<i32>} : memref<128x128xf32, #tpu.memory_space<vmem>>, vector<1x16xf32>,
        %get3A_239 = vector.shape_cast %get3A_238 : vector<1x16xf32> to vector<16xf32>
        %mul3A_240 = arith.mulf %get3A_235, %get3A_239 : vector<16xf32>
        %add3A_241 = arith.constant 40 : i32
        %add3A_242 = arith.addi %add3A_241, %add3A_147 : i32
        %get3A_243 = arith.index_cast %add3A_242 : i32 to index
        %get3A_244 = arith.constant 48 : index
        %get3A_245 = tpu.vector_load %arg12[%get3A_243, %get3A_244] {strides = array<i32>} : memref<128x128xf32, #tpu.memory_space<vmem>>, vector<1x16xf32>,
        %get3A_246 = vector.shape_cast %get3A_245 : vector<1x16xf32> to vector<16xf32>
        %add3A_247 = arith.addf %mul3A_240, %get3A_246 : vector<16xf32>
        %mul3A_248 = arith.constant 5.000000e-01 : f32
        %mul3A_249 = vector.broadcast %mul3A_248 : f32 to vector<16xf32>
        %mul3A_250 = arith.mulf %add3A_247, %mul3A_249 : vector<16xf32>
        %max3A_251 = arith.constant 0.000000e+00 : f32
        %max3A_252 = vector.broadcast %max3A_251 : f32 to vector<16xf32>
        %max3A_253 = arith.maximumf %mul3A_250, %max3A_252 : vector<16xf32>
        %add3A_254 = arith.constant 40 : i32
        %add3A_255 = arith.addi %add3A_254, %add3A_147 : i32
        %swap3A_256 = arith.index_cast %add3A_255 : i32 to index
        %swap3A_257 = arith.constant 48 : index
        %swap3A_258 = tpu.vector_load %arg13[%swap3A_256, %swap3A_257] {strides = array<i32>} : memref<128x128xf32, #tpu.memory_space<vmem>>, vector<1x16xf32>,
        %swap3A_259 = vector.shape_cast %swap3A_258 : vector<1x16xf32> to vector<16xf32>
        %swap3A_260 = vector.shape_cast %max3A_253 : vector<16xf32> to vector<1x16xf32>
        tpu.vector_store %arg13[%swap3A_256, %swap3A_257], %swap3A_260 {strides = array<i32>} : memref<128x128xf32, #tpu.memory_space<vmem>>, vector<1x16xf32>,
        %get3A_261 = arith.index_cast %add3A_147 : i32 to index
        %get3A_262 = arith.constant 64 : index
        %get3A_263 = tpu.vector_load %arg12[%get3A_261, %get3A_262] {strides = array<i32>} : memref<128x128xf32, #tpu.memory_space<vmem>>, vector<1x16xf32>,
        %get3A_264 = vector.shape_cast %get3A_263 : vector<1x16xf32> to vector<16xf32>
        %get3A_265 = arith.index_cast %add3A_147 : i32 to index
        %get3A_266 = arith.constant 64 : index
        %get3A_267 = tpu.vector_load %arg13[%get3A_265, %get3A_266] {strides = array<i32>} : memref<128x128xf32, #tpu.memory_space<vmem>>, vector<1x16xf32>,
        %get3A_268 = vector.shape_cast %get3A_267 : vector<1x16xf32> to vector<16xf32>
        %mul3A_269 = arith.mulf %get3A_264, %get3A_268 : vector<16xf32>
        %add3A_270 = arith.constant 40 : i32
        %add3A_271 = arith.addi %add3A_270, %add3A_147 : i32
        %get3A_272 = arith.index_cast %add3A_271 : i32 to index
        %get3A_273 = arith.constant 64 : index
        %get3A_274 = tpu.vector_load %arg12[%get3A_272, %get3A_273] {strides = array<i32>} : memref<128x128xf32, #tpu.memory_space<vmem>>, vector<1x16xf32>,
        %get3A_275 = vector.shape_cast %get3A_274 : vector<1x16xf32> to vector<16xf32>
        %add3A_276 = arith.addf %mul3A_269, %get3A_275 : vector<16xf32>
        %mul3A_277 = arith.constant 5.000000e-01 : f32
        %mul3A_278 = vector.broadcast %mul3A_277 : f32 to vector<16xf32>
        %mul3A_279 = arith.mulf %add3A_276, %mul3A_278 : vector<16xf32>
        %max3A_280 = arith.constant 0.000000e+00 : f32
        %max3A_281 = vector.broadcast %max3A_280 : f32 to vector<16xf32>
        %max3A_282 = arith.maximumf %mul3A_279, %max3A_281 : vector<16xf32>
        %add3A_283 = arith.constant 40 : i32
        %add3A_284 = arith.addi %add3A_283, %add3A_147 : i32
        %swap3A_285 = arith.index_cast %add3A_284 : i32 to index
        %swap3A_286 = arith.constant 64 : index
        %swap3A_287 = tpu.vector_load %arg13[%swap3A_285, %swap3A_286] {strides = array<i32>} : memref<128x128xf32, #tpu.memory_space<vmem>>, vector<1x16xf32>,
        %swap3A_288 = vector.shape_cast %swap3A_287 : vector<1x16xf32> to vector<16xf32>
        %swap3A_289 = vector.shape_cast %max3A_282 : vector<16xf32> to vector<1x16xf32>
        tpu.vector_store %arg13[%swap3A_285, %swap3A_286], %swap3A_289 {strides = array<i32>} : memref<128x128xf32, #tpu.memory_space<vmem>>, vector<1x16xf32>,
        %get3A_290 = arith.index_cast %add3A_147 : i32 to index
        %get3A_291 = arith.constant 80 : index
        %get3A_292 = tpu.vector_load %arg12[%get3A_290, %get3A_291] {strides = array<i32>} : memref<128x128xf32, #tpu.memory_space<vmem>>, vector<1x16xf32>,
        %get3A_293 = vector.shape_cast %get3A_292 : vector<1x16xf32> to vector<16xf32>
        %get3A_294 = arith.index_cast %add3A_147 : i32 to index
        %get3A_295 = arith.constant 80 : index
        %get3A_296 = tpu.vector_load %arg13[%get3A_294, %get3A_295] {strides = array<i32>} : memref<128x128xf32, #tpu.memory_space<vmem>>, vector<1x16xf32>,
        %get3A_297 = vector.shape_cast %get3A_296 : vector<1x16xf32> to vector<16xf32>
        %mul3A_298 = arith.mulf %get3A_293, %get3A_297 : vector<16xf32>
        %add3A_299 = arith.constant 40 : i32
        %add3A_300 = arith.addi %add3A_299, %add3A_147 : i32
        %get3A_301 = arith.index_cast %add3A_300 : i32 to index
        %get3A_302 = arith.constant 80 : index
        %get3A_303 = tpu.vector_load %arg12[%get3A_301, %get3A_302] {strides = array<i32>} : memref<128x128xf32, #tpu.memory_space<vmem>>, vector<1x16xf32>,
        %get3A_304 = vector.shape_cast %get3A_303 : vector<1x16xf32> to vector<16xf32>
        %add3A_305 = arith.addf %mul3A_298, %get3A_304 : vector<16xf32>
        %mul3A_306 = arith.constant 5.000000e-01 : f32
        %mul3A_307 = vector.broadcast %mul3A_306 : f32 to vector<16xf32>
        %mul3A_308 = arith.mulf %add3A_305, %mul3A_307 : vector<16xf32>
        %max3A_309 = arith.constant 0.000000e+00 : f32
        %max3A_310 = vector.broadcast %max3A_309 : f32 to vector<16xf32>
        %max3A_311 = arith.maximumf %mul3A_308, %max3A_310 : vector<16xf32>
        %add3A_312 = arith.constant 40 : i32
        %add3A_313 = arith.addi %add3A_312, %add3A_147 : i32
        %swap3A_314 = arith.index_cast %add3A_313 : i32 to index
        %swap3A_315 = arith.constant 80 : index
        %swap3A_316 = tpu.vector_load %arg13[%swap3A_314, %swap3A_315] {strides = array<i32>} : memref<128x128xf32, #tpu.memory_space<vmem>>, vector<1x16xf32>,
        %swap3A_317 = vector.shape_cast %swap3A_316 : vector<1x16xf32> to vector<16xf32>
        %swap3A_318 = vector.shape_cast %max3A_311 : vector<16xf32> to vector<1x16xf32>
        tpu.vector_store %arg13[%swap3A_314, %swap3A_315], %swap3A_318 {strides = array<i32>} : memref<128x128xf32, #tpu.memory_space<vmem>>, vector<1x16xf32>,
        %get3A_319 = arith.index_cast %add3A_147 : i32 to index
        %get3A_320 = arith.constant 96 : index
        %get3A_321 = tpu.vector_load %arg12[%get3A_319, %get3A_320] {strides = array<i32>} : memref<128x128xf32, #tpu.memory_space<vmem>>, vector<1x16xf32>,
        %get3A_322 = vector.shape_cast %get3A_321 : vector<1x16xf32> to vector<16xf32>
        %get3A_323 = arith.index_cast %add3A_147 : i32 to index
        %get3A_324 = arith.constant 96 : index
        %get3A_325 = tpu.vector_load %arg13[%get3A_323, %get3A_324] {strides = array<i32>} : memref<128x128xf32, #tpu.memory_space<vmem>>, vector<1x16xf32>,
        %get3A_326 = vector.shape_cast %get3A_325 : vector<1x16xf32> to vector<16xf32>
        %mul3A_327 = arith.mulf %get3A_322, %get3A_326 : vector<16xf32>
        %add3A_328 = arith.constant 40 : i32
        %add3A_329 = arith.addi %add3A_328, %add3A_147 : i32
        %get3A_330 = arith.index_cast %add3A_329 : i32 to index
        %get3A_331 = arith.constant 96 : index
        %get3A_332 = tpu.vector_load %arg12[%get3A_330, %get3A_331] {strides = array<i32>} : memref<128x128xf32, #tpu.memory_space<vmem>>, vector<1x16xf32>,
        %get3A_333 = vector.shape_cast %get3A_332 : vector<1x16xf32> to vector<16xf32>
        %add3A_334 = arith.addf %mul3A_327, %get3A_333 : vector<16xf32>
        %mul3A_335 = arith.constant 5.000000e-01 : f32
        %mul3A_336 = vector.broadcast %mul3A_335 : f32 to vector<16xf32>
        %mul3A_337 = arith.mulf %add3A_334, %mul3A_336 : vector<16xf32>
        %max3A_338 = arith.constant 0.000000e+00 : f32
        %max3A_339 = vector.broadcast %max3A_338 : f32 to vector<16xf32>
        %max3A_340 = arith.maximumf %mul3A_337, %max3A_339 : vector<16xf32>
        %add3A_341 = arith.constant 40 : i32
        %add3A_342 = arith.addi %add3A_341, %add3A_147 : i32
        %swap3A_343 = arith.index_cast %add3A_342 : i32 to index
        %swap3A_344 = arith.constant 96 : index
        %swap3A_345 = tpu.vector_load %arg13[%swap3A_343, %swap3A_344] {strides = array<i32>} : memref<128x128xf32, #tpu.memory_space<vmem>>, vector<1x16xf32>,
        %swap3A_346 = vector.shape_cast %swap3A_345 : vector<1x16xf32> to vector<16xf32>
        %swap3A_347 = vector.shape_cast %max3A_340 : vector<16xf32> to vector<1x16xf32>
        tpu.vector_store %arg13[%swap3A_343, %swap3A_344], %swap3A_347 {strides = array<i32>} : memref<128x128xf32, #tpu.memory_space<vmem>>, vector<1x16xf32>,
        %get3A_348 = arith.index_cast %add3A_147 : i32 to index
        %get3A_349 = arith.constant 112 : index
        %get3A_350 = tpu.vector_load %arg12[%get3A_348, %get3A_349] {strides = array<i32>} : memref<128x128xf32, #tpu.memory_space<vmem>>, vector<1x16xf32>,
        %get3A_351 = vector.shape_cast %get3A_350 : vector<1x16xf32> to vector<16xf32>
        %get3A_352 = arith.index_cast %add3A_147 : i32 to index
        %get3A_353 = arith.constant 112 : index
        %get3A_354 = tpu.vector_load %arg13[%get3A_352, %get3A_353] {strides = array<i32>} : memref<128x128xf32, #tpu.memory_space<vmem>>, vector<1x16xf32>,
        %get3A_355 = vector.shape_cast %get3A_354 : vector<1x16xf32> to vector<16xf32>
        %mul3A_356 = arith.mulf %get3A_351, %get3A_355 : vector<16xf32>
        %add3A_357 = arith.constant 40 : i32
        %add3A_358 = arith.addi %add3A_357, %add3A_147 : i32
        %get3A_359 = arith.index_cast %add3A_358 : i32 to index
        %get3A_360 = arith.constant 112 : index
        %get3A_361 = tpu.vector_load %arg12[%get3A_359, %get3A_360] {strides = array<i32>} : memref<128x128xf32, #tpu.memory_space<vmem>>, vector<1x16xf32>,
        %get3A_362 = vector.shape_cast %get3A_361 : vector<1x16xf32> to vector<16xf32>
        %add3A_363 = arith.addf %mul3A_356, %get3A_362 : vector<16xf32>
        %mul3A_364 = arith.constant 5.000000e-01 : f32
        %mul3A_365 = vector.broadcast %mul3A_364 : f32 to vector<16xf32>
        %mul3A_366 = arith.mulf %add3A_363, %mul3A_365 : vector<16xf32>
        %max3A_367 = arith.constant 0.000000e+00 : f32
        %max3A_368 = vector.broadcast %max3A_367 : f32 to vector<16xf32>
        %max3A_369 = arith.maximumf %mul3A_366, %max3A_368 : vector<16xf32>
        %add3A_370 = arith.constant 40 : i32
        %add3A_371 = arith.addi %add3A_370, %add3A_147 : i32
        %swap3A_372 = arith.index_cast %add3A_371 : i32 to index
        %swap3A_373 = arith.constant 112 : index
        %swap3A_374 = tpu.vector_load %arg13[%swap3A_372, %swap3A_373] {strides = array<i32>} : memref<128x128xf32, #tpu.memory_space<vmem>>, vector<1x16xf32>,
        %swap3A_375 = vector.shape_cast %swap3A_374 : vector<1x16xf32> to vector<16xf32>
        %swap3A_376 = vector.shape_cast %max3A_369 : vector<16xf32> to vector<1x16xf32>
        tpu.vector_store %arg13[%swap3A_372, %swap3A_373], %swap3A_376 {strides = array<i32>} : memref<128x128xf32, #tpu.memory_space<vmem>>, vector<1x16xf32>,
      }
      %scan3A_139 = arith.constant 40 : i32
      %mul3A_140 = arith.constant 40 : i32
      %mul3A_141 = arith.muli %add3A_125, %mul3A_140 : i32
      %add3A_142 = arith.addi %add3A_9, %mul3A_141 : i32
      "tpu.region"() ({
        %run_scoped3A = tpu.sem_alloc : memref<!tpu.dma_semaphore, #tpu.memory_space<semaphore_mem>>
        %dma_start3A = arith.constant 40 : i32
        %dma_start3A_143 = arith.constant 0 : i32
        %dma_start3A_144 = tpu.memref_slice %arg13[%dma_start3A, %dma_start3A_143] : memref<128x128xf32, #tpu.memory_space<vmem>> -> memref<40x128xf32, #tpu.memory_space<vmem>>
        %dma_start3A_145 = arith.constant 0 : i32
        %dma_start3A_146 = tpu.memref_slice %arg8[%add3A_142, %dma_start3A_145] : memref<20480x128xf32, #tpu.memory_space<hbm>> -> memref<40x128xf32, #tpu.memory_space<hbm>>
        %dma_start3A_147 = arith.constant 0 : i32
        %dma_start3A_148 = tpu.memref_slice %arg8[%add3A_142, %dma_start3A_147] : memref<20480x128xf32, #tpu.memory_space<hbm>> -> memref<40x128xf32, #tpu.memory_space<hbm>>
        %dma_start3A_149 = arith.constant 40 : i32
        %dma_start3A_150 = arith.constant 0 : i32
        %dma_start3A_151 = tpu.memref_slice %arg13[%dma_start3A_149, %dma_start3A_150] : memref<128x128xf32, #tpu.memory_space<vmem>> -> memref<40x128xf32, #tpu.memory_space<vmem>>
        tpu.enqueue_dma source(%dma_start3A_151 : memref<40x128xf32, #tpu.memory_space<vmem>>) target(%dma_start3A_148 : memref<40x128xf32, #tpu.memory_space<hbm>>) target_semaphore(%run_scoped3A : memref<!tpu.dma_semaphore, #tpu.memory_space<semaphore_mem>>)
        %dma_wait3A = arith.constant 40 : i32
        %dma_wait3A_152 = arith.constant 0 : i32
        %dma_wait3A_153 = tpu.memref_slice %arg13[%dma_wait3A, %dma_wait3A_152] : memref<128x128xf32, #tpu.memory_space<vmem>> -> memref<40x128xf32, #tpu.memory_space<vmem>>
        %dma_wait3A_154 = arith.constant 0 : i32
        %dma_wait3A_155 = tpu.memref_slice %arg8[%add3A_142, %dma_wait3A_154] : memref<20480x128xf32, #tpu.memory_space<hbm>> -> memref<40x128xf32, #tpu.memory_space<hbm>>
        %dma_wait3A_156 = arith.constant 0 : i32
        %dma_wait3A_157 = tpu.memref_slice %arg8[%add3A_142, %dma_wait3A_156] : memref<20480x128xf32, #tpu.memory_space<hbm>> -> memref<40x128xf32, #tpu.memory_space<hbm>>
        %dma_wait3A_158 = arith.constant 40 : i32
        %dma_wait3A_159 = arith.constant 0 : i32
        %dma_wait3A_160 = tpu.memref_slice %arg13[%dma_wait3A_158, %dma_wait3A_159] : memref<128x128xf32, #tpu.memory_space<vmem>> -> memref<40x128xf32, #tpu.memory_space<vmem>>
        tpu.wait_dma2 semaphore(%run_scoped3A : memref<!tpu.dma_semaphore, #tpu.memory_space<semaphore_mem>>) src(%dma_wait3A_160 : memref<40x128xf32, #tpu.memory_space<vmem>>) dst(%dma_wait3A_157 : memref<40x128xf32, #tpu.memory_space<hbm>>)
        tpu.yield
      }) : () -> ()
    }
    %scan3A_119 = arith.constant 16 : i32
    %barrier3A_120 = arith.constant 0 : index
    tpu.barrier barrier_id(%barrier3A_120)
    return
  }
}

module attributes {stable_mosaic.version = 14 : i64} {
  func.func @body(%arg0: i32, %arg1: memref<2000x128xf32, #tpu.memory_space<vmem>>, %arg2: memref<128x128xf32, #tpu.memory_space<vmem>>, %arg3: memref<128x128xf32, #tpu.memory_space<vmem>>, %arg4: memref<2000x128xf32, #tpu.memory_space<vmem>>, %arg5: memref<2000x128xf32, #tpu.memory_space<vmem>>) attributes {dimension_semantics = [#tpu.dimension_semantics<arbitrary>], iteration_bounds = array<i64: 10>, scalar_prefetch = 0 : i64, scratch_operands = 0 : i64, tpu.core_type = #tpu.core_type<tc>, window_params = [{transform_indices = @transform_0, window_bounds = array<i64: 2000, 128>}, {pipeline_mode = #tpu.pipeline_mode<synchronous>, transform_indices = @transform_1, window_bounds = array<i64: 128, 128>}, {pipeline_mode = #tpu.pipeline_mode<synchronous>, transform_indices = @transform_2, window_bounds = array<i64: 128, 128>}, {transform_indices = @transform_3, window_bounds = array<i64: 2000, 128>}, {transform_indices = @transform_4, window_bounds = array<i64: 2000, 128>}]} {
    %get3A = arith.constant 0 : index
    %get3A_0 = arith.constant 0 : index
    %get3A_1 = vector.load %arg1[%get3A, %get3A_0] : memref<2000x128xf32, #tpu.memory_space<vmem>>, vector<2000x128xf32>
    %get3A_2 = arith.constant 0 : index
    %get3A_3 = arith.constant 0 : index
    %get3A_4 = vector.load %arg2[%get3A_2, %get3A_3] : memref<128x128xf32, #tpu.memory_space<vmem>>, vector<128x128xf32>
    %dot_general3A = arith.constant dense<0.000000e+00> : vector<2000x128xf32>
    %dot_general3A_5 = tpu.matmul %get3A_1, %get3A_4, %dot_general3A {dimension_numbers = #tpu.dot_dimension_numbers<[1], [0], [0], [1], [0, 0, 1, 1], [], []>, transpose_lhs_hint = false} : vector<2000x128xf32>, vector<128x128xf32>, vector<2000x128xf32> -> vector<2000x128xf32>
    %swap3A = arith.constant 0 : index
    %swap3A_6 = arith.constant 0 : index
    %swap3A_7 = vector.load %arg4[%swap3A, %swap3A_6] : memref<2000x128xf32, #tpu.memory_space<vmem>>, vector<2000x128xf32>
    tpu.vector_store %arg4[%swap3A, %swap3A_6], %dot_general3A_5 {strides = array<i32>} : memref<2000x128xf32, #tpu.memory_space<vmem>>, vector<2000x128xf32>,
    %get3A_8 = arith.constant 0 : index
    %get3A_9 = arith.constant 0 : index
    %get3A_10 = vector.load %arg3[%get3A_8, %get3A_9] : memref<128x128xf32, #tpu.memory_space<vmem>>, vector<128x128xf32>
    %dot_general3A_11 = arith.constant dense<0.000000e+00> : vector<2000x128xf32>
    %dot_general3A_12 = tpu.matmul %get3A_1, %get3A_10, %dot_general3A_11 {dimension_numbers = #tpu.dot_dimension_numbers<[1], [0], [0], [1], [0, 0, 1, 1], [], []>, transpose_lhs_hint = false} : vector<2000x128xf32>, vector<128x128xf32>, vector<2000x128xf32> -> vector<2000x128xf32>
    %swap3A_13 = arith.constant 0 : index
    %swap3A_14 = arith.constant 0 : index
    %swap3A_15 = vector.load %arg5[%swap3A_13, %swap3A_14] : memref<2000x128xf32, #tpu.memory_space<vmem>>, vector<2000x128xf32>
    tpu.vector_store %arg5[%swap3A_13, %swap3A_14], %dot_general3A_12 {strides = array<i32>} : memref<2000x128xf32, #tpu.memory_space<vmem>>, vector<2000x128xf32>,
    return
  }
  func.func @transform_0(%arg0: i32) -> (i32, i32) {
    %c0_i32 = arith.constant 0 : i32
    %c0_i32_0 = arith.constant 0 : i32
    return %arg0, %c0_i32 : i32, i32
  }
  func.func @transform_1(%arg0: i32) -> (i32, i32) {
    %c0_i32 = arith.constant 0 : i32
    %c0_i32_0 = arith.constant 0 : i32
    %c0_i32_1 = arith.constant 0 : i32
    return %c0_i32, %c0_i32_0 : i32, i32
  }
  func.func @transform_2(%arg0: i32) -> (i32, i32) {
    %c0_i32 = arith.constant 0 : i32
    %c0_i32_0 = arith.constant 0 : i32
    %c0_i32_1 = arith.constant 0 : i32
    return %c0_i32, %c0_i32_0 : i32, i32
  }
  func.func @transform_3(%arg0: i32) -> (i32, i32) {
    %c0_i32 = arith.constant 0 : i32
    %c0_i32_0 = arith.constant 0 : i32
    return %arg0, %c0_i32 : i32, i32
  }
  func.func @transform_4(%arg0: i32) -> (i32, i32) {
    %c0_i32 = arith.constant 0 : i32
    %c0_i32_0 = arith.constant 0 : i32
    return %arg0, %c0_i32 : i32, i32
  }
}

</mosaic_0001>

<sc_bundles>
// kernel: kernel.4.cloned.1.call-start
scs
__scs_entry_jumppad:
0x0: {  	(pc) =	sbr.rel $0x88, $3  }
0x1: {  	(tag) =	ssettag $0x0;
	lr =	simm.s32 $0x1  }
0x2: {  	[smem:$0x3F99] =	sst lr;
	_ =	strace $0xD0000000  }
0x3: {  	_ = 	snop  }
0x4: {  	_ = 	snop  }
0x5: {  	_ = 	snop  }
0x6: {  	_ = 	snop  }
0x7: {  	_ = 	snop  }
__scs_overlays_trampoline_lowered:
0x8: {  	[smem:$0x3FA8] =	sst s0  }
0x9: {  	[smem:$0x3FA9] =	sst s1  }
0xa: {  	[smem:$0x3FAA] =	sst s2  }
0xb: {  	[smem:$0x3FAB] =	sst s3  }
0xc: {  	[smem:$0x3FAC] =	sst s4  }
0xd: {  	[smem:$0x3FAD] =	sst s5  }
0xe: {  	[smem:$0x3FAE] =	sst s6  }
0xf: {  	[smem:$0x3FAF] =	sst s7  }
0x10: {  	[smem:$0x3FB0] =	sst s8  }
0x11: {  	[smem:$0x3FB1] =	sst s9;
	s0 =	simm.s32 @!p0 $0x0  }
0x12: {  	s1 =	sld [smem:$0x3F97];
	s0 =	simm.s32 @p0 $0x1  }
0x13: {  	[smem:$0x3FB2] =	sst s0;
	s0 =	simm.s32 @!p1 $0x0  }
0x14: {  	s2 =	sld [smem:$0x3F96];
	s0 =	simm.s32 @p1 $0x1  }
0x15: {  	[smem:$0x3FB3] =	sst s0;
	s0 =	simm.s32 @!p2 $0x0  }
0x16: {  	s3 =	sld [smem:$0x3FDB];
	s0 =	simm.s32 @p2 $0x1  }
0x17: {  	s4 =	simm.s32 $0x1BF5;
	[smem:$0x3FB5] =	sst s0  }
0x18: {  	s0 =	sld [smem:$0x3F98];
	_ =	swait.ge [sflag:s4], $0x0  }
0x19: {  	s7 =	sld [smem:$0x3F99]  }
0x1a: {  	s8 =	sadd.s32 $0xFFFFE003, lr  }
0x1b: {  	s9 =	sadd.s32 $0xFFFFFEF7, lr;
	s5 =	simm.s32 $0xFFFFFFFF;
	p2 =	slt.u32 s8, $0xFFFFF086  }
0x1c: {  	p1 =	slt.u32 s9, $0xF7A;
	s5 =	simm.s32 @!p2 $0x0  }
0x1d: {  	s5 =	simm.s32 @p1 $0x1;
	p0 =	seq.s32 s7, s2  }
0x1e: {  	s7 =	smul.u32 @!p0 $0xF7A, s2;
	p2 =	seq.s32 @!p0 s5, $0x0  }
0x1f: {  	s9 =	smul.u32 $0xF7A, s1;
	s8 =	simm.s32 @!p0 $0x1BF5;
	p2 =	por !p2, p0  }
0x20: {  	[sflag:s8] =	ssyncset.s32 @!p0 $0xFFFFF086;
	s6 =	sadd.s32 @!p0 s3, s7;
	s7 =	simm.s32 @!p0 $0x108  }
0x21: {  	s3 =	sadd.s32 s3, s9;
	s6 =	sadd.s32 @!p0 $0x88, s6;
	s7 =	simm.s32 @p2 $0x1082  }
0x22: {  	[simem:s7], [sflag:s8] =	dma.local @!p0 [hbm:s6], $0xF7A  }
0x23: {  	s9 =	sor.u32 $0xD0000000, s2;
	s6 =	simm.s32 $0x108;
	_ =	swait.ge @!p0 [sflag:s8], $0x0  }
0x24: {  	s3 =	sadd.s32 $0x88, s3;
	s6 =	simm.s32 @!p1 $0x1082;
	[sflag:s4] =	ssyncset.s32 $0xFFFFF086  }
0x25: {  	[simem:s6], [sflag:s4] =	dma.local [hbm:s3], $0xF7A  }
0x26: {  	[smem:$0x3F99] =	sst s1;
	(tag) =	ssettag s2;
	_ =	strace s9  }
0x27: {  	s1 =	sld [smem:$0x3FA9]  }
0x28: {  	s2 =	sld [smem:$0x3FAA]  }
0x29: {  	s4 =	sld [smem:$0x3FAC]  }
0x2a: {  	p0 =	seq.s32 s5, $0x0;
	s5 =	sld [smem:$0x3FAD]  }
0x2b: {  	s6 =	sld [smem:$0x3FAE]  }
0x2c: {  	s7 =	sld [smem:$0x3FAF]  }
0x2d: {  	s3 =	simm.s32 $0x108;
	s8 =	sld [smem:$0x3FB0]  }
0x2e: {  	s3 =	simm.s32 @!p0 $0x1082;
	s9 =	sld [smem:$0x3FB1]  }
0x2f: {  	lr =	sadd.s32 s0, s3;
	s0 =	sld [smem:$0x3FA8]  }
0x30: {  	s3 =	sld [smem:$0x3FAB]  }
0x31: {  	[smem:$0x3FB4] =	sst s10  }
0x32: {  	s10 =	sld [smem:$0x3FB2];
	_ =	sdelay $0x3  }
0x33: {  	p0 =	seq.s32 s10, $0x1;
	s10 =	sld [smem:$0x3FB4];
	_ =	sdelay $0x3  }
0x34: {  	[smem:$0x3FB4] =	sst s10  }
0x35: {  	s10 =	sld [smem:$0x3FB3];
	_ =	sdelay $0x3  }
0x36: {  	p1 =	seq.s32 s10, $0x1;
	s10 =	sld [smem:$0x3FB4];
	_ =	sdelay $0x3  }
0x37: {  	[smem:$0x3FB4] =	sst s10  }
0x38: {  	s10 =	sld [smem:$0x3FB5]  }
0x39: {  	_ = 	snop;
	(pc) =	sbr.ind lr, $3  }
0x3a: {  	_ = 	snop  }
0x3b: {  	_ = 	snop  }
0x3c: {  	p2 =	seq.s32 s10, $0x1;
	s10 =	sld [smem:$0x3FB4]  }
0x3d: {  	_ =	shalt  }
0x3e: {  	_ =	shalt  }
0x3f: {  	_ =	shalt  }
0x40: {  	_ =	shalt  }
0x41: {  	_ =	shalt  }
0x42: {  	_ =	shalt  }
0x43: {  	_ =	shalt  }
0x44: {  	_ =	shalt  }
0x45: {  	_ =	shalt  }
0x46: {  	_ =	shalt  }
0x47: {  	_ =	shalt  }
0x48: {  	_ =	shalt  }
0x49: {  	_ =	shalt  }
0x4a: {  	_ =	shalt  }
0x4b: {  	_ =	shalt  }
0x4c: {  	_ =	shalt  }
0x4d: {  	_ =	shalt  }
0x4e: {  	_ =	shalt  }
0x4f: {  	_ =	shalt  }
0x50: {  	_ =	shalt  }
0x51: {  	_ =	shalt  }
0x52: {  	_ =	shalt  }
0x53: {  	_ =	shalt  }
0x54: {  	_ =	shalt  }
0x55: {  	_ =	shalt  }
0x56: {  	_ =	shalt  }
0x57: {  	_ =	shalt  }
0x58: {  	_ =	shalt  }
0x59: {  	_ =	shalt  }
0x5a: {  	_ =	shalt  }
0x5b: {  	_ =	shalt  }
0x5c: {  	_ =	shalt  }
0x5d: {  	_ =	shalt  }
0x5e: {  	_ =	shalt  }
0x5f: {  	_ =	shalt  }
0x60: {  	_ =	shalt  }
0x61: {  	_ =	shalt  }
0x62: {  	_ =	shalt  }
0x63: {  	_ =	shalt  }
0x64: {  	_ =	shalt  }
0x65: {  	_ =	shalt  }
0x66: {  	_ =	shalt  }
0x67: {  	_ =	shalt  }
0x68: {  	_ =	shalt  }
0x69: {  	_ =	shalt  }
0x6a: {  	_ =	shalt  }
0x6b: {  	_ =	shalt  }
0x6c: {  	_ =	shalt  }
0x6d: {  	_ =	shalt  }
0x6e: {  	_ =	shalt  }
0x6f: {  	_ =	shalt  }
0x70: {  	_ =	shalt  }
0x71: {  	_ =	shalt  }
0x72: {  	_ =	shalt  }
0x73: {  	_ =	shalt  }
0x74: {  	_ =	shalt  }
0x75: {  	_ =	shalt  }
0x76: {  	_ =	shalt  }
0x77: {  	_ =	shalt  }
0x78: {  	_ =	shalt  }
0x79: {  	_ =	shalt  }
0x7a: {  	_ =	shalt  }
0x7b: {  	_ =	shalt  }
0x7c: {  	_ =	shalt  }
0x7d: {  	_ =	shalt  }
0x7e: {  	_ =	shalt  }
0x7f: {  	_ =	shalt  }
0x80: {  	_ =	shalt  }
0x81: {  	_ =	shalt  }
0x82: {  	_ =	shalt  }
0x83: {  	_ =	shalt  }
0x84: {  	_ =	shalt  }
0x85: {  	_ =	shalt  }
0x86: {  	_ =	shalt  }
0x87: {  	_ =	shalt  }
.Lfunc_end0:
.L_simem_size_0:
called_computation_lowered:
.L_overlay_start_0:
0x88: {  	s2 =	sld [smem:$0x3FD9]  }
0x89: {  	s3 =	sld [smem:$0x3FFE];
	_ =	sdelay $0x1  }
0x8a: {  	s1 =	srdreg.scid  }
0x8b: {  	s0 =	sand.u32 $0x1, s1  }
0x8c: {  	s14 =	sshll.u32 s0, $0xA;
	s2 =	sadd.s32 s3, s2  }
0x8d: {  	s2 =	sadd.s32 s2, s14  }
0x8e: {  	[smem:$0x3FC0] =	sst s2  }
0x8f: {  	_ = 	snop  }
0x90: {  	s2 =	sld [smem:$0x3FD0];
	_ =	sdelay $0x2  }
0x91: {  	s15 =	simm.s32 $0xA;
	s4 =	simm.s32 $0x10  }
0x92: {  	[smem:s4], [sflag:s15] =	dma.local [hbm:s2], $0x1  }
0x93: {  	_ =	swait.eq [sflag:s15], $0x1  }
0x94: {  	[sflag:s15] =	ssyncset.done $0x0  }
0x95: {  	s16 =	sld [smem:$0x10];
	[sflag:s15] =	ssyncadd.s32 $0xFFFFFFFF  }
0x96: {  	s17 =	sld [smem:$0x11];
	(tm) =	ssettm $0x1  }
0x97: {  	s18 =	sld [smem:$0x3FFB];
	_ =	sdelay $0x3  }
0x98: {  	_ =	strace s18  }
0x99: {  	s4 =	sld [smem:$0x3FFC];
	_ =	sdelay $0x3  }
0x9a: {  	_ =	strace s4  }
0x9b: {  	s4 =	sld [smem:$0x3FFD];
	_ =	sdelay $0x3  }
0x9c: {  	_ =	strace s4  }
0x9d: {  	_ =	strace $0x8FFFFFFF  }
0x9e: {  	s19 =	sld [smem:$0x3FDB];
	_ =	sdelay $0x1  }
0x9f: {  	s5 =	simm.s32 $_scs_section_size  }
0xa0: {  	s6 =	simm.s32 $_size__tile_overlayer_lowered;
	s7 =	simm.s32 $_tile_overlayer_lowered  }
0xa1: {  	s22 =	simm.s32 $0x1BFF;
	s21 =	sshll.u32 s7, $0x1;
	s4 =	sadd.s32 s5, s19  }
0xa2: {  	s8 =	simm.s32 $0x0;
	s20 =	sshll.u32 s6, $0x1;
	s6 =	sadd.s32 s21, s4  }
0xa3: {  	[timem:s8], [sflag:s22] =	dma.local [hbm:s6], s20  }
0xa4: {  	_ =	swait.ge [sflag:s22], s20  }
0xa5: {  	s5 =	ssub.s32 $0x0, s20;
	[sflag:s22] =	ssyncset.done $0x0  }
0xa6: {  	[sflag:s22] =	ssyncadd.s32 s5;
	_ =	sdelay $0x1  }
0xa7: {  	s23 =	simm.s32 $0x1B8B  }
0xa8: {  	_ =	swait.ge [sflag:s23], $0x1  }
0xa9: {  	[sflag:s23] =	ssyncset.done $0x0  }
0xaa: {  	s25 =	simm.s32 $0x1B8E;
	s24 =	sld [smem:$0x3FFE];
	[sflag:s23] =	ssyncadd.s32 $0xFFFFFFFF  }
0xab: {  	s26 =	simm.s32 $execute0_lowered;
	[smem:$0x3FD2] =	sst s25  }
0xac: {  	s6 =	sshll.u32 s26, $0x1;
	_ =	strace $0x80000046;
	[dreg:$0x1] =	wrdreg $0xFFFFFFFF  }
0xad: {  	s28 =	simm.s32 $_size_execute0_lowered;
	s4 =	sadd.s32 s4, s6;
	[dreg:$0x0] =	wrdreg $0x0  }
0xae: {  	s6 =	sshll.u32 s28, $0x1;
	[dreg:$0x2] =	wrdreg s4  }
0xaf: {  	[dreg:$0x3] =	wrdreg s6  }
0xb0: {  	[dreg:$0x4] =	wrdreg $0xC0  }
0xb1: {  	_ =	task [dreg:s8], $0x5FFFF  }
0xb2: {  	[dreg:$0x1] =	wrdreg $0xFFFFFFFF  }
0xb3: {  	[dreg:$0x0] =	wrdreg $0x60  }
0xb4: {  	[dreg:$0x2] =	wrdreg s24  }
0xb5: {  	[dreg:$0x3] =	wrdreg s16  }
0xb6: {  	[dreg:$0x4] =	wrdreg s17  }
0xb7: {  	[dreg:$0x5] =	wrdreg $0x90000  }
0xb8: {  	[dreg:$0x6] =	wrdreg $0x9  }
0xb9: {  	_ =	task.clear_ibuf [dreg:s8], $0x7FFFF;
	_ =	strace $0x90000046  }
0xba: {  	s29 =	simm.s32 $0x9;
	_ =	strace $0x80000050  }
0xbb: {  	_ =	swait.ge [sflag:s29], $0x1  }
0xbc: {  	[sflag:s29] =	ssyncadd.s32 $0xFFFFFFFF  }
0xbd: {  	_ =	strace $0x90000050  }
0xbe: {  	_ =	sfence  }
0xbf: {  	s30 =	sld [smem:$0x0];
	_ =	sdelay $0x2  }
0xc0: {  	s31 =	sshll.u32 s1, $0xD;
	s1 =	sshrl.u32 s1, $0x2  }
0xc1: {  	s3 =	sand.u32 $0x4000, s31;
	s1 =	sadd.s32 s1, s30  }
0xc2: {  	s0 =	sor.u32 s3, s0;
	s1 =	sshll.u32 s1, $0x11  }
0xc3: {  	s0 =	sor.u32 s1, s0  }
0xc4: {  	s0 =	sadd.s32 $0x8F2B, s0  }
0xc5: {  	[sflag:s0] =	ssyncadd.remote.s32 $0x1  }
0xc6: {  	_ =	sfence.sel $0xFFFF  }
0xc7: {  	[dreg:$0x0] =	wrdreg $0xFFFFFFFF;
	(pc) =	sbr.abs _section_cstart, $3  }
0xc8: {  	[dreg:$0x1] =	wrdreg $0xFFFFFFFF  }
0xc9: {  	_ =	task.clear_ibuf [dreg:s8], $0x2FFFF;
	_ =	strace $0x9FFFFFFF  }
0xca: {  	(tm) =	ssettm $0x7FFFFFFF  }
0xcb: {  	_ =	shalt  }
tec
execute0_lowered:
.L_overlay_start_1:
0x0: {  	(tag) =	ssettag $0x1  }
0x1: {  	s0 =	rddreg [dreg:$0x0]  }
0x2: {  	s1 =	rddreg [dreg:$0x1]  }
0x3: {  	s2 =	srdreg.scid;
	s6 =	rddreg [dreg:$0x2]  }
0x4: {  	s12 =	stileid.u32;
	s3 =	simm.s32 $0x0;
	s28 =	simm.s32 $0xB00  }
0x5: {  	s29 =	simm.s32 $0xB80;
	s30 =	simm.s32 $0xC00;
	s31 =	simm.s32 $0xC80  }
0x6: {  	s7 =	sand.u32 $0x1, s2;
	s2 =	rddreg [dreg:$0x3];
	s5 =	smul.u32 $0x5000, s12  }
0x7: {  	s15 =	simm.s32 $0x1;
	[smem:$0x7FF] =	sst s3;
	s10 =	smul.u32 $0x50000, s12  }
0x8: {  	s17 =	sadd.s32 $0x114C00, s0;
	s13 =	smul.u32 $0x280, s12;
	s14 =	sadd.s32 $0xC4C00, s0  }
0x9: {  	s4 =	smul.u32 $0x50000, s7;
	_ =	strace $0x80000047;
	[dreg:$0x8] =	wrdreg s17  }
0xa: {  	s11 =	ssub.s32 $0x2, s7;
	s7 =	smul.u32 $0x2800, s7;
	[dreg:$0xa] =	wrdreg s14  }
0xb: {  	s18 =	sshrl.u32 s11, $0x1;
	s10 =	sshrl.u32 s10, $0x2;
	[dreg:$0x9] =	wrdreg s13  }
0xc: {  	s5 =	sadd.s32 s5, s4;
	s4 =	sadd.s32 $0x4EA00, s0;
	s19 =	ssub.s32 s11, s18  }
0xd: {  	s10 =	sadd.s32 s10, s2;
	s7 =	sadd.s32 s13, s7;
	s18 =	simm.s32 $0x1000  }
0xe: {  	s8 =	sshrl.u32 s5, $0x3;
	s5 =	sadd.s32 $0x800, s0;
	[dreg:$0xc] =	wrdreg s7  }
0xf: {  	s20 =	sadd.s32 $0x4000, s10;
	s21 =	sadd.s32 $0x8000, s10;
	[dreg:$0xb] =	wrdreg s10  }
0x10: {  	s22 =	sadd.s32 $0xC000, s10;
	s24 =	sadd.s32 $0x10000, s10;
	[dreg:$0xe] =	wrdreg s20  }
0x11: {  	s10 =	simm.s32 $0xA00;
	s7 =	simm.s32 $0x2;
	[dreg:$0xf] =	wrdreg s21  }
0x12: {  	s9 =	sadd.s32 s8, s0;
	s0 =	smax.u32 s19, $0x1;
	[dreg:$0x10] =	wrdreg s22  }
0x13: {  	s23 =	sadd.s32 s8, s1;
	[dreg:$0x11] =	wrdreg s24;
	s16 =	sadd.s32 s8, s6  }
0x14: {  	s19 =	simm.s32 $0x3;
	s20 =	simm.s32 $0x800;
	[dreg:$0xd] =	wrdreg s0  }
0x15: {  	s21 =	simm.s32 $0x80;
	[dreg:$0x5] =	wrdreg s23;
	s26 =	sadd.s32 $0xB0C00, s9  }
0x16: {  	s25 =	sadd.s32 $0x9CC00, s9;
	s9 =	simm.s32 $0x5000;
	[dreg:$0x7] =	wrdreg s26  }
0x17: {  	v0 =	vimm.f32 $0.0e+00;
	v1 =	vimm.f32 $1.000000000e+00;
	s0 =	simm.s32 $0x0;
	[dreg:$0x6] =	wrdreg s25;
	s26 =	simm.s32 $0xA80  }
.LBB2_1:
0x18: {  	_ =	strace $0x80000048;
	s6 =	simm.s32 $0x0;
	s8 =	simm.s32 $0x200  }
.LBB2_2:
0x19: {  	p0 =	seq.s32 s8, $0xFE00;
	[tilespmem:s6+$0x1070] =	vst v0  }
0x1a: {  	[tilespmem:s6+$0x1000] =	vst v0  }
0x1b: {  	[tilespmem:s6+$0x1010] =	vst v0  }
.Ltmp0:
0x1c: {  	[tilespmem:s6+$0x1020] =	vst v0;
	(pc) =	sbr.rel @!p0 .LBB2_2-.Ltmp0, $4  }
0x1d: {  	[tilespmem:s6+$0x1030] =	vst v0  }
0x1e: {  	[tilespmem:s6+$0x1040] =	vst v0  }
0x1f: {  	[tilespmem:s6+$0x1050] =	vst v0  }
0x20: {  	[tilespmem:s6+$0x1060] =	vst v0;
	s6 =	sshra.s32 s8, $0x2;
	s8 =	sadd.s32 $0x200, s8  }
0x21: {  	[tilespmem:s6+$0x1070] =	vst v0  }
0x22: {  	[tilespmem:s6+$0x1000] =	vst v0  }
0x23: {  	[tilespmem:s6+$0x1010] =	vst v0  }
0x24: {  	[tilespmem:s6+$0x1020] =	vst v0  }
0x25: {  	[tilespmem:s6+$0x1030] =	vst v0  }
0x26: {  	[tilespmem:s6+$0x1040] =	vst v0  }
0x27: {  	[tilespmem:s6+$0x1050] =	vst v0  }
0x28: {  	[tilespmem:s6+$0x1060] =	vst v0;
	s17 =	rddreg [dreg:$0xb]  }
0x29: {  	[spmem:s17] =	stream.linear.scatter [tilespmem:s18], [sflag:$0x3], $0x4000, $0x200038;
	[tilespmem:$0x1D000] =	vst v63  }
0x2a: {  	_ =	swait.ge [sflag:s19], $0x4000  }
0x2b: {  	[sflag:s19] =	ssyncset.done $0x0  }
0x2c: {  	s22 =	rddreg [dreg:$0xe];
	[sflag:s19] =	ssyncadd.s32 $0xFFFFC000  }
0x2d: {  	[spmem:s22] =	stream.linear.scatter [tilespmem:s18], [sflag:$0x3], $0x4000, $0x200038;
	[tilespmem:$0x1D000] =	vst v63  }
0x2e: {  	_ =	swait.ge [sflag:s19], $0x4000  }
0x2f: {  	[sflag:s19] =	ssyncset.done $0x0  }
0x30: {  	s23 =	rddreg [dreg:$0xf];
	[sflag:s19] =	ssyncadd.s32 $0xFFFFC000  }
0x31: {  	[spmem:s23] =	stream.linear.scatter [tilespmem:s18], [sflag:$0x3], $0x4000, $0x200038;
	[tilespmem:$0x1D000] =	vst v63  }
0x32: {  	_ =	swait.ge [sflag:s19], $0x4000  }
0x33: {  	[sflag:s19] =	ssyncset.done $0x0  }
0x34: {  	s24 =	rddreg [dreg:$0x10];
	[sflag:s19] =	ssyncadd.s32 $0xFFFFC000  }
0x35: {  	[spmem:s24] =	stream.linear.scatter [tilespmem:s18], [sflag:$0x3], $0x4000, $0x200038;
	[tilespmem:$0x1D000] =	vst v63  }
0x36: {  	_ =	swait.ge [sflag:s19], $0x4000  }
0x37: {  	[sflag:s19] =	ssyncset.done $0x0  }
0x38: {  	s25 =	rddreg [dreg:$0x11];
	[sflag:s19] =	ssyncadd.s32 $0xFFFFC000  }
0x39: {  	[spmem:s25] =	stream.linear.scatter [tilespmem:s18], [sflag:$0x3], $0x4000, $0x200038;
	[tilespmem:$0x1D000] =	vst v63  }
0x3a: {  	_ =	swait.ge [sflag:s19], $0x4000  }
0x3b: {  	s6 =	simm.s32 $0x0;
	[sflag:s19] =	ssyncset.done $0x0  }
0x3c: {  	s8 =	simm.s32 $0x200;
	[dreg:$0x12] =	wrdreg s0;
	[sflag:s19] =	ssyncadd.s32 $0xFFFFC000  }
.LBB2_4:
0x3d: {  	p0 =	sne.s32 s8, $0xFE00;
	[tilespmem:s6+$0x1070] =	vst v1  }
0x3e: {  	[tilespmem:s6+$0x1000] =	vst v1  }
0x3f: {  	[tilespmem:s6+$0x1010] =	vst v1  }
.Ltmp1:
0x40: {  	[tilespmem:s6+$0x1020] =	vst v1;
	(pc) =	sbr.rel @p0 .LBB2_4-.Ltmp1, $4  }
0x41: {  	[tilespmem:s6+$0x1030] =	vst v1  }
0x42: {  	[tilespmem:s6+$0x1040] =	vst v1  }
0x43: {  	[tilespmem:s6+$0x1050] =	vst v1  }
0x44: {  	[tilespmem:s6+$0x1060] =	vst v1;
	s6 =	sshra.s32 s8, $0x2;
	s8 =	sadd.s32 $0x200, s8  }
0x45: {  	[tilespmem:s6+$0x1070] =	vst v1  }
0x46: {  	[tilespmem:s6+$0x1000] =	vst v1  }
0x47: {  	[tilespmem:s6+$0x1010] =	vst v1  }
0x48: {  	[tilespmem:s6+$0x1020] =	vst v1  }
0x49: {  	[tilespmem:s6+$0x1030] =	vst v1  }
0x4a: {  	[tilespmem:s6+$0x1040] =	vst v1  }
0x4b: {  	[tilespmem:s6+$0x1050] =	vst v1  }
0x4c: {  	[tilespmem:s6+$0x1060] =	vst v1  }
0x4d: {  	[bflag:$0x0] =	sbarrier.arrive $0xFFFF  }
0x4e: {  	_ =	strace $0x90000048  }
0x4f: {  	s25 =	sadd.s32 $0x0, s16;
	_ =	strace $0x80000049  }
0x50: {  	[tilespmem:s20], [sflag:$0x3] =	stream.linear.gather [hbm4b:s25+s3], $0x800, $0x200038;
	[tilespmem:$0x1D000] =	vst v63  }
0x51: {  	_ =	swait.ge [sflag:s19], $0x800  }
0x52: {  	[sflag:s19] =	ssyncset.done $0x0  }
0x53: {  	[sflag:s19] =	ssyncadd.s32 $0xFFFFF800  }
0x54: {  	[spmem:s2] =	stream.indirect.scatter.add.f32 [tilespmem:s18], [sflag:$0x1], $0x80, s20, s21, $0x2000b8;
	[tilespmem:$0x1D000] =	vst v63  }
0x55: {  	s17 =	simm.s32 $0x880  }
0x56: {  	[spmem:s2] =	stream.indirect.scatter.add.f32 [tilespmem:s18], [sflag:$0x1], $0x80, s17, s21, $0x2000b8;
	[tilespmem:$0x1D000] =	vst v63  }
0x57: {  	s22 =	simm.s32 $0x900  }
0x58: {  	[spmem:s2] =	stream.indirect.scatter.add.f32 [tilespmem:s18], [sflag:$0x1], $0x80, s22, s21, $0x2000b8;
	[tilespmem:$0x1D000] =	vst v63  }
0x59: {  	s23 =	simm.s32 $0x980  }
0x5a: {  	[spmem:s2] =	stream.indirect.scatter.add.f32 [tilespmem:s18], [sflag:$0x1], $0x80, s23, s21, $0x2000b8;
	[tilespmem:$0x1D000] =	vst v63  }
0x5b: {  	_ = 	snop  }
0x5c: {  	[spmem:s2] =	stream.indirect.scatter.add.f32 [tilespmem:s18], [sflag:$0x1], $0x80, s10, s21, $0x2000b8;
	[tilespmem:$0x1D000] =	vst v63  }
0x5d: {  	_ = 	snop  }
0x5e: {  	[spmem:s2] =	stream.indirect.scatter.add.f32 [tilespmem:s18], [sflag:$0x1], $0x80, s26, s21, $0x2000b8;
	[tilespmem:$0x1D000] =	vst v63  }
0x5f: {  	_ = 	snop  }
0x60: {  	[spmem:s2] =	stream.indirect.scatter.add.f32 [tilespmem:s18], [sflag:$0x1], $0x80, s28, s21, $0x2000b8;
	[tilespmem:$0x1D000] =	vst v63  }
0x61: {  	_ = 	snop  }
0x62: {  	[spmem:s2] =	stream.indirect.scatter.add.f32 [tilespmem:s18], [sflag:$0x1], $0x80, s29, s21, $0x2000b8;
	[tilespmem:$0x1D000] =	vst v63  }
0x63: {  	_ = 	snop  }
0x64: {  	[spmem:s2] =	stream.indirect.scatter.add.f32 [tilespmem:s18], [sflag:$0x1], $0x80, s30, s21, $0x2000b8;
	[tilespmem:$0x1D000] =	vst v63  }
0x65: {  	_ = 	snop  }
0x66: {  	[spmem:s2] =	stream.indirect.scatter.add.f32 [tilespmem:s18], [sflag:$0x1], $0x80, s31, s21, $0x2000b8;
	[tilespmem:$0x1D000] =	vst v63  }
0x67: {  	s0 =	simm.s32 $0xD00  }
0x68: {  	[spmem:s2] =	stream.indirect.scatter.add.f32 [tilespmem:s18], [sflag:$0x1], $0x80, s0, s21, $0x2000b8;
	[tilespmem:$0x1D000] =	vst v63  }
0x69: {  	s11 =	simm.s32 $0xD80  }
0x6a: {  	[spmem:s2] =	stream.indirect.scatter.add.f32 [tilespmem:s18], [sflag:$0x1], $0x80, s11, s21, $0x2000b8;
	[tilespmem:$0x1D000] =	vst v63  }
0x6b: {  	s12 =	simm.s32 $0xE00  }
0x6c: {  	[spmem:s2] =	stream.indirect.scatter.add.f32 [tilespmem:s18], [sflag:$0x1], $0x80, s12, s21, $0x2000b8;
	[tilespmem:$0x1D000] =	vst v63  }
0x6d: {  	s13 =	simm.s32 $0xE80  }
0x6e: {  	[spmem:s2] =	stream.indirect.scatter.add.f32 [tilespmem:s18], [sflag:$0x1], $0x80, s13, s21, $0x2000b8;
	[tilespmem:$0x1D000] =	vst v63  }
0x6f: {  	s14 =	simm.s32 $0xF00  }
0x70: {  	[spmem:s2] =	stream.indirect.scatter.add.f32 [tilespmem:s18], [sflag:$0x1], $0x80, s14, s21, $0x2000b8;
	[tilespmem:$0x1D000] =	vst v63  }
0x71: {  	s25 =	simm.s32 $0xF80  }
0x72: {  	[spmem:s2] =	stream.indirect.scatter.add.f32 [tilespmem:s18], [sflag:$0x1], $0x80, s25, s21, $0x2000b8;
	[tilespmem:$0x1D000] =	vst v63  }
0x73: {  	_ =	swait.ge [sflag:s15], $0x4000  }
0x74: {  	[sflag:s15] =	ssyncset.done $0x0  }
0x75: {  	[sflag:s15] =	ssyncadd.s32 $0xFFFFC000  }
0x76: {  	_ =	swait.ge [sflag:s15], $0x4000  }
0x77: {  	[sflag:s15] =	ssyncset.done $0x0  }
0x78: {  	[sflag:s15] =	ssyncadd.s32 $0xFFFFC000  }
0x79: {  	_ =	swait.ge [sflag:s15], $0x4000  }
0x7a: {  	[sflag:s15] =	ssyncset.done $0x0  }
0x7b: {  	[sflag:s15] =	ssyncadd.s32 $0xFFFFC000  }
0x7c: {  	_ =	swait.ge [sflag:s15], $0x4000  }
0x7d: {  	[sflag:s15] =	ssyncset.done $0x0  }
0x7e: {  	[sflag:s15] =	ssyncadd.s32 $0xFFFFC000  }
0x7f: {  	_ =	swait.ge [sflag:s15], $0x4000  }
0x80: {  	[sflag:s15] =	ssyncset.done $0x0  }
0x81: {  	[sflag:s15] =	ssyncadd.s32 $0xFFFFC000  }
0x82: {  	_ =	swait.ge [sflag:s15], $0x4000  }
0x83: {  	[sflag:s15] =	ssyncset.done $0x0  }
0x84: {  	[sflag:s15] =	ssyncadd.s32 $0xFFFFC000  }
0x85: {  	_ =	swait.ge [sflag:s15], $0x4000  }
0x86: {  	[sflag:s15] =	ssyncset.done $0x0  }
0x87: {  	[sflag:s15] =	ssyncadd.s32 $0xFFFFC000  }
0x88: {  	_ =	swait.ge [sflag:s15], $0x4000  }
0x89: {  	[sflag:s15] =	ssyncset.done $0x0  }
0x8a: {  	[sflag:s15] =	ssyncadd.s32 $0xFFFFC000  }
0x8b: {  	_ =	swait.ge [sflag:s15], $0x4000  }
0x8c: {  	[sflag:s15] =	ssyncset.done $0x0  }
0x8d: {  	[sflag:s15] =	ssyncadd.s32 $0xFFFFC000  }
0x8e: {  	_ =	swait.ge [sflag:s15], $0x4000  }
0x8f: {  	[sflag:s15] =	ssyncset.done $0x0  }
0x90: {  	[sflag:s15] =	ssyncadd.s32 $0xFFFFC000  }
0x91: {  	_ =	swait.ge [sflag:s15], $0x4000  }
0x92: {  	[sflag:s15] =	ssyncset.done $0x0  }
0x93: {  	[sflag:s15] =	ssyncadd.s32 $0xFFFFC000  }
0x94: {  	_ =	swait.ge [sflag:s15], $0x4000  }
0x95: {  	[sflag:s15] =	ssyncset.done $0x0  }
0x96: {  	[sflag:s15] =	ssyncadd.s32 $0xFFFFC000  }
0x97: {  	_ =	swait.ge [sflag:s15], $0x4000  }
0x98: {  	[sflag:s15] =	ssyncset.done $0x0  }
0x99: {  	[sflag:s15] =	ssyncadd.s32 $0xFFFFC000  }
0x9a: {  	_ =	swait.ge [sflag:s15], $0x4000  }
0x9b: {  	[sflag:s15] =	ssyncset.done $0x0  }
0x9c: {  	[sflag:s15] =	ssyncadd.s32 $0xFFFFC000  }
0x9d: {  	_ =	swait.ge [sflag:s15], $0x4000  }
0x9e: {  	s6 =	simm.s32 $0x100;
	s8 =	simm.s32 $0x200;
	[sflag:s15] =	ssyncset.done $0x0  }
0x9f: {  	s1 =	simm.s32 $0xC80;
	s26 =	simm.s32 $0xA00;
	[sflag:s15] =	ssyncadd.s32 $0xFFFFC000  }
0xa0: {  	s28 =	simm.s32 $0xA80;
	s29 =	simm.s32 $0xB00;
	_ =	swait.ge [sflag:s15], $0x4000  }
0xa1: {  	s30 =	simm.s32 $0xB80;
	s31 =	simm.s32 $0xC00;
	[sflag:s15] =	ssyncset.done $0x0  }
.LBB2_6:
0xa2: {  	s24 =	smov.u32 s16;
	s16 =	sadd.s32 s6, s16  }
0xa3: {  	[sflag:s15] =	ssyncadd.s32 $0xFFFFC000;
	s6 =	smov.u32 s8;
	s10 =	sadd.s32 $0x100, s8  }
0xa4: {  	[tilespmem:s20], [sflag:$0x3] =	stream.linear.gather [hbm4b:s16+s3], $0x800, $0x200038;
	[tilespmem:$0x1D000] =	vst v63  }
0xa5: {  	s16 =	smov.u32 s24  }
0xa6: {  	p0 =	sne.s32 s8, $0x900;
	_ =	swait.ge [sflag:s19], $0x800  }
0xa7: {  	[sflag:s19] =	ssyncset.done $0x0  }
0xa8: {  	[sflag:s19] =	ssyncadd.s32 $0xFFFFF800  }
0xa9: {  	[spmem:s2] =	stream.indirect.scatter.add.f32 [tilespmem:s18], [sflag:$0x1], $0x80, s20, s21, $0x2000b8;
	[tilespmem:$0x1D000] =	vst v63  }
0xaa: {  	_ = 	snop  }
0xab: {  	[spmem:s2] =	stream.indirect.scatter.add.f32 [tilespmem:s18], [sflag:$0x1], $0x80, s17, s21, $0x2000b8;
	[tilespmem:$0x1D000] =	vst v63  }
0xac: {  	_ = 	snop  }
0xad: {  	[spmem:s2] =	stream.indirect.scatter.add.f32 [tilespmem:s18], [sflag:$0x1], $0x80, s22, s21, $0x2000b8;
	[tilespmem:$0x1D000] =	vst v63  }
0xae: {  	_ = 	snop  }
0xaf: {  	[spmem:s2] =	stream.indirect.scatter.add.f32 [tilespmem:s18], [sflag:$0x1], $0x80, s23, s21, $0x2000b8;
	[tilespmem:$0x1D000] =	vst v63  }
0xb0: {  	_ = 	snop  }
0xb1: {  	[spmem:s2] =	stream.indirect.scatter.add.f32 [tilespmem:s18], [sflag:$0x1], $0x80, s26, s21, $0x2000b8;
	[tilespmem:$0x1D000] =	vst v63  }
0xb2: {  	_ = 	snop  }
0xb3: {  	[spmem:s2] =	stream.indirect.scatter.add.f32 [tilespmem:s18], [sflag:$0x1], $0x80, s28, s21, $0x2000b8;
	[tilespmem:$0x1D000] =	vst v63  }
0xb4: {  	_ = 	snop  }
0xb5: {  	[spmem:s2] =	stream.indirect.scatter.add.f32 [tilespmem:s18], [sflag:$0x1], $0x80, s29, s21, $0x2000b8;
	[tilespmem:$0x1D000] =	vst v63  }
0xb6: {  	_ = 	snop  }
0xb7: {  	[spmem:s2] =	stream.indirect.scatter.add.f32 [tilespmem:s18], [sflag:$0x1], $0x80, s30, s21, $0x2000b8;
	[tilespmem:$0x1D000] =	vst v63  }
0xb8: {  	_ = 	snop  }
0xb9: {  	[spmem:s2] =	stream.indirect.scatter.add.f32 [tilespmem:s18], [sflag:$0x1], $0x80, s31, s21, $0x2000b8;
	[tilespmem:$0x1D000] =	vst v63  }
0xba: {  	_ = 	snop  }
0xbb: {  	[spmem:s2] =	stream.indirect.scatter.add.f32 [tilespmem:s18], [sflag:$0x1], $0x80, s1, s21, $0x2000b8;
	[tilespmem:$0x1D000] =	vst v63  }
0xbc: {  	_ = 	snop  }
0xbd: {  	[spmem:s2] =	stream.indirect.scatter.add.f32 [tilespmem:s18], [sflag:$0x1], $0x80, s0, s21, $0x2000b8;
	[tilespmem:$0x1D000] =	vst v63  }
0xbe: {  	_ = 	snop  }
0xbf: {  	[spmem:s2] =	stream.indirect.scatter.add.f32 [tilespmem:s18], [sflag:$0x1], $0x80, s11, s21, $0x2000b8;
	[tilespmem:$0x1D000] =	vst v63  }
0xc0: {  	_ = 	snop  }
0xc1: {  	[spmem:s2] =	stream.indirect.scatter.add.f32 [tilespmem:s18], [sflag:$0x1], $0x80, s12, s21, $0x2000b8;
	[tilespmem:$0x1D000] =	vst v63  }
0xc2: {  	_ = 	snop  }
0xc3: {  	[spmem:s2] =	stream.indirect.scatter.add.f32 [tilespmem:s18], [sflag:$0x1], $0x80, s13, s21, $0x2000b8;
	[tilespmem:$0x1D000] =	vst v63  }
0xc4: {  	_ = 	snop  }
0xc5: {  	[spmem:s2] =	stream.indirect.scatter.add.f32 [tilespmem:s18], [sflag:$0x1], $0x80, s14, s21, $0x2000b8;
	[tilespmem:$0x1D000] =	vst v63  }
0xc6: {  	_ = 	snop  }
0xc7: {  	[spmem:s2] =	stream.indirect.scatter.add.f32 [tilespmem:s18], [sflag:$0x1], $0x80, s25, s21, $0x2000b8;
	[tilespmem:$0x1D000] =	vst v63  }
0xc8: {  	_ =	swait.ge [sflag:s15], $0x4000  }
0xc9: {  	[sflag:s15] =	ssyncset.done $0x0  }
0xca: {  	[sflag:s15] =	ssyncadd.s32 $0xFFFFC000  }
0xcb: {  	_ =	swait.ge [sflag:s15], $0x4000  }
0xcc: {  	[sflag:s15] =	ssyncset.done $0x0  }
0xcd: {  	[sflag:s15] =	ssyncadd.s32 $0xFFFFC000  }
0xce: {  	_ =	swait.ge [sflag:s15], $0x4000  }
0xcf: {  	[sflag:s15] =	ssyncset.done $0x0  }
0xd0: {  	[sflag:s15] =	ssyncadd.s32 $0xFFFFC000  }
0xd1: {  	_ =	swait.ge [sflag:s15], $0x4000  }
0xd2: {  	[sflag:s15] =	ssyncset.done $0x0  }
0xd3: {  	[sflag:s15] =	ssyncadd.s32 $0xFFFFC000  }
0xd4: {  	_ =	swait.ge [sflag:s15], $0x4000  }
0xd5: {  	[sflag:s15] =	ssyncset.done $0x0  }
0xd6: {  	[sflag:s15] =	ssyncadd.s32 $0xFFFFC000  }
0xd7: {  	_ =	swait.ge [sflag:s15], $0x4000  }
0xd8: {  	[sflag:s15] =	ssyncset.done $0x0  }
0xd9: {  	[sflag:s15] =	ssyncadd.s32 $0xFFFFC000  }
0xda: {  	_ =	swait.ge [sflag:s15], $0x4000  }
0xdb: {  	[sflag:s15] =	ssyncset.done $0x0  }
0xdc: {  	[sflag:s15] =	ssyncadd.s32 $0xFFFFC000  }
0xdd: {  	_ =	swait.ge [sflag:s15], $0x4000  }
0xde: {  	[sflag:s15] =	ssyncset.done $0x0  }
0xdf: {  	[sflag:s15] =	ssyncadd.s32 $0xFFFFC000  }
0xe0: {  	_ =	swait.ge [sflag:s15], $0x4000  }
0xe1: {  	[sflag:s15] =	ssyncset.done $0x0  }
0xe2: {  	[sflag:s15] =	ssyncadd.s32 $0xFFFFC000  }
0xe3: {  	_ =	swait.ge [sflag:s15], $0x4000  }
0xe4: {  	[sflag:s15] =	ssyncset.done $0x0  }
0xe5: {  	[sflag:s15] =	ssyncadd.s32 $0xFFFFC000  }
0xe6: {  	_ =	swait.ge [sflag:s15], $0x4000  }
0xe7: {  	[sflag:s15] =	ssyncset.done $0x0  }
0xe8: {  	[sflag:s15] =	ssyncadd.s32 $0xFFFFC000  }
0xe9: {  	_ =	swait.ge [sflag:s15], $0x4000  }
0xea: {  	[sflag:s15] =	ssyncset.done $0x0  }
0xeb: {  	[sflag:s15] =	ssyncadd.s32 $0xFFFFC000  }
0xec: {  	_ =	swait.ge [sflag:s15], $0x4000  }
0xed: {  	[sflag:s15] =	ssyncset.done $0x0  }
0xee: {  	[sflag:s15] =	ssyncadd.s32 $0xFFFFC000  }
0xef: {  	_ =	swait.ge [sflag:s15], $0x4000  }
0xf0: {  	[sflag:s15] =	ssyncset.done $0x0  }
0xf1: {  	[sflag:s15] =	ssyncadd.s32 $0xFFFFC000  }
.Ltmp2:
0xf2: {  	_ =	swait.ge [sflag:s15], $0x4000;
	(pc) =	sbr.rel @p0 .LBB2_6-.Ltmp2, $4  }
0xf3: {  	[sflag:s15] =	ssyncset.done $0x0  }
0xf4: {  	[sflag:s15] =	ssyncadd.s32 $0xFFFFC000  }
0xf5: {  	_ =	swait.ge [sflag:s15], $0x4000  }
0xf6: {  	s8 =	smov.u32 s10;
	[sflag:s15] =	ssyncset.done $0x0  }
0xf7: {  	s6 =	sadd.s32 s6, s16;
	[sflag:s15] =	ssyncadd.s32 $0xFFFFC000  }
0xf8: {  	[tilespmem:s20], [sflag:$0x3] =	stream.linear.gather [hbm4b:s6+s3], $0x800, $0x200038;
	[tilespmem:$0x1D000] =	vst v63  }
0xf9: {  	_ =	swait.ge [sflag:s19], $0x800  }
0xfa: {  	[sflag:s19] =	ssyncset.done $0x0  }
0xfb: {  	[sflag:s19] =	ssyncadd.s32 $0xFFFFF800  }
0xfc: {  	[spmem:s2] =	stream.indirect.scatter.add.f32 [tilespmem:s18], [sflag:$0x1], $0x80, s20, s21, $0x2000b8;
	[tilespmem:$0x1D000] =	vst v63  }
0xfd: {  	_ = 	snop  }
0xfe: {  	[spmem:s2] =	stream.indirect.scatter.add.f32 [tilespmem:s18], [sflag:$0x1], $0x80, s17, s21, $0x2000b8;
	[tilespmem:$0x1D000] =	vst v63  }
0xff: {  	_ = 	snop  }
0x100: {  	[spmem:s2] =	stream.indirect.scatter.add.f32 [tilespmem:s18], [sflag:$0x1], $0x80, s22, s21, $0x2000b8;
	[tilespmem:$0x1D000] =	vst v63  }
0x101: {  	_ = 	snop  }
0x102: {  	[spmem:s2] =	stream.indirect.scatter.add.f32 [tilespmem:s18], [sflag:$0x1], $0x80, s23, s21, $0x2000b8;
	[tilespmem:$0x1D000] =	vst v63  }
0x103: {  	_ = 	snop  }
0x104: {  	[spmem:s2] =	stream.indirect.scatter.add.f32 [tilespmem:s18], [sflag:$0x1], $0x80, s26, s21, $0x2000b8;
	[tilespmem:$0x1D000] =	vst v63  }
0x105: {  	_ = 	snop  }
0x106: {  	[spmem:s2] =	stream.indirect.scatter.add.f32 [tilespmem:s18], [sflag:$0x1], $0x80, s28, s21, $0x2000b8;
	[tilespmem:$0x1D000] =	vst v63  }
0x107: {  	_ = 	snop  }
0x108: {  	[spmem:s2] =	stream.indirect.scatter.add.f32 [tilespmem:s18], [sflag:$0x1], $0x80, s29, s21, $0x2000b8;
	[tilespmem:$0x1D000] =	vst v63  }
0x109: {  	_ = 	snop  }
0x10a: {  	[spmem:s2] =	stream.indirect.scatter.add.f32 [tilespmem:s18], [sflag:$0x1], $0x80, s30, s21, $0x2000b8;
	[tilespmem:$0x1D000] =	vst v63  }
0x10b: {  	_ = 	snop  }
0x10c: {  	[spmem:s2] =	stream.indirect.scatter.add.f32 [tilespmem:s18], [sflag:$0x1], $0x80, s31, s21, $0x2000b8;
	[tilespmem:$0x1D000] =	vst v63  }
0x10d: {  	_ = 	snop  }
0x10e: {  	[spmem:s2] =	stream.indirect.scatter.add.f32 [tilespmem:s18], [sflag:$0x1], $0x80, s1, s21, $0x2000b8;
	[tilespmem:$0x1D000] =	vst v63  }
0x10f: {  	_ = 	snop  }
0x110: {  	[spmem:s2] =	stream.indirect.scatter.add.f32 [tilespmem:s18], [sflag:$0x1], $0x80, s0, s21, $0x2000b8;
	[tilespmem:$0x1D000] =	vst v63  }
0x111: {  	_ = 	snop  }
0x112: {  	[spmem:s2] =	stream.indirect.scatter.add.f32 [tilespmem:s18], [sflag:$0x1], $0x80, s11, s21, $0x2000b8;
	[tilespmem:$0x1D000] =	vst v63  }
0x113: {  	_ = 	snop  }
0x114: {  	[spmem:s2] =	stream.indirect.scatter.add.f32 [tilespmem:s18], [sflag:$0x1], $0x80, s12, s21, $0x2000b8;
	[tilespmem:$0x1D000] =	vst v63  }
0x115: {  	_ = 	snop  }
0x116: {  	[spmem:s2] =	stream.indirect.scatter.add.f32 [tilespmem:s18], [sflag:$0x1], $0x80, s13, s21, $0x2000b8;
	[tilespmem:$0x1D000] =	vst v63  }
0x117: {  	_ = 	snop  }
0x118: {  	[spmem:s2] =	stream.indirect.scatter.add.f32 [tilespmem:s18], [sflag:$0x1], $0x80, s14, s21, $0x2000b8;
	[tilespmem:$0x1D000] =	vst v63  }
0x119: {  	_ = 	snop  }
0x11a: {  	[spmem:s2] =	stream.indirect.scatter.add.f32 [tilespmem:s18], [sflag:$0x1], $0x80, s25, s21, $0x2000b8;
	[tilespmem:$0x1D000] =	vst v63  }
0x11b: {  	_ =	swait.ge [sflag:s15], $0x4000  }
0x11c: {  	[sflag:s15] =	ssyncset.done $0x0  }
0x11d: {  	[sflag:s15] =	ssyncadd.s32 $0xFFFFC000  }
0x11e: {  	_ =	swait.ge [sflag:s15], $0x4000  }
0x11f: {  	[sflag:s15] =	ssyncset.done $0x0  }
0x120: {  	[sflag:s15] =	ssyncadd.s32 $0xFFFFC000  }
0x121: {  	_ =	swait.ge [sflag:s15], $0x4000  }
0x122: {  	[sflag:s15] =	ssyncset.done $0x0  }
0x123: {  	[sflag:s15] =	ssyncadd.s32 $0xFFFFC000  }
0x124: {  	_ =	swait.ge [sflag:s15], $0x4000  }
0x125: {  	[sflag:s15] =	ssyncset.done $0x0  }
0x126: {  	[sflag:s15] =	ssyncadd.s32 $0xFFFFC000  }
0x127: {  	_ =	swait.ge [sflag:s15], $0x4000  }
0x128: {  	[sflag:s15] =	ssyncset.done $0x0  }
0x129: {  	[sflag:s15] =	ssyncadd.s32 $0xFFFFC000  }
0x12a: {  	_ =	swait.ge [sflag:s15], $0x4000  }
0x12b: {  	[sflag:s15] =	ssyncset.done $0x0  }
0x12c: {  	[sflag:s15] =	ssyncadd.s32 $0xFFFFC000  }
0x12d: {  	_ =	swait.ge [sflag:s15], $0x4000  }
0x12e: {  	[sflag:s15] =	ssyncset.done $0x0  }
0x12f: {  	[sflag:s15] =	ssyncadd.s32 $0xFFFFC000  }
0x130: {  	_ =	swait.ge [sflag:s15], $0x4000  }
0x131: {  	[sflag:s15] =	ssyncset.done $0x0  }
0x132: {  	[sflag:s15] =	ssyncadd.s32 $0xFFFFC000  }
0x133: {  	_ =	swait.ge [sflag:s15], $0x4000  }
0x134: {  	[sflag:s15] =	ssyncset.done $0x0  }
0x135: {  	[sflag:s15] =	ssyncadd.s32 $0xFFFFC000  }
0x136: {  	_ =	swait.ge [sflag:s15], $0x4000  }
0x137: {  	[sflag:s15] =	ssyncset.done $0x0  }
0x138: {  	[sflag:s15] =	ssyncadd.s32 $0xFFFFC000  }
0x139: {  	_ =	swait.ge [sflag:s15], $0x4000  }
0x13a: {  	[sflag:s15] =	ssyncset.done $0x0  }
0x13b: {  	[sflag:s15] =	ssyncadd.s32 $0xFFFFC000  }
0x13c: {  	_ =	swait.ge [sflag:s15], $0x4000  }
0x13d: {  	[sflag:s15] =	ssyncset.done $0x0  }
0x13e: {  	[sflag:s15] =	ssyncadd.s32 $0xFFFFC000  }
0x13f: {  	_ =	swait.ge [sflag:s15], $0x4000  }
0x140: {  	[sflag:s15] =	ssyncset.done $0x0  }
0x141: {  	[sflag:s15] =	ssyncadd.s32 $0xFFFFC000  }
0x142: {  	_ =	swait.ge [sflag:s15], $0x4000  }
0x143: {  	[sflag:s15] =	ssyncset.done $0x0  }
0x144: {  	[sflag:s15] =	ssyncadd.s32 $0xFFFFC000  }
0x145: {  	_ =	swait.ge [sflag:s15], $0x4000  }
0x146: {  	[sflag:s15] =	ssyncset.done $0x0  }
0x147: {  	[sflag:s15] =	ssyncadd.s32 $0xFFFFC000  }
0x148: {  	_ =	swait.ge [sflag:s15], $0x4000  }
0x149: {  	s6 =	simm.s32 $0x0;
	s26 =	simm.s32 $0xA80;
	[sflag:s15] =	ssyncset.done $0x0  }
0x14a: {  	s28 =	simm.s32 $0xB00;
	s29 =	simm.s32 $0xB80;
	[sflag:s15] =	ssyncadd.s32 $0xFFFFC000  }
0x14b: {  	s30 =	simm.s32 $0xC00;
	s31 =	simm.s32 $0xF80;
	[bflag:$0x0] =	sbarrier.arrive $0xFFFF  }
0x14c: {  	s1 =	simm.s32 $0xC80;
	s0 =	simm.s32 $0xD00;
	_ =	strace $0x90000049  }
0x14d: {  	s11 =	simm.s32 $0xD80;
	s12 =	simm.s32 $0xE00;
	_ =	strace $0x8000004A  }
0x14e: {  	s13 =	simm.s32 $0xE80;
	s14 =	simm.s32 $0xF00;
	s10 =	rddreg [dreg:$0x9]  }
.LBB2_8:
0x14f: {  	s8 =	smul.u32 $0x28, s6;
	_ =	sdelay $0x1  }
0x150: {  	s10 =	sadd.s32 s10, s8  }
0x151: {  	s10 =	sshll.u32 s10, $0x7  }
0x152: {  	s10 =	sand.u32 $0x3FFFFF80, s10  }
0x153: {  	s10 =	sadd.s32 s10, s2  }
0x154: {  	[tilespmem:s18], [sflag:$0x3] =	stream.linear.gather [spmem:s10], $0x1400, $0x200038;
	[tilespmem:$0x1D000] =	vst v63  }
0x155: {  	_ =	swait.ge [sflag:s19], $0x1400  }
0x156: {  	[sflag:s19] =	ssyncset.done $0x0  }
0x157: {  	s16 =	simm.s32 $0x0;
	[sflag:s19] =	ssyncadd.s32 $0xFFFFEC00  }
0x158: {  	v2 =	vld [tilespmem:s16+$0x1000];
	_ =	sdelay $0x4  }
0x159: {  	v2 =	vmax.f32 v2, $1.000000000e+00  }
0x15a: {  	s10 =	simm.s32 $0x80;
	(erf) = vrcp.f32 v2  }
0x15b: {  	v2 =	vld [tilespmem:s10+$0x1000];
	_ =	sdelay $0x4  }
0x15c: {  	v2 =	vmax.f32 v2, $1.000000000e+00;
	_ =	sdelay $0x1  }
0x15d: {  	(erf) = vrcp.f32 v2  }
0x15e: {  	s17 =	simm.s32 $0x100;
	s22 =	simm.s32 $0x600;
	v2 =	vpop (erf)  }
.LBB2_9:
0x15f: {  	p0 =	sne.s32 s22, $0x4E00;
	v3 =	vld [tilespmem:s17+$0x1000];
	[tilespmem:s16+$0x5070] =	vst v2;
	s23 =	smov.u32 s10;
	s10 =	smov.u32 s17  }
0x160: {  	[tilespmem:s16+$0x5000] =	vst v2  }
0x161: {  	[tilespmem:s16+$0x5010] =	vst v2  }
.Ltmp3:
0x162: {  	[tilespmem:s16+$0x5020] =	vst v2;
	(pc) =	sbr.rel @p0 .LBB2_9-.Ltmp3, $4  }
0x163: {  	[tilespmem:s16+$0x5030] =	vst v2  }
0x164: {  	v3 =	vmax.f32 v3, $1.000000000e+00;
	[tilespmem:s16+$0x5040] =	vst v2  }
0x165: {  	(erf) = vrcp.f32 v3;
	[tilespmem:s16+$0x5050] =	vst v2  }
0x166: {  	s17 =	sshra.s32 s22, $0x2;
	s22 =	sadd.s32 $0x200, s22;
	[tilespmem:s16+$0x5060] =	vst v2;
	v2 =	vpop (erf);
	s16 =	smov.u32 s23  }
0x167: {  	v3 =	vld [tilespmem:s17+$0x1000]  }
0x168: {  	[tilespmem:s16+$0x5070] =	vst v2  }
0x169: {  	[tilespmem:s16+$0x5000] =	vst v2  }
0x16a: {  	[tilespmem:s16+$0x5010] =	vst v2  }
0x16b: {  	[tilespmem:s16+$0x5020] =	vst v2  }
0x16c: {  	[tilespmem:s16+$0x5030] =	vst v2;
	v3 =	vmax.f32 v3, $1.000000000e+00  }
0x16d: {  	[tilespmem:s16+$0x5040] =	vst v2  }
0x16e: {  	[tilespmem:s16+$0x5050] =	vst v2;
	(erf) = vrcp.f32 v3  }
0x16f: {  	[tilespmem:s16+$0x5060] =	vst v2;
	v3 =	vpop (erf)  }
0x170: {  	[tilespmem:s10+$0x5070] =	vst v3  }
0x171: {  	[tilespmem:s10+$0x5000] =	vst v3  }
0x172: {  	[tilespmem:s10+$0x5010] =	vst v3  }
0x173: {  	[tilespmem:s10+$0x5020] =	vst v3  }
0x174: {  	[tilespmem:s10+$0x5030] =	vst v3  }
0x175: {  	[tilespmem:s10+$0x5040] =	vst v3  }
0x176: {  	[tilespmem:s10+$0x5050] =	vst v3  }
0x177: {  	[tilespmem:s10+$0x5060] =	vst v3;
	v2 =	vpop (erf)  }
0x178: {  	[tilespmem:s17+$0x5070] =	vst v2  }
0x179: {  	[tilespmem:s17+$0x5000] =	vst v2  }
0x17a: {  	[tilespmem:s17+$0x5010] =	vst v2  }
0x17b: {  	[tilespmem:s17+$0x5020] =	vst v2  }
0x17c: {  	s23 =	rddreg [dreg:$0xc];
	[tilespmem:s17+$0x5030] =	vst v2  }
0x17d: {  	s6 =	sadd.s32 $0x1, s6;
	s8 =	sadd.s32 s23, s8;
	[tilespmem:s17+$0x5040] =	vst v2  }
0x17e: {  	s25 =	rddreg [dreg:$0xa];
	p0 =	sne.s32 s6, $0x10;
	s8 =	sshll.u32 s8, $0x4;
	[tilespmem:s17+$0x5050] =	vst v2  }
.Ltmp4:
0x17f: {  	s8 =	sadd.s32 s25, s8;
	[tilespmem:s17+$0x5060] =	vst v2;
	(pc) =	sbr.rel @p0 .LBB2_8-.Ltmp4, $4  }
0x180: {  	[hbm4b:s8+s3] =	stream.linear.scatter [tilespmem:s9], [sflag:$0x3], $0x1400, $0x200038;
	[tilespmem:$0x1D000] =	vst v63  }
0x181: {  	_ =	swait.ge [sflag:s19], $0x1400  }
0x182: {  	[sflag:s19] =	ssyncset.done $0x0  }
0x183: {  	s10 =	rddreg [dreg:$0x9];
	[sflag:s19] =	ssyncadd.s32 $0xFFFFEC00  }
0x184: {  	[bflag:$0x0] =	sbarrier.arrive $0xFFFF  }
0x185: {  	_ =	strace $0x9000004A  }
0x186: {  	s6 =	simm.s32 $0x0;
	s8 =	simm.s32 $0x200;
	_ =	strace $0x8000004B  }
.LBB2_12:
0x187: {  	p0 =	seq.s32 s8, $0xFE00;
	[tilespmem:s6+$0x1070] =	vst v0  }
0x188: {  	[tilespmem:s6+$0x1000] =	vst v0  }
0x189: {  	[tilespmem:s6+$0x1010] =	vst v0  }
.Ltmp5:
0x18a: {  	[tilespmem:s6+$0x1020] =	vst v0;
	(pc) =	sbr.rel @!p0 .LBB2_12-.Ltmp5, $4  }
0x18b: {  	[tilespmem:s6+$0x1030] =	vst v0  }
0x18c: {  	[tilespmem:s6+$0x1040] =	vst v0  }
0x18d: {  	[tilespmem:s6+$0x1050] =	vst v0  }
0x18e: {  	[tilespmem:s6+$0x1060] =	vst v0;
	s6 =	sshra.s32 s8, $0x2;
	s8 =	sadd.s32 $0x200, s8  }
0x18f: {  	[tilespmem:s6+$0x1070] =	vst v0  }
0x190: {  	[tilespmem:s6+$0x1000] =	vst v0  }
0x191: {  	[tilespmem:s6+$0x1010] =	vst v0  }
0x192: {  	[tilespmem:s6+$0x1020] =	vst v0  }
0x193: {  	[tilespmem:s6+$0x1030] =	vst v0  }
0x194: {  	[tilespmem:s6+$0x1040] =	vst v0  }
0x195: {  	[tilespmem:s6+$0x1050] =	vst v0  }
0x196: {  	[tilespmem:s6+$0x1060] =	vst v0;
	s17 =	rddreg [dreg:$0xb]  }
0x197: {  	[spmem:s17] =	stream.linear.scatter [tilespmem:s18], [sflag:$0x3], $0x4000, $0x200038;
	[tilespmem:$0x1D000] =	vst v63  }
0x198: {  	_ =	swait.ge [sflag:s19], $0x4000  }
0x199: {  	[sflag:s19] =	ssyncset.done $0x0  }
0x19a: {  	s22 =	rddreg [dreg:$0xe];
	[sflag:s19] =	ssyncadd.s32 $0xFFFFC000  }
0x19b: {  	[spmem:s22] =	stream.linear.scatter [tilespmem:s18], [sflag:$0x3], $0x4000, $0x200038;
	[tilespmem:$0x1D000] =	vst v63  }
0x19c: {  	_ =	swait.ge [sflag:s19], $0x4000  }
0x19d: {  	[sflag:s19] =	ssyncset.done $0x0  }
0x19e: {  	s23 =	rddreg [dreg:$0xf];
	[sflag:s19] =	ssyncadd.s32 $0xFFFFC000  }
0x19f: {  	[spmem:s23] =	stream.linear.scatter [tilespmem:s18], [sflag:$0x3], $0x4000, $0x200038;
	[tilespmem:$0x1D000] =	vst v63  }
0x1a0: {  	_ =	swait.ge [sflag:s19], $0x4000  }
0x1a1: {  	[sflag:s19] =	ssyncset.done $0x0  }
0x1a2: {  	s25 =	rddreg [dreg:$0x10];
	[sflag:s19] =	ssyncadd.s32 $0xFFFFC000  }
0x1a3: {  	[spmem:s25] =	stream.linear.scatter [tilespmem:s18], [sflag:$0x3], $0x4000, $0x200038;
	[tilespmem:$0x1D000] =	vst v63  }
0x1a4: {  	_ =	swait.ge [sflag:s19], $0x4000  }
0x1a5: {  	[sflag:s19] =	ssyncset.done $0x0  }
0x1a6: {  	s10 =	rddreg [dreg:$0x11];
	[sflag:s19] =	ssyncadd.s32 $0xFFFFC000  }
0x1a7: {  	[spmem:s10] =	stream.linear.scatter [tilespmem:s18], [sflag:$0x3], $0x4000, $0x200038;
	[tilespmem:$0x1D000] =	vst v63  }
0x1a8: {  	_ =	swait.ge [sflag:s19], $0x4000  }
0x1a9: {  	[sflag:s19] =	ssyncset.done $0x0  }
0x1aa: {  	[sflag:s19] =	ssyncadd.s32 $0xFFFFC000  }
0x1ab: {  	[bflag:$0x0] =	sbarrier.arrive $0xFFFF  }
0x1ac: {  	_ =	strace $0x9000004B  }
0x1ad: {  	s17 =	rddreg [dreg:$0x5]  }
0x1ae: {  	s6 =	sadd.s32 $0x0, s17  }
0x1af: {  	[tilespmem:s3], [sflag:$0x3] =	stream.linear.gather [hbm4b:s6+s3], $0x800, $0x38;
	[tilespmem:$0x1D000] =	vst v63  }
0x1b0: {  	_ =	swait.ge [sflag:s19], $0x800  }
0x1b1: {  	[sflag:s19] =	ssyncset.done $0x0  }
0x1b2: {  	s22 =	sadd.s32 $0x0, s24;
	[sflag:s19] =	ssyncadd.s32 $0xFFFFF800  }
0x1b3: {  	[tilespmem:s20], [sflag:$0x3] =	stream.linear.gather [hbm4b:s22+s3], $0x800, $0x38;
	[tilespmem:$0x1D000] =	vst v63  }
0x1b4: {  	_ =	swait.ge [sflag:s19], $0x800  }
0x1b5: {  	[sflag:s19] =	ssyncset.done $0x0  }
0x1b6: {  	[sflag:s19] =	ssyncadd.s32 $0xFFFFF800  }
0x1b7: {  	[tilespmem:s18], [sflag:$0x1] =	stream.indirect.gather [hbm4b:s4+s21], $0x80, s3, s21, $0xb8;
	[tilespmem:$0x1D000] =	vst v63  }
0x1b8: {  	_ = 	snop  }
0x1b9: {  	[tilespmem:s9], [sflag:$0x2] =	stream.indirect.gather [hbm4b:s4+s21], $0x80, s21, s21, $0xb8;
	[tilespmem:$0x1D000] =	vst v63  }
0x1ba: {  	_ =	swait.ge [sflag:s15], $0x4000  }
0x1bb: {  	[sflag:s15] =	ssyncset.done $0x0  }
0x1bc: {  	[sflag:s15] =	ssyncadd.s32 $0xFFFFC000  }
0x1bd: {  	[spmem:s2] =	stream.indirect.scatter.add.f32 [tilespmem:s18], [sflag:$0x3], $0x80, s20, s21, $0xb8;
	[tilespmem:$0x1D000] =	vst v63  }
0x1be: {  	_ =	swait.ge [sflag:s19], $0x4000  }
0x1bf: {  	[sflag:s19] =	ssyncset.done $0x0  }
0x1c0: {  	s23 =	simm.s32 $0x100;
	[sflag:s19] =	ssyncadd.s32 $0xFFFFC000  }
0x1c1: {  	[tilespmem:s18], [sflag:$0x1] =	stream.indirect.gather [hbm4b:s4+s21], $0x80, s23, s21, $0xb8;
	[tilespmem:$0x1D000] =	vst v63  }
0x1c2: {  	_ =	swait.ge [sflag:s7], $0x4000  }
0x1c3: {  	[sflag:s7] =	ssyncset.done $0x0  }
0x1c4: {  	s25 =	simm.s32 $0x880;
	[sflag:s7] =	ssyncadd.s32 $0xFFFFC000  }
0x1c5: {  	[spmem:s2] =	stream.indirect.scatter.add.f32 [tilespmem:s9], [sflag:$0x3], $0x80, s25, s21, $0xb8;
	[tilespmem:$0x1D000] =	vst v63  }
0x1c6: {  	_ =	swait.ge [sflag:s19], $0x4000  }
0x1c7: {  	[sflag:s19] =	ssyncset.done $0x0  }
0x1c8: {  	s10 =	simm.s32 $0x180;
	[sflag:s19] =	ssyncadd.s32 $0xFFFFC000  }
0x1c9: {  	[tilespmem:s9], [sflag:$0x2] =	stream.indirect.gather [hbm4b:s4+s21], $0x80, s10, s21, $0xb8;
	[tilespmem:$0x1D000] =	vst v63  }
0x1ca: {  	_ =	swait.ge [sflag:s15], $0x4000  }
0x1cb: {  	[sflag:s15] =	ssyncset.done $0x0  }
0x1cc: {  	s17 =	simm.s32 $0x900;
	[sflag:s15] =	ssyncadd.s32 $0xFFFFC000  }
0x1cd: {  	[spmem:s2] =	stream.indirect.scatter.add.f32 [tilespmem:s18], [sflag:$0x3], $0x80, s17, s21, $0xb8;
	[tilespmem:$0x1D000] =	vst v63  }
0x1ce: {  	_ =	swait.ge [sflag:s19], $0x4000  }
0x1cf: {  	[sflag:s19] =	ssyncset.done $0x0  }
0x1d0: {  	s22 =	simm.s32 $0x200;
	[sflag:s19] =	ssyncadd.s32 $0xFFFFC000  }
0x1d1: {  	[tilespmem:s18], [sflag:$0x1] =	stream.indirect.gather [hbm4b:s4+s21], $0x80, s22, s21, $0xb8;
	[tilespmem:$0x1D000] =	vst v63  }
0x1d2: {  	_ =	swait.ge [sflag:s7], $0x4000  }
0x1d3: {  	[sflag:s7] =	ssyncset.done $0x0  }
0x1d4: {  	s23 =	simm.s32 $0x980;
	[sflag:s7] =	ssyncadd.s32 $0xFFFFC000  }
0x1d5: {  	[spmem:s2] =	stream.indirect.scatter.add.f32 [tilespmem:s9], [sflag:$0x3], $0x80, s23, s21, $0xb8;
	[tilespmem:$0x1D000] =	vst v63  }
0x1d6: {  	_ =	swait.ge [sflag:s19], $0x4000  }
0x1d7: {  	[sflag:s19] =	ssyncset.done $0x0  }
0x1d8: {  	s25 =	simm.s32 $0x280;
	[sflag:s19] =	ssyncadd.s32 $0xFFFFC000  }
0x1d9: {  	[tilespmem:s9], [sflag:$0x2] =	stream.indirect.gather [hbm4b:s4+s21], $0x80, s25, s21, $0xb8;
	[tilespmem:$0x1D000] =	vst v63  }
0x1da: {  	_ =	swait.ge [sflag:s15], $0x4000  }
0x1db: {  	[sflag:s15] =	ssyncset.done $0x0  }
0x1dc: {  	s8 =	simm.s32 $0xA00;
	[sflag:s15] =	ssyncadd.s32 $0xFFFFC000  }
0x1dd: {  	[spmem:s2] =	stream.indirect.scatter.add.f32 [tilespmem:s18], [sflag:$0x3], $0x80, s8, s21, $0xb8;
	[tilespmem:$0x1D000] =	vst v63  }
0x1de: {  	_ =	swait.ge [sflag:s19], $0x4000  }
0x1df: {  	[sflag:s19] =	ssyncset.done $0x0  }
0x1e0: {  	s8 =	simm.s32 $0x300;
	[sflag:s19] =	ssyncadd.s32 $0xFFFFC000  }
0x1e1: {  	[tilespmem:s18], [sflag:$0x1] =	stream.indirect.gather [hbm4b:s4+s21], $0x80, s8, s21, $0xb8;
	[tilespmem:$0x1D000] =	vst v63  }
0x1e2: {  	_ =	swait.ge [sflag:s7], $0x4000  }
0x1e3: {  	[sflag:s7] =	ssyncset.done $0x0  }
0x1e4: {  	[sflag:s7] =	ssyncadd.s32 $0xFFFFC000  }
0x1e5: {  	[spmem:s2] =	stream.indirect.scatter.add.f32 [tilespmem:s9], [sflag:$0x3], $0x80, s26, s21, $0xb8;
	[tilespmem:$0x1D000] =	vst v63  }
0x1e6: {  	_ =	swait.ge [sflag:s19], $0x4000  }
0x1e7: {  	[sflag:s19] =	ssyncset.done $0x0  }
0x1e8: {  	s10 =	simm.s32 $0x380;
	[sflag:s19] =	ssyncadd.s32 $0xFFFFC000  }
0x1e9: {  	[tilespmem:s9], [sflag:$0x2] =	stream.indirect.gather [hbm4b:s4+s21], $0x80, s10, s21, $0xb8;
	[tilespmem:$0x1D000] =	vst v63  }
0x1ea: {  	_ =	swait.ge [sflag:s15], $0x4000  }
0x1eb: {  	[sflag:s15] =	ssyncset.done $0x0  }
0x1ec: {  	[sflag:s15] =	ssyncadd.s32 $0xFFFFC000  }
0x1ed: {  	[spmem:s2] =	stream.indirect.scatter.add.f32 [tilespmem:s18], [sflag:$0x3], $0x80, s28, s21, $0xb8;
	[tilespmem:$0x1D000] =	vst v63  }
0x1ee: {  	_ =	swait.ge [sflag:s19], $0x4000  }
0x1ef: {  	[sflag:s19] =	ssyncset.done $0x0  }
0x1f0: {  	s17 =	simm.s32 $0x400;
	[sflag:s19] =	ssyncadd.s32 $0xFFFFC000  }
0x1f1: {  	[tilespmem:s18], [sflag:$0x1] =	stream.indirect.gather [hbm4b:s4+s21], $0x80, s17, s21, $0xb8;
	[tilespmem:$0x1D000] =	vst v63  }
0x1f2: {  	_ =	swait.ge [sflag:s7], $0x4000  }
0x1f3: {  	[sflag:s7] =	ssyncset.done $0x0  }
0x1f4: {  	[sflag:s7] =	ssyncadd.s32 $0xFFFFC000  }
0x1f5: {  	[spmem:s2] =	stream.indirect.scatter.add.f32 [tilespmem:s9], [sflag:$0x3], $0x80, s29, s21, $0xb8;
	[tilespmem:$0x1D000] =	vst v63  }
0x1f6: {  	_ =	swait.ge [sflag:s19], $0x4000  }
0x1f7: {  	[sflag:s19] =	ssyncset.done $0x0  }
0x1f8: {  	s22 =	simm.s32 $0x480;
	[sflag:s19] =	ssyncadd.s32 $0xFFFFC000  }
0x1f9: {  	[tilespmem:s9], [sflag:$0x2] =	stream.indirect.gather [hbm4b:s4+s21], $0x80, s22, s21, $0xb8;
	[tilespmem:$0x1D000] =	vst v63  }
0x1fa: {  	_ =	swait.ge [sflag:s15], $0x4000  }
0x1fb: {  	[sflag:s15] =	ssyncset.done $0x0  }
0x1fc: {  	[sflag:s15] =	ssyncadd.s32 $0xFFFFC000  }
0x1fd: {  	[spmem:s2] =	stream.indirect.scatter.add.f32 [tilespmem:s18], [sflag:$0x3], $0x80, s30, s21, $0xb8;
	[tilespmem:$0x1D000] =	vst v63  }
0x1fe: {  	_ =	swait.ge [sflag:s19], $0x4000  }
0x1ff: {  	[sflag:s19] =	ssyncset.done $0x0  }
0x200: {  	s23 =	simm.s32 $0x500;
	[sflag:s19] =	ssyncadd.s32 $0xFFFFC000  }
0x201: {  	[tilespmem:s18], [sflag:$0x1] =	stream.indirect.gather [hbm4b:s4+s21], $0x80, s23, s21, $0xb8;
	[tilespmem:$0x1D000] =	vst v63  }
0x202: {  	_ =	swait.ge [sflag:s7], $0x4000  }
0x203: {  	[sflag:s7] =	ssyncset.done $0x0  }
0x204: {  	[sflag:s7] =	ssyncadd.s32 $0xFFFFC000  }
0x205: {  	[spmem:s2] =	stream.indirect.scatter.add.f32 [tilespmem:s9], [sflag:$0x3], $0x80, s1, s21, $0xb8;
	[tilespmem:$0x1D000] =	vst v63  }
0x206: {  	_ =	swait.ge [sflag:s19], $0x4000  }
0x207: {  	[sflag:s19] =	ssyncset.done $0x0  }
0x208: {  	s25 =	simm.s32 $0x580;
	[sflag:s19] =	ssyncadd.s32 $0xFFFFC000  }
0x209: {  	[tilespmem:s9], [sflag:$0x2] =	stream.indirect.gather [hbm4b:s4+s21], $0x80, s25, s21, $0xb8;
	[tilespmem:$0x1D000] =	vst v63  }
0x20a: {  	_ =	swait.ge [sflag:s15], $0x4000  }
0x20b: {  	[sflag:s15] =	ssyncset.done $0x0  }
0x20c: {  	[sflag:s15] =	ssyncadd.s32 $0xFFFFC000  }
0x20d: {  	[spmem:s2] =	stream.indirect.scatter.add.f32 [tilespmem:s18], [sflag:$0x3], $0x80, s0, s21, $0xb8;
	[tilespmem:$0x1D000] =	vst v63  }
0x20e: {  	_ =	swait.ge [sflag:s19], $0x4000  }
0x20f: {  	[sflag:s19] =	ssyncset.done $0x0  }
0x210: {  	s26 =	simm.s32 $0x600;
	[sflag:s19] =	ssyncadd.s32 $0xFFFFC000  }
0x211: {  	[tilespmem:s18], [sflag:$0x1] =	stream.indirect.gather [hbm4b:s4+s21], $0x80, s26, s21, $0xb8;
	[tilespmem:$0x1D000] =	vst v63  }
0x212: {  	_ =	swait.ge [sflag:s7], $0x4000  }
0x213: {  	[sflag:s7] =	ssyncset.done $0x0  }
0x214: {  	[sflag:s7] =	ssyncadd.s32 $0xFFFFC000  }
0x215: {  	[spmem:s2] =	stream.indirect.scatter.add.f32 [tilespmem:s9], [sflag:$0x3], $0x80, s11, s21, $0xb8;
	[tilespmem:$0x1D000] =	vst v63  }
0x216: {  	_ =	swait.ge [sflag:s19], $0x4000  }
0x217: {  	[sflag:s19] =	ssyncset.done $0x0  }
0x218: {  	s23 =	simm.s32 $0x680;
	[sflag:s19] =	ssyncadd.s32 $0xFFFFC000  }
0x219: {  	[tilespmem:s9], [sflag:$0x2] =	stream.indirect.gather [hbm4b:s4+s21], $0x80, s23, s21, $0xb8;
	[tilespmem:$0x1D000] =	vst v63  }
0x21a: {  	_ =	swait.ge [sflag:s15], $0x4000  }
0x21b: {  	[sflag:s15] =	ssyncset.done $0x0  }
0x21c: {  	[sflag:s15] =	ssyncadd.s32 $0xFFFFC000  }
0x21d: {  	[spmem:s2] =	stream.indirect.scatter.add.f32 [tilespmem:s18], [sflag:$0x3], $0x80, s12, s21, $0xb8;
	[tilespmem:$0x1D000] =	vst v63  }
0x21e: {  	_ =	swait.ge [sflag:s19], $0x4000  }
0x21f: {  	[sflag:s19] =	ssyncset.done $0x0  }
0x220: {  	s22 =	simm.s32 $0x700;
	[sflag:s19] =	ssyncadd.s32 $0xFFFFC000  }
0x221: {  	[tilespmem:s18], [sflag:$0x1] =	stream.indirect.gather [hbm4b:s4+s21], $0x80, s22, s21, $0xb8;
	[tilespmem:$0x1D000] =	vst v63  }
0x222: {  	_ =	swait.ge [sflag:s7], $0x4000  }
0x223: {  	[sflag:s7] =	ssyncset.done $0x0  }
0x224: {  	[sflag:s7] =	ssyncadd.s32 $0xFFFFC000  }
0x225: {  	[spmem:s2] =	stream.indirect.scatter.add.f32 [tilespmem:s9], [sflag:$0x3], $0x80, s13, s21, $0xb8;
	[tilespmem:$0x1D000] =	vst v63  }
0x226: {  	_ =	swait.ge [sflag:s19], $0x4000  }
0x227: {  	[sflag:s19] =	ssyncset.done $0x0  }
0x228: {  	s17 =	simm.s32 $0x780;
	[sflag:s19] =	ssyncadd.s32 $0xFFFFC000  }
0x229: {  	[tilespmem:s9], [sflag:$0x2] =	stream.indirect.gather [hbm4b:s4+s21], $0x80, s17, s21, $0xb8;
	[tilespmem:$0x1D000] =	vst v63  }
0x22a: {  	_ =	swait.ge [sflag:s15], $0x4000  }
0x22b: {  	[sflag:s15] =	ssyncset.done $0x0  }
0x22c: {  	[sflag:s15] =	ssyncadd.s32 $0xFFFFC000  }
0x22d: {  	[spmem:s2] =	stream.indirect.scatter.add.f32 [tilespmem:s18], [sflag:$0x3], $0x80, s14, s21, $0xb8;
	[tilespmem:$0x1D000] =	vst v63  }
0x22e: {  	s16 =	smov.u32 s24;
	s10 =	simm.s32 $0x100;
	_ =	swait.ge [sflag:s19], $0x4000  }
0x22f: {  	s28 =	simm.s32 $0xA80;
	s29 =	simm.s32 $0xB00;
	[sflag:s19] =	ssyncset.done $0x0  }
0x230: {  	s30 =	simm.s32 $0xB80;
	s1 =	simm.s32 $0xC80;
	[sflag:s19] =	ssyncadd.s32 $0xFFFFC000  }
0x231: {  	s25 =	simm.s32 $0xF80;
	s0 =	simm.s32 $0xD00;
	_ =	swait.ge [sflag:s7], $0x4000  }
0x232: {  	s26 =	simm.s32 $0xA00;
	s11 =	simm.s32 $0xD80;
	[sflag:s7] =	ssyncset.done $0x0  }
0x233: {  	s12 =	simm.s32 $0xE00;
	s13 =	simm.s32 $0xE80;
	[sflag:s7] =	ssyncadd.s32 $0xFFFFC000  }
0x234: {  	[spmem:s2] =	stream.indirect.scatter.add.f32 [tilespmem:s9], [sflag:$0x3], $0x80, s31, s21, $0xb8;
	[tilespmem:$0x1D000] =	vst v63  }
0x235: {  	s14 =	simm.s32 $0xF00;
	s31 =	simm.s32 $0xC00;
	_ =	swait.ge [sflag:s19], $0x4000  }
.LBB2_14:
0x236: {  	s6 =	rddreg [dreg:$0x5];
	s8 =	smov.u32 s10;
	[sflag:s19] =	ssyncset.done $0x0  }
0x237: {  	s6 =	sadd.s32 s8, s6;
	[sflag:s19] =	ssyncadd.s32 $0xFFFFC000  }
0x238: {  	[tilespmem:s3], [sflag:$0x3] =	stream.linear.gather [hbm4b:s6+s3], $0x800, $0x38;
	[tilespmem:$0x1D000] =	vst v63  }
0x239: {  	_ =	swait.ge [sflag:s19], $0x800  }
0x23a: {  	[sflag:s19] =	ssyncset.done $0x0  }
0x23b: {  	s8 =	sadd.s32 s8, s16;
	[sflag:s19] =	ssyncadd.s32 $0xFFFFF800  }
0x23c: {  	[tilespmem:s20], [sflag:$0x3] =	stream.linear.gather [hbm4b:s8+s3], $0x800, $0x38;
	[tilespmem:$0x1D000] =	vst v63  }
0x23d: {  	_ =	swait.ge [sflag:s19], $0x800  }
0x23e: {  	[sflag:s19] =	ssyncset.done $0x0  }
0x23f: {  	[sflag:s19] =	ssyncadd.s32 $0xFFFFF800  }
0x240: {  	[tilespmem:s18], [sflag:$0x1] =	stream.indirect.gather [hbm4b:s4+s21], $0x80, s3, s21, $0xb8;
	[tilespmem:$0x1D000] =	vst v63  }
0x241: {  	_ = 	snop  }
0x242: {  	[tilespmem:s9], [sflag:$0x2] =	stream.indirect.gather [hbm4b:s4+s21], $0x80, s21, s21, $0xb8;
	[tilespmem:$0x1D000] =	vst v63  }
0x243: {  	_ =	swait.ge [sflag:s15], $0x4000  }
0x244: {  	[sflag:s15] =	ssyncset.done $0x0  }
0x245: {  	[sflag:s15] =	ssyncadd.s32 $0xFFFFC000  }
0x246: {  	[spmem:s2] =	stream.indirect.scatter.add.f32 [tilespmem:s18], [sflag:$0x3], $0x80, s20, s21, $0xb8;
	[tilespmem:$0x1D000] =	vst v63  }
0x247: {  	_ =	swait.ge [sflag:s19], $0x4000  }
0x248: {  	[sflag:s19] =	ssyncset.done $0x0  }
0x249: {  	s8 =	simm.s32 $0x100;
	[sflag:s19] =	ssyncadd.s32 $0xFFFFC000  }
0x24a: {  	[tilespmem:s18], [sflag:$0x1] =	stream.indirect.gather [hbm4b:s4+s21], $0x80, s8, s21, $0xb8;
	[tilespmem:$0x1D000] =	vst v63  }
0x24b: {  	_ =	swait.ge [sflag:s7], $0x4000  }
0x24c: {  	[sflag:s7] =	ssyncset.done $0x0  }
0x24d: {  	s8 =	simm.s32 $0x880;
	[sflag:s7] =	ssyncadd.s32 $0xFFFFC000  }
0x24e: {  	[spmem:s2] =	stream.indirect.scatter.add.f32 [tilespmem:s9], [sflag:$0x3], $0x80, s8, s21, $0xb8;
	[tilespmem:$0x1D000] =	vst v63  }
0x24f: {  	_ =	swait.ge [sflag:s19], $0x4000  }
0x250: {  	[sflag:s19] =	ssyncset.done $0x0  }
0x251: {  	s8 =	simm.s32 $0x180;
	[sflag:s19] =	ssyncadd.s32 $0xFFFFC000  }
0x252: {  	[tilespmem:s9], [sflag:$0x2] =	stream.indirect.gather [hbm4b:s4+s21], $0x80, s8, s21, $0xb8;
	[tilespmem:$0x1D000] =	vst v63  }
0x253: {  	_ =	swait.ge [sflag:s15], $0x4000  }
0x254: {  	[sflag:s15] =	ssyncset.done $0x0  }
0x255: {  	s8 =	simm.s32 $0x900;
	[sflag:s15] =	ssyncadd.s32 $0xFFFFC000  }
0x256: {  	[spmem:s2] =	stream.indirect.scatter.add.f32 [tilespmem:s18], [sflag:$0x3], $0x80, s8, s21, $0xb8;
	[tilespmem:$0x1D000] =	vst v63  }
0x257: {  	_ =	swait.ge [sflag:s19], $0x4000  }
0x258: {  	[sflag:s19] =	ssyncset.done $0x0  }
0x259: {  	s8 =	simm.s32 $0x200;
	[sflag:s19] =	ssyncadd.s32 $0xFFFFC000  }
0x25a: {  	[tilespmem:s18], [sflag:$0x1] =	stream.indirect.gather [hbm4b:s4+s21], $0x80, s8, s21, $0xb8;
	[tilespmem:$0x1D000] =	vst v63  }
0x25b: {  	_ =	swait.ge [sflag:s7], $0x4000  }
0x25c: {  	[sflag:s7] =	ssyncset.done $0x0  }
0x25d: {  	s8 =	simm.s32 $0x980;
	[sflag:s7] =	ssyncadd.s32 $0xFFFFC000  }
0x25e: {  	[spmem:s2] =	stream.indirect.scatter.add.f32 [tilespmem:s9], [sflag:$0x3], $0x80, s8, s21, $0xb8;
	[tilespmem:$0x1D000] =	vst v63  }
0x25f: {  	_ =	swait.ge [sflag:s19], $0x4000  }
0x260: {  	[sflag:s19] =	ssyncset.done $0x0  }
0x261: {  	s8 =	simm.s32 $0x280;
	[sflag:s19] =	ssyncadd.s32 $0xFFFFC000  }
0x262: {  	[tilespmem:s9], [sflag:$0x2] =	stream.indirect.gather [hbm4b:s4+s21], $0x80, s8, s21, $0xb8;
	[tilespmem:$0x1D000] =	vst v63  }
0x263: {  	_ =	swait.ge [sflag:s15], $0x4000  }
0x264: {  	[sflag:s15] =	ssyncset.done $0x0  }
0x265: {  	[sflag:s15] =	ssyncadd.s32 $0xFFFFC000  }
0x266: {  	[spmem:s2] =	stream.indirect.scatter.add.f32 [tilespmem:s18], [sflag:$0x3], $0x80, s26, s21, $0xb8;
	[tilespmem:$0x1D000] =	vst v63  }
0x267: {  	_ =	swait.ge [sflag:s19], $0x4000  }
0x268: {  	[sflag:s19] =	ssyncset.done $0x0  }
0x269: {  	s8 =	simm.s32 $0x300;
	[sflag:s19] =	ssyncadd.s32 $0xFFFFC000  }
0x26a: {  	[tilespmem:s18], [sflag:$0x1] =	stream.indirect.gather [hbm4b:s4+s21], $0x80, s8, s21, $0xb8;
	[tilespmem:$0x1D000] =	vst v63  }
0x26b: {  	_ =	swait.ge [sflag:s7], $0x4000  }
0x26c: {  	[sflag:s7] =	ssyncset.done $0x0  }
0x26d: {  	[sflag:s7] =	ssyncadd.s32 $0xFFFFC000  }
0x26e: {  	[spmem:s2] =	stream.indirect.scatter.add.f32 [tilespmem:s9], [sflag:$0x3], $0x80, s28, s21, $0xb8;
	[tilespmem:$0x1D000] =	vst v63  }
0x26f: {  	_ =	swait.ge [sflag:s19], $0x4000  }
0x270: {  	[sflag:s19] =	ssyncset.done $0x0  }
0x271: {  	s8 =	simm.s32 $0x380;
	[sflag:s19] =	ssyncadd.s32 $0xFFFFC000  }
0x272: {  	[tilespmem:s9], [sflag:$0x2] =	stream.indirect.gather [hbm4b:s4+s21], $0x80, s8, s21, $0xb8;
	[tilespmem:$0x1D000] =	vst v63  }
0x273: {  	_ =	swait.ge [sflag:s15], $0x4000  }
0x274: {  	[sflag:s15] =	ssyncset.done $0x0  }
0x275: {  	[sflag:s15] =	ssyncadd.s32 $0xFFFFC000  }
0x276: {  	[spmem:s2] =	stream.indirect.scatter.add.f32 [tilespmem:s18], [sflag:$0x3], $0x80, s29, s21, $0xb8;
	[tilespmem:$0x1D000] =	vst v63  }
0x277: {  	_ =	swait.ge [sflag:s19], $0x4000  }
0x278: {  	[sflag:s19] =	ssyncset.done $0x0  }
0x279: {  	s8 =	simm.s32 $0x400;
	[sflag:s19] =	ssyncadd.s32 $0xFFFFC000  }
0x27a: {  	[tilespmem:s18], [sflag:$0x1] =	stream.indirect.gather [hbm4b:s4+s21], $0x80, s8, s21, $0xb8;
	[tilespmem:$0x1D000] =	vst v63  }
0x27b: {  	_ =	swait.ge [sflag:s7], $0x4000  }
0x27c: {  	[sflag:s7] =	ssyncset.done $0x0  }
0x27d: {  	[sflag:s7] =	ssyncadd.s32 $0xFFFFC000  }
0x27e: {  	[spmem:s2] =	stream.indirect.scatter.add.f32 [tilespmem:s9], [sflag:$0x3], $0x80, s30, s21, $0xb8;
	[tilespmem:$0x1D000] =	vst v63  }
0x27f: {  	_ =	swait.ge [sflag:s19], $0x4000  }
0x280: {  	[sflag:s19] =	ssyncset.done $0x0  }
0x281: {  	s8 =	simm.s32 $0x480;
	[sflag:s19] =	ssyncadd.s32 $0xFFFFC000  }
0x282: {  	[tilespmem:s9], [sflag:$0x2] =	stream.indirect.gather [hbm4b:s4+s21], $0x80, s8, s21, $0xb8;
	[tilespmem:$0x1D000] =	vst v63  }
0x283: {  	_ =	swait.ge [sflag:s15], $0x4000  }
0x284: {  	[sflag:s15] =	ssyncset.done $0x0  }
0x285: {  	[sflag:s15] =	ssyncadd.s32 $0xFFFFC000  }
0x286: {  	[spmem:s2] =	stream.indirect.scatter.add.f32 [tilespmem:s18], [sflag:$0x3], $0x80, s31, s21, $0xb8;
	[tilespmem:$0x1D000] =	vst v63  }
0x287: {  	_ =	swait.ge [sflag:s19], $0x4000  }
0x288: {  	[sflag:s19] =	ssyncset.done $0x0  }
0x289: {  	s8 =	simm.s32 $0x500;
	[sflag:s19] =	ssyncadd.s32 $0xFFFFC000  }
0x28a: {  	[tilespmem:s18], [sflag:$0x1] =	stream.indirect.gather [hbm4b:s4+s21], $0x80, s8, s21, $0xb8;
	[tilespmem:$0x1D000] =	vst v63  }
0x28b: {  	_ =	swait.ge [sflag:s7], $0x4000  }
0x28c: {  	[sflag:s7] =	ssyncset.done $0x0  }
0x28d: {  	[sflag:s7] =	ssyncadd.s32 $0xFFFFC000  }
0x28e: {  	[spmem:s2] =	stream.indirect.scatter.add.f32 [tilespmem:s9], [sflag:$0x3], $0x80, s1, s21, $0xb8;
	[tilespmem:$0x1D000] =	vst v63  }
0x28f: {  	_ =	swait.ge [sflag:s19], $0x4000  }
0x290: {  	[sflag:s19] =	ssyncset.done $0x0  }
0x291: {  	s8 =	simm.s32 $0x580;
	[sflag:s19] =	ssyncadd.s32 $0xFFFFC000  }
0x292: {  	[tilespmem:s9], [sflag:$0x2] =	stream.indirect.gather [hbm4b:s4+s21], $0x80, s8, s21, $0xb8;
	[tilespmem:$0x1D000] =	vst v63  }
0x293: {  	_ =	swait.ge [sflag:s15], $0x4000  }
0x294: {  	[sflag:s15] =	ssyncset.done $0x0  }
0x295: {  	[sflag:s15] =	ssyncadd.s32 $0xFFFFC000  }
0x296: {  	[spmem:s2] =	stream.indirect.scatter.add.f32 [tilespmem:s18], [sflag:$0x3], $0x80, s0, s21, $0xb8;
	[tilespmem:$0x1D000] =	vst v63  }
0x297: {  	_ =	swait.ge [sflag:s19], $0x4000  }
0x298: {  	[sflag:s19] =	ssyncset.done $0x0  }
0x299: {  	s8 =	simm.s32 $0x600;
	[sflag:s19] =	ssyncadd.s32 $0xFFFFC000  }
0x29a: {  	[tilespmem:s18], [sflag:$0x1] =	stream.indirect.gather [hbm4b:s4+s21], $0x80, s8, s21, $0xb8;
	[tilespmem:$0x1D000] =	vst v63  }
0x29b: {  	_ =	swait.ge [sflag:s7], $0x4000  }
0x29c: {  	[sflag:s7] =	ssyncset.done $0x0  }
0x29d: {  	[sflag:s7] =	ssyncadd.s32 $0xFFFFC000  }
0x29e: {  	[spmem:s2] =	stream.indirect.scatter.add.f32 [tilespmem:s9], [sflag:$0x3], $0x80, s11, s21, $0xb8;
	[tilespmem:$0x1D000] =	vst v63  }
0x29f: {  	_ =	swait.ge [sflag:s19], $0x4000  }
0x2a0: {  	[sflag:s19] =	ssyncset.done $0x0  }
0x2a1: {  	[sflag:s19] =	ssyncadd.s32 $0xFFFFC000  }
0x2a2: {  	[tilespmem:s9], [sflag:$0x2] =	stream.indirect.gather [hbm4b:s4+s21], $0x80, s23, s21, $0xb8;
	[tilespmem:$0x1D000] =	vst v63  }
0x2a3: {  	_ =	swait.ge [sflag:s15], $0x4000  }
0x2a4: {  	[sflag:s15] =	ssyncset.done $0x0  }
0x2a5: {  	[sflag:s15] =	ssyncadd.s32 $0xFFFFC000  }
0x2a6: {  	[spmem:s2] =	stream.indirect.scatter.add.f32 [tilespmem:s18], [sflag:$0x3], $0x80, s12, s21, $0xb8;
	[tilespmem:$0x1D000] =	vst v63  }
0x2a7: {  	_ =	swait.ge [sflag:s19], $0x4000  }
0x2a8: {  	[sflag:s19] =	ssyncset.done $0x0  }
0x2a9: {  	[sflag:s19] =	ssyncadd.s32 $0xFFFFC000  }
0x2aa: {  	[tilespmem:s18], [sflag:$0x1] =	stream.indirect.gather [hbm4b:s4+s21], $0x80, s22, s21, $0xb8;
	[tilespmem:$0x1D000] =	vst v63  }
0x2ab: {  	_ =	swait.ge [sflag:s7], $0x4000  }
0x2ac: {  	[sflag:s7] =	ssyncset.done $0x0  }
0x2ad: {  	[sflag:s7] =	ssyncadd.s32 $0xFFFFC000  }
0x2ae: {  	[spmem:s2] =	stream.indirect.scatter.add.f32 [tilespmem:s9], [sflag:$0x3], $0x80, s13, s21, $0xb8;
	[tilespmem:$0x1D000] =	vst v63  }
0x2af: {  	_ =	swait.ge [sflag:s19], $0x4000  }
0x2b0: {  	[sflag:s19] =	ssyncset.done $0x0  }
0x2b1: {  	[sflag:s19] =	ssyncadd.s32 $0xFFFFC000  }
0x2b2: {  	[tilespmem:s9], [sflag:$0x2] =	stream.indirect.gather [hbm4b:s4+s21], $0x80, s17, s21, $0xb8;
	[tilespmem:$0x1D000] =	vst v63  }
0x2b3: {  	_ =	swait.ge [sflag:s15], $0x4000  }
0x2b4: {  	[sflag:s15] =	ssyncset.done $0x0  }
0x2b5: {  	[sflag:s15] =	ssyncadd.s32 $0xFFFFC000  }
0x2b6: {  	[spmem:s2] =	stream.indirect.scatter.add.f32 [tilespmem:s18], [sflag:$0x3], $0x80, s14, s21, $0xb8;
	[tilespmem:$0x1D000] =	vst v63  }
0x2b7: {  	_ =	swait.ge [sflag:s19], $0x4000  }
0x2b8: {  	[sflag:s19] =	ssyncset.done $0x0  }
0x2b9: {  	p0 =	sne.s32 s10, $0x900;
	[sflag:s19] =	ssyncadd.s32 $0xFFFFC000  }
.Ltmp6:
0x2ba: {  	_ =	swait.ge [sflag:s7], $0x4000;
	(pc) =	sbr.rel @p0 .LBB2_14-.Ltmp6, $4  }
0x2bb: {  	[sflag:s7] =	ssyncset.done $0x0  }
0x2bc: {  	[sflag:s7] =	ssyncadd.s32 $0xFFFFC000  }
0x2bd: {  	[spmem:s2] =	stream.indirect.scatter.add.f32 [tilespmem:s9], [sflag:$0x3], $0x80, s25, s21, $0xb8;
	[tilespmem:$0x1D000] =	vst v63  }
0x2be: {  	s10 =	sadd.s32 $0x100, s10;
	_ =	swait.ge [sflag:s19], $0x4000  }
0x2bf: {  	[sflag:s19] =	ssyncset.done $0x0  }
0x2c0: {  	[sflag:s19] =	ssyncadd.s32 $0xFFFFC000  }
0x2c1: {  	[bflag:$0x0] =	sbarrier.arrive $0xFFFF  }
0x2c2: {  	s1 =	rddreg [dreg:$0x9]  }
0x2c3: {  	s13 =	simm.s32 $0x0;
	s11 =	rddreg [dreg:$0xa]  }
0x2c4: {  	s8 =	simm.s32 $0x0;
	s0 =	simm.s32 $0x6400;
	s12 =	rddreg [dreg:$0x8]  }
.LBB2_16:
0x2c5: {  	s6 =	smul.u32 $0x28, s8;
	_ =	sdelay $0x1  }
0x2c6: {  	s10 =	sadd.s32 s1, s6  }
0x2c7: {  	s10 =	sshll.u32 s10, $0x7  }
0x2c8: {  	s10 =	sand.u32 $0x3FFFFF80, s10  }
0x2c9: {  	s10 =	sadd.s32 s10, s2  }
0x2ca: {  	[tilespmem:s18], [sflag:$0x3] =	stream.linear.gather [spmem:s10], $0x1400, $0x38;
	[tilespmem:$0x1D000] =	vst v63  }
0x2cb: {  	_ =	swait.ge [sflag:s19], $0x1400  }
0x2cc: {  	s31 =	rddreg [dreg:$0xc]  }
0x2cd: {  	s6 =	sadd.s32 s31, s6  }
0x2ce: {  	[sflag:s19] =	ssyncset.done $0x0;
	s14 =	sshll.u32 s6, $0x4  }
0x2cf: {  	[sflag:s19] =	ssyncadd.s32 $0xFFFFEC00;
	s6 =	sadd.s32 s11, s14  }
0x2d0: {  	[tilespmem:s9], [sflag:$0x3] =	stream.linear.gather [hbm4b:s6+s13], $0x1400, $0x38;
	[tilespmem:$0x1D000] =	vst v63  }
0x2d1: {  	_ =	swait.ge [sflag:s19], $0x1400  }
0x2d2: {  	[sflag:s19] =	ssyncset.done $0x0  }
0x2d3: {  	s16 =	simm.s32 $0x0;
	[sflag:s19] =	ssyncadd.s32 $0xFFFFEC00  }
0x2d4: {  	v2 =	vld [tilespmem:s16+$0x1070]  }
0x2d5: {  	v3 =	vld [tilespmem:s16+$0x5070]  }
0x2d6: {  	v4 =	vld [tilespmem:s16+$0x1000]  }
0x2d7: {  	v5 =	vld [tilespmem:s16+$0x5000]  }
0x2d8: {  	v6 =	vld [tilespmem:s16+$0x1010]  }
0x2d9: {  	v7 =	vld [tilespmem:s16+$0x5010]  }
0x2da: {  	v8 =	vld [tilespmem:s16+$0x1020]  }
0x2db: {  	v9 =	vld [tilespmem:s16+$0x1030]  }
0x2dc: {  	v2 =	vmul.f32 v3, v2;
	v3 =	vld [tilespmem:s16+$0x5020]  }
0x2dd: {  	v10 =	vld [tilespmem:s16+$0x5030]  }
0x2de: {  	v11 =	vld [tilespmem:s16+$0x5040];
	v4 =	vmul.f32 v5, v4  }
0x2df: {  	[tilespmem:s16+$0x6470] =	vst v2;
	v2 =	vmul.f32 v7, v6;
	v7 =	vld [tilespmem:s16+$0x1040]  }
0x2e0: {  	v5 =	vld [tilespmem:s16+$0x5050];
	[tilespmem:s16+$0x6400] =	vst v4  }
0x2e1: {  	v4 =	vld [tilespmem:s16+$0x1050];
	[tilespmem:s16+$0x6410] =	vst v2;
	v2 =	vmul.f32 v3, v8  }
0x2e2: {  	v6 =	vld [tilespmem:s16+$0x5060];
	v8 =	vmul.f32 v10, v9  }
0x2e3: {  	s6 =	simm.s32 $0x80;
	[tilespmem:s16+$0x6420] =	vst v2;
	v2 =	vld [tilespmem:s16+$0x1060]  }
0x2e4: {  	s10 =	simm.s32 $0x400;
	v7 =	vmul.f32 v11, v7;
	v3 =	vld [tilespmem:s6+$0x1070];
	[tilespmem:s16+$0x6430] =	vst v8  }
.LBB2_17:
0x2e5: {  	p0 =	sne.s32 s10, $0x4E00;
	v8 =	vld [tilespmem:s6+$0x5070]  }
0x2e6: {  	v9 =	vld [tilespmem:s6+$0x1000];
	[tilespmem:s16+$0x6440] =	vst v7;
	v4 =	vmul.f32 v5, v4  }
0x2e7: {  	v5 =	vld [tilespmem:s6+$0x5000]  }
0x2e8: {  	v7 =	vld [tilespmem:s6+$0x1010];
	[tilespmem:s16+$0x6450] =	vst v4;
	v2 =	vmul.f32 v6, v2  }
0x2e9: {  	v4 =	vld [tilespmem:s6+$0x5010]  }
0x2ea: {  	v6 =	vld [tilespmem:s6+$0x1020];
	v3 =	vmul.f32 v8, v3;
	[tilespmem:s16+$0x6460] =	vst v2;
	s16 =	smov.u32 s6  }
0x2eb: {  	v2 =	vld [tilespmem:s16+$0x5020]  }
0x2ec: {  	v5 =	vmul.f32 v5, v9;
	v8 =	vld [tilespmem:s16+$0x1030];
	[tilespmem:s16+$0x6470] =	vst v3  }
0x2ed: {  	v3 =	vld [tilespmem:s16+$0x5030]  }
0x2ee: {  	[tilespmem:s16+$0x6400] =	vst v5;
	v4 =	vmul.f32 v4, v7;
	v7 =	vld [tilespmem:s16+$0x1040]  }
0x2ef: {  	v9 =	vld [tilespmem:s16+$0x5040]  }
.Ltmp7:
0x2f0: {  	[tilespmem:s16+$0x6410] =	vst v4;
	v2 =	vmul.f32 v2, v6;
	v4 =	vld [tilespmem:s16+$0x1050];
	(pc) =	sbr.rel @p0 .LBB2_17-.Ltmp7, $4  }
0x2f1: {  	v5 =	vld [tilespmem:s16+$0x5050]  }
0x2f2: {  	[tilespmem:s16+$0x6420] =	vst v2;
	v8 =	vmul.f32 v3, v8;
	v2 =	vld [tilespmem:s16+$0x1060]  }
0x2f3: {  	s6 =	sshra.s32 s10, $0x2;
	v6 =	vld [tilespmem:s16+$0x5060]  }
0x2f4: {  	s10 =	sadd.s32 $0x200, s10;
	v3 =	vld [tilespmem:s6+$0x1070];
	[tilespmem:s16+$0x6430] =	vst v8;
	v7 =	vmul.f32 v9, v7  }
0x2f5: {  	v8 =	vld [tilespmem:s6+$0x5070]  }
0x2f6: {  	v9 =	vld [tilespmem:s6+$0x1000];
	[tilespmem:s16+$0x6440] =	vst v7;
	v4 =	vmul.f32 v5, v4  }
0x2f7: {  	v56 =	vld [tilespmem:s6+$0x5000]  }
0x2f8: {  	v7 =	vld [tilespmem:s6+$0x1010];
	[tilespmem:s16+$0x6450] =	vst v4;
	v2 =	vmul.f32 v6, v2  }
0x2f9: {  	v4 =	vld [tilespmem:s6+$0x5010]  }
0x2fa: {  	v57 =	vld [tilespmem:s6+$0x1020];
	[tilespmem:s16+$0x6460] =	vst v2  }
0x2fb: {  	v2 =	vmul.f32 v8, v3;
	v3 =	vld [tilespmem:s6+$0x5020]  }
0x2fc: {  	v58 =	vld [tilespmem:s6+$0x1030]  }
0x2fd: {  	v59 =	vld [tilespmem:s6+$0x1040]  }
0x2fe: {  	v60 =	vld [tilespmem:s6+$0x5040]  }
0x2ff: {  	v61 =	vld [tilespmem:s6+$0x1050]  }
0x300: {  	[tilespmem:s6+$0x6470] =	vst v2;
	v2 =	vld [tilespmem:s6+$0x5030]  }
0x301: {  	v62 =	vld [tilespmem:s6+$0x5050];
	v3 =	vmul.f32 v3, v57  }
0x302: {  	v63 =	vld [tilespmem:s6+$0x5060]  }
0x303: {  	v5 =	vmul.f32 v56, v9;
	[tilespmem:s6+$0x6420] =	vst v3;
	v3 =	vld [tilespmem:s6+$0x1060]  }
0x304: {  	v4 =	vmul.f32 v4, v7  }
0x305: {  	[tilespmem:s6+$0x6400] =	vst v5;
	v2 =	vmul.f32 v2, v58  }
0x306: {  	[tilespmem:s6+$0x6410] =	vst v4;
	v5 =	vmul.f32 v60, v59  }
0x307: {  	[tilespmem:s6+$0x6430] =	vst v2;
	v2 =	vmul.f32 v62, v61  }
0x308: {  	s8 =	sadd.s32 $0x1, s8;
	[tilespmem:s6+$0x6440] =	vst v5;
	v3 =	vmul.f32 v63, v3  }
0x309: {  	p0 =	sne.s32 s8, $0x10;
	[tilespmem:s6+$0x6450] =	vst v2  }
.Ltmp8:
0x30a: {  	s31 =	sadd.s32 s12, s14;
	[tilespmem:s6+$0x6460] =	vst v3;
	(pc) =	sbr.rel @p0 .LBB2_16-.Ltmp8, $4  }
0x30b: {  	[hbm4b:s31+s3] =	stream.linear.scatter [tilespmem:s0], [sflag:$0x3], $0x1400, $0x38;
	[tilespmem:$0x1D000] =	vst v63  }
0x30c: {  	_ =	swait.ge [sflag:s19], $0x1400  }
0x30d: {  	[sflag:s19] =	ssyncset.done $0x0  }
0x30e: {  	[sflag:s19] =	ssyncadd.s32 $0xFFFFEC00  }
0x30f: {  	[bflag:$0x0] =	sbarrier.arrive $0xFFFF;
	s6 =	simm.s32 $0x0  }
0x310: {  	s8 =	simm.s32 $0x200;
	s17 =	simm.s32 $0x880;
	_ =	strace $0x8000004C  }
0x311: {  	s22 =	simm.s32 $0x900;
	s23 =	simm.s32 $0x980;
	s10 =	rddreg [dreg:$0x7]  }
.LBB2_20:
0x312: {  	p0 =	seq.s32 s8, $0xFE00;
	[tilespmem:s6+$0x1070] =	vst v0  }
0x313: {  	[tilespmem:s6+$0x1000] =	vst v0  }
0x314: {  	[tilespmem:s6+$0x1010] =	vst v0  }
.Ltmp9:
0x315: {  	[tilespmem:s6+$0x1020] =	vst v0;
	(pc) =	sbr.rel @!p0 .LBB2_20-.Ltmp9, $4  }
0x316: {  	[tilespmem:s6+$0x1030] =	vst v0  }
0x317: {  	[tilespmem:s6+$0x1040] =	vst v0  }
0x318: {  	[tilespmem:s6+$0x1050] =	vst v0  }
0x319: {  	[tilespmem:s6+$0x1060] =	vst v0;
	s6 =	sshra.s32 s8, $0x2;
	s8 =	sadd.s32 $0x200, s8  }
0x31a: {  	[tilespmem:s6+$0x1070] =	vst v0  }
0x31b: {  	[tilespmem:s6+$0x1000] =	vst v0  }
0x31c: {  	[tilespmem:s6+$0x1010] =	vst v0  }
0x31d: {  	[tilespmem:s6+$0x1020] =	vst v0  }
0x31e: {  	[tilespmem:s6+$0x1030] =	vst v0  }
0x31f: {  	[tilespmem:s6+$0x1040] =	vst v0  }
0x320: {  	[tilespmem:s6+$0x1050] =	vst v0  }
0x321: {  	[tilespmem:s6+$0x1060] =	vst v0;
	s26 =	rddreg [dreg:$0xb]  }
0x322: {  	[spmem:s26] =	stream.linear.scatter [tilespmem:s18], [sflag:$0x3], $0x4000, $0x200038;
	[tilespmem:$0x1D000] =	vst v63  }
0x323: {  	_ =	swait.ge [sflag:s19], $0x4000  }
0x324: {  	[sflag:s19] =	ssyncset.done $0x0  }
0x325: {  	s28 =	rddreg [dreg:$0xe];
	[sflag:s19] =	ssyncadd.s32 $0xFFFFC000  }
0x326: {  	[spmem:s28] =	stream.linear.scatter [tilespmem:s18], [sflag:$0x3], $0x4000, $0x200038;
	[tilespmem:$0x1D000] =	vst v63  }
0x327: {  	_ =	swait.ge [sflag:s19], $0x4000  }
0x328: {  	[sflag:s19] =	ssyncset.done $0x0  }
0x329: {  	s29 =	rddreg [dreg:$0xf];
	[sflag:s19] =	ssyncadd.s32 $0xFFFFC000  }
0x32a: {  	[spmem:s29] =	stream.linear.scatter [tilespmem:s18], [sflag:$0x3], $0x4000, $0x200038;
	[tilespmem:$0x1D000] =	vst v63  }
0x32b: {  	_ =	swait.ge [sflag:s19], $0x4000  }
0x32c: {  	[sflag:s19] =	ssyncset.done $0x0  }
0x32d: {  	s30 =	rddreg [dreg:$0x10];
	[sflag:s19] =	ssyncadd.s32 $0xFFFFC000  }
0x32e: {  	[spmem:s30] =	stream.linear.scatter [tilespmem:s18], [sflag:$0x3], $0x4000, $0x200038;
	[tilespmem:$0x1D000] =	vst v63  }
0x32f: {  	_ =	swait.ge [sflag:s19], $0x4000  }
0x330: {  	[sflag:s19] =	ssyncset.done $0x0  }
0x331: {  	s31 =	rddreg [dreg:$0x11];
	[sflag:s19] =	ssyncadd.s32 $0xFFFFC000  }
0x332: {  	[spmem:s31] =	stream.linear.scatter [tilespmem:s18], [sflag:$0x3], $0x4000, $0x200038;
	[tilespmem:$0x1D000] =	vst v63  }
0x333: {  	_ =	swait.ge [sflag:s19], $0x4000  }
0x334: {  	[sflag:s19] =	ssyncset.done $0x0  }
0x335: {  	s6 =	simm.s32 $0x0;
	s8 =	simm.s32 $0x200;
	[sflag:s19] =	ssyncadd.s32 $0xFFFFC000  }
.LBB2_22:
0x336: {  	p0 =	sne.s32 s8, $0xFE00;
	[tilespmem:s6+$0x1070] =	vst v1  }
0x337: {  	[tilespmem:s6+$0x1000] =	vst v1  }
0x338: {  	[tilespmem:s6+$0x1010] =	vst v1  }
.Ltmp10:
0x339: {  	[tilespmem:s6+$0x1020] =	vst v1;
	(pc) =	sbr.rel @p0 .LBB2_22-.Ltmp10, $4  }
0x33a: {  	[tilespmem:s6+$0x1030] =	vst v1  }
0x33b: {  	[tilespmem:s6+$0x1040] =	vst v1  }
0x33c: {  	[tilespmem:s6+$0x1050] =	vst v1  }
0x33d: {  	[tilespmem:s6+$0x1060] =	vst v1;
	s6 =	sshra.s32 s8, $0x2;
	s8 =	sadd.s32 $0x200, s8  }
0x33e: {  	[tilespmem:s6+$0x1070] =	vst v1  }
0x33f: {  	[tilespmem:s6+$0x1000] =	vst v1  }
0x340: {  	[tilespmem:s6+$0x1010] =	vst v1  }
0x341: {  	[tilespmem:s6+$0x1020] =	vst v1  }
0x342: {  	[tilespmem:s6+$0x1030] =	vst v1  }
0x343: {  	[tilespmem:s6+$0x1040] =	vst v1  }
0x344: {  	[tilespmem:s6+$0x1050] =	vst v1  }
0x345: {  	[tilespmem:s6+$0x1060] =	vst v1  }
0x346: {  	[bflag:$0x0] =	sbarrier.arrive $0xFFFF  }
0x347: {  	_ =	strace $0x9000004C  }
0x348: {  	s26 =	sadd.s32 $0x0, s10;
	_ =	strace $0x8000004D  }
0x349: {  	[tilespmem:s20], [sflag:$0x3] =	stream.linear.gather [hbm4b:s26+s3], $0x800, $0x200038;
	[tilespmem:$0x1D000] =	vst v63  }
0x34a: {  	_ =	swait.ge [sflag:s19], $0x800  }
0x34b: {  	[sflag:s19] =	ssyncset.done $0x0  }
0x34c: {  	[sflag:s19] =	ssyncadd.s32 $0xFFFFF800  }
0x34d: {  	[spmem:s2] =	stream.indirect.scatter.add.f32 [tilespmem:s18], [sflag:$0x1], $0x80, s20, s21, $0x2000b8;
	[tilespmem:$0x1D000] =	vst v63  }
0x34e: {  	_ = 	snop  }
0x34f: {  	[spmem:s2] =	stream.indirect.scatter.add.f32 [tilespmem:s18], [sflag:$0x1], $0x80, s17, s21, $0x2000b8;
	[tilespmem:$0x1D000] =	vst v63  }
0x350: {  	_ = 	snop  }
0x351: {  	[spmem:s2] =	stream.indirect.scatter.add.f32 [tilespmem:s18], [sflag:$0x1], $0x80, s22, s21, $0x2000b8;
	[tilespmem:$0x1D000] =	vst v63  }
0x352: {  	_ = 	snop  }
0x353: {  	[spmem:s2] =	stream.indirect.scatter.add.f32 [tilespmem:s18], [sflag:$0x1], $0x80, s23, s21, $0x2000b8;
	[tilespmem:$0x1D000] =	vst v63  }
0x354: {  	s26 =	simm.s32 $0xA00  }
0x355: {  	[spmem:s2] =	stream.indirect.scatter.add.f32 [tilespmem:s18], [sflag:$0x1], $0x80, s26, s21, $0x2000b8;
	[tilespmem:$0x1D000] =	vst v63  }
0x356: {  	s28 =	simm.s32 $0xA80  }
0x357: {  	[spmem:s2] =	stream.indirect.scatter.add.f32 [tilespmem:s18], [sflag:$0x1], $0x80, s28, s21, $0x2000b8;
	[tilespmem:$0x1D000] =	vst v63  }
0x358: {  	s29 =	simm.s32 $0xB00  }
0x359: {  	[spmem:s2] =	stream.indirect.scatter.add.f32 [tilespmem:s18], [sflag:$0x1], $0x80, s29, s21, $0x2000b8;
	[tilespmem:$0x1D000] =	vst v63  }
0x35a: {  	s30 =	simm.s32 $0xB80  }
0x35b: {  	[spmem:s2] =	stream.indirect.scatter.add.f32 [tilespmem:s18], [sflag:$0x1], $0x80, s30, s21, $0x2000b8;
	[tilespmem:$0x1D000] =	vst v63  }
0x35c: {  	s31 =	simm.s32 $0xC00  }
0x35d: {  	[spmem:s2] =	stream.indirect.scatter.add.f32 [tilespmem:s18], [sflag:$0x1], $0x80, s31, s21, $0x2000b8;
	[tilespmem:$0x1D000] =	vst v63  }
0x35e: {  	s1 =	simm.s32 $0xC80  }
0x35f: {  	[spmem:s2] =	stream.indirect.scatter.add.f32 [tilespmem:s18], [sflag:$0x1], $0x80, s1, s21, $0x2000b8;
	[tilespmem:$0x1D000] =	vst v63  }
0x360: {  	s0 =	simm.s32 $0xD00  }
0x361: {  	[spmem:s2] =	stream.indirect.scatter.add.f32 [tilespmem:s18], [sflag:$0x1], $0x80, s0, s21, $0x2000b8;
	[tilespmem:$0x1D000] =	vst v63  }
0x362: {  	s11 =	simm.s32 $0xD80  }
0x363: {  	[spmem:s2] =	stream.indirect.scatter.add.f32 [tilespmem:s18], [sflag:$0x1], $0x80, s11, s21, $0x2000b8;
	[tilespmem:$0x1D000] =	vst v63  }
0x364: {  	s12 =	simm.s32 $0xE00  }
0x365: {  	[spmem:s2] =	stream.indirect.scatter.add.f32 [tilespmem:s18], [sflag:$0x1], $0x80, s12, s21, $0x2000b8;
	[tilespmem:$0x1D000] =	vst v63  }
0x366: {  	s13 =	simm.s32 $0xE80  }
0x367: {  	[spmem:s2] =	stream.indirect.scatter.add.f32 [tilespmem:s18], [sflag:$0x1], $0x80, s13, s21, $0x2000b8;
	[tilespmem:$0x1D000] =	vst v63  }
0x368: {  	s14 =	simm.s32 $0xF00  }
0x369: {  	[spmem:s2] =	stream.indirect.scatter.add.f32 [tilespmem:s18], [sflag:$0x1], $0x80, s14, s21, $0x2000b8;
	[tilespmem:$0x1D000] =	vst v63  }
0x36a: {  	s25 =	simm.s32 $0xF80  }
0x36b: {  	[spmem:s2] =	stream.indirect.scatter.add.f32 [tilespmem:s18], [sflag:$0x1], $0x80, s25, s21, $0x2000b8;
	[tilespmem:$0x1D000] =	vst v63  }
0x36c: {  	_ =	swait.ge [sflag:s15], $0x4000  }
0x36d: {  	[sflag:s15] =	ssyncset.done $0x0  }
0x36e: {  	[sflag:s15] =	ssyncadd.s32 $0xFFFFC000  }
0x36f: {  	_ =	swait.ge [sflag:s15], $0x4000  }
0x370: {  	[sflag:s15] =	ssyncset.done $0x0  }
0x371: {  	[sflag:s15] =	ssyncadd.s32 $0xFFFFC000  }
0x372: {  	_ =	swait.ge [sflag:s15], $0x4000  }
0x373: {  	[sflag:s15] =	ssyncset.done $0x0  }
0x374: {  	[sflag:s15] =	ssyncadd.s32 $0xFFFFC000  }
0x375: {  	_ =	swait.ge [sflag:s15], $0x4000  }
0x376: {  	[sflag:s15] =	ssyncset.done $0x0  }
0x377: {  	[sflag:s15] =	ssyncadd.s32 $0xFFFFC000  }
0x378: {  	_ =	swait.ge [sflag:s15], $0x4000  }
0x379: {  	[sflag:s15] =	ssyncset.done $0x0  }
0x37a: {  	[sflag:s15] =	ssyncadd.s32 $0xFFFFC000  }
0x37b: {  	_ =	swait.ge [sflag:s15], $0x4000  }
0x37c: {  	[sflag:s15] =	ssyncset.done $0x0  }
0x37d: {  	[sflag:s15] =	ssyncadd.s32 $0xFFFFC000  }
0x37e: {  	_ =	swait.ge [sflag:s15], $0x4000  }
0x37f: {  	[sflag:s15] =	ssyncset.done $0x0  }
0x380: {  	[sflag:s15] =	ssyncadd.s32 $0xFFFFC000  }
0x381: {  	_ =	swait.ge [sflag:s15], $0x4000  }
0x382: {  	[sflag:s15] =	ssyncset.done $0x0  }
0x383: {  	[sflag:s15] =	ssyncadd.s32 $0xFFFFC000  }
0x384: {  	_ =	swait.ge [sflag:s15], $0x4000  }
0x385: {  	[sflag:s15] =	ssyncset.done $0x0  }
0x386: {  	[sflag:s15] =	ssyncadd.s32 $0xFFFFC000  }
0x387: {  	_ =	swait.ge [sflag:s15], $0x4000  }
0x388: {  	[sflag:s15] =	ssyncset.done $0x0  }
0x389: {  	[sflag:s15] =	ssyncadd.s32 $0xFFFFC000  }
0x38a: {  	_ =	swait.ge [sflag:s15], $0x4000  }
0x38b: {  	[sflag:s15] =	ssyncset.done $0x0  }
0x38c: {  	[sflag:s15] =	ssyncadd.s32 $0xFFFFC000  }
0x38d: {  	_ =	swait.ge [sflag:s15], $0x4000  }
0x38e: {  	[sflag:s15] =	ssyncset.done $0x0  }
0x38f: {  	[sflag:s15] =	ssyncadd.s32 $0xFFFFC000  }
0x390: {  	_ =	swait.ge [sflag:s15], $0x4000  }
0x391: {  	[sflag:s15] =	ssyncset.done $0x0  }
0x392: {  	[sflag:s15] =	ssyncadd.s32 $0xFFFFC000  }
0x393: {  	_ =	swait.ge [sflag:s15], $0x4000  }
0x394: {  	[sflag:s15] =	ssyncset.done $0x0  }
0x395: {  	[sflag:s15] =	ssyncadd.s32 $0xFFFFC000  }
0x396: {  	_ =	swait.ge [sflag:s15], $0x4000  }
0x397: {  	[sflag:s15] =	ssyncset.done $0x0  }
0x398: {  	[sflag:s15] =	ssyncadd.s32 $0xFFFFC000  }
0x399: {  	_ =	swait.ge [sflag:s15], $0x4000  }
0x39a: {  	s6 =	simm.s32 $0x100;
	s8 =	simm.s32 $0x200;
	[sflag:s15] =	ssyncset.done $0x0  }
.LBB2_24:
0x39b: {  	s10 =	rddreg [dreg:$0x7]  }
0x39c: {  	[sflag:s15] =	ssyncadd.s32 $0xFFFFC000;
	s16 =	sadd.s32 s6, s10  }
0x39d: {  	[tilespmem:s20], [sflag:$0x3] =	stream.linear.gather [hbm4b:s16+s3], $0x800, $0x200038;
	[tilespmem:$0x1D000] =	vst v63  }
0x39e: {  	s16 =	rddreg [dreg:$0x7];
	_ =	swait.ge [sflag:s19], $0x800  }
0x39f: {  	[sflag:s19] =	ssyncset.done $0x0  }
0x3a0: {  	[sflag:s19] =	ssyncadd.s32 $0xFFFFF800  }
0x3a1: {  	[spmem:s2] =	stream.indirect.scatter.add.f32 [tilespmem:s18], [sflag:$0x1], $0x80, s20, s21, $0x2000b8;
	[tilespmem:$0x1D000] =	vst v63  }
0x3a2: {  	_ = 	snop  }
0x3a3: {  	[spmem:s2] =	stream.indirect.scatter.add.f32 [tilespmem:s18], [sflag:$0x1], $0x80, s17, s21, $0x2000b8;
	[tilespmem:$0x1D000] =	vst v63  }
0x3a4: {  	_ = 	snop  }
0x3a5: {  	[spmem:s2] =	stream.indirect.scatter.add.f32 [tilespmem:s18], [sflag:$0x1], $0x80, s22, s21, $0x2000b8;
	[tilespmem:$0x1D000] =	vst v63  }
0x3a6: {  	_ = 	snop  }
0x3a7: {  	[spmem:s2] =	stream.indirect.scatter.add.f32 [tilespmem:s18], [sflag:$0x1], $0x80, s23, s21, $0x2000b8;
	[tilespmem:$0x1D000] =	vst v63  }
0x3a8: {  	_ = 	snop  }
0x3a9: {  	[spmem:s2] =	stream.indirect.scatter.add.f32 [tilespmem:s18], [sflag:$0x1], $0x80, s26, s21, $0x2000b8;
	[tilespmem:$0x1D000] =	vst v63  }
0x3aa: {  	_ = 	snop  }
0x3ab: {  	[spmem:s2] =	stream.indirect.scatter.add.f32 [tilespmem:s18], [sflag:$0x1], $0x80, s28, s21, $0x2000b8;
	[tilespmem:$0x1D000] =	vst v63  }
0x3ac: {  	_ = 	snop  }
0x3ad: {  	[spmem:s2] =	stream.indirect.scatter.add.f32 [tilespmem:s18], [sflag:$0x1], $0x80, s29, s21, $0x2000b8;
	[tilespmem:$0x1D000] =	vst v63  }
0x3ae: {  	_ = 	snop  }
0x3af: {  	[spmem:s2] =	stream.indirect.scatter.add.f32 [tilespmem:s18], [sflag:$0x1], $0x80, s30, s21, $0x2000b8;
	[tilespmem:$0x1D000] =	vst v63  }
0x3b0: {  	_ = 	snop  }
0x3b1: {  	[spmem:s2] =	stream.indirect.scatter.add.f32 [tilespmem:s18], [sflag:$0x1], $0x80, s31, s21, $0x2000b8;
	[tilespmem:$0x1D000] =	vst v63  }
0x3b2: {  	_ = 	snop  }
0x3b3: {  	[spmem:s2] =	stream.indirect.scatter.add.f32 [tilespmem:s18], [sflag:$0x1], $0x80, s1, s21, $0x2000b8;
	[tilespmem:$0x1D000] =	vst v63  }
0x3b4: {  	_ = 	snop  }
0x3b5: {  	[spmem:s2] =	stream.indirect.scatter.add.f32 [tilespmem:s18], [sflag:$0x1], $0x80, s0, s21, $0x2000b8;
	[tilespmem:$0x1D000] =	vst v63  }
0x3b6: {  	_ = 	snop  }
0x3b7: {  	[spmem:s2] =	stream.indirect.scatter.add.f32 [tilespmem:s18], [sflag:$0x1], $0x80, s11, s21, $0x2000b8;
	[tilespmem:$0x1D000] =	vst v63  }
0x3b8: {  	_ = 	snop  }
0x3b9: {  	[spmem:s2] =	stream.indirect.scatter.add.f32 [tilespmem:s18], [sflag:$0x1], $0x80, s12, s21, $0x2000b8;
	[tilespmem:$0x1D000] =	vst v63  }
0x3ba: {  	_ = 	snop  }
0x3bb: {  	[spmem:s2] =	stream.indirect.scatter.add.f32 [tilespmem:s18], [sflag:$0x1], $0x80, s13, s21, $0x2000b8;
	[tilespmem:$0x1D000] =	vst v63  }
0x3bc: {  	_ = 	snop  }
0x3bd: {  	[spmem:s2] =	stream.indirect.scatter.add.f32 [tilespmem:s18], [sflag:$0x1], $0x80, s14, s21, $0x2000b8;
	[tilespmem:$0x1D000] =	vst v63  }
0x3be: {  	_ = 	snop  }
0x3bf: {  	[spmem:s2] =	stream.indirect.scatter.add.f32 [tilespmem:s18], [sflag:$0x1], $0x80, s25, s21, $0x2000b8;
	[tilespmem:$0x1D000] =	vst v63  }
0x3c0: {  	_ =	swait.ge [sflag:s15], $0x4000  }
0x3c1: {  	[sflag:s15] =	ssyncset.done $0x0  }
0x3c2: {  	[sflag:s15] =	ssyncadd.s32 $0xFFFFC000  }
0x3c3: {  	_ =	swait.ge [sflag:s15], $0x4000  }
0x3c4: {  	[sflag:s15] =	ssyncset.done $0x0  }
0x3c5: {  	[sflag:s15] =	ssyncadd.s32 $0xFFFFC000  }
0x3c6: {  	_ =	swait.ge [sflag:s15], $0x4000  }
0x3c7: {  	[sflag:s15] =	ssyncset.done $0x0  }
0x3c8: {  	[sflag:s15] =	ssyncadd.s32 $0xFFFFC000  }
0x3c9: {  	_ =	swait.ge [sflag:s15], $0x4000  }
0x3ca: {  	[sflag:s15] =	ssyncset.done $0x0  }
0x3cb: {  	[sflag:s15] =	ssyncadd.s32 $0xFFFFC000  }
0x3cc: {  	_ =	swait.ge [sflag:s15], $0x4000  }
0x3cd: {  	[sflag:s15] =	ssyncset.done $0x0  }
0x3ce: {  	[sflag:s15] =	ssyncadd.s32 $0xFFFFC000  }
0x3cf: {  	_ =	swait.ge [sflag:s15], $0x4000  }
0x3d0: {  	[sflag:s15] =	ssyncset.done $0x0  }
0x3d1: {  	[sflag:s15] =	ssyncadd.s32 $0xFFFFC000  }
0x3d2: {  	_ =	swait.ge [sflag:s15], $0x4000  }
0x3d3: {  	[sflag:s15] =	ssyncset.done $0x0  }
0x3d4: {  	[sflag:s15] =	ssyncadd.s32 $0xFFFFC000  }
0x3d5: {  	_ =	swait.ge [sflag:s15], $0x4000  }
0x3d6: {  	[sflag:s15] =	ssyncset.done $0x0  }
0x3d7: {  	[sflag:s15] =	ssyncadd.s32 $0xFFFFC000  }
0x3d8: {  	_ =	swait.ge [sflag:s15], $0x4000  }
0x3d9: {  	[sflag:s15] =	ssyncset.done $0x0  }
0x3da: {  	[sflag:s15] =	ssyncadd.s32 $0xFFFFC000  }
0x3db: {  	_ =	swait.ge [sflag:s15], $0x4000  }
0x3dc: {  	[sflag:s15] =	ssyncset.done $0x0  }
0x3dd: {  	[sflag:s15] =	ssyncadd.s32 $0xFFFFC000  }
0x3de: {  	_ =	swait.ge [sflag:s15], $0x4000  }
0x3df: {  	[sflag:s15] =	ssyncset.done $0x0  }
0x3e0: {  	[sflag:s15] =	ssyncadd.s32 $0xFFFFC000  }
0x3e1: {  	_ =	swait.ge [sflag:s15], $0x4000  }
0x3e2: {  	[sflag:s15] =	ssyncset.done $0x0  }
0x3e3: {  	[sflag:s15] =	ssyncadd.s32 $0xFFFFC000  }
0x3e4: {  	_ =	swait.ge [sflag:s15], $0x4000  }
0x3e5: {  	[sflag:s15] =	ssyncset.done $0x0  }
0x3e6: {  	[sflag:s15] =	ssyncadd.s32 $0xFFFFC000  }
0x3e7: {  	_ =	swait.ge [sflag:s15], $0x4000  }
0x3e8: {  	[sflag:s15] =	ssyncset.done $0x0  }
0x3e9: {  	p0 =	sne.s32 s8, $0x900;
	[sflag:s15] =	ssyncadd.s32 $0xFFFFC000  }
.Ltmp11:
0x3ea: {  	_ =	swait.ge [sflag:s15], $0x4000;
	(pc) =	sbr.rel @p0 .LBB2_24-.Ltmp11, $4  }
0x3eb: {  	[sflag:s15] =	ssyncset.done $0x0  }
0x3ec: {  	[sflag:s15] =	ssyncadd.s32 $0xFFFFC000  }
0x3ed: {  	s10 =	sadd.s32 $0x100, s8;
	_ =	swait.ge [sflag:s15], $0x4000  }
0x3ee: {  	s6 =	smov.u32 s8;
	s8 =	smov.u32 s10;
	[sflag:s15] =	ssyncset.done $0x0  }
0x3ef: {  	s6 =	sadd.s32 s6, s16;
	[sflag:s15] =	ssyncadd.s32 $0xFFFFC000  }
0x3f0: {  	[tilespmem:s20], [sflag:$0x3] =	stream.linear.gather [hbm4b:s6+s3], $0x800, $0x200038;
	[tilespmem:$0x1D000] =	vst v63  }
0x3f1: {  	_ =	swait.ge [sflag:s19], $0x800  }
0x3f2: {  	[sflag:s19] =	ssyncset.done $0x0  }
0x3f3: {  	[sflag:s19] =	ssyncadd.s32 $0xFFFFF800  }
0x3f4: {  	[spmem:s2] =	stream.indirect.scatter.add.f32 [tilespmem:s18], [sflag:$0x1], $0x80, s20, s21, $0x2000b8;
	[tilespmem:$0x1D000] =	vst v63  }
0x3f5: {  	_ = 	snop  }
0x3f6: {  	[spmem:s2] =	stream.indirect.scatter.add.f32 [tilespmem:s18], [sflag:$0x1], $0x80, s17, s21, $0x2000b8;
	[tilespmem:$0x1D000] =	vst v63  }
0x3f7: {  	_ = 	snop  }
0x3f8: {  	[spmem:s2] =	stream.indirect.scatter.add.f32 [tilespmem:s18], [sflag:$0x1], $0x80, s22, s21, $0x2000b8;
	[tilespmem:$0x1D000] =	vst v63  }
0x3f9: {  	_ = 	snop  }
0x3fa: {  	[spmem:s2] =	stream.indirect.scatter.add.f32 [tilespmem:s18], [sflag:$0x1], $0x80, s23, s21, $0x2000b8;
	[tilespmem:$0x1D000] =	vst v63  }
0x3fb: {  	_ = 	snop  }
0x3fc: {  	[spmem:s2] =	stream.indirect.scatter.add.f32 [tilespmem:s18], [sflag:$0x1], $0x80, s26, s21, $0x2000b8;
	[tilespmem:$0x1D000] =	vst v63  }
0x3fd: {  	_ = 	snop  }
0x3fe: {  	[spmem:s2] =	stream.indirect.scatter.add.f32 [tilespmem:s18], [sflag:$0x1], $0x80, s28, s21, $0x2000b8;
	[tilespmem:$0x1D000] =	vst v63  }
0x3ff: {  	_ = 	snop  }
0x400: {  	[spmem:s2] =	stream.indirect.scatter.add.f32 [tilespmem:s18], [sflag:$0x1], $0x80, s29, s21, $0x2000b8;
	[tilespmem:$0x1D000] =	vst v63  }
0x401: {  	_ = 	snop  }
0x402: {  	[spmem:s2] =	stream.indirect.scatter.add.f32 [tilespmem:s18], [sflag:$0x1], $0x80, s30, s21, $0x2000b8;
	[tilespmem:$0x1D000] =	vst v63  }
0x403: {  	_ = 	snop  }
0x404: {  	[spmem:s2] =	stream.indirect.scatter.add.f32 [tilespmem:s18], [sflag:$0x1], $0x80, s31, s21, $0x2000b8;
	[tilespmem:$0x1D000] =	vst v63  }
0x405: {  	_ = 	snop  }
0x406: {  	[spmem:s2] =	stream.indirect.scatter.add.f32 [tilespmem:s18], [sflag:$0x1], $0x80, s1, s21, $0x2000b8;
	[tilespmem:$0x1D000] =	vst v63  }
0x407: {  	_ = 	snop  }
0x408: {  	[spmem:s2] =	stream.indirect.scatter.add.f32 [tilespmem:s18], [sflag:$0x1], $0x80, s0, s21, $0x2000b8;
	[tilespmem:$0x1D000] =	vst v63  }
0x409: {  	_ = 	snop  }
0x40a: {  	[spmem:s2] =	stream.indirect.scatter.add.f32 [tilespmem:s18], [sflag:$0x1], $0x80, s11, s21, $0x2000b8;
	[tilespmem:$0x1D000] =	vst v63  }
0x40b: {  	_ = 	snop  }
0x40c: {  	[spmem:s2] =	stream.indirect.scatter.add.f32 [tilespmem:s18], [sflag:$0x1], $0x80, s12, s21, $0x2000b8;
	[tilespmem:$0x1D000] =	vst v63  }
0x40d: {  	_ = 	snop  }
0x40e: {  	[spmem:s2] =	stream.indirect.scatter.add.f32 [tilespmem:s18], [sflag:$0x1], $0x80, s13, s21, $0x2000b8;
	[tilespmem:$0x1D000] =	vst v63  }
0x40f: {  	_ = 	snop  }
0x410: {  	[spmem:s2] =	stream.indirect.scatter.add.f32 [tilespmem:s18], [sflag:$0x1], $0x80, s14, s21, $0x2000b8;
	[tilespmem:$0x1D000] =	vst v63  }
0x411: {  	_ = 	snop  }
0x412: {  	[spmem:s2] =	stream.indirect.scatter.add.f32 [tilespmem:s18], [sflag:$0x1], $0x80, s25, s21, $0x2000b8;
	[tilespmem:$0x1D000] =	vst v63  }
0x413: {  	_ =	swait.ge [sflag:s15], $0x4000  }
0x414: {  	[sflag:s15] =	ssyncset.done $0x0  }
0x415: {  	[sflag:s15] =	ssyncadd.s32 $0xFFFFC000  }
0x416: {  	_ =	swait.ge [sflag:s15], $0x4000  }
0x417: {  	[sflag:s15] =	ssyncset.done $0x0  }
0x418: {  	[sflag:s15] =	ssyncadd.s32 $0xFFFFC000  }
0x419: {  	_ =	swait.ge [sflag:s15], $0x4000  }
0x41a: {  	[sflag:s15] =	ssyncset.done $0x0  }
0x41b: {  	[sflag:s15] =	ssyncadd.s32 $0xFFFFC000  }
0x41c: {  	_ =	swait.ge [sflag:s15], $0x4000  }
0x41d: {  	[sflag:s15] =	ssyncset.done $0x0  }
0x41e: {  	[sflag:s15] =	ssyncadd.s32 $0xFFFFC000  }
0x41f: {  	_ =	swait.ge [sflag:s15], $0x4000  }
0x420: {  	[sflag:s15] =	ssyncset.done $0x0  }
0x421: {  	[sflag:s15] =	ssyncadd.s32 $0xFFFFC000  }
0x422: {  	_ =	swait.ge [sflag:s15], $0x4000  }
0x423: {  	[sflag:s15] =	ssyncset.done $0x0  }
0x424: {  	[sflag:s15] =	ssyncadd.s32 $0xFFFFC000  }
0x425: {  	_ =	swait.ge [sflag:s15], $0x4000  }
0x426: {  	[sflag:s15] =	ssyncset.done $0x0  }
0x427: {  	[sflag:s15] =	ssyncadd.s32 $0xFFFFC000  }
0x428: {  	_ =	swait.ge [sflag:s15], $0x4000  }
0x429: {  	[sflag:s15] =	ssyncset.done $0x0  }
0x42a: {  	[sflag:s15] =	ssyncadd.s32 $0xFFFFC000  }
0x42b: {  	_ =	swait.ge [sflag:s15], $0x4000  }
0x42c: {  	[sflag:s15] =	ssyncset.done $0x0  }
0x42d: {  	[sflag:s15] =	ssyncadd.s32 $0xFFFFC000  }
0x42e: {  	_ =	swait.ge [sflag:s15], $0x4000  }
0x42f: {  	[sflag:s15] =	ssyncset.done $0x0  }
0x430: {  	[sflag:s15] =	ssyncadd.s32 $0xFFFFC000  }
0x431: {  	_ =	swait.ge [sflag:s15], $0x4000  }
0x432: {  	[sflag:s15] =	ssyncset.done $0x0  }
0x433: {  	[sflag:s15] =	ssyncadd.s32 $0xFFFFC000  }
0x434: {  	_ =	swait.ge [sflag:s15], $0x4000  }
0x435: {  	[sflag:s15] =	ssyncset.done $0x0  }
0x436: {  	[sflag:s15] =	ssyncadd.s32 $0xFFFFC000  }
0x437: {  	_ =	swait.ge [sflag:s15], $0x4000  }
0x438: {  	[sflag:s15] =	ssyncset.done $0x0  }
0x439: {  	[sflag:s15] =	ssyncadd.s32 $0xFFFFC000  }
0x43a: {  	_ =	swait.ge [sflag:s15], $0x4000  }
0x43b: {  	[sflag:s15] =	ssyncset.done $0x0  }
0x43c: {  	[sflag:s15] =	ssyncadd.s32 $0xFFFFC000  }
0x43d: {  	_ =	swait.ge [sflag:s15], $0x4000  }
0x43e: {  	[sflag:s15] =	ssyncset.done $0x0  }
0x43f: {  	[sflag:s15] =	ssyncadd.s32 $0xFFFFC000  }
0x440: {  	_ =	swait.ge [sflag:s15], $0x4000  }
0x441: {  	s6 =	simm.s32 $0x0;
	s26 =	simm.s32 $0xA80;
	[sflag:s15] =	ssyncset.done $0x0  }
0x442: {  	s28 =	simm.s32 $0xB00;
	s29 =	simm.s32 $0xB80;
	[sflag:s15] =	ssyncadd.s32 $0xFFFFC000  }
0x443: {  	s30 =	simm.s32 $0xC00;
	s31 =	simm.s32 $0xF80;
	[bflag:$0x0] =	sbarrier.arrive $0xFFFF  }
0x444: {  	s1 =	simm.s32 $0xC80;
	s0 =	simm.s32 $0xD00;
	_ =	strace $0x9000004D  }
0x445: {  	s11 =	simm.s32 $0xD80;
	s12 =	simm.s32 $0xE00;
	_ =	strace $0x8000004E  }
0x446: {  	s13 =	simm.s32 $0xE80;
	s14 =	simm.s32 $0xF00;
	s10 =	rddreg [dreg:$0x9]  }
.LBB2_26:
0x447: {  	s8 =	smul.u32 $0x28, s6;
	_ =	sdelay $0x1  }
0x448: {  	s10 =	sadd.s32 s10, s8  }
0x449: {  	s10 =	sshll.u32 s10, $0x7  }
0x44a: {  	s10 =	sand.u32 $0x3FFFFF80, s10  }
0x44b: {  	s10 =	sadd.s32 s10, s2  }
0x44c: {  	[tilespmem:s18], [sflag:$0x3] =	stream.linear.gather [spmem:s10], $0x1400, $0x200038;
	[tilespmem:$0x1D000] =	vst v63  }
0x44d: {  	_ =	swait.ge [sflag:s19], $0x1400  }
0x44e: {  	[sflag:s19] =	ssyncset.done $0x0  }
0x44f: {  	s16 =	simm.s32 $0x0;
	[sflag:s19] =	ssyncadd.s32 $0xFFFFEC00  }
0x450: {  	v2 =	vld [tilespmem:s16+$0x1000];
	_ =	sdelay $0x4  }
0x451: {  	v2 =	vmax.f32 v2, $1.000000000e+00  }
0x452: {  	s10 =	simm.s32 $0x80;
	(erf) = vrcp.f32 v2  }
0x453: {  	v2 =	vld [tilespmem:s10+$0x1000];
	_ =	sdelay $0x4  }
0x454: {  	v2 =	vmax.f32 v2, $1.000000000e+00;
	_ =	sdelay $0x1  }
0x455: {  	(erf) = vrcp.f32 v2  }
0x456: {  	s17 =	simm.s32 $0x100;
	s22 =	simm.s32 $0x600;
	v2 =	vpop (erf)  }
.LBB2_27:
0x457: {  	p0 =	sne.s32 s22, $0x4E00;
	v3 =	vld [tilespmem:s17+$0x1000];
	[tilespmem:s16+$0x5070] =	vst v2;
	s23 =	smov.u32 s10;
	s10 =	smov.u32 s17  }
0x458: {  	[tilespmem:s16+$0x5000] =	vst v2  }
0x459: {  	[tilespmem:s16+$0x5010] =	vst v2  }
.Ltmp12:
0x45a: {  	[tilespmem:s16+$0x5020] =	vst v2;
	(pc) =	sbr.rel @p0 .LBB2_27-.Ltmp12, $4  }
0x45b: {  	[tilespmem:s16+$0x5030] =	vst v2  }
0x45c: {  	v3 =	vmax.f32 v3, $1.000000000e+00;
	[tilespmem:s16+$0x5040] =	vst v2  }
0x45d: {  	(erf) = vrcp.f32 v3;
	[tilespmem:s16+$0x5050] =	vst v2  }
0x45e: {  	s17 =	sshra.s32 s22, $0x2;
	s22 =	sadd.s32 $0x200, s22;
	[tilespmem:s16+$0x5060] =	vst v2;
	v2 =	vpop (erf);
	s16 =	smov.u32 s23  }
0x45f: {  	v3 =	vld [tilespmem:s17+$0x1000]  }
0x460: {  	[tilespmem:s16+$0x5070] =	vst v2  }
0x461: {  	[tilespmem:s16+$0x5000] =	vst v2  }
0x462: {  	[tilespmem:s16+$0x5010] =	vst v2  }
0x463: {  	[tilespmem:s16+$0x5020] =	vst v2  }
0x464: {  	[tilespmem:s16+$0x5030] =	vst v2;
	v3 =	vmax.f32 v3, $1.000000000e+00  }
0x465: {  	[tilespmem:s16+$0x5040] =	vst v2  }
0x466: {  	[tilespmem:s16+$0x5050] =	vst v2;
	(erf) = vrcp.f32 v3  }
0x467: {  	[tilespmem:s16+$0x5060] =	vst v2;
	v3 =	vpop (erf)  }
0x468: {  	[tilespmem:s10+$0x5070] =	vst v3  }
0x469: {  	[tilespmem:s10+$0x5000] =	vst v3  }
0x46a: {  	[tilespmem:s10+$0x5010] =	vst v3  }
0x46b: {  	[tilespmem:s10+$0x5020] =	vst v3  }
0x46c: {  	[tilespmem:s10+$0x5030] =	vst v3  }
0x46d: {  	[tilespmem:s10+$0x5040] =	vst v3  }
0x46e: {  	[tilespmem:s10+$0x5050] =	vst v3  }
0x46f: {  	[tilespmem:s10+$0x5060] =	vst v3;
	v2 =	vpop (erf)  }
0x470: {  	[tilespmem:s17+$0x5070] =	vst v2  }
0x471: {  	[tilespmem:s17+$0x5000] =	vst v2  }
0x472: {  	[tilespmem:s17+$0x5010] =	vst v2  }
0x473: {  	[tilespmem:s17+$0x5020] =	vst v2  }
0x474: {  	s23 =	rddreg [dreg:$0xc];
	[tilespmem:s17+$0x5030] =	vst v2  }
0x475: {  	s6 =	sadd.s32 $0x1, s6;
	s8 =	sadd.s32 s23, s8;
	[tilespmem:s17+$0x5040] =	vst v2  }
0x476: {  	s25 =	rddreg [dreg:$0xa];
	p0 =	sne.s32 s6, $0x10;
	s8 =	sshll.u32 s8, $0x4;
	[tilespmem:s17+$0x5050] =	vst v2  }
.Ltmp13:
0x477: {  	s8 =	sadd.s32 s25, s8;
	[tilespmem:s17+$0x5060] =	vst v2;
	(pc) =	sbr.rel @p0 .LBB2_26-.Ltmp13, $4  }
0x478: {  	[hbm4b:s8+s3] =	stream.linear.scatter [tilespmem:s9], [sflag:$0x3], $0x1400, $0x200038;
	[tilespmem:$0x1D000] =	vst v63  }
0x479: {  	_ =	swait.ge [sflag:s19], $0x1400  }
0x47a: {  	[sflag:s19] =	ssyncset.done $0x0  }
0x47b: {  	s10 =	rddreg [dreg:$0x9];
	[sflag:s19] =	ssyncadd.s32 $0xFFFFEC00  }
0x47c: {  	[bflag:$0x0] =	sbarrier.arrive $0xFFFF  }
0x47d: {  	_ =	strace $0x9000004E  }
0x47e: {  	s6 =	simm.s32 $0x0;
	s8 =	simm.s32 $0x200;
	_ =	strace $0x8000004F  }
.LBB2_30:
0x47f: {  	p0 =	seq.s32 s8, $0xFE00;
	[tilespmem:s6+$0x1070] =	vst v0  }
0x480: {  	[tilespmem:s6+$0x1000] =	vst v0  }
0x481: {  	[tilespmem:s6+$0x1010] =	vst v0  }
.Ltmp14:
0x482: {  	[tilespmem:s6+$0x1020] =	vst v0;
	(pc) =	sbr.rel @!p0 .LBB2_30-.Ltmp14, $4  }
0x483: {  	[tilespmem:s6+$0x1030] =	vst v0  }
0x484: {  	[tilespmem:s6+$0x1040] =	vst v0  }
0x485: {  	[tilespmem:s6+$0x1050] =	vst v0  }
0x486: {  	[tilespmem:s6+$0x1060] =	vst v0;
	s6 =	sshra.s32 s8, $0x2;
	s8 =	sadd.s32 $0x200, s8  }
0x487: {  	[tilespmem:s6+$0x1070] =	vst v0  }
0x488: {  	[tilespmem:s6+$0x1000] =	vst v0  }
0x489: {  	[tilespmem:s6+$0x1010] =	vst v0  }
0x48a: {  	[tilespmem:s6+$0x1020] =	vst v0  }
0x48b: {  	[tilespmem:s6+$0x1030] =	vst v0  }
0x48c: {  	[tilespmem:s6+$0x1040] =	vst v0  }
0x48d: {  	[tilespmem:s6+$0x1050] =	vst v0  }
0x48e: {  	[tilespmem:s6+$0x1060] =	vst v0;
	s10 =	rddreg [dreg:$0xb]  }
0x48f: {  	[spmem:s10] =	stream.linear.scatter [tilespmem:s18], [sflag:$0x3], $0x4000, $0x200038;
	[tilespmem:$0x1D000] =	vst v63  }
0x490: {  	s16 =	rddreg [dreg:$0x7];
	_ =	swait.ge [sflag:s19], $0x4000  }
0x491: {  	[sflag:s19] =	ssyncset.done $0x0  }
0x492: {  	s17 =	rddreg [dreg:$0xe];
	[sflag:s19] =	ssyncadd.s32 $0xFFFFC000  }
0x493: {  	[spmem:s17] =	stream.linear.scatter [tilespmem:s18], [sflag:$0x3], $0x4000, $0x200038;
	[tilespmem:$0x1D000] =	vst v63  }
0x494: {  	_ =	swait.ge [sflag:s19], $0x4000  }
0x495: {  	[sflag:s19] =	ssyncset.done $0x0  }
0x496: {  	s22 =	rddreg [dreg:$0xf];
	[sflag:s19] =	ssyncadd.s32 $0xFFFFC000  }
0x497: {  	[spmem:s22] =	stream.linear.scatter [tilespmem:s18], [sflag:$0x3], $0x4000, $0x200038;
	[tilespmem:$0x1D000] =	vst v63  }
0x498: {  	_ =	swait.ge [sflag:s19], $0x4000  }
0x499: {  	[sflag:s19] =	ssyncset.done $0x0  }
0x49a: {  	s23 =	rddreg [dreg:$0x10];
	[sflag:s19] =	ssyncadd.s32 $0xFFFFC000  }
0x49b: {  	[spmem:s23] =	stream.linear.scatter [tilespmem:s18], [sflag:$0x3], $0x4000, $0x200038;
	[tilespmem:$0x1D000] =	vst v63  }
0x49c: {  	_ =	swait.ge [sflag:s19], $0x4000  }
0x49d: {  	[sflag:s19] =	ssyncset.done $0x0  }
0x49e: {  	s25 =	rddreg [dreg:$0x11];
	[sflag:s19] =	ssyncadd.s32 $0xFFFFC000  }
0x49f: {  	[spmem:s25] =	stream.linear.scatter [tilespmem:s18], [sflag:$0x3], $0x4000, $0x200038;
	[tilespmem:$0x1D000] =	vst v63  }
0x4a0: {  	_ =	swait.ge [sflag:s19], $0x4000  }
0x4a1: {  	[sflag:s19] =	ssyncset.done $0x0  }
0x4a2: {  	[sflag:s19] =	ssyncadd.s32 $0xFFFFC000  }
0x4a3: {  	[bflag:$0x0] =	sbarrier.arrive $0xFFFF  }
0x4a4: {  	_ =	strace $0x9000004F  }
0x4a5: {  	s10 =	rddreg [dreg:$0x6]  }
0x4a6: {  	s6 =	sadd.s32 $0x0, s10  }
0x4a7: {  	[tilespmem:s3], [sflag:$0x3] =	stream.linear.gather [hbm4b:s6+s3], $0x800, $0x38;
	[tilespmem:$0x1D000] =	vst v63  }
0x4a8: {  	_ =	swait.ge [sflag:s19], $0x800  }
0x4a9: {  	[sflag:s19] =	ssyncset.done $0x0  }
0x4aa: {  	s17 =	sadd.s32 $0x0, s16;
	[sflag:s19] =	ssyncadd.s32 $0xFFFFF800  }
0x4ab: {  	[tilespmem:s20], [sflag:$0x3] =	stream.linear.gather [hbm4b:s17+s3], $0x800, $0x38;
	[tilespmem:$0x1D000] =	vst v63  }
0x4ac: {  	_ =	swait.ge [sflag:s19], $0x800  }
0x4ad: {  	[sflag:s19] =	ssyncset.done $0x0  }
0x4ae: {  	[sflag:s19] =	ssyncadd.s32 $0xFFFFF800  }
0x4af: {  	[tilespmem:s18], [sflag:$0x1] =	stream.indirect.gather [hbm4b:s5+s21], $0x80, s3, s21, $0xb8;
	[tilespmem:$0x1D000] =	vst v63  }
0x4b0: {  	_ = 	snop  }
0x4b1: {  	[tilespmem:s9], [sflag:$0x2] =	stream.indirect.gather [hbm4b:s5+s21], $0x80, s21, s21, $0xb8;
	[tilespmem:$0x1D000] =	vst v63  }
0x4b2: {  	_ =	swait.ge [sflag:s15], $0x4000  }
0x4b3: {  	[sflag:s15] =	ssyncset.done $0x0  }
0x4b4: {  	[sflag:s15] =	ssyncadd.s32 $0xFFFFC000  }
0x4b5: {  	[spmem:s2] =	stream.indirect.scatter.add.f32 [tilespmem:s18], [sflag:$0x3], $0x80, s20, s21, $0xb8;
	[tilespmem:$0x1D000] =	vst v63  }
0x4b6: {  	_ =	swait.ge [sflag:s19], $0x4000  }
0x4b7: {  	[sflag:s19] =	ssyncset.done $0x0  }
0x4b8: {  	s22 =	simm.s32 $0x100;
	[sflag:s19] =	ssyncadd.s32 $0xFFFFC000  }
0x4b9: {  	[tilespmem:s18], [sflag:$0x1] =	stream.indirect.gather [hbm4b:s5+s21], $0x80, s22, s21, $0xb8;
	[tilespmem:$0x1D000] =	vst v63  }
0x4ba: {  	_ =	swait.ge [sflag:s7], $0x4000  }
0x4bb: {  	[sflag:s7] =	ssyncset.done $0x0  }
0x4bc: {  	s17 =	simm.s32 $0x880;
	[sflag:s7] =	ssyncadd.s32 $0xFFFFC000  }
0x4bd: {  	[spmem:s2] =	stream.indirect.scatter.add.f32 [tilespmem:s9], [sflag:$0x3], $0x80, s17, s21, $0xb8;
	[tilespmem:$0x1D000] =	vst v63  }
0x4be: {  	_ =	swait.ge [sflag:s19], $0x4000  }
0x4bf: {  	[sflag:s19] =	ssyncset.done $0x0  }
0x4c0: {  	s23 =	simm.s32 $0x180;
	[sflag:s19] =	ssyncadd.s32 $0xFFFFC000  }
0x4c1: {  	[tilespmem:s9], [sflag:$0x2] =	stream.indirect.gather [hbm4b:s5+s21], $0x80, s23, s21, $0xb8;
	[tilespmem:$0x1D000] =	vst v63  }
0x4c2: {  	_ =	swait.ge [sflag:s15], $0x4000  }
0x4c3: {  	[sflag:s15] =	ssyncset.done $0x0  }
0x4c4: {  	s22 =	simm.s32 $0x900;
	[sflag:s15] =	ssyncadd.s32 $0xFFFFC000  }
0x4c5: {  	[spmem:s2] =	stream.indirect.scatter.add.f32 [tilespmem:s18], [sflag:$0x3], $0x80, s22, s21, $0xb8;
	[tilespmem:$0x1D000] =	vst v63  }
0x4c6: {  	_ =	swait.ge [sflag:s19], $0x4000  }
0x4c7: {  	[sflag:s19] =	ssyncset.done $0x0  }
0x4c8: {  	s25 =	simm.s32 $0x200;
	[sflag:s19] =	ssyncadd.s32 $0xFFFFC000  }
0x4c9: {  	[tilespmem:s18], [sflag:$0x1] =	stream.indirect.gather [hbm4b:s5+s21], $0x80, s25, s21, $0xb8;
	[tilespmem:$0x1D000] =	vst v63  }
0x4ca: {  	_ =	swait.ge [sflag:s7], $0x4000  }
0x4cb: {  	[sflag:s7] =	ssyncset.done $0x0  }
0x4cc: {  	s23 =	simm.s32 $0x980;
	[sflag:s7] =	ssyncadd.s32 $0xFFFFC000  }
0x4cd: {  	[spmem:s2] =	stream.indirect.scatter.add.f32 [tilespmem:s9], [sflag:$0x3], $0x80, s23, s21, $0xb8;
	[tilespmem:$0x1D000] =	vst v63  }
0x4ce: {  	_ =	swait.ge [sflag:s19], $0x4000  }
0x4cf: {  	[sflag:s19] =	ssyncset.done $0x0  }
0x4d0: {  	s10 =	simm.s32 $0x280;
	[sflag:s19] =	ssyncadd.s32 $0xFFFFC000  }
0x4d1: {  	[tilespmem:s9], [sflag:$0x2] =	stream.indirect.gather [hbm4b:s5+s21], $0x80, s10, s21, $0xb8;
	[tilespmem:$0x1D000] =	vst v63  }
0x4d2: {  	_ =	swait.ge [sflag:s15], $0x4000  }
0x4d3: {  	[sflag:s15] =	ssyncset.done $0x0  }
0x4d4: {  	s8 =	simm.s32 $0xA00;
	[sflag:s15] =	ssyncadd.s32 $0xFFFFC000  }
0x4d5: {  	[spmem:s2] =	stream.indirect.scatter.add.f32 [tilespmem:s18], [sflag:$0x3], $0x80, s8, s21, $0xb8;
	[tilespmem:$0x1D000] =	vst v63  }
0x4d6: {  	_ =	swait.ge [sflag:s19], $0x4000  }
0x4d7: {  	[sflag:s19] =	ssyncset.done $0x0  }
0x4d8: {  	s25 =	simm.s32 $0x300;
	[sflag:s19] =	ssyncadd.s32 $0xFFFFC000  }
0x4d9: {  	[tilespmem:s18], [sflag:$0x1] =	stream.indirect.gather [hbm4b:s5+s21], $0x80, s25, s21, $0xb8;
	[tilespmem:$0x1D000] =	vst v63  }
0x4da: {  	_ =	swait.ge [sflag:s7], $0x4000  }
0x4db: {  	[sflag:s7] =	ssyncset.done $0x0  }
0x4dc: {  	[sflag:s7] =	ssyncadd.s32 $0xFFFFC000  }
0x4dd: {  	[spmem:s2] =	stream.indirect.scatter.add.f32 [tilespmem:s9], [sflag:$0x3], $0x80, s26, s21, $0xb8;
	[tilespmem:$0x1D000] =	vst v63  }
0x4de: {  	_ =	swait.ge [sflag:s19], $0x4000  }
0x4df: {  	[sflag:s19] =	ssyncset.done $0x0  }
0x4e0: {  	s8 =	simm.s32 $0x380;
	[sflag:s19] =	ssyncadd.s32 $0xFFFFC000  }
0x4e1: {  	[tilespmem:s9], [sflag:$0x2] =	stream.indirect.gather [hbm4b:s5+s21], $0x80, s8, s21, $0xb8;
	[tilespmem:$0x1D000] =	vst v63  }
0x4e2: {  	_ =	swait.ge [sflag:s15], $0x4000  }
0x4e3: {  	[sflag:s15] =	ssyncset.done $0x0  }
0x4e4: {  	[sflag:s15] =	ssyncadd.s32 $0xFFFFC000  }
0x4e5: {  	[spmem:s2] =	stream.indirect.scatter.add.f32 [tilespmem:s18], [sflag:$0x3], $0x80, s28, s21, $0xb8;
	[tilespmem:$0x1D000] =	vst v63  }
0x4e6: {  	_ =	swait.ge [sflag:s19], $0x4000  }
0x4e7: {  	[sflag:s19] =	ssyncset.done $0x0  }
0x4e8: {  	s10 =	simm.s32 $0x400;
	[sflag:s19] =	ssyncadd.s32 $0xFFFFC000  }
0x4e9: {  	[tilespmem:s18], [sflag:$0x1] =	stream.indirect.gather [hbm4b:s5+s21], $0x80, s10, s21, $0xb8;
	[tilespmem:$0x1D000] =	vst v63  }
0x4ea: {  	_ =	swait.ge [sflag:s7], $0x4000  }
0x4eb: {  	[sflag:s7] =	ssyncset.done $0x0  }
0x4ec: {  	[sflag:s7] =	ssyncadd.s32 $0xFFFFC000  }
0x4ed: {  	[spmem:s2] =	stream.indirect.scatter.add.f32 [tilespmem:s9], [sflag:$0x3], $0x80, s29, s21, $0xb8;
	[tilespmem:$0x1D000] =	vst v63  }
0x4ee: {  	_ =	swait.ge [sflag:s19], $0x4000  }
0x4ef: {  	[sflag:s19] =	ssyncset.done $0x0  }
0x4f0: {  	s25 =	simm.s32 $0x480;
	[sflag:s19] =	ssyncadd.s32 $0xFFFFC000  }
0x4f1: {  	[tilespmem:s9], [sflag:$0x2] =	stream.indirect.gather [hbm4b:s5+s21], $0x80, s25, s21, $0xb8;
	[tilespmem:$0x1D000] =	vst v63  }
0x4f2: {  	_ =	swait.ge [sflag:s15], $0x4000  }
0x4f3: {  	[sflag:s15] =	ssyncset.done $0x0  }
0x4f4: {  	[sflag:s15] =	ssyncadd.s32 $0xFFFFC000  }
0x4f5: {  	[spmem:s2] =	stream.indirect.scatter.add.f32 [tilespmem:s18], [sflag:$0x3], $0x80, s30, s21, $0xb8;
	[tilespmem:$0x1D000] =	vst v63  }
0x4f6: {  	_ =	swait.ge [sflag:s19], $0x4000  }
0x4f7: {  	[sflag:s19] =	ssyncset.done $0x0  }
0x4f8: {  	s26 =	simm.s32 $0x500;
	[sflag:s19] =	ssyncadd.s32 $0xFFFFC000  }
0x4f9: {  	[tilespmem:s18], [sflag:$0x1] =	stream.indirect.gather [hbm4b:s5+s21], $0x80, s26, s21, $0xb8;
	[tilespmem:$0x1D000] =	vst v63  }
0x4fa: {  	_ =	swait.ge [sflag:s7], $0x4000  }
0x4fb: {  	[sflag:s7] =	ssyncset.done $0x0  }
0x4fc: {  	[sflag:s7] =	ssyncadd.s32 $0xFFFFC000  }
0x4fd: {  	[spmem:s2] =	stream.indirect.scatter.add.f32 [tilespmem:s9], [sflag:$0x3], $0x80, s1, s21, $0xb8;
	[tilespmem:$0x1D000] =	vst v63  }
0x4fe: {  	_ =	swait.ge [sflag:s19], $0x4000  }
0x4ff: {  	[sflag:s19] =	ssyncset.done $0x0  }
0x500: {  	s8 =	simm.s32 $0x580;
	[sflag:s19] =	ssyncadd.s32 $0xFFFFC000  }
0x501: {  	[tilespmem:s9], [sflag:$0x2] =	stream.indirect.gather [hbm4b:s5+s21], $0x80, s8, s21, $0xb8;
	[tilespmem:$0x1D000] =	vst v63  }
0x502: {  	_ =	swait.ge [sflag:s15], $0x4000  }
0x503: {  	[sflag:s15] =	ssyncset.done $0x0  }
0x504: {  	[sflag:s15] =	ssyncadd.s32 $0xFFFFC000  }
0x505: {  	[spmem:s2] =	stream.indirect.scatter.add.f32 [tilespmem:s18], [sflag:$0x3], $0x80, s0, s21, $0xb8;
	[tilespmem:$0x1D000] =	vst v63  }
0x506: {  	_ =	swait.ge [sflag:s19], $0x4000  }
0x507: {  	[sflag:s19] =	ssyncset.done $0x0  }
0x508: {  	s10 =	simm.s32 $0x600;
	[sflag:s19] =	ssyncadd.s32 $0xFFFFC000  }
0x509: {  	[tilespmem:s18], [sflag:$0x1] =	stream.indirect.gather [hbm4b:s5+s21], $0x80, s10, s21, $0xb8;
	[tilespmem:$0x1D000] =	vst v63  }
0x50a: {  	_ =	swait.ge [sflag:s7], $0x4000  }
0x50b: {  	[sflag:s7] =	ssyncset.done $0x0  }
0x50c: {  	[sflag:s7] =	ssyncadd.s32 $0xFFFFC000  }
0x50d: {  	[spmem:s2] =	stream.indirect.scatter.add.f32 [tilespmem:s9], [sflag:$0x3], $0x80, s11, s21, $0xb8;
	[tilespmem:$0x1D000] =	vst v63  }
0x50e: {  	_ =	swait.ge [sflag:s19], $0x4000  }
0x50f: {  	[sflag:s19] =	ssyncset.done $0x0  }
0x510: {  	s11 =	simm.s32 $0x680;
	[sflag:s19] =	ssyncadd.s32 $0xFFFFC000  }
0x511: {  	[tilespmem:s9], [sflag:$0x2] =	stream.indirect.gather [hbm4b:s5+s21], $0x80, s11, s21, $0xb8;
	[tilespmem:$0x1D000] =	vst v63  }
0x512: {  	_ =	swait.ge [sflag:s15], $0x4000  }
0x513: {  	[sflag:s15] =	ssyncset.done $0x0  }
0x514: {  	[sflag:s15] =	ssyncadd.s32 $0xFFFFC000  }
0x515: {  	[spmem:s2] =	stream.indirect.scatter.add.f32 [tilespmem:s18], [sflag:$0x3], $0x80, s12, s21, $0xb8;
	[tilespmem:$0x1D000] =	vst v63  }
0x516: {  	_ =	swait.ge [sflag:s19], $0x4000  }
0x517: {  	[sflag:s19] =	ssyncset.done $0x0  }
0x518: {  	s25 =	simm.s32 $0x700;
	[sflag:s19] =	ssyncadd.s32 $0xFFFFC000  }
0x519: {  	[tilespmem:s18], [sflag:$0x1] =	stream.indirect.gather [hbm4b:s5+s21], $0x80, s25, s21, $0xb8;
	[tilespmem:$0x1D000] =	vst v63  }
0x51a: {  	_ =	swait.ge [sflag:s7], $0x4000  }
0x51b: {  	[sflag:s7] =	ssyncset.done $0x0  }
0x51c: {  	[sflag:s7] =	ssyncadd.s32 $0xFFFFC000  }
0x51d: {  	[spmem:s2] =	stream.indirect.scatter.add.f32 [tilespmem:s9], [sflag:$0x3], $0x80, s13, s21, $0xb8;
	[tilespmem:$0x1D000] =	vst v63  }
0x51e: {  	_ =	swait.ge [sflag:s19], $0x4000  }
0x51f: {  	[sflag:s19] =	ssyncset.done $0x0  }
0x520: {  	s26 =	simm.s32 $0x780;
	[sflag:s19] =	ssyncadd.s32 $0xFFFFC000  }
0x521: {  	[tilespmem:s9], [sflag:$0x2] =	stream.indirect.gather [hbm4b:s5+s21], $0x80, s26, s21, $0xb8;
	[tilespmem:$0x1D000] =	vst v63  }
0x522: {  	_ =	swait.ge [sflag:s15], $0x4000  }
0x523: {  	[sflag:s15] =	ssyncset.done $0x0  }
0x524: {  	[sflag:s15] =	ssyncadd.s32 $0xFFFFC000  }
0x525: {  	[spmem:s2] =	stream.indirect.scatter.add.f32 [tilespmem:s18], [sflag:$0x3], $0x80, s14, s21, $0xb8;
	[tilespmem:$0x1D000] =	vst v63  }
0x526: {  	s28 =	simm.s32 $0xA80;
	_ =	swait.ge [sflag:s19], $0x4000  }
0x527: {  	s29 =	simm.s32 $0xB00;
	s30 =	simm.s32 $0xB80;
	[sflag:s19] =	ssyncset.done $0x0  }
0x528: {  	s1 =	simm.s32 $0xC80;
	s0 =	simm.s32 $0xD00;
	[sflag:s19] =	ssyncadd.s32 $0xFFFFC000  }
0x529: {  	s10 =	simm.s32 $0x100;
	s11 =	simm.s32 $0xD80;
	_ =	swait.ge [sflag:s7], $0x4000  }
0x52a: {  	s12 =	simm.s32 $0xE00;
	s25 =	simm.s32 $0xF80;
	[sflag:s7] =	ssyncset.done $0x0  }
0x52b: {  	s13 =	simm.s32 $0xE80;
	s26 =	simm.s32 $0xA00;
	[sflag:s7] =	ssyncadd.s32 $0xFFFFC000  }
0x52c: {  	[spmem:s2] =	stream.indirect.scatter.add.f32 [tilespmem:s9], [sflag:$0x3], $0x80, s31, s21, $0xb8;
	[tilespmem:$0x1D000] =	vst v63  }
0x52d: {  	s14 =	simm.s32 $0xF00;
	s31 =	simm.s32 $0xC00;
	_ =	swait.ge [sflag:s19], $0x4000  }
.LBB2_32:
0x52e: {  	s6 =	rddreg [dreg:$0x6];
	s8 =	smov.u32 s10;
	[sflag:s19] =	ssyncset.done $0x0  }
0x52f: {  	s6 =	sadd.s32 s8, s6;
	[sflag:s19] =	ssyncadd.s32 $0xFFFFC000  }
0x530: {  	[tilespmem:s3], [sflag:$0x3] =	stream.linear.gather [hbm4b:s6+s3], $0x800, $0x38;
	[tilespmem:$0x1D000] =	vst v63  }
0x531: {  	_ =	swait.ge [sflag:s19], $0x800  }
0x532: {  	[sflag:s19] =	ssyncset.done $0x0  }
0x533: {  	s8 =	sadd.s32 s8, s16;
	[sflag:s19] =	ssyncadd.s32 $0xFFFFF800  }
0x534: {  	[tilespmem:s20], [sflag:$0x3] =	stream.linear.gather [hbm4b:s8+s3], $0x800, $0x38;
	[tilespmem:$0x1D000] =	vst v63  }
0x535: {  	_ =	swait.ge [sflag:s19], $0x800  }
0x536: {  	[sflag:s19] =	ssyncset.done $0x0  }
0x537: {  	[sflag:s19] =	ssyncadd.s32 $0xFFFFF800  }
0x538: {  	[tilespmem:s18], [sflag:$0x1] =	stream.indirect.gather [hbm4b:s5+s21], $0x80, s3, s21, $0xb8;
	[tilespmem:$0x1D000] =	vst v63  }
0x539: {  	_ = 	snop  }
0x53a: {  	[tilespmem:s9], [sflag:$0x2] =	stream.indirect.gather [hbm4b:s5+s21], $0x80, s21, s21, $0xb8;
	[tilespmem:$0x1D000] =	vst v63  }
0x53b: {  	_ =	swait.ge [sflag:s15], $0x4000  }
0x53c: {  	[sflag:s15] =	ssyncset.done $0x0  }
0x53d: {  	[sflag:s15] =	ssyncadd.s32 $0xFFFFC000  }
0x53e: {  	[spmem:s2] =	stream.indirect.scatter.add.f32 [tilespmem:s18], [sflag:$0x3], $0x80, s20, s21, $0xb8;
	[tilespmem:$0x1D000] =	vst v63  }
0x53f: {  	_ =	swait.ge [sflag:s19], $0x4000  }
0x540: {  	[sflag:s19] =	ssyncset.done $0x0  }
0x541: {  	s8 =	simm.s32 $0x100;
	[sflag:s19] =	ssyncadd.s32 $0xFFFFC000  }
0x542: {  	[tilespmem:s18], [sflag:$0x1] =	stream.indirect.gather [hbm4b:s5+s21], $0x80, s8, s21, $0xb8;
	[tilespmem:$0x1D000] =	vst v63  }
0x543: {  	_ =	swait.ge [sflag:s7], $0x4000  }
0x544: {  	[sflag:s7] =	ssyncset.done $0x0  }
0x545: {  	[sflag:s7] =	ssyncadd.s32 $0xFFFFC000  }
0x546: {  	[spmem:s2] =	stream.indirect.scatter.add.f32 [tilespmem:s9], [sflag:$0x3], $0x80, s17, s21, $0xb8;
	[tilespmem:$0x1D000] =	vst v63  }
0x547: {  	_ =	swait.ge [sflag:s19], $0x4000  }
0x548: {  	[sflag:s19] =	ssyncset.done $0x0  }
0x549: {  	s8 =	simm.s32 $0x180;
	[sflag:s19] =	ssyncadd.s32 $0xFFFFC000  }
0x54a: {  	[tilespmem:s9], [sflag:$0x2] =	stream.indirect.gather [hbm4b:s5+s21], $0x80, s8, s21, $0xb8;
	[tilespmem:$0x1D000] =	vst v63  }
0x54b: {  	_ =	swait.ge [sflag:s15], $0x4000  }
0x54c: {  	[sflag:s15] =	ssyncset.done $0x0  }
0x54d: {  	[sflag:s15] =	ssyncadd.s32 $0xFFFFC000  }
0x54e: {  	[spmem:s2] =	stream.indirect.scatter.add.f32 [tilespmem:s18], [sflag:$0x3], $0x80, s22, s21, $0xb8;
	[tilespmem:$0x1D000] =	vst v63  }
0x54f: {  	_ =	swait.ge [sflag:s19], $0x4000  }
0x550: {  	[sflag:s19] =	ssyncset.done $0x0  }
0x551: {  	s8 =	simm.s32 $0x200;
	[sflag:s19] =	ssyncadd.s32 $0xFFFFC000  }
0x552: {  	[tilespmem:s18], [sflag:$0x1] =	stream.indirect.gather [hbm4b:s5+s21], $0x80, s8, s21, $0xb8;
	[tilespmem:$0x1D000] =	vst v63  }
0x553: {  	_ =	swait.ge [sflag:s7], $0x4000  }
0x554: {  	[sflag:s7] =	ssyncset.done $0x0  }
0x555: {  	[sflag:s7] =	ssyncadd.s32 $0xFFFFC000  }
0x556: {  	[spmem:s2] =	stream.indirect.scatter.add.f32 [tilespmem:s9], [sflag:$0x3], $0x80, s23, s21, $0xb8;
	[tilespmem:$0x1D000] =	vst v63  }
0x557: {  	_ =	swait.ge [sflag:s19], $0x4000  }
0x558: {  	[sflag:s19] =	ssyncset.done $0x0  }
0x559: {  	s8 =	simm.s32 $0x280;
	[sflag:s19] =	ssyncadd.s32 $0xFFFFC000  }
0x55a: {  	[tilespmem:s9], [sflag:$0x2] =	stream.indirect.gather [hbm4b:s5+s21], $0x80, s8, s21, $0xb8;
	[tilespmem:$0x1D000] =	vst v63  }
0x55b: {  	_ =	swait.ge [sflag:s15], $0x4000  }
0x55c: {  	[sflag:s15] =	ssyncset.done $0x0  }
0x55d: {  	[sflag:s15] =	ssyncadd.s32 $0xFFFFC000  }
0x55e: {  	[spmem:s2] =	stream.indirect.scatter.add.f32 [tilespmem:s18], [sflag:$0x3], $0x80, s26, s21, $0xb8;
	[tilespmem:$0x1D000] =	vst v63  }
0x55f: {  	_ =	swait.ge [sflag:s19], $0x4000  }
0x560: {  	[sflag:s19] =	ssyncset.done $0x0  }
0x561: {  	s8 =	simm.s32 $0x300;
	[sflag:s19] =	ssyncadd.s32 $0xFFFFC000  }
0x562: {  	[tilespmem:s18], [sflag:$0x1] =	stream.indirect.gather [hbm4b:s5+s21], $0x80, s8, s21, $0xb8;
	[tilespmem:$0x1D000] =	vst v63  }
0x563: {  	_ =	swait.ge [sflag:s7], $0x4000  }
0x564: {  	[sflag:s7] =	ssyncset.done $0x0  }
0x565: {  	[sflag:s7] =	ssyncadd.s32 $0xFFFFC000  }
0x566: {  	[spmem:s2] =	stream.indirect.scatter.add.f32 [tilespmem:s9], [sflag:$0x3], $0x80, s28, s21, $0xb8;
	[tilespmem:$0x1D000] =	vst v63  }
0x567: {  	_ =	swait.ge [sflag:s19], $0x4000  }
0x568: {  	[sflag:s19] =	ssyncset.done $0x0  }
0x569: {  	s8 =	simm.s32 $0x380;
	[sflag:s19] =	ssyncadd.s32 $0xFFFFC000  }
0x56a: {  	[tilespmem:s9], [sflag:$0x2] =	stream.indirect.gather [hbm4b:s5+s21], $0x80, s8, s21, $0xb8;
	[tilespmem:$0x1D000] =	vst v63  }
0x56b: {  	_ =	swait.ge [sflag:s15], $0x4000  }
0x56c: {  	[sflag:s15] =	ssyncset.done $0x0  }
0x56d: {  	[sflag:s15] =	ssyncadd.s32 $0xFFFFC000  }
0x56e: {  	[spmem:s2] =	stream.indirect.scatter.add.f32 [tilespmem:s18], [sflag:$0x3], $0x80, s29, s21, $0xb8;
	[tilespmem:$0x1D000] =	vst v63  }
0x56f: {  	_ =	swait.ge [sflag:s19], $0x4000  }
0x570: {  	[sflag:s19] =	ssyncset.done $0x0  }
0x571: {  	s8 =	simm.s32 $0x400;
	[sflag:s19] =	ssyncadd.s32 $0xFFFFC000  }
0x572: {  	[tilespmem:s18], [sflag:$0x1] =	stream.indirect.gather [hbm4b:s5+s21], $0x80, s8, s21, $0xb8;
	[tilespmem:$0x1D000] =	vst v63  }
0x573: {  	_ =	swait.ge [sflag:s7], $0x4000  }
0x574: {  	[sflag:s7] =	ssyncset.done $0x0  }
0x575: {  	[sflag:s7] =	ssyncadd.s32 $0xFFFFC000  }
0x576: {  	[spmem:s2] =	stream.indirect.scatter.add.f32 [tilespmem:s9], [sflag:$0x3], $0x80, s30, s21, $0xb8;
	[tilespmem:$0x1D000] =	vst v63  }
0x577: {  	_ =	swait.ge [sflag:s19], $0x4000  }
0x578: {  	[sflag:s19] =	ssyncset.done $0x0  }
0x579: {  	s8 =	simm.s32 $0x480;
	[sflag:s19] =	ssyncadd.s32 $0xFFFFC000  }
0x57a: {  	[tilespmem:s9], [sflag:$0x2] =	stream.indirect.gather [hbm4b:s5+s21], $0x80, s8, s21, $0xb8;
	[tilespmem:$0x1D000] =	vst v63  }
0x57b: {  	_ =	swait.ge [sflag:s15], $0x4000  }
0x57c: {  	[sflag:s15] =	ssyncset.done $0x0  }
0x57d: {  	[sflag:s15] =	ssyncadd.s32 $0xFFFFC000  }
0x57e: {  	[spmem:s2] =	stream.indirect.scatter.add.f32 [tilespmem:s18], [sflag:$0x3], $0x80, s31, s21, $0xb8;
	[tilespmem:$0x1D000] =	vst v63  }
0x57f: {  	_ =	swait.ge [sflag:s19], $0x4000  }
0x580: {  	[sflag:s19] =	ssyncset.done $0x0  }
0x581: {  	s8 =	simm.s32 $0x500;
	[sflag:s19] =	ssyncadd.s32 $0xFFFFC000  }
0x582: {  	[tilespmem:s18], [sflag:$0x1] =	stream.indirect.gather [hbm4b:s5+s21], $0x80, s8, s21, $0xb8;
	[tilespmem:$0x1D000] =	vst v63  }
0x583: {  	_ =	swait.ge [sflag:s7], $0x4000  }
0x584: {  	[sflag:s7] =	ssyncset.done $0x0  }
0x585: {  	[sflag:s7] =	ssyncadd.s32 $0xFFFFC000  }
0x586: {  	[spmem:s2] =	stream.indirect.scatter.add.f32 [tilespmem:s9], [sflag:$0x3], $0x80, s1, s21, $0xb8;
	[tilespmem:$0x1D000] =	vst v63  }
0x587: {  	_ =	swait.ge [sflag:s19], $0x4000  }
0x588: {  	[sflag:s19] =	ssyncset.done $0x0  }
0x589: {  	s8 =	simm.s32 $0x580;
	[sflag:s19] =	ssyncadd.s32 $0xFFFFC000  }
0x58a: {  	[tilespmem:s9], [sflag:$0x2] =	stream.indirect.gather [hbm4b:s5+s21], $0x80, s8, s21, $0xb8;
	[tilespmem:$0x1D000] =	vst v63  }
0x58b: {  	_ =	swait.ge [sflag:s15], $0x4000  }
0x58c: {  	[sflag:s15] =	ssyncset.done $0x0  }
0x58d: {  	[sflag:s15] =	ssyncadd.s32 $0xFFFFC000  }
0x58e: {  	[spmem:s2] =	stream.indirect.scatter.add.f32 [tilespmem:s18], [sflag:$0x3], $0x80, s0, s21, $0xb8;
	[tilespmem:$0x1D000] =	vst v63  }
0x58f: {  	_ =	swait.ge [sflag:s19], $0x4000  }
0x590: {  	[sflag:s19] =	ssyncset.done $0x0  }
0x591: {  	s8 =	simm.s32 $0x600;
	[sflag:s19] =	ssyncadd.s32 $0xFFFFC000  }
0x592: {  	[tilespmem:s18], [sflag:$0x1] =	stream.indirect.gather [hbm4b:s5+s21], $0x80, s8, s21, $0xb8;
	[tilespmem:$0x1D000] =	vst v63  }
0x593: {  	_ =	swait.ge [sflag:s7], $0x4000  }
0x594: {  	[sflag:s7] =	ssyncset.done $0x0  }
0x595: {  	[sflag:s7] =	ssyncadd.s32 $0xFFFFC000  }
0x596: {  	[spmem:s2] =	stream.indirect.scatter.add.f32 [tilespmem:s9], [sflag:$0x3], $0x80, s11, s21, $0xb8;
	[tilespmem:$0x1D000] =	vst v63  }
0x597: {  	_ =	swait.ge [sflag:s19], $0x4000  }
0x598: {  	[sflag:s19] =	ssyncset.done $0x0  }
0x599: {  	s8 =	simm.s32 $0x680;
	[sflag:s19] =	ssyncadd.s32 $0xFFFFC000  }
0x59a: {  	[tilespmem:s9], [sflag:$0x2] =	stream.indirect.gather [hbm4b:s5+s21], $0x80, s8, s21, $0xb8;
	[tilespmem:$0x1D000] =	vst v63  }
0x59b: {  	_ =	swait.ge [sflag:s15], $0x4000  }
0x59c: {  	[sflag:s15] =	ssyncset.done $0x0  }
0x59d: {  	[sflag:s15] =	ssyncadd.s32 $0xFFFFC000  }
0x59e: {  	[spmem:s2] =	stream.indirect.scatter.add.f32 [tilespmem:s18], [sflag:$0x3], $0x80, s12, s21, $0xb8;
	[tilespmem:$0x1D000] =	vst v63  }
0x59f: {  	_ =	swait.ge [sflag:s19], $0x4000  }
0x5a0: {  	[sflag:s19] =	ssyncset.done $0x0  }
0x5a1: {  	s8 =	simm.s32 $0x700;
	[sflag:s19] =	ssyncadd.s32 $0xFFFFC000  }
0x5a2: {  	[tilespmem:s18], [sflag:$0x1] =	stream.indirect.gather [hbm4b:s5+s21], $0x80, s8, s21, $0xb8;
	[tilespmem:$0x1D000] =	vst v63  }
0x5a3: {  	_ =	swait.ge [sflag:s7], $0x4000  }
0x5a4: {  	[sflag:s7] =	ssyncset.done $0x0  }
0x5a5: {  	[sflag:s7] =	ssyncadd.s32 $0xFFFFC000  }
0x5a6: {  	[spmem:s2] =	stream.indirect.scatter.add.f32 [tilespmem:s9], [sflag:$0x3], $0x80, s13, s21, $0xb8;
	[tilespmem:$0x1D000] =	vst v63  }
0x5a7: {  	_ =	swait.ge [sflag:s19], $0x4000  }
0x5a8: {  	[sflag:s19] =	ssyncset.done $0x0  }
0x5a9: {  	s8 =	simm.s32 $0x780;
	[sflag:s19] =	ssyncadd.s32 $0xFFFFC000  }
0x5aa: {  	[tilespmem:s9], [sflag:$0x2] =	stream.indirect.gather [hbm4b:s5+s21], $0x80, s8, s21, $0xb8;
	[tilespmem:$0x1D000] =	vst v63  }
0x5ab: {  	_ =	swait.ge [sflag:s15], $0x4000  }
0x5ac: {  	[sflag:s15] =	ssyncset.done $0x0  }
0x5ad: {  	[sflag:s15] =	ssyncadd.s32 $0xFFFFC000  }
0x5ae: {  	[spmem:s2] =	stream.indirect.scatter.add.f32 [tilespmem:s18], [sflag:$0x3], $0x80, s14, s21, $0xb8;
	[tilespmem:$0x1D000] =	vst v63  }
0x5af: {  	_ =	swait.ge [sflag:s19], $0x4000  }
0x5b0: {  	[sflag:s19] =	ssyncset.done $0x0  }
0x5b1: {  	p0 =	sne.s32 s10, $0x900;
	[sflag:s19] =	ssyncadd.s32 $0xFFFFC000  }
.Ltmp15:
0x5b2: {  	_ =	swait.ge [sflag:s7], $0x4000;
	(pc) =	sbr.rel @p0 .LBB2_32-.Ltmp15, $4  }
0x5b3: {  	[sflag:s7] =	ssyncset.done $0x0  }
0x5b4: {  	[sflag:s7] =	ssyncadd.s32 $0xFFFFC000  }
0x5b5: {  	[spmem:s2] =	stream.indirect.scatter.add.f32 [tilespmem:s9], [sflag:$0x3], $0x80, s25, s21, $0xb8;
	[tilespmem:$0x1D000] =	vst v63  }
0x5b6: {  	s10 =	sadd.s32 $0x100, s10;
	_ =	swait.ge [sflag:s19], $0x4000  }
0x5b7: {  	[sflag:s19] =	ssyncset.done $0x0  }
0x5b8: {  	s11 =	simm.s32 $0x0;
	[sflag:s19] =	ssyncadd.s32 $0xFFFFC000  }
0x5b9: {  	s10 =	simm.s32 $0x0;
	s26 =	simm.s32 $0xA80;
	[bflag:$0x0] =	sbarrier.arrive $0xFFFF  }
0x5ba: {  	s28 =	simm.s32 $0xB00;
	s29 =	simm.s32 $0xB80;
	s13 =	rddreg [dreg:$0x9]  }
0x5bb: {  	s30 =	simm.s32 $0xC00;
	s31 =	simm.s32 $0xC80;
	s14 =	rddreg [dreg:$0xa]  }
0x5bc: {  	s0 =	simm.s32 $0x6400;
	s1 =	simm.s32 $0x2400;
	s17 =	rddreg [dreg:$0x8]  }
.LBB2_34:
0x5bd: {  	s6 =	smul.u32 $0x28, s10;
	_ =	sdelay $0x1  }
0x5be: {  	s8 =	sadd.s32 s13, s6  }
0x5bf: {  	s8 =	sshll.u32 s8, $0x7  }
0x5c0: {  	s8 =	sand.u32 $0x3FFFFF80, s8  }
0x5c1: {  	s8 =	sadd.s32 s8, s2  }
0x5c2: {  	[tilespmem:s18], [sflag:$0x3] =	stream.linear.gather [spmem:s8], $0x1400, $0x38;
	[tilespmem:$0x1D000] =	vst v63  }
0x5c3: {  	_ =	swait.ge [sflag:s19], $0x1400  }
0x5c4: {  	s23 =	rddreg [dreg:$0xc]  }
0x5c5: {  	s6 =	sadd.s32 s23, s6  }
0x5c6: {  	[sflag:s19] =	ssyncset.done $0x0;
	s6 =	sshll.u32 s6, $0x4  }
0x5c7: {  	[sflag:s19] =	ssyncadd.s32 $0xFFFFEC00;
	s25 =	sadd.s32 s14, s6  }
0x5c8: {  	[tilespmem:s9], [sflag:$0x3] =	stream.linear.gather [hbm4b:s25+s11], $0x1400, $0x38;
	[tilespmem:$0x1D000] =	vst v63  }
0x5c9: {  	_ =	swait.ge [sflag:s19], $0x1400  }
0x5ca: {  	[sflag:s19] =	ssyncset.done $0x0  }
0x5cb: {  	s12 =	sadd.s32 s17, s6;
	[sflag:s19] =	ssyncadd.s32 $0xFFFFEC00  }
0x5cc: {  	[tilespmem:s1], [sflag:$0x3] =	stream.linear.gather [hbm4b:s12+s11], $0x1400, $0x38;
	[tilespmem:$0x1D000] =	vst v63  }
0x5cd: {  	_ =	swait.ge [sflag:s19], $0x1400  }
0x5ce: {  	[sflag:s19] =	ssyncset.done $0x0  }
0x5cf: {  	s6 =	simm.s32 $0x0;
	[sflag:s19] =	ssyncadd.s32 $0xFFFFEC00  }
0x5d0: {  	v2 =	vld [tilespmem:s6+$0x1070]  }
0x5d1: {  	v3 =	vld [tilespmem:s6+$0x5070]  }
0x5d2: {  	v4 =	vld [tilespmem:s6+$0x1000]  }
0x5d3: {  	v5 =	vld [tilespmem:s6+$0x2470]  }
0x5d4: {  	v6 =	vld [tilespmem:s6+$0x5000]  }
0x5d5: {  	v7 =	vld [tilespmem:s6+$0x1010]  }
0x5d6: {  	v8 =	vld [tilespmem:s6+$0x5010]  }
0x5d7: {  	v9 =	vld [tilespmem:s6+$0x5020]  }
0x5d8: {  	v11 =	vld [tilespmem:s6+$0x5030]  }
0x5d9: {  	v12 =	vld [tilespmem:s6+$0x1040]  }
0x5da: {  	v13 =	vld [tilespmem:s6+$0x5040]  }
0x5db: {  	v14 =	vld [tilespmem:s6+$0x1050]  }
0x5dc: {  	v15 =	vld [tilespmem:s6+$0x1060];
	v2 =	vmul.f32 v3, v2  }
0x5dd: {  	v16 =	vld [tilespmem:s6+$0x5060]  }
0x5de: {  	v17 =	vld [tilespmem:s6+$0x2400];
	v2 =	vadd.f32 v5, v2  }
0x5df: {  	v18 =	vld [tilespmem:s6+$0x2410]  }
0x5e0: {  	v3 =	vld [tilespmem:s6+$0x1020];
	v2 =	vmul.f32 $5.000000000e-01, v2  }
0x5e1: {  	v5 =	vld [tilespmem:s6+$0x1030]  }
0x5e2: {  	v19 =	vld [tilespmem:s6+$0x2420];
	v2 =	vmax.f32 v2, $0.0e+00  }
0x5e3: {  	[tilespmem:s6+$0x6470] =	vst v2;
	v2 =	vld [tilespmem:s6+$0x5050]  }
0x5e4: {  	v10 =	vld [tilespmem:s6+$0x2430];
	v4 =	vmul.f32 v6, v4  }
0x5e5: {  	v20 =	vmul.f32 v8, v7;
	v21 =	vmul.f32 v9, v3;
	v9 =	vld [tilespmem:s6+$0x2440]  }
0x5e6: {  	v8 =	vld [tilespmem:s6+$0x2450];
	v7 =	vmul.f32 v11, v5;
	v5 =	vmul.f32 v13, v12;
	v12 =	vadd.f32 v17, v4  }
0x5e7: {  	s8 =	simm.s32 $0x80;
	v6 =	vld [tilespmem:s6+$0x2460];
	v3 =	vmul.f32 v16, v15;
	v11 =	vadd.f32 v18, v20  }
0x5e8: {  	s16 =	simm.s32 $0x400;
	v13 =	vmul.f32 $5.000000000e-01, v12;
	v12 =	vadd.f32 v19, v21;
	v4 =	vmul.f32 v2, v14;
	v2 =	vld [tilespmem:s8+$0x1070]  }
.LBB2_35:
0x5e9: {  	p0 =	sne.s32 s16, $0x4E00;
	v14 =	vld [tilespmem:s8+$0x5070];
	v11 =	vmul.f32 $5.000000000e-01, v11;
	v7 =	vadd.f32 v10, v7  }
0x5ea: {  	v10 =	vld [tilespmem:s8+$0x1000];
	v13 =	vmax.f32 v13, $0.0e+00;
	v12 =	vmul.f32 $5.000000000e-01, v12;
	v5 =	vadd.f32 v9, v5  }
0x5eb: {  	v9 =	vld [tilespmem:s8+$0x2470];
	[tilespmem:s6+$0x6400] =	vst v13;
	v11 =	vmax.f32 v11, $0.0e+00;
	v7 =	vmul.f32 $5.000000000e-01, v7;
	v4 =	vadd.f32 v8, v4  }
0x5ec: {  	v8 =	vld [tilespmem:s8+$0x5000];
	[tilespmem:s6+$0x6410] =	vst v11;
	v11 =	vmax.f32 v12, $0.0e+00;
	v5 =	vmul.f32 $5.000000000e-01, v5;
	v3 =	vadd.f32 v6, v3  }
0x5ed: {  	v6 =	vld [tilespmem:s8+$0x1010];
	[tilespmem:s6+$0x6420] =	vst v11;
	v7 =	vmax.f32 v7, $0.0e+00;
	v4 =	vmul.f32 $5.000000000e-01, v4  }
0x5ee: {  	v11 =	vld [tilespmem:s8+$0x5010];
	v2 =	vmul.f32 v14, v2;
	[tilespmem:s6+$0x6430] =	vst v7;
	v5 =	vmax.f32 v5, $0.0e+00;
	v3 =	vmul.f32 $5.000000000e-01, v3  }
0x5ef: {  	v7 =	vld [tilespmem:s8+$0x1020];
	[tilespmem:s6+$0x6440] =	vst v5;
	v4 =	vmax.f32 v4, $0.0e+00  }
0x5f0: {  	v5 =	vld [tilespmem:s8+$0x5020];
	v2 =	vadd.f32 v9, v2;
	[tilespmem:s6+$0x6450] =	vst v4;
	v3 =	vmax.f32 v3, $0.0e+00  }
0x5f1: {  	v8 =	vmul.f32 v8, v10;
	v4 =	vld [tilespmem:s8+$0x1030];
	[tilespmem:s6+$0x6460] =	vst v3;
	s6 =	smov.u32 s8  }
0x5f2: {  	v3 =	vld [tilespmem:s6+$0x5030];
	v2 =	vmul.f32 $5.000000000e-01, v2  }
0x5f3: {  	v6 =	vmul.f32 v11, v6;
	v9 =	vld [tilespmem:s6+$0x1040]  }
0x5f4: {  	v10 =	vld [tilespmem:s6+$0x5040];
	v2 =	vmax.f32 v2, $0.0e+00  }
0x5f5: {  	v12 =	vmul.f32 v5, v7;
	v11 =	vld [tilespmem:s6+$0x1050];
	[tilespmem:s6+$0x6470] =	vst v2  }
0x5f6: {  	v2 =	vld [tilespmem:s6+$0x5050]  }
0x5f7: {  	v7 =	vmul.f32 v3, v4;
	v3 =	vld [tilespmem:s6+$0x1060]  }
0x5f8: {  	v13 =	vld [tilespmem:s6+$0x5060]  }
0x5f9: {  	v14 =	vld [tilespmem:s6+$0x2400];
	v5 =	vmul.f32 v10, v9  }
0x5fa: {  	v15 =	vld [tilespmem:s6+$0x2410]  }
0x5fb: {  	v16 =	vld [tilespmem:s6+$0x2420];
	v4 =	vmul.f32 v2, v11  }
.Ltmp16:
0x5fc: {  	v10 =	vld [tilespmem:s6+$0x2430];
	(pc) =	sbr.rel @p0 .LBB2_35-.Ltmp16, $4  }
0x5fd: {  	v9 =	vld [tilespmem:s6+$0x2440];
	v3 =	vmul.f32 v13, v3  }
0x5fe: {  	v13 =	vadd.f32 v14, v8;
	v8 =	vld [tilespmem:s6+$0x2450]  }
0x5ff: {  	s8 =	sshra.s32 s16, $0x2;
	v11 =	vadd.f32 v15, v6;
	v6 =	vld [tilespmem:s6+$0x2460]  }
0x600: {  	s16 =	sadd.s32 $0x200, s16;
	v2 =	vld [tilespmem:s8+$0x1070];
	v13 =	vmul.f32 $5.000000000e-01, v13;
	v12 =	vadd.f32 v16, v12  }
0x601: {  	v14 =	vld [tilespmem:s8+$0x5070];
	v11 =	vmul.f32 $5.000000000e-01, v11;
	v7 =	vadd.f32 v10, v7  }
0x602: {  	v15 =	vld [tilespmem:s8+$0x1000];
	v13 =	vmax.f32 v13, $0.0e+00;
	v45 =	vmul.f32 $5.000000000e-01, v12;
	v5 =	vadd.f32 v9, v5  }
0x603: {  	v16 =	vld [tilespmem:s8+$0x2470];
	[tilespmem:s6+$0x6400] =	vst v13;
	v11 =	vmax.f32 v11, $0.0e+00;
	v7 =	vmul.f32 $5.000000000e-01, v7;
	v4 =	vadd.f32 v8, v4  }
0x604: {  	v46 =	vld [tilespmem:s8+$0x5000];
	[tilespmem:s6+$0x6410] =	vst v11;
	v47 =	vmax.f32 v45, $0.0e+00;
	v5 =	vmul.f32 $5.000000000e-01, v5;
	v3 =	vadd.f32 v6, v3  }
0x605: {  	v48 =	vld [tilespmem:s8+$0x1010];
	[tilespmem:s6+$0x6420] =	vst v47;
	v7 =	vmax.f32 v7, $0.0e+00;
	v4 =	vmul.f32 $5.000000000e-01, v4  }
0x606: {  	v49 =	vld [tilespmem:s8+$0x5010];
	[tilespmem:s6+$0x6430] =	vst v7;
	v5 =	vmax.f32 v5, $0.0e+00;
	v3 =	vmul.f32 $5.000000000e-01, v3  }
0x607: {  	v50 =	vld [tilespmem:s8+$0x1020];
	[tilespmem:s6+$0x6440] =	vst v5;
	v4 =	vmax.f32 v4, $0.0e+00  }
0x608: {  	v5 =	vld [tilespmem:s8+$0x5020];
	[tilespmem:s6+$0x6450] =	vst v4;
	v3 =	vmax.f32 v3, $0.0e+00  }
0x609: {  	v4 =	vld [tilespmem:s8+$0x1030];
	[tilespmem:s6+$0x6460] =	vst v3  }
0x60a: {  	v3 =	vld [tilespmem:s8+$0x5030]  }
0x60b: {  	v7 =	vld [tilespmem:s8+$0x1040]  }
0x60c: {  	v9 =	vld [tilespmem:s8+$0x5040]  }
0x60d: {  	v2 =	vmul.f32 v14, v2;
	v11 =	vld [tilespmem:s8+$0x1050]  }
0x60e: {  	v13 =	vld [tilespmem:s8+$0x1060]  }
0x60f: {  	v2 =	vadd.f32 v16, v2;
	v51 =	vld [tilespmem:s8+$0x5060]  }
0x610: {  	v52 =	vld [tilespmem:s8+$0x2400]  }
0x611: {  	v2 =	vmul.f32 $5.000000000e-01, v2;
	v17 =	vld [tilespmem:s8+$0x2410]  }
0x612: {  	v18 =	vld [tilespmem:s8+$0x2420]  }
0x613: {  	v53 =	vld [tilespmem:s8+$0x2430];
	v2 =	vmax.f32 v2, $0.0e+00  }
0x614: {  	v12 =	vmul.f32 v46, v15;
	[tilespmem:s8+$0x6470] =	vst v2;
	v2 =	vld [tilespmem:s8+$0x5050]  }
0x615: {  	v54 =	vld [tilespmem:s8+$0x2440];
	v8 =	vmul.f32 v49, v48  }
0x616: {  	v56 =	vld [tilespmem:s8+$0x2450];
	v5 =	vmul.f32 v5, v50;
	v55 =	vadd.f32 v52, v12  }
0x617: {  	v59 =	vld [tilespmem:s8+$0x2460];
	v3 =	vmul.f32 v3, v4;
	v57 =	vmul.f32 v9, v7;
	v58 =	vadd.f32 v17, v8  }
0x618: {  	v5 =	vadd.f32 v18, v5;
	v60 =	vmul.f32 v51, v13;
	v6 =	vmul.f32 $5.000000000e-01, v55  }
0x619: {  	v7 =	vmul.f32 $5.000000000e-01, v58;
	v3 =	vadd.f32 v53, v3;
	v2 =	vmul.f32 v2, v11  }
0x61a: {  	v5 =	vmul.f32 $5.000000000e-01, v5;
	v4 =	vadd.f32 v54, v57;
	v6 =	vmax.f32 v6, $0.0e+00  }
0x61b: {  	v61 =	vmax.f32 v7, $0.0e+00;
	v3 =	vmul.f32 $5.000000000e-01, v3;
	[tilespmem:s8+$0x6400] =	vst v6;
	v2 =	vadd.f32 v56, v2  }
0x61c: {  	v62 =	vadd.f32 v59, v60;
	v5 =	vmax.f32 v5, $0.0e+00;
	v4 =	vmul.f32 $5.000000000e-01, v4;
	[tilespmem:s8+$0x6410] =	vst v61  }
0x61d: {  	[tilespmem:s8+$0x6420] =	vst v5;
	v3 =	vmax.f32 v3, $0.0e+00;
	v2 =	vmul.f32 $5.000000000e-01, v2  }
0x61e: {  	v63 =	vmul.f32 $5.000000000e-01, v62;
	[tilespmem:s8+$0x6430] =	vst v3;
	v3 =	vmax.f32 v4, $0.0e+00  }
0x61f: {  	s10 =	sadd.s32 $0x1, s10;
	[tilespmem:s8+$0x6440] =	vst v3;
	v2 =	vmax.f32 v2, $0.0e+00  }
0x620: {  	p0 =	sne.s32 s10, $0x10;
	[tilespmem:s8+$0x6450] =	vst v2;
	v2 =	vmax.f32 v63, $0.0e+00  }
.Ltmp17:
0x621: {  	[tilespmem:s8+$0x6460] =	vst v2;
	(pc) =	sbr.rel @p0 .LBB2_34-.Ltmp17, $4  }
0x622: {  	[hbm4b:s12+s3] =	stream.linear.scatter [tilespmem:s0], [sflag:$0x3], $0x1400, $0x38;
	[tilespmem:$0x1D000] =	vst v63  }
0x623: {  	_ =	swait.ge [sflag:s19], $0x1400  }
0x624: {  	[sflag:s19] =	ssyncset.done $0x0  }
0x625: {  	[sflag:s19] =	ssyncadd.s32 $0xFFFFEC00  }
0x626: {  	s0 =	rddreg [dreg:$0x12]  }
0x627: {  	s6 =	rddreg [dreg:$0xd];
	s0 =	sadd.s32 $0x1, s0  }
0x628: {  	p0 =	sne.s32 s0, s6  }
.Ltmp18:
0x629: {  	_ = 	snop;
	(pc) =	sbr.rel @p0 .LBB2_1-.Ltmp18, $3  }
0x62a: {  	_ =	sdelay $0x1  }
0x62b: {  	[bflag:$0x0] =	sbarrier.arrive $0xFFFF  }
0x62c: {  	s16 =	smov.u32 s24;
	s10 =	simm.s32 $0xA00  }
0x62d: {  	_ =	sfence.sel $0x180000  }
0x62e: {  	[bflag:$0x0] =	sbarrier.arrive $0xFFFF  }
0x62f: {  	_ =	strace $0x90000047  }
0x630: {  	s0 =	stileid.u32;
	[bflag:$0x2] =	sbarrier.arrive $0xFFFF  }
0x631: {  	p0 =	sne.s32 s0, $0x0;
	s0 =	rddreg [dreg:$0x4]  }
0x632: {  	s0 =	sadd.s32 @!p0 $0x100000, s0  }
0x633: {  	[sflag:s0] =	ssyncadd.tile.s32 @!p0 $0x1;
	_ =	shalt  }
.Lfunc_end2:
_tile_overlayer_lowered:
.L_overlay_start_2:
0x634: {  	(tag) =	ssettag $0x2  }
0x635: {  	s0 =	rddreg [dreg:$0x0];
	s2 =	stileid.u32  }
0x636: {  	s1 =	rddreg [dreg:$0x1];
	p0 =	sne.s32 s2, $0x0  }
0x637: {  	s3 =	rddreg [dreg:$0x2];
	[bflag:$0x3] =	sbarrier.arrive $0xFFFF;
	s2 =	simm.s32 @!p0 $0x1C03  }
0x638: {  	[timem:s3], [sflag:s2] =	dma.local @!p0 [hbm:s0], s1  }
0x639: {  	s0 =	simm.s32 @!p0 $0x3  }
0x63a: {  	_ =	swait.ge @!p0 [sflag:s0], s1  }
0x63b: {  	s1 =	ssub.s32 @!p0 $0x0, s1;
	[sflag:s0] =	ssyncset.done @!p0 $0x0  }
0x63c: {  	[sflag:s0] =	ssyncadd.s32 @!p0 s1  }
0x63d: {  	[bflag:$0x3] =	sbarrier.arrive $0xFFFF  }
0x63e: {  	_ =	shalt  }

</sc_bundles>
